<compile_context>
chip_gen: v7x
topology: tpu7x:2x2x1
jax: 0.10.2.dev20260603
libtpu: 0.0.44.dev20260713+nightly
codegen_flags: <defaults>
</compile_context>

<pallas_src>
import functools

import jax
import jax.numpy as jnp
from jax import lax
from jax.experimental import pallas as pl
from jax.experimental.pallas import tpu as pltpu
from jax.experimental.pallas import tpu_sc as plsc

_INFO = plsc.get_sparse_core_info()
_NC, _NS = _INFO.num_cores, _INFO.num_subcores
_NW = _NC * _NS
_SUB = 8
_G = 16


def kernel(memory, last_update, n_id):
    N, D = memory.shape
    B = n_id.shape[0]
    assert D == 64 and N % _SUB == 0 and B % (_NW * _G) == 0
    b_per_w = B // _NW
    n_groups = b_per_w // _G
    mem3 = memory.reshape(N // _SUB, _SUB, D)
    mesh = plsc.VectorSubcoreMesh(core_axis_name="c", subcore_axis_name="s")

    @functools.partial(
        pl.kernel,
        mesh=mesh,
        out_type=(
            jax.ShapeDtypeStruct((B * D,), memory.dtype),
            jax.ShapeDtypeStruct((B,), last_update.dtype),
        ),
        scratch_types=[
            pltpu.VMEM((b_per_w,), jnp.int32),
            pltpu.VMEM((_G, _SUB, D), jnp.float32),
            pltpu.VMEM((2, _G * D), jnp.float32),
            pltpu.VMEM((b_per_w,), jnp.int32),
            pltpu.SemaphoreType.DMA((_G,)),
            pltpu.SemaphoreType.DMA,
            pltpu.SemaphoreType.DMA((2,)),
        ],
    )
    def _gather(mem_hbm, lu_hbm, idx_hbm, mem_out, lu_out,
                idx_v, slab, outg, lu_v, sems, sem_lu, osems):
        wid = lax.axis_index("s") * _NC + lax.axis_index("c")
        base = wid * b_per_w
        pltpu.sync_copy(idx_hbm.at[pl.ds(base, b_per_w)], idx_v)

        cp_lu = pltpu.async_copy(lu_hbm.at[idx_v], lu_v, sem_lu)

        def _fire(t, slot):
            pltpu.async_copy(mem_hbm.at[t], slab.at[slot], sems.at[slot])

        def _extract(r, buf, l):
            pltpu.make_async_copy(mem_hbm.at[0], slab.at[l], sems.at[l]).wait()
            s = jnp.bitwise_and(r, _SUB - 1)
            for c in range(D // 16):
                outg[buf, pl.ds(l * D + c * 16, 16)] = (
                    slab[l, s, pl.ds(c * 16, 16)])

        vec0 = idx_v[pl.ds(0, 16)]
        for l in range(_G):
            _fire(jnp.right_shift(vec0[l], 3), l)

        def _body(g, prev):
            vec = idx_v[pl.ds(g * _G, 16)]
            buf = lax.rem(g - 1, 2)

            @pl.when(g >= 3)
            def _reuse_wait():
                pltpu.make_async_copy(outg.at[buf], mem_out.at[pl.ds(0, _G * D)],
                                      osems.at[buf]).wait()
            for l in range(_G):
                _extract(prev[l], buf, l)
                _fire(jnp.right_shift(vec[l], 3), l)
            pltpu.async_copy(
                outg.at[buf],
                mem_out.at[pl.ds((base + (g - 1) * _G) * D, _G * D)],
                osems.at[buf])
            return vec
        last = lax.fori_loop(1, n_groups, _body, vec0)

        lbuf = (n_groups - 1) % 2
        pltpu.make_async_copy(outg.at[lbuf], mem_out.at[pl.ds(0, _G * D)],
                              osems.at[lbuf]).wait()
        for l in range(_G):
            _extract(last[l], lbuf, l)
        pltpu.async_copy(
            outg.at[lbuf],
            mem_out.at[pl.ds((base + (n_groups - 1) * _G) * D, _G * D)],
            osems.at[lbuf])
        for b in range(2):
            pltpu.make_async_copy(outg.at[b], mem_out.at[pl.ds(0, _G * D)],
                                  osems.at[b]).wait()
        cp_lu.wait()
        pltpu.sync_copy(lu_v, lu_out.at[pl.ds(base, b_per_w)])

    mem_flat, lu_out = _gather(mem3, last_update, n_id)
    return (mem_flat.reshape(B, D), lu_out)

# --- scband reference (transcript-rebuilt; emitter-appended) ---
"""Pipeline reference for scband-tgnplmemory-33174327394705 (READ-ONLY COPY).

The authoritative reference and input builder live on the scoring server;
editing this copy changes nothing except your own understanding.
"""

import jax, jax.numpy as jnp
import numpy as np

NUM_NODES = 1000000
STATE_DIM = 64  # use_inventory=False -> memory_dim == state_dim
BATCH = 16384


def setup_inputs(seed: int = 0) -> dict:
    key = jax.random.key(seed)
    k1, k2, k3 = jax.random.split(key, 3)
    # Registered buffers of the module: per-node memory state and last-update timestamps.
    memory = jax.random.normal(k1, (NUM_NODES, STATE_DIM), dtype=jnp.float32)
    last_update = jax.random.randint(k2, (NUM_NODES,), 0, 100000)
    # Forward arg: node ids to look up.
    n_id = jax.random.randint(k3, (BATCH,), 0, NUM_NODES)
    return {"memory": memory, "last_update": last_update, "n_id": n_id}


def reference(memory, last_update, n_id):
    # TGNPLMemory.forward in eval mode: pure gather from the memory buffers.
    # memory[n_id], last_update[n_id]
    mem_out = jnp.take(memory, n_id, axis=0)
    lu_out = jnp.take(last_update, n_id, axis=0)
    return (mem_out, lu_out)

if __name__ == "__main__":
    import jax
    _d = setup_inputs()
    print(jax.jit(kernel)(*tuple(_d.values())))

</pallas_src>

<mosaic_0001>
#map = affine_map<(d0, d1) -> (0, 0, 0)>
#map1 = affine_map<(d0, d1) -> (0)>
module attributes {stable_mosaic.version = 14 : i64} {
  func.func @_gather(%arg0: i32, %arg1: i32, %arg2: memref<125000x8x64xf32, #tpu.memory_space<hbm>>, %arg3: memref<1000000xi32, #tpu.memory_space<hbm>>, %arg4: memref<16384xi32, #tpu.memory_space<hbm>>, %arg5: memref<1048576xf32, #tpu.memory_space<hbm>>, %arg6: memref<16384xi32, #tpu.memory_space<hbm>>, %arg7: memref<512xi32, #tpu.memory_space<vmem>>, %arg8: memref<16x8x64xf32, #tpu.memory_space<vmem>>, %arg9: memref<2x1024xf32, #tpu.memory_space<vmem>>, %arg10: memref<512xi32, #tpu.memory_space<vmem>>, %arg11: memref<16x!tpu.dma_semaphore, #tpu.memory_space<semaphore_mem>>, %arg12: memref<!tpu.dma_semaphore, #tpu.memory_space<semaphore_mem>>, %arg13: memref<2x!tpu.dma_semaphore, #tpu.memory_space<semaphore_mem>>) attributes {dimension_semantics = [#tpu.dimension_semantics<core_parallel>, #tpu.dimension_semantics<subcore_parallel>], iteration_bounds = array<i64: 2, 16>, scalar_prefetch = 0 : i64, scratch_operands = 7 : i64, tpu.core_type = #tpu.core_type<sc_vector_subcore>, window_params = [{transform_indices = #map}, {transform_indices = #map1}, {transform_indices = #map1}, {transform_indices = #map1}, {transform_indices = #map1}]} {
    %mul3A = arith.constant 2 : i32
    %mul3A_0 = arith.muli %arg1, %mul3A : i32
    %add3A = arith.addi %mul3A_0, %arg0 : i32
    %mul3A_1 = arith.constant 512 : i32
    %mul3A_2 = arith.muli %add3A, %mul3A_1 : i32
    "tpu.region"() ({
      %run_scoped3A = tpu.sem_alloc : memref<!tpu.dma_semaphore, #tpu.memory_space<semaphore_mem>>
      %dma_start3A_1617 = tpu.memref_slice %arg4[%mul3A_2] : memref<16384xi32, #tpu.memory_space<hbm>> -> memref<512xi32, #tpu.memory_space<hbm>>
      %dma_start3A_1618 = tpu.memref_slice %arg4[%mul3A_2] : memref<16384xi32, #tpu.memory_space<hbm>> -> memref<512xi32, #tpu.memory_space<hbm>>
      tpu.enqueue_dma source(%dma_start3A_1618 : memref<512xi32, #tpu.memory_space<hbm>>) target(%arg7 : memref<512xi32, #tpu.memory_space<vmem>>) target_semaphore(%run_scoped3A : memref<!tpu.dma_semaphore, #tpu.memory_space<semaphore_mem>>)
      %dma_wait3A_1619 = tpu.memref_slice %arg4[%mul3A_2] : memref<16384xi32, #tpu.memory_space<hbm>> -> memref<512xi32, #tpu.memory_space<hbm>>
      %dma_wait3A_1620 = tpu.memref_slice %arg4[%mul3A_2] : memref<16384xi32, #tpu.memory_space<hbm>> -> memref<512xi32, #tpu.memory_space<hbm>>
      tpu.wait_dma2 semaphore(%run_scoped3A : memref<!tpu.dma_semaphore, #tpu.memory_space<semaphore_mem>>) src(%dma_wait3A_1620 : memref<512xi32, #tpu.memory_space<hbm>>) dst(%arg7 : memref<512xi32, #tpu.memory_space<vmem>>)
      tpu.yield
    }) : () -> ()
    %dma_start3A = arith.constant 0 : i32
    %dma_start3A_3 = tpu.memref_slice %arg3[%dma_start3A] : memref<1000000xi32, #tpu.memory_space<hbm>> -> memref<1000000xi32, #tpu.memory_space<hbm>>
    tpu.enqueue_indirect_dma source(%dma_start3A_3 : memref<1000000xi32, #tpu.memory_space<hbm>>) target(%arg10 : memref<512xi32, #tpu.memory_space<vmem>>) offsets(%arg7 : memref<512xi32, #tpu.memory_space<vmem>>) semaphore(%arg12 : memref<!tpu.dma_semaphore, #tpu.memory_space<semaphore_mem>>)
    %get3A = arith.constant 0 : index
    %get3A_4 = tpu.vector_load %arg7[%get3A] {strides = array<i32>} : memref<512xi32, #tpu.memory_space<vmem>>, vector<16xi32>,
    %get3A_5 = vector.shape_cast %get3A_4 : vector<16xi32> to vector<16xi32>
    %slice3A = vector.extract_strided_slice %get3A_5 {offsets = [0], sizes = [1], strides = [1]} : vector<16xi32> to vector<1xi32>
    %squeeze3A = vector.extract %slice3A[0] : i32 from vector<1xi32>
    %shift_right_arithmetic3A = arith.constant 3 : i32
    %shift_right_arithmetic3A_6 = arith.shrsi %squeeze3A, %shift_right_arithmetic3A : i32
    %dma_start3A_7 = arith.constant 0 : i32
    %dma_start3A_8 = arith.constant 0 : i32
    %dma_start3A_9 = arith.constant 0 : i32
    %dma_start3A_10 = arith.constant 0 : i32
    %dma_start3A_11 = tpu.memref_slice %arg8[%dma_start3A_7, %dma_start3A_9, %dma_start3A_10] : memref<16x8x64xf32, #tpu.memory_space<vmem>> -> memref<1x8x64xf32, #tpu.memory_space<vmem>>
    %dma_start3A_12 = tpu.memref_squeeze %dma_start3A_11 : memref<1x8x64xf32, #tpu.memory_space<vmem>> -> memref<8x64xf32, #tpu.memory_space<vmem>>
    %dma_start3A_13 = arith.constant 0 : i32
    %dma_start3A_14 = arith.constant 0 : i32
    %dma_start3A_15 = tpu.memref_slice %arg2[%shift_right_arithmetic3A_6, %dma_start3A_13, %dma_start3A_14] : memref<125000x8x64xf32, #tpu.memory_space<hbm>> -> memref<1x8x64xf32, #tpu.memory_space<hbm>>
    %dma_start3A_16 = tpu.memref_squeeze %dma_start3A_15 : memref<1x8x64xf32, #tpu.memory_space<hbm>> -> memref<8x64xf32, #tpu.memory_space<hbm>>
    %dma_start3A_17 = tpu.memref_slice %arg11[%dma_start3A_8] : memref<16x!tpu.dma_semaphore, #tpu.memory_space<semaphore_mem>> -> memref<1x!tpu.dma_semaphore, #tpu.memory_space<semaphore_mem>>
    %dma_start3A_18 = tpu.memref_squeeze %dma_start3A_17 : memref<1x!tpu.dma_semaphore, #tpu.memory_space<semaphore_mem>> -> memref<!tpu.dma_semaphore, #tpu.memory_space<semaphore_mem>>
    %dma_start3A_19 = arith.constant 0 : i32
    %dma_start3A_20 = arith.constant 0 : i32
    %dma_start3A_21 = tpu.memref_slice %arg8[%dma_start3A_7, %dma_start3A_19, %dma_start3A_20] : memref<16x8x64xf32, #tpu.memory_space<vmem>> -> memref<1x8x64xf32, #tpu.memory_space<vmem>>
    %dma_start3A_22 = tpu.memref_squeeze %dma_start3A_21 : memref<1x8x64xf32, #tpu.memory_space<vmem>> -> memref<8x64xf32, #tpu.memory_space<vmem>>
    %dma_start3A_23 = arith.constant 0 : i32
    %dma_start3A_24 = arith.constant 0 : i32
    %dma_start3A_25 = tpu.memref_slice %arg2[%shift_right_arithmetic3A_6, %dma_start3A_23, %dma_start3A_24] : memref<125000x8x64xf32, #tpu.memory_space<hbm>> -> memref<1x8x64xf32, #tpu.memory_space<hbm>>
    %dma_start3A_26 = tpu.memref_squeeze %dma_start3A_25 : memref<1x8x64xf32, #tpu.memory_space<hbm>> -> memref<8x64xf32, #tpu.memory_space<hbm>>
    tpu.enqueue_dma source(%dma_start3A_26 : memref<8x64xf32, #tpu.memory_space<hbm>>) target(%dma_start3A_22 : memref<8x64xf32, #tpu.memory_space<vmem>>) target_semaphore(%dma_start3A_18 : memref<!tpu.dma_semaphore, #tpu.memory_space<semaphore_mem>>)
    %slice3A_27 = vector.extract_strided_slice %get3A_5 {offsets = [1], sizes = [1], strides = [1]} : vector<16xi32> to vector<1xi32>
    %squeeze3A_28 = vector.extract %slice3A_27[0] : i32 from vector<1xi32>
    %shift_right_arithmetic3A_29 = arith.constant 3 : i32
    %shift_right_arithmetic3A_30 = arith.shrsi %squeeze3A_28, %shift_right_arithmetic3A_29 : i32
    %dma_start3A_31 = arith.constant 1 : i32
    %dma_start3A_32 = arith.constant 1 : i32
    %dma_start3A_33 = arith.constant 0 : i32
    %dma_start3A_34 = arith.constant 0 : i32
    %dma_start3A_35 = tpu.memref_slice %arg8[%dma_start3A_31, %dma_start3A_33, %dma_start3A_34] : memref<16x8x64xf32, #tpu.memory_space<vmem>> -> memref<1x8x64xf32, #tpu.memory_space<vmem>>
    %dma_start3A_36 = tpu.memref_squeeze %dma_start3A_35 : memref<1x8x64xf32, #tpu.memory_space<vmem>> -> memref<8x64xf32, #tpu.memory_space<vmem>>
    %dma_start3A_37 = arith.constant 0 : i32
    %dma_start3A_38 = arith.constant 0 : i32
    %dma_start3A_39 = tpu.memref_slice %arg2[%shift_right_arithmetic3A_30, %dma_start3A_37, %dma_start3A_38] : memref<125000x8x64xf32, #tpu.memory_space<hbm>> -> memref<1x8x64xf32, #tpu.memory_space<hbm>>
    %dma_start3A_40 = tpu.memref_squeeze %dma_start3A_39 : memref<1x8x64xf32, #tpu.memory_space<hbm>> -> memref<8x64xf32, #tpu.memory_space<hbm>>
    %dma_start3A_41 = tpu.memref_slice %arg11[%dma_start3A_32] : memref<16x!tpu.dma_semaphore, #tpu.memory_space<semaphore_mem>> -> memref<1x!tpu.dma_semaphore, #tpu.memory_space<semaphore_mem>>
    %dma_start3A_42 = tpu.memref_squeeze %dma_start3A_41 : memref<1x!tpu.dma_semaphore, #tpu.memory_space<semaphore_mem>> -> memref<!tpu.dma_semaphore, #tpu.memory_space<semaphore_mem>>
    %dma_start3A_43 = arith.constant 0 : i32
    %dma_start3A_44 = arith.constant 0 : i32
    %dma_start3A_45 = tpu.memref_slice %arg8[%dma_start3A_31, %dma_start3A_43, %dma_start3A_44] : memref<16x8x64xf32, #tpu.memory_space<vmem>> -> memref<1x8x64xf32, #tpu.memory_space<vmem>>
    %dma_start3A_46 = tpu.memref_squeeze %dma_start3A_45 : memref<1x8x64xf32, #tpu.memory_space<vmem>> -> memref<8x64xf32, #tpu.memory_space<vmem>>
    %dma_start3A_47 = arith.constant 0 : i32
    %dma_start3A_48 = arith.constant 0 : i32
    %dma_start3A_49 = tpu.memref_slice %arg2[%shift_right_arithmetic3A_30, %dma_start3A_47, %dma_start3A_48] : memref<125000x8x64xf32, #tpu.memory_space<hbm>> -> memref<1x8x64xf32, #tpu.memory_space<hbm>>
    %dma_start3A_50 = tpu.memref_squeeze %dma_start3A_49 : memref<1x8x64xf32, #tpu.memory_space<hbm>> -> memref<8x64xf32, #tpu.memory_space<hbm>>
    tpu.enqueue_dma source(%dma_start3A_50 : memref<8x64xf32, #tpu.memory_space<hbm>>) target(%dma_start3A_46 : memref<8x64xf32, #tpu.memory_space<vmem>>) target_semaphore(%dma_start3A_42 : memref<!tpu.dma_semaphore, #tpu.memory_space<semaphore_mem>>)
    %slice3A_51 = vector.extract_strided_slice %get3A_5 {offsets = [2], sizes = [1], strides = [1]} : vector<16xi32> to vector<1xi32>
    %squeeze3A_52 = vector.extract %slice3A_51[0] : i32 from vector<1xi32>
    %shift_right_arithmetic3A_53 = arith.constant 3 : i32
    %shift_right_arithmetic3A_54 = arith.shrsi %squeeze3A_52, %shift_right_arithmetic3A_53 : i32
    %dma_start3A_55 = arith.constant 2 : i32
    %dma_start3A_56 = arith.constant 2 : i32
    %dma_start3A_57 = arith.constant 0 : i32
    %dma_start3A_58 = arith.constant 0 : i32
    %dma_start3A_59 = tpu.memref_slice %arg8[%dma_start3A_55, %dma_start3A_57, %dma_start3A_58] : memref<16x8x64xf32, #tpu.memory_space<vmem>> -> memref<1x8x64xf32, #tpu.memory_space<vmem>>
    %dma_start3A_60 = tpu.memref_squeeze %dma_start3A_59 : memref<1x8x64xf32, #tpu.memory_space<vmem>> -> memref<8x64xf32, #tpu.memory_space<vmem>>
    %dma_start3A_61 = arith.constant 0 : i32
    %dma_start3A_62 = arith.constant 0 : i32
    %dma_start3A_63 = tpu.memref_slice %arg2[%shift_right_arithmetic3A_54, %dma_start3A_61, %dma_start3A_62] : memref<125000x8x64xf32, #tpu.memory_space<hbm>> -> memref<1x8x64xf32, #tpu.memory_space<hbm>>
    %dma_start3A_64 = tpu.memref_squeeze %dma_start3A_63 : memref<1x8x64xf32, #tpu.memory_space<hbm>> -> memref<8x64xf32, #tpu.memory_space<hbm>>
    %dma_start3A_65 = tpu.memref_slice %arg11[%dma_start3A_56] : memref<16x!tpu.dma_semaphore, #tpu.memory_space<semaphore_mem>> -> memref<1x!tpu.dma_semaphore, #tpu.memory_space<semaphore_mem>>
    %dma_start3A_66 = tpu.memref_squeeze %dma_start3A_65 : memref<1x!tpu.dma_semaphore, #tpu.memory_space<semaphore_mem>> -> memref<!tpu.dma_semaphore, #tpu.memory_space<semaphore_mem>>
    %dma_start3A_67 = arith.constant 0 : i32
    %dma_start3A_68 = arith.constant 0 : i32
    %dma_start3A_69 = tpu.memref_slice %arg8[%dma_start3A_55, %dma_start3A_67, %dma_start3A_68] : memref<16x8x64xf32, #tpu.memory_space<vmem>> -> memref<1x8x64xf32, #tpu.memory_space<vmem>>
    %dma_start3A_70 = tpu.memref_squeeze %dma_start3A_69 : memref<1x8x64xf32, #tpu.memory_space<vmem>> -> memref<8x64xf32, #tpu.memory_space<vmem>>
    %dma_start3A_71 = arith.constant 0 : i32
    %dma_start3A_72 = arith.constant 0 : i32
    %dma_start3A_73 = tpu.memref_slice %arg2[%shift_right_arithmetic3A_54, %dma_start3A_71, %dma_start3A_72] : memref<125000x8x64xf32, #tpu.memory_space<hbm>> -> memref<1x8x64xf32, #tpu.memory_space<hbm>>
    %dma_start3A_74 = tpu.memref_squeeze %dma_start3A_73 : memref<1x8x64xf32, #tpu.memory_space<hbm>> -> memref<8x64xf32, #tpu.memory_space<hbm>>
    tpu.enqueue_dma source(%dma_start3A_74 : memref<8x64xf32, #tpu.memory_space<hbm>>) target(%dma_start3A_70 : memref<8x64xf32, #tpu.memory_space<vmem>>) target_semaphore(%dma_start3A_66 : memref<!tpu.dma_semaphore, #tpu.memory_space<semaphore_mem>>)
    %slice3A_75 = vector.extract_strided_slice %get3A_5 {offsets = [3], sizes = [1], strides = [1]} : vector<16xi32> to vector<1xi32>
    %squeeze3A_76 = vector.extract %slice3A_75[0] : i32 from vector<1xi32>
    %shift_right_arithmetic3A_77 = arith.constant 3 : i32
    %shift_right_arithmetic3A_78 = arith.shrsi %squeeze3A_76, %shift_right_arithmetic3A_77 : i32
    %dma_start3A_79 = arith.constant 3 : i32
    %dma_start3A_80 = arith.constant 3 : i32
    %dma_start3A_81 = arith.constant 0 : i32
    %dma_start3A_82 = arith.constant 0 : i32
    %dma_start3A_83 = tpu.memref_slice %arg8[%dma_start3A_79, %dma_start3A_81, %dma_start3A_82] : memref<16x8x64xf32, #tpu.memory_space<vmem>> -> memref<1x8x64xf32, #tpu.memory_space<vmem>>
    %dma_start3A_84 = tpu.memref_squeeze %dma_start3A_83 : memref<1x8x64xf32, #tpu.memory_space<vmem>> -> memref<8x64xf32, #tpu.memory_space<vmem>>
    %dma_start3A_85 = arith.constant 0 : i32
    %dma_start3A_86 = arith.constant 0 : i32
    %dma_start3A_87 = tpu.memref_slice %arg2[%shift_right_arithmetic3A_78, %dma_start3A_85, %dma_start3A_86] : memref<125000x8x64xf32, #tpu.memory_space<hbm>> -> memref<1x8x64xf32, #tpu.memory_space<hbm>>
    %dma_start3A_88 = tpu.memref_squeeze %dma_start3A_87 : memref<1x8x64xf32, #tpu.memory_space<hbm>> -> memref<8x64xf32, #tpu.memory_space<hbm>>
    %dma_start3A_89 = tpu.memref_slice %arg11[%dma_start3A_80] : memref<16x!tpu.dma_semaphore, #tpu.memory_space<semaphore_mem>> -> memref<1x!tpu.dma_semaphore, #tpu.memory_space<semaphore_mem>>
    %dma_start3A_90 = tpu.memref_squeeze %dma_start3A_89 : memref<1x!tpu.dma_semaphore, #tpu.memory_space<semaphore_mem>> -> memref<!tpu.dma_semaphore, #tpu.memory_space<semaphore_mem>>
    %dma_start3A_91 = arith.constant 0 : i32
    %dma_start3A_92 = arith.constant 0 : i32
    %dma_start3A_93 = tpu.memref_slice %arg8[%dma_start3A_79, %dma_start3A_91, %dma_start3A_92] : memref<16x8x64xf32, #tpu.memory_space<vmem>> -> memref<1x8x64xf32, #tpu.memory_space<vmem>>
    %dma_start3A_94 = tpu.memref_squeeze %dma_start3A_93 : memref<1x8x64xf32, #tpu.memory_space<vmem>> -> memref<8x64xf32, #tpu.memory_space<vmem>>
    %dma_start3A_95 = arith.constant 0 : i32
    %dma_start3A_96 = arith.constant 0 : i32
    %dma_start3A_97 = tpu.memref_slice %arg2[%shift_right_arithmetic3A_78, %dma_start3A_95, %dma_start3A_96] : memref<125000x8x64xf32, #tpu.memory_space<hbm>> -> memref<1x8x64xf32, #tpu.memory_space<hbm>>
    %dma_start3A_98 = tpu.memref_squeeze %dma_start3A_97 : memref<1x8x64xf32, #tpu.memory_space<hbm>> -> memref<8x64xf32, #tpu.memory_space<hbm>>
    tpu.enqueue_dma source(%dma_start3A_98 : memref<8x64xf32, #tpu.memory_space<hbm>>) target(%dma_start3A_94 : memref<8x64xf32, #tpu.memory_space<vmem>>) target_semaphore(%dma_start3A_90 : memref<!tpu.dma_semaphore, #tpu.memory_space<semaphore_mem>>)
    %slice3A_99 = vector.extract_strided_slice %get3A_5 {offsets = [4], sizes = [1], strides = [1]} : vector<16xi32> to vector<1xi32>
    %squeeze3A_100 = vector.extract %slice3A_99[0] : i32 from vector<1xi32>
    %shift_right_arithmetic3A_101 = arith.constant 3 : i32
    %shift_right_arithmetic3A_102 = arith.shrsi %squeeze3A_100, %shift_right_arithmetic3A_101 : i32
    %dma_start3A_103 = arith.constant 4 : i32
    %dma_start3A_104 = arith.constant 4 : i32
    %dma_start3A_105 = arith.constant 0 : i32
    %dma_start3A_106 = arith.constant 0 : i32
    %dma_start3A_107 = tpu.memref_slice %arg8[%dma_start3A_103, %dma_start3A_105, %dma_start3A_106] : memref<16x8x64xf32, #tpu.memory_space<vmem>> -> memref<1x8x64xf32, #tpu.memory_space<vmem>>
    %dma_start3A_108 = tpu.memref_squeeze %dma_start3A_107 : memref<1x8x64xf32, #tpu.memory_space<vmem>> -> memref<8x64xf32, #tpu.memory_space<vmem>>
    %dma_start3A_109 = arith.constant 0 : i32
    %dma_start3A_110 = arith.constant 0 : i32
    %dma_start3A_111 = tpu.memref_slice %arg2[%shift_right_arithmetic3A_102, %dma_start3A_109, %dma_start3A_110] : memref<125000x8x64xf32, #tpu.memory_space<hbm>> -> memref<1x8x64xf32, #tpu.memory_space<hbm>>
    %dma_start3A_112 = tpu.memref_squeeze %dma_start3A_111 : memref<1x8x64xf32, #tpu.memory_space<hbm>> -> memref<8x64xf32, #tpu.memory_space<hbm>>
    %dma_start3A_113 = tpu.memref_slice %arg11[%dma_start3A_104] : memref<16x!tpu.dma_semaphore, #tpu.memory_space<semaphore_mem>> -> memref<1x!tpu.dma_semaphore, #tpu.memory_space<semaphore_mem>>
    %dma_start3A_114 = tpu.memref_squeeze %dma_start3A_113 : memref<1x!tpu.dma_semaphore, #tpu.memory_space<semaphore_mem>> -> memref<!tpu.dma_semaphore, #tpu.memory_space<semaphore_mem>>
    %dma_start3A_115 = arith.constant 0 : i32
    %dma_start3A_116 = arith.constant 0 : i32
    %dma_start3A_117 = tpu.memref_slice %arg8[%dma_start3A_103, %dma_start3A_115, %dma_start3A_116] : memref<16x8x64xf32, #tpu.memory_space<vmem>> -> memref<1x8x64xf32, #tpu.memory_space<vmem>>
    %dma_start3A_118 = tpu.memref_squeeze %dma_start3A_117 : memref<1x8x64xf32, #tpu.memory_space<vmem>> -> memref<8x64xf32, #tpu.memory_space<vmem>>
    %dma_start3A_119 = arith.constant 0 : i32
    %dma_start3A_120 = arith.constant 0 : i32
    %dma_start3A_121 = tpu.memref_slice %arg2[%shift_right_arithmetic3A_102, %dma_start3A_119, %dma_start3A_120] : memref<125000x8x64xf32, #tpu.memory_space<hbm>> -> memref<1x8x64xf32, #tpu.memory_space<hbm>>
    %dma_start3A_122 = tpu.memref_squeeze %dma_start3A_121 : memref<1x8x64xf32, #tpu.memory_space<hbm>> -> memref<8x64xf32, #tpu.memory_space<hbm>>
    tpu.enqueue_dma source(%dma_start3A_122 : memref<8x64xf32, #tpu.memory_space<hbm>>) target(%dma_start3A_118 : memref<8x64xf32, #tpu.memory_space<vmem>>) target_semaphore(%dma_start3A_114 : memref<!tpu.dma_semaphore, #tpu.memory_space<semaphore_mem>>)
    %slice3A_123 = vector.extract_strided_slice %get3A_5 {offsets = [5], sizes = [1], strides = [1]} : vector<16xi32> to vector<1xi32>
    %squeeze3A_124 = vector.extract %slice3A_123[0] : i32 from vector<1xi32>
    %shift_right_arithmetic3A_125 = arith.constant 3 : i32
    %shift_right_arithmetic3A_126 = arith.shrsi %squeeze3A_124, %shift_right_arithmetic3A_125 : i32
    %dma_start3A_127 = arith.constant 5 : i32
    %dma_start3A_128 = arith.constant 5 : i32
    %dma_start3A_129 = arith.constant 0 : i32
    %dma_start3A_130 = arith.constant 0 : i32
    %dma_start3A_131 = tpu.memref_slice %arg8[%dma_start3A_127, %dma_start3A_129, %dma_start3A_130] : memref<16x8x64xf32, #tpu.memory_space<vmem>> -> memref<1x8x64xf32, #tpu.memory_space<vmem>>
    %dma_start3A_132 = tpu.memref_squeeze %dma_start3A_131 : memref<1x8x64xf32, #tpu.memory_space<vmem>> -> memref<8x64xf32, #tpu.memory_space<vmem>>
    %dma_start3A_133 = arith.constant 0 : i32
    %dma_start3A_134 = arith.constant 0 : i32
    %dma_start3A_135 = tpu.memref_slice %arg2[%shift_right_arithmetic3A_126, %dma_start3A_133, %dma_start3A_134] : memref<125000x8x64xf32, #tpu.memory_space<hbm>> -> memref<1x8x64xf32, #tpu.memory_space<hbm>>
    %dma_start3A_136 = tpu.memref_squeeze %dma_start3A_135 : memref<1x8x64xf32, #tpu.memory_space<hbm>> -> memref<8x64xf32, #tpu.memory_space<hbm>>
    %dma_start3A_137 = tpu.memref_slice %arg11[%dma_start3A_128] : memref<16x!tpu.dma_semaphore, #tpu.memory_space<semaphore_mem>> -> memref<1x!tpu.dma_semaphore, #tpu.memory_space<semaphore_mem>>
    %dma_start3A_138 = tpu.memref_squeeze %dma_start3A_137 : memref<1x!tpu.dma_semaphore, #tpu.memory_space<semaphore_mem>> -> memref<!tpu.dma_semaphore, #tpu.memory_space<semaphore_mem>>
    %dma_start3A_139 = arith.constant 0 : i32
    %dma_start3A_140 = arith.constant 0 : i32
    %dma_start3A_141 = tpu.memref_slice %arg8[%dma_start3A_127, %dma_start3A_139, %dma_start3A_140] : memref<16x8x64xf32, #tpu.memory_space<vmem>> -> memref<1x8x64xf32, #tpu.memory_space<vmem>>
    %dma_start3A_142 = tpu.memref_squeeze %dma_start3A_141 : memref<1x8x64xf32, #tpu.memory_space<vmem>> -> memref<8x64xf32, #tpu.memory_space<vmem>>
    %dma_start3A_143 = arith.constant 0 : i32
    %dma_start3A_144 = arith.constant 0 : i32
    %dma_start3A_145 = tpu.memref_slice %arg2[%shift_right_arithmetic3A_126, %dma_start3A_143, %dma_start3A_144] : memref<125000x8x64xf32, #tpu.memory_space<hbm>> -> memref<1x8x64xf32, #tpu.memory_space<hbm>>
    %dma_start3A_146 = tpu.memref_squeeze %dma_start3A_145 : memref<1x8x64xf32, #tpu.memory_space<hbm>> -> memref<8x64xf32, #tpu.memory_space<hbm>>
    tpu.enqueue_dma source(%dma_start3A_146 : memref<8x64xf32, #tpu.memory_space<hbm>>) target(%dma_start3A_142 : memref<8x64xf32, #tpu.memory_space<vmem>>) target_semaphore(%dma_start3A_138 : memref<!tpu.dma_semaphore, #tpu.memory_space<semaphore_mem>>)
    %slice3A_147 = vector.extract_strided_slice %get3A_5 {offsets = [6], sizes = [1], strides = [1]} : vector<16xi32> to vector<1xi32>
    %squeeze3A_148 = vector.extract %slice3A_147[0] : i32 from vector<1xi32>
    %shift_right_arithmetic3A_149 = arith.constant 3 : i32
    %shift_right_arithmetic3A_150 = arith.shrsi %squeeze3A_148, %shift_right_arithmetic3A_149 : i32
    %dma_start3A_151 = arith.constant 6 : i32
    %dma_start3A_152 = arith.constant 6 : i32
    %dma_start3A_153 = arith.constant 0 : i32
    %dma_start3A_154 = arith.constant 0 : i32
    %dma_start3A_155 = tpu.memref_slice %arg8[%dma_start3A_151, %dma_start3A_153, %dma_start3A_154] : memref<16x8x64xf32, #tpu.memory_space<vmem>> -> memref<1x8x64xf32, #tpu.memory_space<vmem>>
    %dma_start3A_156 = tpu.memref_squeeze %dma_start3A_155 : memref<1x8x64xf32, #tpu.memory_space<vmem>> -> memref<8x64xf32, #tpu.memory_space<vmem>>
    %dma_start3A_157 = arith.constant 0 : i32
    %dma_start3A_158 = arith.constant 0 : i32
    %dma_start3A_159 = tpu.memref_slice %arg2[%shift_right_arithmetic3A_150, %dma_start3A_157, %dma_start3A_158] : memref<125000x8x64xf32, #tpu.memory_space<hbm>> -> memref<1x8x64xf32, #tpu.memory_space<hbm>>
    %dma_start3A_160 = tpu.memref_squeeze %dma_start3A_159 : memref<1x8x64xf32, #tpu.memory_space<hbm>> -> memref<8x64xf32, #tpu.memory_space<hbm>>
    %dma_start3A_161 = tpu.memref_slice %arg11[%dma_start3A_152] : memref<16x!tpu.dma_semaphore, #tpu.memory_space<semaphore_mem>> -> memref<1x!tpu.dma_semaphore, #tpu.memory_space<semaphore_mem>>
    %dma_start3A_162 = tpu.memref_squeeze %dma_start3A_161 : memref<1x!tpu.dma_semaphore, #tpu.memory_space<semaphore_mem>> -> memref<!tpu.dma_semaphore, #tpu.memory_space<semaphore_mem>>
    %dma_start3A_163 = arith.constant 0 : i32
    %dma_start3A_164 = arith.constant 0 : i32
    %dma_start3A_165 = tpu.memref_slice %arg8[%dma_start3A_151, %dma_start3A_163, %dma_start3A_164] : memref<16x8x64xf32, #tpu.memory_space<vmem>> -> memref<1x8x64xf32, #tpu.memory_space<vmem>>
    %dma_start3A_166 = tpu.memref_squeeze %dma_start3A_165 : memref<1x8x64xf32, #tpu.memory_space<vmem>> -> memref<8x64xf32, #tpu.memory_space<vmem>>
    %dma_start3A_167 = arith.constant 0 : i32
    %dma_start3A_168 = arith.constant 0 : i32
    %dma_start3A_169 = tpu.memref_slice %arg2[%shift_right_arithmetic3A_150, %dma_start3A_167, %dma_start3A_168] : memref<125000x8x64xf32, #tpu.memory_space<hbm>> -> memref<1x8x64xf32, #tpu.memory_space<hbm>>
    %dma_start3A_170 = tpu.memref_squeeze %dma_start3A_169 : memref<1x8x64xf32, #tpu.memory_space<hbm>> -> memref<8x64xf32, #tpu.memory_space<hbm>>
    tpu.enqueue_dma source(%dma_start3A_170 : memref<8x64xf32, #tpu.memory_space<hbm>>) target(%dma_start3A_166 : memref<8x64xf32, #tpu.memory_space<vmem>>) target_semaphore(%dma_start3A_162 : memref<!tpu.dma_semaphore, #tpu.memory_space<semaphore_mem>>)
    %slice3A_171 = vector.extract_strided_slice %get3A_5 {offsets = [7], sizes = [1], strides = [1]} : vector<16xi32> to vector<1xi32>
    %squeeze3A_172 = vector.extract %slice3A_171[0] : i32 from vector<1xi32>
    %shift_right_arithmetic3A_173 = arith.constant 3 : i32
    %shift_right_arithmetic3A_174 = arith.shrsi %squeeze3A_172, %shift_right_arithmetic3A_173 : i32
    %dma_start3A_175 = arith.constant 7 : i32
    %dma_start3A_176 = arith.constant 7 : i32
    %dma_start3A_177 = arith.constant 0 : i32
    %dma_start3A_178 = arith.constant 0 : i32
    %dma_start3A_179 = tpu.memref_slice %arg8[%dma_start3A_175, %dma_start3A_177, %dma_start3A_178] : memref<16x8x64xf32, #tpu.memory_space<vmem>> -> memref<1x8x64xf32, #tpu.memory_space<vmem>>
    %dma_start3A_180 = tpu.memref_squeeze %dma_start3A_179 : memref<1x8x64xf32, #tpu.memory_space<vmem>> -> memref<8x64xf32, #tpu.memory_space<vmem>>
    %dma_start3A_181 = arith.constant 0 : i32
    %dma_start3A_182 = arith.constant 0 : i32
    %dma_start3A_183 = tpu.memref_slice %arg2[%shift_right_arithmetic3A_174, %dma_start3A_181, %dma_start3A_182] : memref<125000x8x64xf32, #tpu.memory_space<hbm>> -> memref<1x8x64xf32, #tpu.memory_space<hbm>>
    %dma_start3A_184 = tpu.memref_squeeze %dma_start3A_183 : memref<1x8x64xf32, #tpu.memory_space<hbm>> -> memref<8x64xf32, #tpu.memory_space<hbm>>
    %dma_start3A_185 = tpu.memref_slice %arg11[%dma_start3A_176] : memref<16x!tpu.dma_semaphore, #tpu.memory_space<semaphore_mem>> -> memref<1x!tpu.dma_semaphore, #tpu.memory_space<semaphore_mem>>
    %dma_start3A_186 = tpu.memref_squeeze %dma_start3A_185 : memref<1x!tpu.dma_semaphore, #tpu.memory_space<semaphore_mem>> -> memref<!tpu.dma_semaphore, #tpu.memory_space<semaphore_mem>>
    %dma_start3A_187 = arith.constant 0 : i32
    %dma_start3A_188 = arith.constant 0 : i32
    %dma_start3A_189 = tpu.memref_slice %arg8[%dma_start3A_175, %dma_start3A_187, %dma_start3A_188] : memref<16x8x64xf32, #tpu.memory_space<vmem>> -> memref<1x8x64xf32, #tpu.memory_space<vmem>>
    %dma_start3A_190 = tpu.memref_squeeze %dma_start3A_189 : memref<1x8x64xf32, #tpu.memory_space<vmem>> -> memref<8x64xf32, #tpu.memory_space<vmem>>
    %dma_start3A_191 = arith.constant 0 : i32
    %dma_start3A_192 = arith.constant 0 : i32
    %dma_start3A_193 = tpu.memref_slice %arg2[%shift_right_arithmetic3A_174, %dma_start3A_191, %dma_start3A_192] : memref<125000x8x64xf32, #tpu.memory_space<hbm>> -> memref<1x8x64xf32, #tpu.memory_space<hbm>>
    %dma_start3A_194 = tpu.memref_squeeze %dma_start3A_193 : memref<1x8x64xf32, #tpu.memory_space<hbm>> -> memref<8x64xf32, #tpu.memory_space<hbm>>
    tpu.enqueue_dma source(%dma_start3A_194 : memref<8x64xf32, #tpu.memory_space<hbm>>) target(%dma_start3A_190 : memref<8x64xf32, #tpu.memory_space<vmem>>) target_semaphore(%dma_start3A_186 : memref<!tpu.dma_semaphore, #tpu.memory_space<semaphore_mem>>)
    %slice3A_195 = vector.extract_strided_slice %get3A_5 {offsets = [8], sizes = [1], strides = [1]} : vector<16xi32> to vector<1xi32>
    %squeeze3A_196 = vector.extract %slice3A_195[0] : i32 from vector<1xi32>
    %shift_right_arithmetic3A_197 = arith.constant 3 : i32
    %shift_right_arithmetic3A_198 = arith.shrsi %squeeze3A_196, %shift_right_arithmetic3A_197 : i32
    %dma_start3A_199 = arith.constant 8 : i32
    %dma_start3A_200 = arith.constant 8 : i32
    %dma_start3A_201 = arith.constant 0 : i32
    %dma_start3A_202 = arith.constant 0 : i32
    %dma_start3A_203 = tpu.memref_slice %arg8[%dma_start3A_199, %dma_start3A_201, %dma_start3A_202] : memref<16x8x64xf32, #tpu.memory_space<vmem>> -> memref<1x8x64xf32, #tpu.memory_space<vmem>>
    %dma_start3A_204 = tpu.memref_squeeze %dma_start3A_203 : memref<1x8x64xf32, #tpu.memory_space<vmem>> -> memref<8x64xf32, #tpu.memory_space<vmem>>
    %dma_start3A_205 = arith.constant 0 : i32
    %dma_start3A_206 = arith.constant 0 : i32
    %dma_start3A_207 = tpu.memref_slice %arg2[%shift_right_arithmetic3A_198, %dma_start3A_205, %dma_start3A_206] : memref<125000x8x64xf32, #tpu.memory_space<hbm>> -> memref<1x8x64xf32, #tpu.memory_space<hbm>>
    %dma_start3A_208 = tpu.memref_squeeze %dma_start3A_207 : memref<1x8x64xf32, #tpu.memory_space<hbm>> -> memref<8x64xf32, #tpu.memory_space<hbm>>
    %dma_start3A_209 = tpu.memref_slice %arg11[%dma_start3A_200] : memref<16x!tpu.dma_semaphore, #tpu.memory_space<semaphore_mem>> -> memref<1x!tpu.dma_semaphore, #tpu.memory_space<semaphore_mem>>
    %dma_start3A_210 = tpu.memref_squeeze %dma_start3A_209 : memref<1x!tpu.dma_semaphore, #tpu.memory_space<semaphore_mem>> -> memref<!tpu.dma_semaphore, #tpu.memory_space<semaphore_mem>>
    %dma_start3A_211 = arith.constant 0 : i32
    %dma_start3A_212 = arith.constant 0 : i32
    %dma_start3A_213 = tpu.memref_slice %arg8[%dma_start3A_199, %dma_start3A_211, %dma_start3A_212] : memref<16x8x64xf32, #tpu.memory_space<vmem>> -> memref<1x8x64xf32, #tpu.memory_space<vmem>>
    %dma_start3A_214 = tpu.memref_squeeze %dma_start3A_213 : memref<1x8x64xf32, #tpu.memory_space<vmem>> -> memref<8x64xf32, #tpu.memory_space<vmem>>
    %dma_start3A_215 = arith.constant 0 : i32
    %dma_start3A_216 = arith.constant 0 : i32
    %dma_start3A_217 = tpu.memref_slice %arg2[%shift_right_arithmetic3A_198, %dma_start3A_215, %dma_start3A_216] : memref<125000x8x64xf32, #tpu.memory_space<hbm>> -> memref<1x8x64xf32, #tpu.memory_space<hbm>>
    %dma_start3A_218 = tpu.memref_squeeze %dma_start3A_217 : memref<1x8x64xf32, #tpu.memory_space<hbm>> -> memref<8x64xf32, #tpu.memory_space<hbm>>
    tpu.enqueue_dma source(%dma_start3A_218 : memref<8x64xf32, #tpu.memory_space<hbm>>) target(%dma_start3A_214 : memref<8x64xf32, #tpu.memory_space<vmem>>) target_semaphore(%dma_start3A_210 : memref<!tpu.dma_semaphore, #tpu.memory_space<semaphore_mem>>)
    %slice3A_219 = vector.extract_strided_slice %get3A_5 {offsets = [9], sizes = [1], strides = [1]} : vector<16xi32> to vector<1xi32>
    %squeeze3A_220 = vector.extract %slice3A_219[0] : i32 from vector<1xi32>
    %shift_right_arithmetic3A_221 = arith.constant 3 : i32
    %shift_right_arithmetic3A_222 = arith.shrsi %squeeze3A_220, %shift_right_arithmetic3A_221 : i32
    %dma_start3A_223 = arith.constant 9 : i32
    %dma_start3A_224 = arith.constant 9 : i32
    %dma_start3A_225 = arith.constant 0 : i32
    %dma_start3A_226 = arith.constant 0 : i32
    %dma_start3A_227 = tpu.memref_slice %arg8[%dma_start3A_223, %dma_start3A_225, %dma_start3A_226] : memref<16x8x64xf32, #tpu.memory_space<vmem>> -> memref<1x8x64xf32, #tpu.memory_space<vmem>>
    %dma_start3A_228 = tpu.memref_squeeze %dma_start3A_227 : memref<1x8x64xf32, #tpu.memory_space<vmem>> -> memref<8x64xf32, #tpu.memory_space<vmem>>
    %dma_start3A_229 = arith.constant 0 : i32
    %dma_start3A_230 = arith.constant 0 : i32
    %dma_start3A_231 = tpu.memref_slice %arg2[%shift_right_arithmetic3A_222, %dma_start3A_229, %dma_start3A_230] : memref<125000x8x64xf32, #tpu.memory_space<hbm>> -> memref<1x8x64xf32, #tpu.memory_space<hbm>>
    %dma_start3A_232 = tpu.memref_squeeze %dma_start3A_231 : memref<1x8x64xf32, #tpu.memory_space<hbm>> -> memref<8x64xf32, #tpu.memory_space<hbm>>
    %dma_start3A_233 = tpu.memref_slice %arg11[%dma_start3A_224] : memref<16x!tpu.dma_semaphore, #tpu.memory_space<semaphore_mem>> -> memref<1x!tpu.dma_semaphore, #tpu.memory_space<semaphore_mem>>
    %dma_start3A_234 = tpu.memref_squeeze %dma_start3A_233 : memref<1x!tpu.dma_semaphore, #tpu.memory_space<semaphore_mem>> -> memref<!tpu.dma_semaphore, #tpu.memory_space<semaphore_mem>>
    %dma_start3A_235 = arith.constant 0 : i32
    %dma_start3A_236 = arith.constant 0 : i32
    %dma_start3A_237 = tpu.memref_slice %arg8[%dma_start3A_223, %dma_start3A_235, %dma_start3A_236] : memref<16x8x64xf32, #tpu.memory_space<vmem>> -> memref<1x8x64xf32, #tpu.memory_space<vmem>>
    %dma_start3A_238 = tpu.memref_squeeze %dma_start3A_237 : memref<1x8x64xf32, #tpu.memory_space<vmem>> -> memref<8x64xf32, #tpu.memory_space<vmem>>
    %dma_start3A_239 = arith.constant 0 : i32
    %dma_start3A_240 = arith.constant 0 : i32
    %dma_start3A_241 = tpu.memref_slice %arg2[%shift_right_arithmetic3A_222, %dma_start3A_239, %dma_start3A_240] : memref<125000x8x64xf32, #tpu.memory_space<hbm>> -> memref<1x8x64xf32, #tpu.memory_space<hbm>>
    %dma_start3A_242 = tpu.memref_squeeze %dma_start3A_241 : memref<1x8x64xf32, #tpu.memory_space<hbm>> -> memref<8x64xf32, #tpu.memory_space<hbm>>
    tpu.enqueue_dma source(%dma_start3A_242 : memref<8x64xf32, #tpu.memory_space<hbm>>) target(%dma_start3A_238 : memref<8x64xf32, #tpu.memory_space<vmem>>) target_semaphore(%dma_start3A_234 : memref<!tpu.dma_semaphore, #tpu.memory_space<semaphore_mem>>)
    %slice3A_243 = vector.extract_strided_slice %get3A_5 {offsets = [10], sizes = [1], strides = [1]} : vector<16xi32> to vector<1xi32>
    %squeeze3A_244 = vector.extract %slice3A_243[0] : i32 from vector<1xi32>
    %shift_right_arithmetic3A_245 = arith.constant 3 : i32
    %shift_right_arithmetic3A_246 = arith.shrsi %squeeze3A_244, %shift_right_arithmetic3A_245 : i32
    %dma_start3A_247 = arith.constant 10 : i32
    %dma_start3A_248 = arith.constant 10 : i32
    %dma_start3A_249 = arith.constant 0 : i32
    %dma_start3A_250 = arith.constant 0 : i32
    %dma_start3A_251 = tpu.memref_slice %arg8[%dma_start3A_247, %dma_start3A_249, %dma_start3A_250] : memref<16x8x64xf32, #tpu.memory_space<vmem>> -> memref<1x8x64xf32, #tpu.memory_space<vmem>>
    %dma_start3A_252 = tpu.memref_squeeze %dma_start3A_251 : memref<1x8x64xf32, #tpu.memory_space<vmem>> -> memref<8x64xf32, #tpu.memory_space<vmem>>
    %dma_start3A_253 = arith.constant 0 : i32
    %dma_start3A_254 = arith.constant 0 : i32
    %dma_start3A_255 = tpu.memref_slice %arg2[%shift_right_arithmetic3A_246, %dma_start3A_253, %dma_start3A_254] : memref<125000x8x64xf32, #tpu.memory_space<hbm>> -> memref<1x8x64xf32, #tpu.memory_space<hbm>>
    %dma_start3A_256 = tpu.memref_squeeze %dma_start3A_255 : memref<1x8x64xf32, #tpu.memory_space<hbm>> -> memref<8x64xf32, #tpu.memory_space<hbm>>
    %dma_start3A_257 = tpu.memref_slice %arg11[%dma_start3A_248] : memref<16x!tpu.dma_semaphore, #tpu.memory_space<semaphore_mem>> -> memref<1x!tpu.dma_semaphore, #tpu.memory_space<semaphore_mem>>
    %dma_start3A_258 = tpu.memref_squeeze %dma_start3A_257 : memref<1x!tpu.dma_semaphore, #tpu.memory_space<semaphore_mem>> -> memref<!tpu.dma_semaphore, #tpu.memory_space<semaphore_mem>>
    %dma_start3A_259 = arith.constant 0 : i32
    %dma_start3A_260 = arith.constant 0 : i32
    %dma_start3A_261 = tpu.memref_slice %arg8[%dma_start3A_247, %dma_start3A_259, %dma_start3A_260] : memref<16x8x64xf32, #tpu.memory_space<vmem>> -> memref<1x8x64xf32, #tpu.memory_space<vmem>>
    %dma_start3A_262 = tpu.memref_squeeze %dma_start3A_261 : memref<1x8x64xf32, #tpu.memory_space<vmem>> -> memref<8x64xf32, #tpu.memory_space<vmem>>
    %dma_start3A_263 = arith.constant 0 : i32
    %dma_start3A_264 = arith.constant 0 : i32
    %dma_start3A_265 = tpu.memref_slice %arg2[%shift_right_arithmetic3A_246, %dma_start3A_263, %dma_start3A_264] : memref<125000x8x64xf32, #tpu.memory_space<hbm>> -> memref<1x8x64xf32, #tpu.memory_space<hbm>>
    %dma_start3A_266 = tpu.memref_squeeze %dma_start3A_265 : memref<1x8x64xf32, #tpu.memory_space<hbm>> -> memref<8x64xf32, #tpu.memory_space<hbm>>
    tpu.enqueue_dma source(%dma_start3A_266 : memref<8x64xf32, #tpu.memory_space<hbm>>) target(%dma_start3A_262 : memref<8x64xf32, #tpu.memory_space<vmem>>) target_semaphore(%dma_start3A_258 : memref<!tpu.dma_semaphore, #tpu.memory_space<semaphore_mem>>)
    %slice3A_267 = vector.extract_strided_slice %get3A_5 {offsets = [11], sizes = [1], strides = [1]} : vector<16xi32> to vector<1xi32>
    %squeeze3A_268 = vector.extract %slice3A_267[0] : i32 from vector<1xi32>
    %shift_right_arithmetic3A_269 = arith.constant 3 : i32
    %shift_right_arithmetic3A_270 = arith.shrsi %squeeze3A_268, %shift_right_arithmetic3A_269 : i32
    %dma_start3A_271 = arith.constant 11 : i32
    %dma_start3A_272 = arith.constant 11 : i32
    %dma_start3A_273 = arith.constant 0 : i32
    %dma_start3A_274 = arith.constant 0 : i32
    %dma_start3A_275 = tpu.memref_slice %arg8[%dma_start3A_271, %dma_start3A_273, %dma_start3A_274] : memref<16x8x64xf32, #tpu.memory_space<vmem>> -> memref<1x8x64xf32, #tpu.memory_space<vmem>>
    %dma_start3A_276 = tpu.memref_squeeze %dma_start3A_275 : memref<1x8x64xf32, #tpu.memory_space<vmem>> -> memref<8x64xf32, #tpu.memory_space<vmem>>
    %dma_start3A_277 = arith.constant 0 : i32
    %dma_start3A_278 = arith.constant 0 : i32
    %dma_start3A_279 = tpu.memref_slice %arg2[%shift_right_arithmetic3A_270, %dma_start3A_277, %dma_start3A_278] : memref<125000x8x64xf32, #tpu.memory_space<hbm>> -> memref<1x8x64xf32, #tpu.memory_space<hbm>>
    %dma_start3A_280 = tpu.memref_squeeze %dma_start3A_279 : memref<1x8x64xf32, #tpu.memory_space<hbm>> -> memref<8x64xf32, #tpu.memory_space<hbm>>
    %dma_start3A_281 = tpu.memref_slice %arg11[%dma_start3A_272] : memref<16x!tpu.dma_semaphore, #tpu.memory_space<semaphore_mem>> -> memref<1x!tpu.dma_semaphore, #tpu.memory_space<semaphore_mem>>
    %dma_start3A_282 = tpu.memref_squeeze %dma_start3A_281 : memref<1x!tpu.dma_semaphore, #tpu.memory_space<semaphore_mem>> -> memref<!tpu.dma_semaphore, #tpu.memory_space<semaphore_mem>>
    %dma_start3A_283 = arith.constant 0 : i32
    %dma_start3A_284 = arith.constant 0 : i32
    %dma_start3A_285 = tpu.memref_slice %arg8[%dma_start3A_271, %dma_start3A_283, %dma_start3A_284] : memref<16x8x64xf32, #tpu.memory_space<vmem>> -> memref<1x8x64xf32, #tpu.memory_space<vmem>>
    %dma_start3A_286 = tpu.memref_squeeze %dma_start3A_285 : memref<1x8x64xf32, #tpu.memory_space<vmem>> -> memref<8x64xf32, #tpu.memory_space<vmem>>
    %dma_start3A_287 = arith.constant 0 : i32
    %dma_start3A_288 = arith.constant 0 : i32
    %dma_start3A_289 = tpu.memref_slice %arg2[%shift_right_arithmetic3A_270, %dma_start3A_287, %dma_start3A_288] : memref<125000x8x64xf32, #tpu.memory_space<hbm>> -> memref<1x8x64xf32, #tpu.memory_space<hbm>>
    %dma_start3A_290 = tpu.memref_squeeze %dma_start3A_289 : memref<1x8x64xf32, #tpu.memory_space<hbm>> -> memref<8x64xf32, #tpu.memory_space<hbm>>
    tpu.enqueue_dma source(%dma_start3A_290 : memref<8x64xf32, #tpu.memory_space<hbm>>) target(%dma_start3A_286 : memref<8x64xf32, #tpu.memory_space<vmem>>) target_semaphore(%dma_start3A_282 : memref<!tpu.dma_semaphore, #tpu.memory_space<semaphore_mem>>)
    %slice3A_291 = vector.extract_strided_slice %get3A_5 {offsets = [12], sizes = [1], strides = [1]} : vector<16xi32> to vector<1xi32>
    %squeeze3A_292 = vector.extract %slice3A_291[0] : i32 from vector<1xi32>
    %shift_right_arithmetic3A_293 = arith.constant 3 : i32
    %shift_right_arithmetic3A_294 = arith.shrsi %squeeze3A_292, %shift_right_arithmetic3A_293 : i32
    %dma_start3A_295 = arith.constant 12 : i32
    %dma_start3A_296 = arith.constant 12 : i32
    %dma_start3A_297 = arith.constant 0 : i32
    %dma_start3A_298 = arith.constant 0 : i32
    %dma_start3A_299 = tpu.memref_slice %arg8[%dma_start3A_295, %dma_start3A_297, %dma_start3A_298] : memref<16x8x64xf32, #tpu.memory_space<vmem>> -> memref<1x8x64xf32, #tpu.memory_space<vmem>>
    %dma_start3A_300 = tpu.memref_squeeze %dma_start3A_299 : memref<1x8x64xf32, #tpu.memory_space<vmem>> -> memref<8x64xf32, #tpu.memory_space<vmem>>
    %dma_start3A_301 = arith.constant 0 : i32
    %dma_start3A_302 = arith.constant 0 : i32
    %dma_start3A_303 = tpu.memref_slice %arg2[%shift_right_arithmetic3A_294, %dma_start3A_301, %dma_start3A_302] : memref<125000x8x64xf32, #tpu.memory_space<hbm>> -> memref<1x8x64xf32, #tpu.memory_space<hbm>>
    %dma_start3A_304 = tpu.memref_squeeze %dma_start3A_303 : memref<1x8x64xf32, #tpu.memory_space<hbm>> -> memref<8x64xf32, #tpu.memory_space<hbm>>
    %dma_start3A_305 = tpu.memref_slice %arg11[%dma_start3A_296] : memref<16x!tpu.dma_semaphore, #tpu.memory_space<semaphore_mem>> -> memref<1x!tpu.dma_semaphore, #tpu.memory_space<semaphore_mem>>
    %dma_start3A_306 = tpu.memref_squeeze %dma_start3A_305 : memref<1x!tpu.dma_semaphore, #tpu.memory_space<semaphore_mem>> -> memref<!tpu.dma_semaphore, #tpu.memory_space<semaphore_mem>>
    %dma_start3A_307 = arith.constant 0 : i32
    %dma_start3A_308 = arith.constant 0 : i32
    %dma_start3A_309 = tpu.memref_slice %arg8[%dma_start3A_295, %dma_start3A_307, %dma_start3A_308] : memref<16x8x64xf32, #tpu.memory_space<vmem>> -> memref<1x8x64xf32, #tpu.memory_space<vmem>>
    %dma_start3A_310 = tpu.memref_squeeze %dma_start3A_309 : memref<1x8x64xf32, #tpu.memory_space<vmem>> -> memref<8x64xf32, #tpu.memory_space<vmem>>
    %dma_start3A_311 = arith.constant 0 : i32
    %dma_start3A_312 = arith.constant 0 : i32
    %dma_start3A_313 = tpu.memref_slice %arg2[%shift_right_arithmetic3A_294, %dma_start3A_311, %dma_start3A_312] : memref<125000x8x64xf32, #tpu.memory_space<hbm>> -> memref<1x8x64xf32, #tpu.memory_space<hbm>>
    %dma_start3A_314 = tpu.memref_squeeze %dma_start3A_313 : memref<1x8x64xf32, #tpu.memory_space<hbm>> -> memref<8x64xf32, #tpu.memory_space<hbm>>
    tpu.enqueue_dma source(%dma_start3A_314 : memref<8x64xf32, #tpu.memory_space<hbm>>) target(%dma_start3A_310 : memref<8x64xf32, #tpu.memory_space<vmem>>) target_semaphore(%dma_start3A_306 : memref<!tpu.dma_semaphore, #tpu.memory_space<semaphore_mem>>)
    %slice3A_315 = vector.extract_strided_slice %get3A_5 {offsets = [13], sizes = [1], strides = [1]} : vector<16xi32> to vector<1xi32>
    %squeeze3A_316 = vector.extract %slice3A_315[0] : i32 from vector<1xi32>
    %shift_right_arithmetic3A_317 = arith.constant 3 : i32
    %shift_right_arithmetic3A_318 = arith.shrsi %squeeze3A_316, %shift_right_arithmetic3A_317 : i32
    %dma_start3A_319 = arith.constant 13 : i32
    %dma_start3A_320 = arith.constant 13 : i32
    %dma_start3A_321 = arith.constant 0 : i32
    %dma_start3A_322 = arith.constant 0 : i32
    %dma_start3A_323 = tpu.memref_slice %arg8[%dma_start3A_319, %dma_start3A_321, %dma_start3A_322] : memref<16x8x64xf32, #tpu.memory_space<vmem>> -> memref<1x8x64xf32, #tpu.memory_space<vmem>>
    %dma_start3A_324 = tpu.memref_squeeze %dma_start3A_323 : memref<1x8x64xf32, #tpu.memory_space<vmem>> -> memref<8x64xf32, #tpu.memory_space<vmem>>
    %dma_start3A_325 = arith.constant 0 : i32
    %dma_start3A_326 = arith.constant 0 : i32
    %dma_start3A_327 = tpu.memref_slice %arg2[%shift_right_arithmetic3A_318, %dma_start3A_325, %dma_start3A_326] : memref<125000x8x64xf32, #tpu.memory_space<hbm>> -> memref<1x8x64xf32, #tpu.memory_space<hbm>>
    %dma_start3A_328 = tpu.memref_squeeze %dma_start3A_327 : memref<1x8x64xf32, #tpu.memory_space<hbm>> -> memref<8x64xf32, #tpu.memory_space<hbm>>
    %dma_start3A_329 = tpu.memref_slice %arg11[%dma_start3A_320] : memref<16x!tpu.dma_semaphore, #tpu.memory_space<semaphore_mem>> -> memref<1x!tpu.dma_semaphore, #tpu.memory_space<semaphore_mem>>
    %dma_start3A_330 = tpu.memref_squeeze %dma_start3A_329 : memref<1x!tpu.dma_semaphore, #tpu.memory_space<semaphore_mem>> -> memref<!tpu.dma_semaphore, #tpu.memory_space<semaphore_mem>>
    %dma_start3A_331 = arith.constant 0 : i32
    %dma_start3A_332 = arith.constant 0 : i32
    %dma_start3A_333 = tpu.memref_slice %arg8[%dma_start3A_319, %dma_start3A_331, %dma_start3A_332] : memref<16x8x64xf32, #tpu.memory_space<vmem>> -> memref<1x8x64xf32, #tpu.memory_space<vmem>>
    %dma_start3A_334 = tpu.memref_squeeze %dma_start3A_333 : memref<1x8x64xf32, #tpu.memory_space<vmem>> -> memref<8x64xf32, #tpu.memory_space<vmem>>
    %dma_start3A_335 = arith.constant 0 : i32
    %dma_start3A_336 = arith.constant 0 : i32
    %dma_start3A_337 = tpu.memref_slice %arg2[%shift_right_arithmetic3A_318, %dma_start3A_335, %dma_start3A_336] : memref<125000x8x64xf32, #tpu.memory_space<hbm>> -> memref<1x8x64xf32, #tpu.memory_space<hbm>>
    %dma_start3A_338 = tpu.memref_squeeze %dma_start3A_337 : memref<1x8x64xf32, #tpu.memory_space<hbm>> -> memref<8x64xf32, #tpu.memory_space<hbm>>
    tpu.enqueue_dma source(%dma_start3A_338 : memref<8x64xf32, #tpu.memory_space<hbm>>) target(%dma_start3A_334 : memref<8x64xf32, #tpu.memory_space<vmem>>) target_semaphore(%dma_start3A_330 : memref<!tpu.dma_semaphore, #tpu.memory_space<semaphore_mem>>)
    %slice3A_339 = vector.extract_strided_slice %get3A_5 {offsets = [14], sizes = [1], strides = [1]} : vector<16xi32> to vector<1xi32>
    %squeeze3A_340 = vector.extract %slice3A_339[0] : i32 from vector<1xi32>
    %shift_right_arithmetic3A_341 = arith.constant 3 : i32
    %shift_right_arithmetic3A_342 = arith.shrsi %squeeze3A_340, %shift_right_arithmetic3A_341 : i32
    %dma_start3A_343 = arith.constant 14 : i32
    %dma_start3A_344 = arith.constant 14 : i32
    %dma_start3A_345 = arith.constant 0 : i32
    %dma_start3A_346 = arith.constant 0 : i32
    %dma_start3A_347 = tpu.memref_slice %arg8[%dma_start3A_343, %dma_start3A_345, %dma_start3A_346] : memref<16x8x64xf32, #tpu.memory_space<vmem>> -> memref<1x8x64xf32, #tpu.memory_space<vmem>>
    %dma_start3A_348 = tpu.memref_squeeze %dma_start3A_347 : memref<1x8x64xf32, #tpu.memory_space<vmem>> -> memref<8x64xf32, #tpu.memory_space<vmem>>
    %dma_start3A_349 = arith.constant 0 : i32
    %dma_start3A_350 = arith.constant 0 : i32
    %dma_start3A_351 = tpu.memref_slice %arg2[%shift_right_arithmetic3A_342, %dma_start3A_349, %dma_start3A_350] : memref<125000x8x64xf32, #tpu.memory_space<hbm>> -> memref<1x8x64xf32, #tpu.memory_space<hbm>>
    %dma_start3A_352 = tpu.memref_squeeze %dma_start3A_351 : memref<1x8x64xf32, #tpu.memory_space<hbm>> -> memref<8x64xf32, #tpu.memory_space<hbm>>
    %dma_start3A_353 = tpu.memref_slice %arg11[%dma_start3A_344] : memref<16x!tpu.dma_semaphore, #tpu.memory_space<semaphore_mem>> -> memref<1x!tpu.dma_semaphore, #tpu.memory_space<semaphore_mem>>
    %dma_start3A_354 = tpu.memref_squeeze %dma_start3A_353 : memref<1x!tpu.dma_semaphore, #tpu.memory_space<semaphore_mem>> -> memref<!tpu.dma_semaphore, #tpu.memory_space<semaphore_mem>>
    %dma_start3A_355 = arith.constant 0 : i32
    %dma_start3A_356 = arith.constant 0 : i32
    %dma_start3A_357 = tpu.memref_slice %arg8[%dma_start3A_343, %dma_start3A_355, %dma_start3A_356] : memref<16x8x64xf32, #tpu.memory_space<vmem>> -> memref<1x8x64xf32, #tpu.memory_space<vmem>>
    %dma_start3A_358 = tpu.memref_squeeze %dma_start3A_357 : memref<1x8x64xf32, #tpu.memory_space<vmem>> -> memref<8x64xf32, #tpu.memory_space<vmem>>
    %dma_start3A_359 = arith.constant 0 : i32
    %dma_start3A_360 = arith.constant 0 : i32
    %dma_start3A_361 = tpu.memref_slice %arg2[%shift_right_arithmetic3A_342, %dma_start3A_359, %dma_start3A_360] : memref<125000x8x64xf32, #tpu.memory_space<hbm>> -> memref<1x8x64xf32, #tpu.memory_space<hbm>>
    %dma_start3A_362 = tpu.memref_squeeze %dma_start3A_361 : memref<1x8x64xf32, #tpu.memory_space<hbm>> -> memref<8x64xf32, #tpu.memory_space<hbm>>
    tpu.enqueue_dma source(%dma_start3A_362 : memref<8x64xf32, #tpu.memory_space<hbm>>) target(%dma_start3A_358 : memref<8x64xf32, #tpu.memory_space<vmem>>) target_semaphore(%dma_start3A_354 : memref<!tpu.dma_semaphore, #tpu.memory_space<semaphore_mem>>)
    %slice3A_363 = vector.extract_strided_slice %get3A_5 {offsets = [15], sizes = [1], strides = [1]} : vector<16xi32> to vector<1xi32>
    %squeeze3A_364 = vector.extract %slice3A_363[0] : i32 from vector<1xi32>
    %shift_right_arithmetic3A_365 = arith.constant 3 : i32
    %shift_right_arithmetic3A_366 = arith.shrsi %squeeze3A_364, %shift_right_arithmetic3A_365 : i32
    %dma_start3A_367 = arith.constant 15 : i32
    %dma_start3A_368 = arith.constant 15 : i32
    %dma_start3A_369 = arith.constant 0 : i32
    %dma_start3A_370 = arith.constant 0 : i32
    %dma_start3A_371 = tpu.memref_slice %arg8[%dma_start3A_367, %dma_start3A_369, %dma_start3A_370] : memref<16x8x64xf32, #tpu.memory_space<vmem>> -> memref<1x8x64xf32, #tpu.memory_space<vmem>>
    %dma_start3A_372 = tpu.memref_squeeze %dma_start3A_371 : memref<1x8x64xf32, #tpu.memory_space<vmem>> -> memref<8x64xf32, #tpu.memory_space<vmem>>
    %dma_start3A_373 = arith.constant 0 : i32
    %dma_start3A_374 = arith.constant 0 : i32
    %dma_start3A_375 = tpu.memref_slice %arg2[%shift_right_arithmetic3A_366, %dma_start3A_373, %dma_start3A_374] : memref<125000x8x64xf32, #tpu.memory_space<hbm>> -> memref<1x8x64xf32, #tpu.memory_space<hbm>>
    %dma_start3A_376 = tpu.memref_squeeze %dma_start3A_375 : memref<1x8x64xf32, #tpu.memory_space<hbm>> -> memref<8x64xf32, #tpu.memory_space<hbm>>
    %dma_start3A_377 = tpu.memref_slice %arg11[%dma_start3A_368] : memref<16x!tpu.dma_semaphore, #tpu.memory_space<semaphore_mem>> -> memref<1x!tpu.dma_semaphore, #tpu.memory_space<semaphore_mem>>
    %dma_start3A_378 = tpu.memref_squeeze %dma_start3A_377 : memref<1x!tpu.dma_semaphore, #tpu.memory_space<semaphore_mem>> -> memref<!tpu.dma_semaphore, #tpu.memory_space<semaphore_mem>>
    %dma_start3A_379 = arith.constant 0 : i32
    %dma_start3A_380 = arith.constant 0 : i32
    %dma_start3A_381 = tpu.memref_slice %arg8[%dma_start3A_367, %dma_start3A_379, %dma_start3A_380] : memref<16x8x64xf32, #tpu.memory_space<vmem>> -> memref<1x8x64xf32, #tpu.memory_space<vmem>>
    %dma_start3A_382 = tpu.memref_squeeze %dma_start3A_381 : memref<1x8x64xf32, #tpu.memory_space<vmem>> -> memref<8x64xf32, #tpu.memory_space<vmem>>
    %dma_start3A_383 = arith.constant 0 : i32
    %dma_start3A_384 = arith.constant 0 : i32
    %dma_start3A_385 = tpu.memref_slice %arg2[%shift_right_arithmetic3A_366, %dma_start3A_383, %dma_start3A_384] : memref<125000x8x64xf32, #tpu.memory_space<hbm>> -> memref<1x8x64xf32, #tpu.memory_space<hbm>>
    %dma_start3A_386 = tpu.memref_squeeze %dma_start3A_385 : memref<1x8x64xf32, #tpu.memory_space<hbm>> -> memref<8x64xf32, #tpu.memory_space<hbm>>
    tpu.enqueue_dma source(%dma_start3A_386 : memref<8x64xf32, #tpu.memory_space<hbm>>) target(%dma_start3A_382 : memref<8x64xf32, #tpu.memory_space<vmem>>) target_semaphore(%dma_start3A_378 : memref<!tpu.dma_semaphore, #tpu.memory_space<semaphore_mem>>)
    %scan3A = arith.constant 1 : i32
    %scan3A_387 = arith.constant 31 : i32
    %scan3A_388 = arith.addi %scan3A, %scan3A_387 : i32
    %scan3A_389 = arith.constant 1 : i32
    %scan3A_390 = scf.for %scan3A_1617 = %scan3A to %scan3A_388 step %scan3A_389 iter_args(%scan3A_1618 = %get3A_5) -> (vector<16xi32>)  : i32 {
      %mul3A_1619 = arith.constant 16 : i32
      %mul3A_1620 = arith.muli %scan3A_1617, %mul3A_1619 : i32
      %get3A_1621 = arith.index_cast %mul3A_1620 : i32 to index
      %get3A_1622 = tpu.vector_load %arg7[%get3A_1621] {strides = array<i32>} : memref<512xi32, #tpu.memory_space<vmem>>, vector<16xi32>,
      %get3A_1623 = vector.shape_cast %get3A_1622 : vector<16xi32> to vector<16xi32>
      %sub3A = arith.constant 1 : i32
      %sub3A_1624 = arith.subi %scan3A_1617, %sub3A : i32
      %rem3A = arith.constant 2 : i32
      %rem3A_1625 = arith.remsi %sub3A_1624, %rem3A : i32
      %ge3A = arith.constant 3 : i32
      %ge3A_1626 = arith.cmpi sge, %scan3A_1617, %ge3A : i32
      %convert_element_type3A = arith.extui %ge3A_1626 : i1 to i32
      %cond3A = arith.constant 0 : i32
      %cond3A_1627 = arith.cmpi ne, %convert_element_type3A, %cond3A : i32
      scf.if %cond3A_1627 {
        %dma_wait3A_3133 = arith.constant 0 : i32
        %dma_wait3A_3134 = tpu.memref_slice %arg9[%rem3A_1625, %dma_wait3A_3133] : memref<2x1024xf32, #tpu.memory_space<vmem>> -> memref<1x1024xf32, #tpu.memory_space<vmem>>
        %dma_wait3A_3135 = tpu.memref_squeeze %dma_wait3A_3134 : memref<1x1024xf32, #tpu.memory_space<vmem>> -> memref<1024xf32, #tpu.memory_space<vmem>>
        %dma_wait3A_3136 = arith.constant 0 : i32
        %dma_wait3A_3137 = tpu.memref_slice %arg5[%dma_wait3A_3136] : memref<1048576xf32, #tpu.memory_space<hbm>> -> memref<1024xf32, #tpu.memory_space<hbm>>
        %dma_wait3A_3138 = tpu.memref_slice %arg13[%rem3A_1625] : memref<2x!tpu.dma_semaphore, #tpu.memory_space<semaphore_mem>> -> memref<1x!tpu.dma_semaphore, #tpu.memory_space<semaphore_mem>>
        %dma_wait3A_3139 = tpu.memref_squeeze %dma_wait3A_3138 : memref<1x!tpu.dma_semaphore, #tpu.memory_space<semaphore_mem>> -> memref<!tpu.dma_semaphore, #tpu.memory_space<semaphore_mem>>
        %dma_wait3A_3140 = arith.constant 0 : i32
        %dma_wait3A_3141 = tpu.memref_slice %arg5[%dma_wait3A_3140] : memref<1048576xf32, #tpu.memory_space<hbm>> -> memref<1024xf32, #tpu.memory_space<hbm>>
        %dma_wait3A_3142 = arith.constant 0 : i32
        %dma_wait3A_3143 = tpu.memref_slice %arg9[%rem3A_1625, %dma_wait3A_3142] : memref<2x1024xf32, #tpu.memory_space<vmem>> -> memref<1x1024xf32, #tpu.memory_space<vmem>>
        %dma_wait3A_3144 = tpu.memref_squeeze %dma_wait3A_3143 : memref<1x1024xf32, #tpu.memory_space<vmem>> -> memref<1024xf32, #tpu.memory_space<vmem>>
        tpu.wait_dma2 semaphore(%dma_wait3A_3139 : memref<!tpu.dma_semaphore, #tpu.memory_space<semaphore_mem>>) src(%dma_wait3A_3144 : memref<1024xf32, #tpu.memory_space<vmem>>) dst(%dma_wait3A_3141 : memref<1024xf32, #tpu.memory_space<hbm>>)
      } else {
      }
      %slice3A_1628 = vector.extract_strided_slice %scan3A_1618 {offsets = [0], sizes = [1], strides = [1]} : vector<16xi32> to vector<1xi32>
      %squeeze3A_1629 = vector.extract %slice3A_1628[0] : i32 from vector<1xi32>
      %dma_wait3A_1630 = arith.constant 0 : i32
      %dma_wait3A_1631 = arith.constant 0 : i32
      %dma_wait3A_1632 = arith.constant 0 : i32
      %dma_wait3A_1633 = arith.constant 0 : i32
      %dma_wait3A_1634 = arith.constant 0 : i32
      %dma_wait3A_1635 = tpu.memref_slice %arg8[%dma_wait3A_1631, %dma_wait3A_1633, %dma_wait3A_1634] : memref<16x8x64xf32, #tpu.memory_space<vmem>> -> memref<1x8x64xf32, #tpu.memory_space<vmem>>
      %dma_wait3A_1636 = tpu.memref_squeeze %dma_wait3A_1635 : memref<1x8x64xf32, #tpu.memory_space<vmem>> -> memref<8x64xf32, #tpu.memory_space<vmem>>
      %dma_wait3A_1637 = arith.constant 0 : i32
      %dma_wait3A_1638 = arith.constant 0 : i32
      %dma_wait3A_1639 = tpu.memref_slice %arg2[%dma_wait3A_1630, %dma_wait3A_1637, %dma_wait3A_1638] : memref<125000x8x64xf32, #tpu.memory_space<hbm>> -> memref<1x8x64xf32, #tpu.memory_space<hbm>>
      %dma_wait3A_1640 = tpu.memref_squeeze %dma_wait3A_1639 : memref<1x8x64xf32, #tpu.memory_space<hbm>> -> memref<8x64xf32, #tpu.memory_space<hbm>>
      %dma_wait3A_1641 = tpu.memref_slice %arg11[%dma_wait3A_1632] : memref<16x!tpu.dma_semaphore, #tpu.memory_space<semaphore_mem>> -> memref<1x!tpu.dma_semaphore, #tpu.memory_space<semaphore_mem>>
      %dma_wait3A_1642 = tpu.memref_squeeze %dma_wait3A_1641 : memref<1x!tpu.dma_semaphore, #tpu.memory_space<semaphore_mem>> -> memref<!tpu.dma_semaphore, #tpu.memory_space<semaphore_mem>>
      %dma_wait3A_1643 = arith.constant 0 : i32
      %dma_wait3A_1644 = arith.constant 0 : i32
      %dma_wait3A_1645 = tpu.memref_slice %arg8[%dma_wait3A_1631, %dma_wait3A_1643, %dma_wait3A_1644] : memref<16x8x64xf32, #tpu.memory_space<vmem>> -> memref<1x8x64xf32, #tpu.memory_space<vmem>>
      %dma_wait3A_1646 = tpu.memref_squeeze %dma_wait3A_1645 : memref<1x8x64xf32, #tpu.memory_space<vmem>> -> memref<8x64xf32, #tpu.memory_space<vmem>>
      %dma_wait3A_1647 = arith.constant 0 : i32
      %dma_wait3A_1648 = arith.constant 0 : i32
      %dma_wait3A_1649 = tpu.memref_slice %arg2[%dma_wait3A_1630, %dma_wait3A_1647, %dma_wait3A_1648] : memref<125000x8x64xf32, #tpu.memory_space<hbm>> -> memref<1x8x64xf32, #tpu.memory_space<hbm>>
      %dma_wait3A_1650 = tpu.memref_squeeze %dma_wait3A_1649 : memref<1x8x64xf32, #tpu.memory_space<hbm>> -> memref<8x64xf32, #tpu.memory_space<hbm>>
      tpu.wait_dma2 semaphore(%dma_wait3A_1642 : memref<!tpu.dma_semaphore, #tpu.memory_space<semaphore_mem>>) src(%dma_wait3A_1650 : memref<8x64xf32, #tpu.memory_space<hbm>>) dst(%dma_wait3A_1646 : memref<8x64xf32, #tpu.memory_space<vmem>>)
      %and3A_1651 = arith.constant 7 : i32
      %and3A_1652 = arith.andi %squeeze3A_1629, %and3A_1651 : i32
      %get3A_1653 = arith.constant 0 : i32
      %get3A_1654 = arith.index_cast %get3A_1653 : i32 to index
      %get3A_1655 = arith.index_cast %and3A_1652 : i32 to index
      %get3A_1656 = arith.constant 0 : index
      %get3A_1657 = tpu.vector_load %arg8[%get3A_1654, %get3A_1655, %get3A_1656] {strides = array<i32>} : memref<16x8x64xf32, #tpu.memory_space<vmem>>, vector<1x1x16xf32>,
      %get3A_1658 = vector.shape_cast %get3A_1657 : vector<1x1x16xf32> to vector<16xf32>
      %swap3A_1659 = arith.index_cast %rem3A_1625 : i32 to index
      %swap3A_1660 = arith.constant 0 : index
      %swap3A_1661 = tpu.vector_load %arg9[%swap3A_1659, %swap3A_1660] {strides = array<i32>} : memref<2x1024xf32, #tpu.memory_space<vmem>>, vector<1x16xf32>,
      %swap3A_1662 = vector.shape_cast %swap3A_1661 : vector<1x16xf32> to vector<16xf32>
      %swap3A_1663 = vector.shape_cast %get3A_1658 : vector<16xf32> to vector<1x16xf32>
      tpu.vector_store %arg9[%swap3A_1659, %swap3A_1660], %swap3A_1663 {strides = array<i32>} : memref<2x1024xf32, #tpu.memory_space<vmem>>, vector<1x16xf32>,
      %get3A_1664 = arith.constant 0 : i32
      %get3A_1665 = arith.index_cast %get3A_1664 : i32 to index
      %get3A_1666 = arith.index_cast %and3A_1652 : i32 to index
      %get3A_1667 = arith.constant 16 : index
      %get3A_1668 = tpu.vector_load %arg8[%get3A_1665, %get3A_1666, %get3A_1667] {strides = array<i32>} : memref<16x8x64xf32, #tpu.memory_space<vmem>>, vector<1x1x16xf32>,
      %get3A_1669 = vector.shape_cast %get3A_1668 : vector<1x1x16xf32> to vector<16xf32>
      %swap3A_1670 = arith.index_cast %rem3A_1625 : i32 to index
      %swap3A_1671 = arith.constant 16 : index
      %swap3A_1672 = tpu.vector_load %arg9[%swap3A_1670, %swap3A_1671] {strides = array<i32>} : memref<2x1024xf32, #tpu.memory_space<vmem>>, vector<1x16xf32>,
      %swap3A_1673 = vector.shape_cast %swap3A_1672 : vector<1x16xf32> to vector<16xf32>
      %swap3A_1674 = vector.shape_cast %get3A_1669 : vector<16xf32> to vector<1x16xf32>
      tpu.vector_store %arg9[%swap3A_1670, %swap3A_1671], %swap3A_1674 {strides = array<i32>} : memref<2x1024xf32, #tpu.memory_space<vmem>>, vector<1x16xf32>,
      %get3A_1675 = arith.constant 0 : i32
      %get3A_1676 = arith.index_cast %get3A_1675 : i32 to index
      %get3A_1677 = arith.index_cast %and3A_1652 : i32 to index
      %get3A_1678 = arith.constant 32 : index
      %get3A_1679 = tpu.vector_load %arg8[%get3A_1676, %get3A_1677, %get3A_1678] {strides = array<i32>} : memref<16x8x64xf32, #tpu.memory_space<vmem>>, vector<1x1x16xf32>,
      %get3A_1680 = vector.shape_cast %get3A_1679 : vector<1x1x16xf32> to vector<16xf32>
      %swap3A_1681 = arith.index_cast %rem3A_1625 : i32 to index
      %swap3A_1682 = arith.constant 32 : index
      %swap3A_1683 = tpu.vector_load %arg9[%swap3A_1681, %swap3A_1682] {strides = array<i32>} : memref<2x1024xf32, #tpu.memory_space<vmem>>, vector<1x16xf32>,
      %swap3A_1684 = vector.shape_cast %swap3A_1683 : vector<1x16xf32> to vector<16xf32>
      %swap3A_1685 = vector.shape_cast %get3A_1680 : vector<16xf32> to vector<1x16xf32>
      tpu.vector_store %arg9[%swap3A_1681, %swap3A_1682], %swap3A_1685 {strides = array<i32>} : memref<2x1024xf32, #tpu.memory_space<vmem>>, vector<1x16xf32>,
      %get3A_1686 = arith.constant 0 : i32
      %get3A_1687 = arith.index_cast %get3A_1686 : i32 to index
      %get3A_1688 = arith.index_cast %and3A_1652 : i32 to index
      %get3A_1689 = arith.constant 48 : index
      %get3A_1690 = tpu.vector_load %arg8[%get3A_1687, %get3A_1688, %get3A_1689] {strides = array<i32>} : memref<16x8x64xf32, #tpu.memory_space<vmem>>, vector<1x1x16xf32>,
      %get3A_1691 = vector.shape_cast %get3A_1690 : vector<1x1x16xf32> to vector<16xf32>
      %swap3A_1692 = arith.index_cast %rem3A_1625 : i32 to index
      %swap3A_1693 = arith.constant 48 : index
      %swap3A_1694 = tpu.vector_load %arg9[%swap3A_1692, %swap3A_1693] {strides = array<i32>} : memref<2x1024xf32, #tpu.memory_space<vmem>>, vector<1x16xf32>,
      %swap3A_1695 = vector.shape_cast %swap3A_1694 : vector<1x16xf32> to vector<16xf32>
      %swap3A_1696 = vector.shape_cast %get3A_1691 : vector<16xf32> to vector<1x16xf32>
      tpu.vector_store %arg9[%swap3A_1692, %swap3A_1693], %swap3A_1696 {strides = array<i32>} : memref<2x1024xf32, #tpu.memory_space<vmem>>, vector<1x16xf32>,
      %slice3A_1697 = vector.extract_strided_slice %get3A_1623 {offsets = [0], sizes = [1], strides = [1]} : vector<16xi32> to vector<1xi32>
      %squeeze3A_1698 = vector.extract %slice3A_1697[0] : i32 from vector<1xi32>
      %shift_right_arithmetic3A_1699 = arith.constant 3 : i32
      %shift_right_arithmetic3A_1700 = arith.shrsi %squeeze3A_1698, %shift_right_arithmetic3A_1699 : i32
      %dma_start3A_1701 = arith.constant 0 : i32
      %dma_start3A_1702 = arith.constant 0 : i32
      %dma_start3A_1703 = arith.constant 0 : i32
      %dma_start3A_1704 = arith.constant 0 : i32
      %dma_start3A_1705 = tpu.memref_slice %arg8[%dma_start3A_1701, %dma_start3A_1703, %dma_start3A_1704] : memref<16x8x64xf32, #tpu.memory_space<vmem>> -> memref<1x8x64xf32, #tpu.memory_space<vmem>>
      %dma_start3A_1706 = tpu.memref_squeeze %dma_start3A_1705 : memref<1x8x64xf32, #tpu.memory_space<vmem>> -> memref<8x64xf32, #tpu.memory_space<vmem>>
      %dma_start3A_1707 = arith.constant 0 : i32
      %dma_start3A_1708 = arith.constant 0 : i32
      %dma_start3A_1709 = tpu.memref_slice %arg2[%shift_right_arithmetic3A_1700, %dma_start3A_1707, %dma_start3A_1708] : memref<125000x8x64xf32, #tpu.memory_space<hbm>> -> memref<1x8x64xf32, #tpu.memory_space<hbm>>
      %dma_start3A_1710 = tpu.memref_squeeze %dma_start3A_1709 : memref<1x8x64xf32, #tpu.memory_space<hbm>> -> memref<8x64xf32, #tpu.memory_space<hbm>>
      %dma_start3A_1711 = tpu.memref_slice %arg11[%dma_start3A_1702] : memref<16x!tpu.dma_semaphore, #tpu.memory_space<semaphore_mem>> -> memref<1x!tpu.dma_semaphore, #tpu.memory_space<semaphore_mem>>
      %dma_start3A_1712 = tpu.memref_squeeze %dma_start3A_1711 : memref<1x!tpu.dma_semaphore, #tpu.memory_space<semaphore_mem>> -> memref<!tpu.dma_semaphore, #tpu.memory_space<semaphore_mem>>
      %dma_start3A_1713 = arith.constant 0 : i32
      %dma_start3A_1714 = arith.constant 0 : i32
      %dma_start3A_1715 = tpu.memref_slice %arg8[%dma_start3A_1701, %dma_start3A_1713, %dma_start3A_1714] : memref<16x8x64xf32, #tpu.memory_space<vmem>> -> memref<1x8x64xf32, #tpu.memory_space<vmem>>
      %dma_start3A_1716 = tpu.memref_squeeze %dma_start3A_1715 : memref<1x8x64xf32, #tpu.memory_space<vmem>> -> memref<8x64xf32, #tpu.memory_space<vmem>>
      %dma_start3A_1717 = arith.constant 0 : i32
      %dma_start3A_1718 = arith.constant 0 : i32
      %dma_start3A_1719 = tpu.memref_slice %arg2[%shift_right_arithmetic3A_1700, %dma_start3A_1717, %dma_start3A_1718] : memref<125000x8x64xf32, #tpu.memory_space<hbm>> -> memref<1x8x64xf32, #tpu.memory_space<hbm>>
      %dma_start3A_1720 = tpu.memref_squeeze %dma_start3A_1719 : memref<1x8x64xf32, #tpu.memory_space<hbm>> -> memref<8x64xf32, #tpu.memory_space<hbm>>
      tpu.enqueue_dma source(%dma_start3A_1720 : memref<8x64xf32, #tpu.memory_space<hbm>>) target(%dma_start3A_1716 : memref<8x64xf32, #tpu.memory_space<vmem>>) target_semaphore(%dma_start3A_1712 : memref<!tpu.dma_semaphore, #tpu.memory_space<semaphore_mem>>)
      %slice3A_1721 = vector.extract_strided_slice %scan3A_1618 {offsets = [1], sizes = [1], strides = [1]} : vector<16xi32> to vector<1xi32>
      %squeeze3A_1722 = vector.extract %slice3A_1721[0] : i32 from vector<1xi32>
      %dma_wait3A_1723 = arith.constant 0 : i32
      %dma_wait3A_1724 = arith.constant 1 : i32
      %dma_wait3A_1725 = arith.constant 1 : i32
      %dma_wait3A_1726 = arith.constant 0 : i32
      %dma_wait3A_1727 = arith.constant 0 : i32
      %dma_wait3A_1728 = tpu.memref_slice %arg8[%dma_wait3A_1724, %dma_wait3A_1726, %dma_wait3A_1727] : memref<16x8x64xf32, #tpu.memory_space<vmem>> -> memref<1x8x64xf32, #tpu.memory_space<vmem>>
      %dma_wait3A_1729 = tpu.memref_squeeze %dma_wait3A_1728 : memref<1x8x64xf32, #tpu.memory_space<vmem>> -> memref<8x64xf32, #tpu.memory_space<vmem>>
      %dma_wait3A_1730 = arith.constant 0 : i32
      %dma_wait3A_1731 = arith.constant 0 : i32
      %dma_wait3A_1732 = tpu.memref_slice %arg2[%dma_wait3A_1723, %dma_wait3A_1730, %dma_wait3A_1731] : memref<125000x8x64xf32, #tpu.memory_space<hbm>> -> memref<1x8x64xf32, #tpu.memory_space<hbm>>
      %dma_wait3A_1733 = tpu.memref_squeeze %dma_wait3A_1732 : memref<1x8x64xf32, #tpu.memory_space<hbm>> -> memref<8x64xf32, #tpu.memory_space<hbm>>
      %dma_wait3A_1734 = tpu.memref_slice %arg11[%dma_wait3A_1725] : memref<16x!tpu.dma_semaphore, #tpu.memory_space<semaphore_mem>> -> memref<1x!tpu.dma_semaphore, #tpu.memory_space<semaphore_mem>>
      %dma_wait3A_1735 = tpu.memref_squeeze %dma_wait3A_1734 : memref<1x!tpu.dma_semaphore, #tpu.memory_space<semaphore_mem>> -> memref<!tpu.dma_semaphore, #tpu.memory_space<semaphore_mem>>
      %dma_wait3A_1736 = arith.constant 0 : i32
      %dma_wait3A_1737 = arith.constant 0 : i32
      %dma_wait3A_1738 = tpu.memref_slice %arg8[%dma_wait3A_1724, %dma_wait3A_1736, %dma_wait3A_1737] : memref<16x8x64xf32, #tpu.memory_space<vmem>> -> memref<1x8x64xf32, #tpu.memory_space<vmem>>
      %dma_wait3A_1739 = tpu.memref_squeeze %dma_wait3A_1738 : memref<1x8x64xf32, #tpu.memory_space<vmem>> -> memref<8x64xf32, #tpu.memory_space<vmem>>
      %dma_wait3A_1740 = arith.constant 0 : i32
      %dma_wait3A_1741 = arith.constant 0 : i32
      %dma_wait3A_1742 = tpu.memref_slice %arg2[%dma_wait3A_1723, %dma_wait3A_1740, %dma_wait3A_1741] : memref<125000x8x64xf32, #tpu.memory_space<hbm>> -> memref<1x8x64xf32, #tpu.memory_space<hbm>>
      %dma_wait3A_1743 = tpu.memref_squeeze %dma_wait3A_1742 : memref<1x8x64xf32, #tpu.memory_space<hbm>> -> memref<8x64xf32, #tpu.memory_space<hbm>>
      tpu.wait_dma2 semaphore(%dma_wait3A_1735 : memref<!tpu.dma_semaphore, #tpu.memory_space<semaphore_mem>>) src(%dma_wait3A_1743 : memref<8x64xf32, #tpu.memory_space<hbm>>) dst(%dma_wait3A_1739 : memref<8x64xf32, #tpu.memory_space<vmem>>)
      %and3A_1744 = arith.constant 7 : i32
      %and3A_1745 = arith.andi %squeeze3A_1722, %and3A_1744 : i32
      %get3A_1746 = arith.constant 1 : i32
      %get3A_1747 = arith.index_cast %get3A_1746 : i32 to index
      %get3A_1748 = arith.index_cast %and3A_1745 : i32 to index
      %get3A_1749 = arith.constant 0 : index
      %get3A_1750 = tpu.vector_load %arg8[%get3A_1747, %get3A_1748, %get3A_1749] {strides = array<i32>} : memref<16x8x64xf32, #tpu.memory_space<vmem>>, vector<1x1x16xf32>,
      %get3A_1751 = vector.shape_cast %get3A_1750 : vector<1x1x16xf32> to vector<16xf32>
      %swap3A_1752 = arith.index_cast %rem3A_1625 : i32 to index
      %swap3A_1753 = arith.constant 64 : index
      %swap3A_1754 = tpu.vector_load %arg9[%swap3A_1752, %swap3A_1753] {strides = array<i32>} : memref<2x1024xf32, #tpu.memory_space<vmem>>, vector<1x16xf32>,
      %swap3A_1755 = vector.shape_cast %swap3A_1754 : vector<1x16xf32> to vector<16xf32>
      %swap3A_1756 = vector.shape_cast %get3A_1751 : vector<16xf32> to vector<1x16xf32>
      tpu.vector_store %arg9[%swap3A_1752, %swap3A_1753], %swap3A_1756 {strides = array<i32>} : memref<2x1024xf32, #tpu.memory_space<vmem>>, vector<1x16xf32>,
      %get3A_1757 = arith.constant 1 : i32
      %get3A_1758 = arith.index_cast %get3A_1757 : i32 to index
      %get3A_1759 = arith.index_cast %and3A_1745 : i32 to index
      %get3A_1760 = arith.constant 16 : index
      %get3A_1761 = tpu.vector_load %arg8[%get3A_1758, %get3A_1759, %get3A_1760] {strides = array<i32>} : memref<16x8x64xf32, #tpu.memory_space<vmem>>, vector<1x1x16xf32>,
      %get3A_1762 = vector.shape_cast %get3A_1761 : vector<1x1x16xf32> to vector<16xf32>
      %swap3A_1763 = arith.index_cast %rem3A_1625 : i32 to index
      %swap3A_1764 = arith.constant 80 : index
      %swap3A_1765 = tpu.vector_load %arg9[%swap3A_1763, %swap3A_1764] {strides = array<i32>} : memref<2x1024xf32, #tpu.memory_space<vmem>>, vector<1x16xf32>,
      %swap3A_1766 = vector.shape_cast %swap3A_1765 : vector<1x16xf32> to vector<16xf32>
      %swap3A_1767 = vector.shape_cast %get3A_1762 : vector<16xf32> to vector<1x16xf32>
      tpu.vector_store %arg9[%swap3A_1763, %swap3A_1764], %swap3A_1767 {strides = array<i32>} : memref<2x1024xf32, #tpu.memory_space<vmem>>, vector<1x16xf32>,
      %get3A_1768 = arith.constant 1 : i32
      %get3A_1769 = arith.index_cast %get3A_1768 : i32 to index
      %get3A_1770 = arith.index_cast %and3A_1745 : i32 to index
      %get3A_1771 = arith.constant 32 : index
      %get3A_1772 = tpu.vector_load %arg8[%get3A_1769, %get3A_1770, %get3A_1771] {strides = array<i32>} : memref<16x8x64xf32, #tpu.memory_space<vmem>>, vector<1x1x16xf32>,
      %get3A_1773 = vector.shape_cast %get3A_1772 : vector<1x1x16xf32> to vector<16xf32>
      %swap3A_1774 = arith.index_cast %rem3A_1625 : i32 to index
      %swap3A_1775 = arith.constant 96 : index
      %swap3A_1776 = tpu.vector_load %arg9[%swap3A_1774, %swap3A_1775] {strides = array<i32>} : memref<2x1024xf32, #tpu.memory_space<vmem>>, vector<1x16xf32>,
      %swap3A_1777 = vector.shape_cast %swap3A_1776 : vector<1x16xf32> to vector<16xf32>
      %swap3A_1778 = vector.shape_cast %get3A_1773 : vector<16xf32> to vector<1x16xf32>
      tpu.vector_store %arg9[%swap3A_1774, %swap3A_1775], %swap3A_1778 {strides = array<i32>} : memref<2x1024xf32, #tpu.memory_space<vmem>>, vector<1x16xf32>,
      %get3A_1779 = arith.constant 1 : i32
      %get3A_1780 = arith.index_cast %get3A_1779 : i32 to index
      %get3A_1781 = arith.index_cast %and3A_1745 : i32 to index
      %get3A_1782 = arith.constant 48 : index
      %get3A_1783 = tpu.vector_load %arg8[%get3A_1780, %get3A_1781, %get3A_1782] {strides = array<i32>} : memref<16x8x64xf32, #tpu.memory_space<vmem>>, vector<1x1x16xf32>,
      %get3A_1784 = vector.shape_cast %get3A_1783 : vector<1x1x16xf32> to vector<16xf32>
      %swap3A_1785 = arith.index_cast %rem3A_1625 : i32 to index
      %swap3A_1786 = arith.constant 112 : index
      %swap3A_1787 = tpu.vector_load %arg9[%swap3A_1785, %swap3A_1786] {strides = array<i32>} : memref<2x1024xf32, #tpu.memory_space<vmem>>, vector<1x16xf32>,
      %swap3A_1788 = vector.shape_cast %swap3A_1787 : vector<1x16xf32> to vector<16xf32>
      %swap3A_1789 = vector.shape_cast %get3A_1784 : vector<16xf32> to vector<1x16xf32>
      tpu.vector_store %arg9[%swap3A_1785, %swap3A_1786], %swap3A_1789 {strides = array<i32>} : memref<2x1024xf32, #tpu.memory_space<vmem>>, vector<1x16xf32>,
      %slice3A_1790 = vector.extract_strided_slice %get3A_1623 {offsets = [1], sizes = [1], strides = [1]} : vector<16xi32> to vector<1xi32>
      %squeeze3A_1791 = vector.extract %slice3A_1790[0] : i32 from vector<1xi32>
      %shift_right_arithmetic3A_1792 = arith.constant 3 : i32
      %shift_right_arithmetic3A_1793 = arith.shrsi %squeeze3A_1791, %shift_right_arithmetic3A_1792 : i32
      %dma_start3A_1794 = arith.constant 1 : i32
      %dma_start3A_1795 = arith.constant 1 : i32
      %dma_start3A_1796 = arith.constant 0 : i32
      %dma_start3A_1797 = arith.constant 0 : i32
      %dma_start3A_1798 = tpu.memref_slice %arg8[%dma_start3A_1794, %dma_start3A_1796, %dma_start3A_1797] : memref<16x8x64xf32, #tpu.memory_space<vmem>> -> memref<1x8x64xf32, #tpu.memory_space<vmem>>
      %dma_start3A_1799 = tpu.memref_squeeze %dma_start3A_1798 : memref<1x8x64xf32, #tpu.memory_space<vmem>> -> memref<8x64xf32, #tpu.memory_space<vmem>>
      %dma_start3A_1800 = arith.constant 0 : i32
      %dma_start3A_1801 = arith.constant 0 : i32
      %dma_start3A_1802 = tpu.memref_slice %arg2[%shift_right_arithmetic3A_1793, %dma_start3A_1800, %dma_start3A_1801] : memref<125000x8x64xf32, #tpu.memory_space<hbm>> -> memref<1x8x64xf32, #tpu.memory_space<hbm>>
      %dma_start3A_1803 = tpu.memref_squeeze %dma_start3A_1802 : memref<1x8x64xf32, #tpu.memory_space<hbm>> -> memref<8x64xf32, #tpu.memory_space<hbm>>
      %dma_start3A_1804 = tpu.memref_slice %arg11[%dma_start3A_1795] : memref<16x!tpu.dma_semaphore, #tpu.memory_space<semaphore_mem>> -> memref<1x!tpu.dma_semaphore, #tpu.memory_space<semaphore_mem>>
      %dma_start3A_1805 = tpu.memref_squeeze %dma_start3A_1804 : memref<1x!tpu.dma_semaphore, #tpu.memory_space<semaphore_mem>> -> memref<!tpu.dma_semaphore, #tpu.memory_space<semaphore_mem>>
      %dma_start3A_1806 = arith.constant 0 : i32
      %dma_start3A_1807 = arith.constant 0 : i32
      %dma_start3A_1808 = tpu.memref_slice %arg8[%dma_start3A_1794, %dma_start3A_1806, %dma_start3A_1807] : memref<16x8x64xf32, #tpu.memory_space<vmem>> -> memref<1x8x64xf32, #tpu.memory_space<vmem>>
      %dma_start3A_1809 = tpu.memref_squeeze %dma_start3A_1808 : memref<1x8x64xf32, #tpu.memory_space<vmem>> -> memref<8x64xf32, #tpu.memory_space<vmem>>
      %dma_start3A_1810 = arith.constant 0 : i32
      %dma_start3A_1811 = arith.constant 0 : i32
      %dma_start3A_1812 = tpu.memref_slice %arg2[%shift_right_arithmetic3A_1793, %dma_start3A_1810, %dma_start3A_1811] : memref<125000x8x64xf32, #tpu.memory_space<hbm>> -> memref<1x8x64xf32, #tpu.memory_space<hbm>>
      %dma_start3A_1813 = tpu.memref_squeeze %dma_start3A_1812 : memref<1x8x64xf32, #tpu.memory_space<hbm>> -> memref<8x64xf32, #tpu.memory_space<hbm>>
      tpu.enqueue_dma source(%dma_start3A_1813 : memref<8x64xf32, #tpu.memory_space<hbm>>) target(%dma_start3A_1809 : memref<8x64xf32, #tpu.memory_space<vmem>>) target_semaphore(%dma_start3A_1805 : memref<!tpu.dma_semaphore, #tpu.memory_space<semaphore_mem>>)
      %slice3A_1814 = vector.extract_strided_slice %scan3A_1618 {offsets = [2], sizes = [1], strides = [1]} : vector<16xi32> to vector<1xi32>
      %squeeze3A_1815 = vector.extract %slice3A_1814[0] : i32 from vector<1xi32>
      %dma_wait3A_1816 = arith.constant 0 : i32
      %dma_wait3A_1817 = arith.constant 2 : i32
      %dma_wait3A_1818 = arith.constant 2 : i32
      %dma_wait3A_1819 = arith.constant 0 : i32
      %dma_wait3A_1820 = arith.constant 0 : i32
      %dma_wait3A_1821 = tpu.memref_slice %arg8[%dma_wait3A_1817, %dma_wait3A_1819, %dma_wait3A_1820] : memref<16x8x64xf32, #tpu.memory_space<vmem>> -> memref<1x8x64xf32, #tpu.memory_space<vmem>>
      %dma_wait3A_1822 = tpu.memref_squeeze %dma_wait3A_1821 : memref<1x8x64xf32, #tpu.memory_space<vmem>> -> memref<8x64xf32, #tpu.memory_space<vmem>>
      %dma_wait3A_1823 = arith.constant 0 : i32
      %dma_wait3A_1824 = arith.constant 0 : i32
      %dma_wait3A_1825 = tpu.memref_slice %arg2[%dma_wait3A_1816, %dma_wait3A_1823, %dma_wait3A_1824] : memref<125000x8x64xf32, #tpu.memory_space<hbm>> -> memref<1x8x64xf32, #tpu.memory_space<hbm>>
      %dma_wait3A_1826 = tpu.memref_squeeze %dma_wait3A_1825 : memref<1x8x64xf32, #tpu.memory_space<hbm>> -> memref<8x64xf32, #tpu.memory_space<hbm>>
      %dma_wait3A_1827 = tpu.memref_slice %arg11[%dma_wait3A_1818] : memref<16x!tpu.dma_semaphore, #tpu.memory_space<semaphore_mem>> -> memref<1x!tpu.dma_semaphore, #tpu.memory_space<semaphore_mem>>
      %dma_wait3A_1828 = tpu.memref_squeeze %dma_wait3A_1827 : memref<1x!tpu.dma_semaphore, #tpu.memory_space<semaphore_mem>> -> memref<!tpu.dma_semaphore, #tpu.memory_space<semaphore_mem>>
      %dma_wait3A_1829 = arith.constant 0 : i32
      %dma_wait3A_1830 = arith.constant 0 : i32
      %dma_wait3A_1831 = tpu.memref_slice %arg8[%dma_wait3A_1817, %dma_wait3A_1829, %dma_wait3A_1830] : memref<16x8x64xf32, #tpu.memory_space<vmem>> -> memref<1x8x64xf32, #tpu.memory_space<vmem>>
      %dma_wait3A_1832 = tpu.memref_squeeze %dma_wait3A_1831 : memref<1x8x64xf32, #tpu.memory_space<vmem>> -> memref<8x64xf32, #tpu.memory_space<vmem>>
      %dma_wait3A_1833 = arith.constant 0 : i32
      %dma_wait3A_1834 = arith.constant 0 : i32
      %dma_wait3A_1835 = tpu.memref_slice %arg2[%dma_wait3A_1816, %dma_wait3A_1833, %dma_wait3A_1834] : memref<125000x8x64xf32, #tpu.memory_space<hbm>> -> memref<1x8x64xf32, #tpu.memory_space<hbm>>
      %dma_wait3A_1836 = tpu.memref_squeeze %dma_wait3A_1835 : memref<1x8x64xf32, #tpu.memory_space<hbm>> -> memref<8x64xf32, #tpu.memory_space<hbm>>
      tpu.wait_dma2 semaphore(%dma_wait3A_1828 : memref<!tpu.dma_semaphore, #tpu.memory_space<semaphore_mem>>) src(%dma_wait3A_1836 : memref<8x64xf32, #tpu.memory_space<hbm>>) dst(%dma_wait3A_1832 : memref<8x64xf32, #tpu.memory_space<vmem>>)
      %and3A_1837 = arith.constant 7 : i32
      %and3A_1838 = arith.andi %squeeze3A_1815, %and3A_1837 : i32
      %get3A_1839 = arith.constant 2 : i32
      %get3A_1840 = arith.index_cast %get3A_1839 : i32 to index
      %get3A_1841 = arith.index_cast %and3A_1838 : i32 to index
      %get3A_1842 = arith.constant 0 : index
      %get3A_1843 = tpu.vector_load %arg8[%get3A_1840, %get3A_1841, %get3A_1842] {strides = array<i32>} : memref<16x8x64xf32, #tpu.memory_space<vmem>>, vector<1x1x16xf32>,
      %get3A_1844 = vector.shape_cast %get3A_1843 : vector<1x1x16xf32> to vector<16xf32>
      %swap3A_1845 = arith.index_cast %rem3A_1625 : i32 to index
      %swap3A_1846 = arith.constant 128 : index
      %swap3A_1847 = tpu.vector_load %arg9[%swap3A_1845, %swap3A_1846] {strides = array<i32>} : memref<2x1024xf32, #tpu.memory_space<vmem>>, vector<1x16xf32>,
      %swap3A_1848 = vector.shape_cast %swap3A_1847 : vector<1x16xf32> to vector<16xf32>
      %swap3A_1849 = vector.shape_cast %get3A_1844 : vector<16xf32> to vector<1x16xf32>
      tpu.vector_store %arg9[%swap3A_1845, %swap3A_1846], %swap3A_1849 {strides = array<i32>} : memref<2x1024xf32, #tpu.memory_space<vmem>>, vector<1x16xf32>,
      %get3A_1850 = arith.constant 2 : i32
      %get3A_1851 = arith.index_cast %get3A_1850 : i32 to index
      %get3A_1852 = arith.index_cast %and3A_1838 : i32 to index
      %get3A_1853 = arith.constant 16 : index
      %get3A_1854 = tpu.vector_load %arg8[%get3A_1851, %get3A_1852, %get3A_1853] {strides = array<i32>} : memref<16x8x64xf32, #tpu.memory_space<vmem>>, vector<1x1x16xf32>,
      %get3A_1855 = vector.shape_cast %get3A_1854 : vector<1x1x16xf32> to vector<16xf32>
      %swap3A_1856 = arith.index_cast %rem3A_1625 : i32 to index
      %swap3A_1857 = arith.constant 144 : index
      %swap3A_1858 = tpu.vector_load %arg9[%swap3A_1856, %swap3A_1857] {strides = array<i32>} : memref<2x1024xf32, #tpu.memory_space<vmem>>, vector<1x16xf32>,
      %swap3A_1859 = vector.shape_cast %swap3A_1858 : vector<1x16xf32> to vector<16xf32>
      %swap3A_1860 = vector.shape_cast %get3A_1855 : vector<16xf32> to vector<1x16xf32>
      tpu.vector_store %arg9[%swap3A_1856, %swap3A_1857], %swap3A_1860 {strides = array<i32>} : memref<2x1024xf32, #tpu.memory_space<vmem>>, vector<1x16xf32>,
      %get3A_1861 = arith.constant 2 : i32
      %get3A_1862 = arith.index_cast %get3A_1861 : i32 to index
      %get3A_1863 = arith.index_cast %and3A_1838 : i32 to index
      %get3A_1864 = arith.constant 32 : index
      %get3A_1865 = tpu.vector_load %arg8[%get3A_1862, %get3A_1863, %get3A_1864] {strides = array<i32>} : memref<16x8x64xf32, #tpu.memory_space<vmem>>, vector<1x1x16xf32>,
      %get3A_1866 = vector.shape_cast %get3A_1865 : vector<1x1x16xf32> to vector<16xf32>
      %swap3A_1867 = arith.index_cast %rem3A_1625 : i32 to index
      %swap3A_1868 = arith.constant 160 : index
      %swap3A_1869 = tpu.vector_load %arg9[%swap3A_1867, %swap3A_1868] {strides = array<i32>} : memref<2x1024xf32, #tpu.memory_space<vmem>>, vector<1x16xf32>,
      %swap3A_1870 = vector.shape_cast %swap3A_1869 : vector<1x16xf32> to vector<16xf32>
      %swap3A_1871 = vector.shape_cast %get3A_1866 : vector<16xf32> to vector<1x16xf32>
      tpu.vector_store %arg9[%swap3A_1867, %swap3A_1868], %swap3A_1871 {strides = array<i32>} : memref<2x1024xf32, #tpu.memory_space<vmem>>, vector<1x16xf32>,
      %get3A_1872 = arith.constant 2 : i32
      %get3A_1873 = arith.index_cast %get3A_1872 : i32 to index
      %get3A_1874 = arith.index_cast %and3A_1838 : i32 to index
      %get3A_1875 = arith.constant 48 : index
      %get3A_1876 = tpu.vector_load %arg8[%get3A_1873, %get3A_1874, %get3A_1875] {strides = array<i32>} : memref<16x8x64xf32, #tpu.memory_space<vmem>>, vector<1x1x16xf32>,
      %get3A_1877 = vector.shape_cast %get3A_1876 : vector<1x1x16xf32> to vector<16xf32>
      %swap3A_1878 = arith.index_cast %rem3A_1625 : i32 to index
      %swap3A_1879 = arith.constant 176 : index
      %swap3A_1880 = tpu.vector_load %arg9[%swap3A_1878, %swap3A_1879] {strides = array<i32>} : memref<2x1024xf32, #tpu.memory_space<vmem>>, vector<1x16xf32>,
      %swap3A_1881 = vector.shape_cast %swap3A_1880 : vector<1x16xf32> to vector<16xf32>
      %swap3A_1882 = vector.shape_cast %get3A_1877 : vector<16xf32> to vector<1x16xf32>
      tpu.vector_store %arg9[%swap3A_1878, %swap3A_1879], %swap3A_1882 {strides = array<i32>} : memref<2x1024xf32, #tpu.memory_space<vmem>>, vector<1x16xf32>,
      %slice3A_1883 = vector.extract_strided_slice %get3A_1623 {offsets = [2], sizes = [1], strides = [1]} : vector<16xi32> to vector<1xi32>
      %squeeze3A_1884 = vector.extract %slice3A_1883[0] : i32 from vector<1xi32>
      %shift_right_arithmetic3A_1885 = arith.constant 3 : i32
      %shift_right_arithmetic3A_1886 = arith.shrsi %squeeze3A_1884, %shift_right_arithmetic3A_1885 : i32
      %dma_start3A_1887 = arith.constant 2 : i32
      %dma_start3A_1888 = arith.constant 2 : i32
      %dma_start3A_1889 = arith.constant 0 : i32
      %dma_start3A_1890 = arith.constant 0 : i32
      %dma_start3A_1891 = tpu.memref_slice %arg8[%dma_start3A_1887, %dma_start3A_1889, %dma_start3A_1890] : memref<16x8x64xf32, #tpu.memory_space<vmem>> -> memref<1x8x64xf32, #tpu.memory_space<vmem>>
      %dma_start3A_1892 = tpu.memref_squeeze %dma_start3A_1891 : memref<1x8x64xf32, #tpu.memory_space<vmem>> -> memref<8x64xf32, #tpu.memory_space<vmem>>
      %dma_start3A_1893 = arith.constant 0 : i32
      %dma_start3A_1894 = arith.constant 0 : i32
      %dma_start3A_1895 = tpu.memref_slice %arg2[%shift_right_arithmetic3A_1886, %dma_start3A_1893, %dma_start3A_1894] : memref<125000x8x64xf32, #tpu.memory_space<hbm>> -> memref<1x8x64xf32, #tpu.memory_space<hbm>>
      %dma_start3A_1896 = tpu.memref_squeeze %dma_start3A_1895 : memref<1x8x64xf32, #tpu.memory_space<hbm>> -> memref<8x64xf32, #tpu.memory_space<hbm>>
      %dma_start3A_1897 = tpu.memref_slice %arg11[%dma_start3A_1888] : memref<16x!tpu.dma_semaphore, #tpu.memory_space<semaphore_mem>> -> memref<1x!tpu.dma_semaphore, #tpu.memory_space<semaphore_mem>>
      %dma_start3A_1898 = tpu.memref_squeeze %dma_start3A_1897 : memref<1x!tpu.dma_semaphore, #tpu.memory_space<semaphore_mem>> -> memref<!tpu.dma_semaphore, #tpu.memory_space<semaphore_mem>>
      %dma_start3A_1899 = arith.constant 0 : i32
      %dma_start3A_1900 = arith.constant 0 : i32
      %dma_start3A_1901 = tpu.memref_slice %arg8[%dma_start3A_1887, %dma_start3A_1899, %dma_start3A_1900] : memref<16x8x64xf32, #tpu.memory_space<vmem>> -> memref<1x8x64xf32, #tpu.memory_space<vmem>>
      %dma_start3A_1902 = tpu.memref_squeeze %dma_start3A_1901 : memref<1x8x64xf32, #tpu.memory_space<vmem>> -> memref<8x64xf32, #tpu.memory_space<vmem>>
      %dma_start3A_1903 = arith.constant 0 : i32
      %dma_start3A_1904 = arith.constant 0 : i32
      %dma_start3A_1905 = tpu.memref_slice %arg2[%shift_right_arithmetic3A_1886, %dma_start3A_1903, %dma_start3A_1904] : memref<125000x8x64xf32, #tpu.memory_space<hbm>> -> memref<1x8x64xf32, #tpu.memory_space<hbm>>
      %dma_start3A_1906 = tpu.memref_squeeze %dma_start3A_1905 : memref<1x8x64xf32, #tpu.memory_space<hbm>> -> memref<8x64xf32, #tpu.memory_space<hbm>>
      tpu.enqueue_dma source(%dma_start3A_1906 : memref<8x64xf32, #tpu.memory_space<hbm>>) target(%dma_start3A_1902 : memref<8x64xf32, #tpu.memory_space<vmem>>) target_semaphore(%dma_start3A_1898 : memref<!tpu.dma_semaphore, #tpu.memory_space<semaphore_mem>>)
      %slice3A_1907 = vector.extract_strided_slice %scan3A_1618 {offsets = [3], sizes = [1], strides = [1]} : vector<16xi32> to vector<1xi32>
      %squeeze3A_1908 = vector.extract %slice3A_1907[0] : i32 from vector<1xi32>
      %dma_wait3A_1909 = arith.constant 0 : i32
      %dma_wait3A_1910 = arith.constant 3 : i32
      %dma_wait3A_1911 = arith.constant 3 : i32
      %dma_wait3A_1912 = arith.constant 0 : i32
      %dma_wait3A_1913 = arith.constant 0 : i32
      %dma_wait3A_1914 = tpu.memref_slice %arg8[%dma_wait3A_1910, %dma_wait3A_1912, %dma_wait3A_1913] : memref<16x8x64xf32, #tpu.memory_space<vmem>> -> memref<1x8x64xf32, #tpu.memory_space<vmem>>
      %dma_wait3A_1915 = tpu.memref_squeeze %dma_wait3A_1914 : memref<1x8x64xf32, #tpu.memory_space<vmem>> -> memref<8x64xf32, #tpu.memory_space<vmem>>
      %dma_wait3A_1916 = arith.constant 0 : i32
      %dma_wait3A_1917 = arith.constant 0 : i32
      %dma_wait3A_1918 = tpu.memref_slice %arg2[%dma_wait3A_1909, %dma_wait3A_1916, %dma_wait3A_1917] : memref<125000x8x64xf32, #tpu.memory_space<hbm>> -> memref<1x8x64xf32, #tpu.memory_space<hbm>>
      %dma_wait3A_1919 = tpu.memref_squeeze %dma_wait3A_1918 : memref<1x8x64xf32, #tpu.memory_space<hbm>> -> memref<8x64xf32, #tpu.memory_space<hbm>>
      %dma_wait3A_1920 = tpu.memref_slice %arg11[%dma_wait3A_1911] : memref<16x!tpu.dma_semaphore, #tpu.memory_space<semaphore_mem>> -> memref<1x!tpu.dma_semaphore, #tpu.memory_space<semaphore_mem>>
      %dma_wait3A_1921 = tpu.memref_squeeze %dma_wait3A_1920 : memref<1x!tpu.dma_semaphore, #tpu.memory_space<semaphore_mem>> -> memref<!tpu.dma_semaphore, #tpu.memory_space<semaphore_mem>>
      %dma_wait3A_1922 = arith.constant 0 : i32
      %dma_wait3A_1923 = arith.constant 0 : i32
      %dma_wait3A_1924 = tpu.memref_slice %arg8[%dma_wait3A_1910, %dma_wait3A_1922, %dma_wait3A_1923] : memref<16x8x64xf32, #tpu.memory_space<vmem>> -> memref<1x8x64xf32, #tpu.memory_space<vmem>>
      %dma_wait3A_1925 = tpu.memref_squeeze %dma_wait3A_1924 : memref<1x8x64xf32, #tpu.memory_space<vmem>> -> memref<8x64xf32, #tpu.memory_space<vmem>>
      %dma_wait3A_1926 = arith.constant 0 : i32
      %dma_wait3A_1927 = arith.constant 0 : i32
      %dma_wait3A_1928 = tpu.memref_slice %arg2[%dma_wait3A_1909, %dma_wait3A_1926, %dma_wait3A_1927] : memref<125000x8x64xf32, #tpu.memory_space<hbm>> -> memref<1x8x64xf32, #tpu.memory_space<hbm>>
      %dma_wait3A_1929 = tpu.memref_squeeze %dma_wait3A_1928 : memref<1x8x64xf32, #tpu.memory_space<hbm>> -> memref<8x64xf32, #tpu.memory_space<hbm>>
      tpu.wait_dma2 semaphore(%dma_wait3A_1921 : memref<!tpu.dma_semaphore, #tpu.memory_space<semaphore_mem>>) src(%dma_wait3A_1929 : memref<8x64xf32, #tpu.memory_space<hbm>>) dst(%dma_wait3A_1925 : memref<8x64xf32, #tpu.memory_space<vmem>>)
      %and3A_1930 = arith.constant 7 : i32
      %and3A_1931 = arith.andi %squeeze3A_1908, %and3A_1930 : i32
      %get3A_1932 = arith.constant 3 : i32
      %get3A_1933 = arith.index_cast %get3A_1932 : i32 to index
      %get3A_1934 = arith.index_cast %and3A_1931 : i32 to index
      %get3A_1935 = arith.constant 0 : index
      %get3A_1936 = tpu.vector_load %arg8[%get3A_1933, %get3A_1934, %get3A_1935] {strides = array<i32>} : memref<16x8x64xf32, #tpu.memory_space<vmem>>, vector<1x1x16xf32>,
      %get3A_1937 = vector.shape_cast %get3A_1936 : vector<1x1x16xf32> to vector<16xf32>
      %swap3A_1938 = arith.index_cast %rem3A_1625 : i32 to index
      %swap3A_1939 = arith.constant 192 : index
      %swap3A_1940 = tpu.vector_load %arg9[%swap3A_1938, %swap3A_1939] {strides = array<i32>} : memref<2x1024xf32, #tpu.memory_space<vmem>>, vector<1x16xf32>,
      %swap3A_1941 = vector.shape_cast %swap3A_1940 : vector<1x16xf32> to vector<16xf32>
      %swap3A_1942 = vector.shape_cast %get3A_1937 : vector<16xf32> to vector<1x16xf32>
      tpu.vector_store %arg9[%swap3A_1938, %swap3A_1939], %swap3A_1942 {strides = array<i32>} : memref<2x1024xf32, #tpu.memory_space<vmem>>, vector<1x16xf32>,
      %get3A_1943 = arith.constant 3 : i32
      %get3A_1944 = arith.index_cast %get3A_1943 : i32 to index
      %get3A_1945 = arith.index_cast %and3A_1931 : i32 to index
      %get3A_1946 = arith.constant 16 : index
      %get3A_1947 = tpu.vector_load %arg8[%get3A_1944, %get3A_1945, %get3A_1946] {strides = array<i32>} : memref<16x8x64xf32, #tpu.memory_space<vmem>>, vector<1x1x16xf32>,
      %get3A_1948 = vector.shape_cast %get3A_1947 : vector<1x1x16xf32> to vector<16xf32>
      %swap3A_1949 = arith.index_cast %rem3A_1625 : i32 to index
      %swap3A_1950 = arith.constant 208 : index
      %swap3A_1951 = tpu.vector_load %arg9[%swap3A_1949, %swap3A_1950] {strides = array<i32>} : memref<2x1024xf32, #tpu.memory_space<vmem>>, vector<1x16xf32>,
      %swap3A_1952 = vector.shape_cast %swap3A_1951 : vector<1x16xf32> to vector<16xf32>
      %swap3A_1953 = vector.shape_cast %get3A_1948 : vector<16xf32> to vector<1x16xf32>
      tpu.vector_store %arg9[%swap3A_1949, %swap3A_1950], %swap3A_1953 {strides = array<i32>} : memref<2x1024xf32, #tpu.memory_space<vmem>>, vector<1x16xf32>,
      %get3A_1954 = arith.constant 3 : i32
      %get3A_1955 = arith.index_cast %get3A_1954 : i32 to index
      %get3A_1956 = arith.index_cast %and3A_1931 : i32 to index
      %get3A_1957 = arith.constant 32 : index
      %get3A_1958 = tpu.vector_load %arg8[%get3A_1955, %get3A_1956, %get3A_1957] {strides = array<i32>} : memref<16x8x64xf32, #tpu.memory_space<vmem>>, vector<1x1x16xf32>,
      %get3A_1959 = vector.shape_cast %get3A_1958 : vector<1x1x16xf32> to vector<16xf32>
      %swap3A_1960 = arith.index_cast %rem3A_1625 : i32 to index
      %swap3A_1961 = arith.constant 224 : index
      %swap3A_1962 = tpu.vector_load %arg9[%swap3A_1960, %swap3A_1961] {strides = array<i32>} : memref<2x1024xf32, #tpu.memory_space<vmem>>, vector<1x16xf32>,
      %swap3A_1963 = vector.shape_cast %swap3A_1962 : vector<1x16xf32> to vector<16xf32>
      %swap3A_1964 = vector.shape_cast %get3A_1959 : vector<16xf32> to vector<1x16xf32>
      tpu.vector_store %arg9[%swap3A_1960, %swap3A_1961], %swap3A_1964 {strides = array<i32>} : memref<2x1024xf32, #tpu.memory_space<vmem>>, vector<1x16xf32>,
      %get3A_1965 = arith.constant 3 : i32
      %get3A_1966 = arith.index_cast %get3A_1965 : i32 to index
      %get3A_1967 = arith.index_cast %and3A_1931 : i32 to index
      %get3A_1968 = arith.constant 48 : index
      %get3A_1969 = tpu.vector_load %arg8[%get3A_1966, %get3A_1967, %get3A_1968] {strides = array<i32>} : memref<16x8x64xf32, #tpu.memory_space<vmem>>, vector<1x1x16xf32>,
      %get3A_1970 = vector.shape_cast %get3A_1969 : vector<1x1x16xf32> to vector<16xf32>
      %swap3A_1971 = arith.index_cast %rem3A_1625 : i32 to index
      %swap3A_1972 = arith.constant 240 : index
      %swap3A_1973 = tpu.vector_load %arg9[%swap3A_1971, %swap3A_1972] {strides = array<i32>} : memref<2x1024xf32, #tpu.memory_space<vmem>>, vector<1x16xf32>,
      %swap3A_1974 = vector.shape_cast %swap3A_1973 : vector<1x16xf32> to vector<16xf32>
      %swap3A_1975 = vector.shape_cast %get3A_1970 : vector<16xf32> to vector<1x16xf32>
      tpu.vector_store %arg9[%swap3A_1971, %swap3A_1972], %swap3A_1975 {strides = array<i32>} : memref<2x1024xf32, #tpu.memory_space<vmem>>, vector<1x16xf32>,
      %slice3A_1976 = vector.extract_strided_slice %get3A_1623 {offsets = [3], sizes = [1], strides = [1]} : vector<16xi32> to vector<1xi32>
      %squeeze3A_1977 = vector.extract %slice3A_1976[0] : i32 from vector<1xi32>
      %shift_right_arithmetic3A_1978 = arith.constant 3 : i32
      %shift_right_arithmetic3A_1979 = arith.shrsi %squeeze3A_1977, %shift_right_arithmetic3A_1978 : i32
      %dma_start3A_1980 = arith.constant 3 : i32
      %dma_start3A_1981 = arith.constant 3 : i32
      %dma_start3A_1982 = arith.constant 0 : i32
      %dma_start3A_1983 = arith.constant 0 : i32
      %dma_start3A_1984 = tpu.memref_slice %arg8[%dma_start3A_1980, %dma_start3A_1982, %dma_start3A_1983] : memref<16x8x64xf32, #tpu.memory_space<vmem>> -> memref<1x8x64xf32, #tpu.memory_space<vmem>>
      %dma_start3A_1985 = tpu.memref_squeeze %dma_start3A_1984 : memref<1x8x64xf32, #tpu.memory_space<vmem>> -> memref<8x64xf32, #tpu.memory_space<vmem>>
      %dma_start3A_1986 = arith.constant 0 : i32
      %dma_start3A_1987 = arith.constant 0 : i32
      %dma_start3A_1988 = tpu.memref_slice %arg2[%shift_right_arithmetic3A_1979, %dma_start3A_1986, %dma_start3A_1987] : memref<125000x8x64xf32, #tpu.memory_space<hbm>> -> memref<1x8x64xf32, #tpu.memory_space<hbm>>
      %dma_start3A_1989 = tpu.memref_squeeze %dma_start3A_1988 : memref<1x8x64xf32, #tpu.memory_space<hbm>> -> memref<8x64xf32, #tpu.memory_space<hbm>>
      %dma_start3A_1990 = tpu.memref_slice %arg11[%dma_start3A_1981] : memref<16x!tpu.dma_semaphore, #tpu.memory_space<semaphore_mem>> -> memref<1x!tpu.dma_semaphore, #tpu.memory_space<semaphore_mem>>
      %dma_start3A_1991 = tpu.memref_squeeze %dma_start3A_1990 : memref<1x!tpu.dma_semaphore, #tpu.memory_space<semaphore_mem>> -> memref<!tpu.dma_semaphore, #tpu.memory_space<semaphore_mem>>
      %dma_start3A_1992 = arith.constant 0 : i32
      %dma_start3A_1993 = arith.constant 0 : i32
      %dma_start3A_1994 = tpu.memref_slice %arg8[%dma_start3A_1980, %dma_start3A_1992, %dma_start3A_1993] : memref<16x8x64xf32, #tpu.memory_space<vmem>> -> memref<1x8x64xf32, #tpu.memory_space<vmem>>
      %dma_start3A_1995 = tpu.memref_squeeze %dma_start3A_1994 : memref<1x8x64xf32, #tpu.memory_space<vmem>> -> memref<8x64xf32, #tpu.memory_space<vmem>>
      %dma_start3A_1996 = arith.constant 0 : i32
      %dma_start3A_1997 = arith.constant 0 : i32
      %dma_start3A_1998 = tpu.memref_slice %arg2[%shift_right_arithmetic3A_1979, %dma_start3A_1996, %dma_start3A_1997] : memref<125000x8x64xf32, #tpu.memory_space<hbm>> -> memref<1x8x64xf32, #tpu.memory_space<hbm>>
      %dma_start3A_1999 = tpu.memref_squeeze %dma_start3A_1998 : memref<1x8x64xf32, #tpu.memory_space<hbm>> -> memref<8x64xf32, #tpu.memory_space<hbm>>
      tpu.enqueue_dma source(%dma_start3A_1999 : memref<8x64xf32, #tpu.memory_space<hbm>>) target(%dma_start3A_1995 : memref<8x64xf32, #tpu.memory_space<vmem>>) target_semaphore(%dma_start3A_1991 : memref<!tpu.dma_semaphore, #tpu.memory_space<semaphore_mem>>)
      %slice3A_2000 = vector.extract_strided_slice %scan3A_1618 {offsets = [4], sizes = [1], strides = [1]} : vector<16xi32> to vector<1xi32>
      %squeeze3A_2001 = vector.extract %slice3A_2000[0] : i32 from vector<1xi32>
      %dma_wait3A_2002 = arith.constant 0 : i32
      %dma_wait3A_2003 = arith.constant 4 : i32
      %dma_wait3A_2004 = arith.constant 4 : i32
      %dma_wait3A_2005 = arith.constant 0 : i32
      %dma_wait3A_2006 = arith.constant 0 : i32
      %dma_wait3A_2007 = tpu.memref_slice %arg8[%dma_wait3A_2003, %dma_wait3A_2005, %dma_wait3A_2006] : memref<16x8x64xf32, #tpu.memory_space<vmem>> -> memref<1x8x64xf32, #tpu.memory_space<vmem>>
      %dma_wait3A_2008 = tpu.memref_squeeze %dma_wait3A_2007 : memref<1x8x64xf32, #tpu.memory_space<vmem>> -> memref<8x64xf32, #tpu.memory_space<vmem>>
      %dma_wait3A_2009 = arith.constant 0 : i32
      %dma_wait3A_2010 = arith.constant 0 : i32
      %dma_wait3A_2011 = tpu.memref_slice %arg2[%dma_wait3A_2002, %dma_wait3A_2009, %dma_wait3A_2010] : memref<125000x8x64xf32, #tpu.memory_space<hbm>> -> memref<1x8x64xf32, #tpu.memory_space<hbm>>
      %dma_wait3A_2012 = tpu.memref_squeeze %dma_wait3A_2011 : memref<1x8x64xf32, #tpu.memory_space<hbm>> -> memref<8x64xf32, #tpu.memory_space<hbm>>
      %dma_wait3A_2013 = tpu.memref_slice %arg11[%dma_wait3A_2004] : memref<16x!tpu.dma_semaphore, #tpu.memory_space<semaphore_mem>> -> memref<1x!tpu.dma_semaphore, #tpu.memory_space<semaphore_mem>>
      %dma_wait3A_2014 = tpu.memref_squeeze %dma_wait3A_2013 : memref<1x!tpu.dma_semaphore, #tpu.memory_space<semaphore_mem>> -> memref<!tpu.dma_semaphore, #tpu.memory_space<semaphore_mem>>
      %dma_wait3A_2015 = arith.constant 0 : i32
      %dma_wait3A_2016 = arith.constant 0 : i32
      %dma_wait3A_2017 = tpu.memref_slice %arg8[%dma_wait3A_2003, %dma_wait3A_2015, %dma_wait3A_2016] : memref<16x8x64xf32, #tpu.memory_space<vmem>> -> memref<1x8x64xf32, #tpu.memory_space<vmem>>
      %dma_wait3A_2018 = tpu.memref_squeeze %dma_wait3A_2017 : memref<1x8x64xf32, #tpu.memory_space<vmem>> -> memref<8x64xf32, #tpu.memory_space<vmem>>
      %dma_wait3A_2019 = arith.constant 0 : i32
      %dma_wait3A_2020 = arith.constant 0 : i32
      %dma_wait3A_2021 = tpu.memref_slice %arg2[%dma_wait3A_2002, %dma_wait3A_2019, %dma_wait3A_2020] : memref<125000x8x64xf32, #tpu.memory_space<hbm>> -> memref<1x8x64xf32, #tpu.memory_space<hbm>>
      %dma_wait3A_2022 = tpu.memref_squeeze %dma_wait3A_2021 : memref<1x8x64xf32, #tpu.memory_space<hbm>> -> memref<8x64xf32, #tpu.memory_space<hbm>>
      tpu.wait_dma2 semaphore(%dma_wait3A_2014 : memref<!tpu.dma_semaphore, #tpu.memory_space<semaphore_mem>>) src(%dma_wait3A_2022 : memref<8x64xf32, #tpu.memory_space<hbm>>) dst(%dma_wait3A_2018 : memref<8x64xf32, #tpu.memory_space<vmem>>)
      %and3A_2023 = arith.constant 7 : i32
      %and3A_2024 = arith.andi %squeeze3A_2001, %and3A_2023 : i32
      %get3A_2025 = arith.constant 4 : i32
      %get3A_2026 = arith.index_cast %get3A_2025 : i32 to index
      %get3A_2027 = arith.index_cast %and3A_2024 : i32 to index
      %get3A_2028 = arith.constant 0 : index
      %get3A_2029 = tpu.vector_load %arg8[%get3A_2026, %get3A_2027, %get3A_2028] {strides = array<i32>} : memref<16x8x64xf32, #tpu.memory_space<vmem>>, vector<1x1x16xf32>,
      %get3A_2030 = vector.shape_cast %get3A_2029 : vector<1x1x16xf32> to vector<16xf32>
      %swap3A_2031 = arith.index_cast %rem3A_1625 : i32 to index
      %swap3A_2032 = arith.constant 256 : index
      %swap3A_2033 = tpu.vector_load %arg9[%swap3A_2031, %swap3A_2032] {strides = array<i32>} : memref<2x1024xf32, #tpu.memory_space<vmem>>, vector<1x16xf32>,
      %swap3A_2034 = vector.shape_cast %swap3A_2033 : vector<1x16xf32> to vector<16xf32>
      %swap3A_2035 = vector.shape_cast %get3A_2030 : vector<16xf32> to vector<1x16xf32>
      tpu.vector_store %arg9[%swap3A_2031, %swap3A_2032], %swap3A_2035 {strides = array<i32>} : memref<2x1024xf32, #tpu.memory_space<vmem>>, vector<1x16xf32>,
      %get3A_2036 = arith.constant 4 : i32
      %get3A_2037 = arith.index_cast %get3A_2036 : i32 to index
      %get3A_2038 = arith.index_cast %and3A_2024 : i32 to index
      %get3A_2039 = arith.constant 16 : index
      %get3A_2040 = tpu.vector_load %arg8[%get3A_2037, %get3A_2038, %get3A_2039] {strides = array<i32>} : memref<16x8x64xf32, #tpu.memory_space<vmem>>, vector<1x1x16xf32>,
      %get3A_2041 = vector.shape_cast %get3A_2040 : vector<1x1x16xf32> to vector<16xf32>
      %swap3A_2042 = arith.index_cast %rem3A_1625 : i32 to index
      %swap3A_2043 = arith.constant 272 : index
      %swap3A_2044 = tpu.vector_load %arg9[%swap3A_2042, %swap3A_2043] {strides = array<i32>} : memref<2x1024xf32, #tpu.memory_space<vmem>>, vector<1x16xf32>,
      %swap3A_2045 = vector.shape_cast %swap3A_2044 : vector<1x16xf32> to vector<16xf32>
      %swap3A_2046 = vector.shape_cast %get3A_2041 : vector<16xf32> to vector<1x16xf32>
      tpu.vector_store %arg9[%swap3A_2042, %swap3A_2043], %swap3A_2046 {strides = array<i32>} : memref<2x1024xf32, #tpu.memory_space<vmem>>, vector<1x16xf32>,
      %get3A_2047 = arith.constant 4 : i32
      %get3A_2048 = arith.index_cast %get3A_2047 : i32 to index
      %get3A_2049 = arith.index_cast %and3A_2024 : i32 to index
      %get3A_2050 = arith.constant 32 : index
      %get3A_2051 = tpu.vector_load %arg8[%get3A_2048, %get3A_2049, %get3A_2050] {strides = array<i32>} : memref<16x8x64xf32, #tpu.memory_space<vmem>>, vector<1x1x16xf32>,
      %get3A_2052 = vector.shape_cast %get3A_2051 : vector<1x1x16xf32> to vector<16xf32>
      %swap3A_2053 = arith.index_cast %rem3A_1625 : i32 to index
      %swap3A_2054 = arith.constant 288 : index
      %swap3A_2055 = tpu.vector_load %arg9[%swap3A_2053, %swap3A_2054] {strides = array<i32>} : memref<2x1024xf32, #tpu.memory_space<vmem>>, vector<1x16xf32>,
      %swap3A_2056 = vector.shape_cast %swap3A_2055 : vector<1x16xf32> to vector<16xf32>
      %swap3A_2057 = vector.shape_cast %get3A_2052 : vector<16xf32> to vector<1x16xf32>
      tpu.vector_store %arg9[%swap3A_2053, %swap3A_2054], %swap3A_2057 {strides = array<i32>} : memref<2x1024xf32, #tpu.memory_space<vmem>>, vector<1x16xf32>,
      %get3A_2058 = arith.constant 4 : i32
      %get3A_2059 = arith.index_cast %get3A_2058 : i32 to index
      %get3A_2060 = arith.index_cast %and3A_2024 : i32 to index
      %get3A_2061 = arith.constant 48 : index
      %get3A_2062 = tpu.vector_load %arg8[%get3A_2059, %get3A_2060, %get3A_2061] {strides = array<i32>} : memref<16x8x64xf32, #tpu.memory_space<vmem>>, vector<1x1x16xf32>,
      %get3A_2063 = vector.shape_cast %get3A_2062 : vector<1x1x16xf32> to vector<16xf32>
      %swap3A_2064 = arith.index_cast %rem3A_1625 : i32 to index
      %swap3A_2065 = arith.constant 304 : index
      %swap3A_2066 = tpu.vector_load %arg9[%swap3A_2064, %swap3A_2065] {strides = array<i32>} : memref<2x1024xf32, #tpu.memory_space<vmem>>, vector<1x16xf32>,
      %swap3A_2067 = vector.shape_cast %swap3A_2066 : vector<1x16xf32> to vector<16xf32>
      %swap3A_2068 = vector.shape_cast %get3A_2063 : vector<16xf32> to vector<1x16xf32>
      tpu.vector_store %arg9[%swap3A_2064, %swap3A_2065], %swap3A_2068 {strides = array<i32>} : memref<2x1024xf32, #tpu.memory_space<vmem>>, vector<1x16xf32>,
      %slice3A_2069 = vector.extract_strided_slice %get3A_1623 {offsets = [4], sizes = [1], strides = [1]} : vector<16xi32> to vector<1xi32>
      %squeeze3A_2070 = vector.extract %slice3A_2069[0] : i32 from vector<1xi32>
      %shift_right_arithmetic3A_2071 = arith.constant 3 : i32
      %shift_right_arithmetic3A_2072 = arith.shrsi %squeeze3A_2070, %shift_right_arithmetic3A_2071 : i32
      %dma_start3A_2073 = arith.constant 4 : i32
      %dma_start3A_2074 = arith.constant 4 : i32
      %dma_start3A_2075 = arith.constant 0 : i32
      %dma_start3A_2076 = arith.constant 0 : i32
      %dma_start3A_2077 = tpu.memref_slice %arg8[%dma_start3A_2073, %dma_start3A_2075, %dma_start3A_2076] : memref<16x8x64xf32, #tpu.memory_space<vmem>> -> memref<1x8x64xf32, #tpu.memory_space<vmem>>
      %dma_start3A_2078 = tpu.memref_squeeze %dma_start3A_2077 : memref<1x8x64xf32, #tpu.memory_space<vmem>> -> memref<8x64xf32, #tpu.memory_space<vmem>>
      %dma_start3A_2079 = arith.constant 0 : i32
      %dma_start3A_2080 = arith.constant 0 : i32
      %dma_start3A_2081 = tpu.memref_slice %arg2[%shift_right_arithmetic3A_2072, %dma_start3A_2079, %dma_start3A_2080] : memref<125000x8x64xf32, #tpu.memory_space<hbm>> -> memref<1x8x64xf32, #tpu.memory_space<hbm>>
      %dma_start3A_2082 = tpu.memref_squeeze %dma_start3A_2081 : memref<1x8x64xf32, #tpu.memory_space<hbm>> -> memref<8x64xf32, #tpu.memory_space<hbm>>
      %dma_start3A_2083 = tpu.memref_slice %arg11[%dma_start3A_2074] : memref<16x!tpu.dma_semaphore, #tpu.memory_space<semaphore_mem>> -> memref<1x!tpu.dma_semaphore, #tpu.memory_space<semaphore_mem>>
      %dma_start3A_2084 = tpu.memref_squeeze %dma_start3A_2083 : memref<1x!tpu.dma_semaphore, #tpu.memory_space<semaphore_mem>> -> memref<!tpu.dma_semaphore, #tpu.memory_space<semaphore_mem>>
      %dma_start3A_2085 = arith.constant 0 : i32
      %dma_start3A_2086 = arith.constant 0 : i32
      %dma_start3A_2087 = tpu.memref_slice %arg8[%dma_start3A_2073, %dma_start3A_2085, %dma_start3A_2086] : memref<16x8x64xf32, #tpu.memory_space<vmem>> -> memref<1x8x64xf32, #tpu.memory_space<vmem>>
      %dma_start3A_2088 = tpu.memref_squeeze %dma_start3A_2087 : memref<1x8x64xf32, #tpu.memory_space<vmem>> -> memref<8x64xf32, #tpu.memory_space<vmem>>
      %dma_start3A_2089 = arith.constant 0 : i32
      %dma_start3A_2090 = arith.constant 0 : i32
      %dma_start3A_2091 = tpu.memref_slice %arg2[%shift_right_arithmetic3A_2072, %dma_start3A_2089, %dma_start3A_2090] : memref<125000x8x64xf32, #tpu.memory_space<hbm>> -> memref<1x8x64xf32, #tpu.memory_space<hbm>>
      %dma_start3A_2092 = tpu.memref_squeeze %dma_start3A_2091 : memref<1x8x64xf32, #tpu.memory_space<hbm>> -> memref<8x64xf32, #tpu.memory_space<hbm>>
      tpu.enqueue_dma source(%dma_start3A_2092 : memref<8x64xf32, #tpu.memory_space<hbm>>) target(%dma_start3A_2088 : memref<8x64xf32, #tpu.memory_space<vmem>>) target_semaphore(%dma_start3A_2084 : memref<!tpu.dma_semaphore, #tpu.memory_space<semaphore_mem>>)
      %slice3A_2093 = vector.extract_strided_slice %scan3A_1618 {offsets = [5], sizes = [1], strides = [1]} : vector<16xi32> to vector<1xi32>
      %squeeze3A_2094 = vector.extract %slice3A_2093[0] : i32 from vector<1xi32>
      %dma_wait3A_2095 = arith.constant 0 : i32
      %dma_wait3A_2096 = arith.constant 5 : i32
      %dma_wait3A_2097 = arith.constant 5 : i32
      %dma_wait3A_2098 = arith.constant 0 : i32
      %dma_wait3A_2099 = arith.constant 0 : i32
      %dma_wait3A_2100 = tpu.memref_slice %arg8[%dma_wait3A_2096, %dma_wait3A_2098, %dma_wait3A_2099] : memref<16x8x64xf32, #tpu.memory_space<vmem>> -> memref<1x8x64xf32, #tpu.memory_space<vmem>>
      %dma_wait3A_2101 = tpu.memref_squeeze %dma_wait3A_2100 : memref<1x8x64xf32, #tpu.memory_space<vmem>> -> memref<8x64xf32, #tpu.memory_space<vmem>>
      %dma_wait3A_2102 = arith.constant 0 : i32
      %dma_wait3A_2103 = arith.constant 0 : i32
      %dma_wait3A_2104 = tpu.memref_slice %arg2[%dma_wait3A_2095, %dma_wait3A_2102, %dma_wait3A_2103] : memref<125000x8x64xf32, #tpu.memory_space<hbm>> -> memref<1x8x64xf32, #tpu.memory_space<hbm>>
      %dma_wait3A_2105 = tpu.memref_squeeze %dma_wait3A_2104 : memref<1x8x64xf32, #tpu.memory_space<hbm>> -> memref<8x64xf32, #tpu.memory_space<hbm>>
      %dma_wait3A_2106 = tpu.memref_slice %arg11[%dma_wait3A_2097] : memref<16x!tpu.dma_semaphore, #tpu.memory_space<semaphore_mem>> -> memref<1x!tpu.dma_semaphore, #tpu.memory_space<semaphore_mem>>
      %dma_wait3A_2107 = tpu.memref_squeeze %dma_wait3A_2106 : memref<1x!tpu.dma_semaphore, #tpu.memory_space<semaphore_mem>> -> memref<!tpu.dma_semaphore, #tpu.memory_space<semaphore_mem>>
      %dma_wait3A_2108 = arith.constant 0 : i32
      %dma_wait3A_2109 = arith.constant 0 : i32
      %dma_wait3A_2110 = tpu.memref_slice %arg8[%dma_wait3A_2096, %dma_wait3A_2108, %dma_wait3A_2109] : memref<16x8x64xf32, #tpu.memory_space<vmem>> -> memref<1x8x64xf32, #tpu.memory_space<vmem>>
      %dma_wait3A_2111 = tpu.memref_squeeze %dma_wait3A_2110 : memref<1x8x64xf32, #tpu.memory_space<vmem>> -> memref<8x64xf32, #tpu.memory_space<vmem>>
      %dma_wait3A_2112 = arith.constant 0 : i32
      %dma_wait3A_2113 = arith.constant 0 : i32
      %dma_wait3A_2114 = tpu.memref_slice %arg2[%dma_wait3A_2095, %dma_wait3A_2112, %dma_wait3A_2113] : memref<125000x8x64xf32, #tpu.memory_space<hbm>> -> memref<1x8x64xf32, #tpu.memory_space<hbm>>
      %dma_wait3A_2115 = tpu.memref_squeeze %dma_wait3A_2114 : memref<1x8x64xf32, #tpu.memory_space<hbm>> -> memref<8x64xf32, #tpu.memory_space<hbm>>
      tpu.wait_dma2 semaphore(%dma_wait3A_2107 : memref<!tpu.dma_semaphore, #tpu.memory_space<semaphore_mem>>) src(%dma_wait3A_2115 : memref<8x64xf32, #tpu.memory_space<hbm>>) dst(%dma_wait3A_2111 : memref<8x64xf32, #tpu.memory_space<vmem>>)
      %and3A_2116 = arith.constant 7 : i32
      %and3A_2117 = arith.andi %squeeze3A_2094, %and3A_2116 : i32
      %get3A_2118 = arith.constant 5 : i32
      %get3A_2119 = arith.index_cast %get3A_2118 : i32 to index
      %get3A_2120 = arith.index_cast %and3A_2117 : i32 to index
      %get3A_2121 = arith.constant 0 : index
      %get3A_2122 = tpu.vector_load %arg8[%get3A_2119, %get3A_2120, %get3A_2121] {strides = array<i32>} : memref<16x8x64xf32, #tpu.memory_space<vmem>>, vector<1x1x16xf32>,
      %get3A_2123 = vector.shape_cast %get3A_2122 : vector<1x1x16xf32> to vector<16xf32>
      %swap3A_2124 = arith.index_cast %rem3A_1625 : i32 to index
      %swap3A_2125 = arith.constant 320 : index
      %swap3A_2126 = tpu.vector_load %arg9[%swap3A_2124, %swap3A_2125] {strides = array<i32>} : memref<2x1024xf32, #tpu.memory_space<vmem>>, vector<1x16xf32>,
      %swap3A_2127 = vector.shape_cast %swap3A_2126 : vector<1x16xf32> to vector<16xf32>
      %swap3A_2128 = vector.shape_cast %get3A_2123 : vector<16xf32> to vector<1x16xf32>
      tpu.vector_store %arg9[%swap3A_2124, %swap3A_2125], %swap3A_2128 {strides = array<i32>} : memref<2x1024xf32, #tpu.memory_space<vmem>>, vector<1x16xf32>,
      %get3A_2129 = arith.constant 5 : i32
      %get3A_2130 = arith.index_cast %get3A_2129 : i32 to index
      %get3A_2131 = arith.index_cast %and3A_2117 : i32 to index
      %get3A_2132 = arith.constant 16 : index
      %get3A_2133 = tpu.vector_load %arg8[%get3A_2130, %get3A_2131, %get3A_2132] {strides = array<i32>} : memref<16x8x64xf32, #tpu.memory_space<vmem>>, vector<1x1x16xf32>,
      %get3A_2134 = vector.shape_cast %get3A_2133 : vector<1x1x16xf32> to vector<16xf32>
      %swap3A_2135 = arith.index_cast %rem3A_1625 : i32 to index
      %swap3A_2136 = arith.constant 336 : index
      %swap3A_2137 = tpu.vector_load %arg9[%swap3A_2135, %swap3A_2136] {strides = array<i32>} : memref<2x1024xf32, #tpu.memory_space<vmem>>, vector<1x16xf32>,
      %swap3A_2138 = vector.shape_cast %swap3A_2137 : vector<1x16xf32> to vector<16xf32>
      %swap3A_2139 = vector.shape_cast %get3A_2134 : vector<16xf32> to vector<1x16xf32>
      tpu.vector_store %arg9[%swap3A_2135, %swap3A_2136], %swap3A_2139 {strides = array<i32>} : memref<2x1024xf32, #tpu.memory_space<vmem>>, vector<1x16xf32>,
      %get3A_2140 = arith.constant 5 : i32
      %get3A_2141 = arith.index_cast %get3A_2140 : i32 to index
      %get3A_2142 = arith.index_cast %and3A_2117 : i32 to index
      %get3A_2143 = arith.constant 32 : index
      %get3A_2144 = tpu.vector_load %arg8[%get3A_2141, %get3A_2142, %get3A_2143] {strides = array<i32>} : memref<16x8x64xf32, #tpu.memory_space<vmem>>, vector<1x1x16xf32>,
      %get3A_2145 = vector.shape_cast %get3A_2144 : vector<1x1x16xf32> to vector<16xf32>
      %swap3A_2146 = arith.index_cast %rem3A_1625 : i32 to index
      %swap3A_2147 = arith.constant 352 : index
      %swap3A_2148 = tpu.vector_load %arg9[%swap3A_2146, %swap3A_2147] {strides = array<i32>} : memref<2x1024xf32, #tpu.memory_space<vmem>>, vector<1x16xf32>,
      %swap3A_2149 = vector.shape_cast %swap3A_2148 : vector<1x16xf32> to vector<16xf32>
      %swap3A_2150 = vector.shape_cast %get3A_2145 : vector<16xf32> to vector<1x16xf32>
      tpu.vector_store %arg9[%swap3A_2146, %swap3A_2147], %swap3A_2150 {strides = array<i32>} : memref<2x1024xf32, #tpu.memory_space<vmem>>, vector<1x16xf32>,
      %get3A_2151 = arith.constant 5 : i32
      %get3A_2152 = arith.index_cast %get3A_2151 : i32 to index
      %get3A_2153 = arith.index_cast %and3A_2117 : i32 to index
      %get3A_2154 = arith.constant 48 : index
      %get3A_2155 = tpu.vector_load %arg8[%get3A_2152, %get3A_2153, %get3A_2154] {strides = array<i32>} : memref<16x8x64xf32, #tpu.memory_space<vmem>>, vector<1x1x16xf32>,
      %get3A_2156 = vector.shape_cast %get3A_2155 : vector<1x1x16xf32> to vector<16xf32>
      %swap3A_2157 = arith.index_cast %rem3A_1625 : i32 to index
      %swap3A_2158 = arith.constant 368 : index
      %swap3A_2159 = tpu.vector_load %arg9[%swap3A_2157, %swap3A_2158] {strides = array<i32>} : memref<2x1024xf32, #tpu.memory_space<vmem>>, vector<1x16xf32>,
      %swap3A_2160 = vector.shape_cast %swap3A_2159 : vector<1x16xf32> to vector<16xf32>
      %swap3A_2161 = vector.shape_cast %get3A_2156 : vector<16xf32> to vector<1x16xf32>
      tpu.vector_store %arg9[%swap3A_2157, %swap3A_2158], %swap3A_2161 {strides = array<i32>} : memref<2x1024xf32, #tpu.memory_space<vmem>>, vector<1x16xf32>,
      %slice3A_2162 = vector.extract_strided_slice %get3A_1623 {offsets = [5], sizes = [1], strides = [1]} : vector<16xi32> to vector<1xi32>
      %squeeze3A_2163 = vector.extract %slice3A_2162[0] : i32 from vector<1xi32>
      %shift_right_arithmetic3A_2164 = arith.constant 3 : i32
      %shift_right_arithmetic3A_2165 = arith.shrsi %squeeze3A_2163, %shift_right_arithmetic3A_2164 : i32
      %dma_start3A_2166 = arith.constant 5 : i32
      %dma_start3A_2167 = arith.constant 5 : i32
      %dma_start3A_2168 = arith.constant 0 : i32
      %dma_start3A_2169 = arith.constant 0 : i32
      %dma_start3A_2170 = tpu.memref_slice %arg8[%dma_start3A_2166, %dma_start3A_2168, %dma_start3A_2169] : memref<16x8x64xf32, #tpu.memory_space<vmem>> -> memref<1x8x64xf32, #tpu.memory_space<vmem>>
      %dma_start3A_2171 = tpu.memref_squeeze %dma_start3A_2170 : memref<1x8x64xf32, #tpu.memory_space<vmem>> -> memref<8x64xf32, #tpu.memory_space<vmem>>
      %dma_start3A_2172 = arith.constant 0 : i32
      %dma_start3A_2173 = arith.constant 0 : i32
      %dma_start3A_2174 = tpu.memref_slice %arg2[%shift_right_arithmetic3A_2165, %dma_start3A_2172, %dma_start3A_2173] : memref<125000x8x64xf32, #tpu.memory_space<hbm>> -> memref<1x8x64xf32, #tpu.memory_space<hbm>>
      %dma_start3A_2175 = tpu.memref_squeeze %dma_start3A_2174 : memref<1x8x64xf32, #tpu.memory_space<hbm>> -> memref<8x64xf32, #tpu.memory_space<hbm>>
      %dma_start3A_2176 = tpu.memref_slice %arg11[%dma_start3A_2167] : memref<16x!tpu.dma_semaphore, #tpu.memory_space<semaphore_mem>> -> memref<1x!tpu.dma_semaphore, #tpu.memory_space<semaphore_mem>>
      %dma_start3A_2177 = tpu.memref_squeeze %dma_start3A_2176 : memref<1x!tpu.dma_semaphore, #tpu.memory_space<semaphore_mem>> -> memref<!tpu.dma_semaphore, #tpu.memory_space<semaphore_mem>>
      %dma_start3A_2178 = arith.constant 0 : i32
      %dma_start3A_2179 = arith.constant 0 : i32
      %dma_start3A_2180 = tpu.memref_slice %arg8[%dma_start3A_2166, %dma_start3A_2178, %dma_start3A_2179] : memref<16x8x64xf32, #tpu.memory_space<vmem>> -> memref<1x8x64xf32, #tpu.memory_space<vmem>>
      %dma_start3A_2181 = tpu.memref_squeeze %dma_start3A_2180 : memref<1x8x64xf32, #tpu.memory_space<vmem>> -> memref<8x64xf32, #tpu.memory_space<vmem>>
      %dma_start3A_2182 = arith.constant 0 : i32
      %dma_start3A_2183 = arith.constant 0 : i32
      %dma_start3A_2184 = tpu.memref_slice %arg2[%shift_right_arithmetic3A_2165, %dma_start3A_2182, %dma_start3A_2183] : memref<125000x8x64xf32, #tpu.memory_space<hbm>> -> memref<1x8x64xf32, #tpu.memory_space<hbm>>
      %dma_start3A_2185 = tpu.memref_squeeze %dma_start3A_2184 : memref<1x8x64xf32, #tpu.memory_space<hbm>> -> memref<8x64xf32, #tpu.memory_space<hbm>>
      tpu.enqueue_dma source(%dma_start3A_2185 : memref<8x64xf32, #tpu.memory_space<hbm>>) target(%dma_start3A_2181 : memref<8x64xf32, #tpu.memory_space<vmem>>) target_semaphore(%dma_start3A_2177 : memref<!tpu.dma_semaphore, #tpu.memory_space<semaphore_mem>>)
      %slice3A_2186 = vector.extract_strided_slice %scan3A_1618 {offsets = [6], sizes = [1], strides = [1]} : vector<16xi32> to vector<1xi32>
      %squeeze3A_2187 = vector.extract %slice3A_2186[0] : i32 from vector<1xi32>
      %dma_wait3A_2188 = arith.constant 0 : i32
      %dma_wait3A_2189 = arith.constant 6 : i32
      %dma_wait3A_2190 = arith.constant 6 : i32
      %dma_wait3A_2191 = arith.constant 0 : i32
      %dma_wait3A_2192 = arith.constant 0 : i32
      %dma_wait3A_2193 = tpu.memref_slice %arg8[%dma_wait3A_2189, %dma_wait3A_2191, %dma_wait3A_2192] : memref<16x8x64xf32, #tpu.memory_space<vmem>> -> memref<1x8x64xf32, #tpu.memory_space<vmem>>
      %dma_wait3A_2194 = tpu.memref_squeeze %dma_wait3A_2193 : memref<1x8x64xf32, #tpu.memory_space<vmem>> -> memref<8x64xf32, #tpu.memory_space<vmem>>
      %dma_wait3A_2195 = arith.constant 0 : i32
      %dma_wait3A_2196 = arith.constant 0 : i32
      %dma_wait3A_2197 = tpu.memref_slice %arg2[%dma_wait3A_2188, %dma_wait3A_2195, %dma_wait3A_2196] : memref<125000x8x64xf32, #tpu.memory_space<hbm>> -> memref<1x8x64xf32, #tpu.memory_space<hbm>>
      %dma_wait3A_2198 = tpu.memref_squeeze %dma_wait3A_2197 : memref<1x8x64xf32, #tpu.memory_space<hbm>> -> memref<8x64xf32, #tpu.memory_space<hbm>>
      %dma_wait3A_2199 = tpu.memref_slice %arg11[%dma_wait3A_2190] : memref<16x!tpu.dma_semaphore, #tpu.memory_space<semaphore_mem>> -> memref<1x!tpu.dma_semaphore, #tpu.memory_space<semaphore_mem>>
      %dma_wait3A_2200 = tpu.memref_squeeze %dma_wait3A_2199 : memref<1x!tpu.dma_semaphore, #tpu.memory_space<semaphore_mem>> -> memref<!tpu.dma_semaphore, #tpu.memory_space<semaphore_mem>>
      %dma_wait3A_2201 = arith.constant 0 : i32
      %dma_wait3A_2202 = arith.constant 0 : i32
      %dma_wait3A_2203 = tpu.memref_slice %arg8[%dma_wait3A_2189, %dma_wait3A_2201, %dma_wait3A_2202] : memref<16x8x64xf32, #tpu.memory_space<vmem>> -> memref<1x8x64xf32, #tpu.memory_space<vmem>>
      %dma_wait3A_2204 = tpu.memref_squeeze %dma_wait3A_2203 : memref<1x8x64xf32, #tpu.memory_space<vmem>> -> memref<8x64xf32, #tpu.memory_space<vmem>>
      %dma_wait3A_2205 = arith.constant 0 : i32
      %dma_wait3A_2206 = arith.constant 0 : i32
      %dma_wait3A_2207 = tpu.memref_slice %arg2[%dma_wait3A_2188, %dma_wait3A_2205, %dma_wait3A_2206] : memref<125000x8x64xf32, #tpu.memory_space<hbm>> -> memref<1x8x64xf32, #tpu.memory_space<hbm>>
      %dma_wait3A_2208 = tpu.memref_squeeze %dma_wait3A_2207 : memref<1x8x64xf32, #tpu.memory_space<hbm>> -> memref<8x64xf32, #tpu.memory_space<hbm>>
      tpu.wait_dma2 semaphore(%dma_wait3A_2200 : memref<!tpu.dma_semaphore, #tpu.memory_space<semaphore_mem>>) src(%dma_wait3A_2208 : memref<8x64xf32, #tpu.memory_space<hbm>>) dst(%dma_wait3A_2204 : memref<8x64xf32, #tpu.memory_space<vmem>>)
      %and3A_2209 = arith.constant 7 : i32
      %and3A_2210 = arith.andi %squeeze3A_2187, %and3A_2209 : i32
      %get3A_2211 = arith.constant 6 : i32
      %get3A_2212 = arith.index_cast %get3A_2211 : i32 to index
      %get3A_2213 = arith.index_cast %and3A_2210 : i32 to index
      %get3A_2214 = arith.constant 0 : index
      %get3A_2215 = tpu.vector_load %arg8[%get3A_2212, %get3A_2213, %get3A_2214] {strides = array<i32>} : memref<16x8x64xf32, #tpu.memory_space<vmem>>, vector<1x1x16xf32>,
      %get3A_2216 = vector.shape_cast %get3A_2215 : vector<1x1x16xf32> to vector<16xf32>
      %swap3A_2217 = arith.index_cast %rem3A_1625 : i32 to index
      %swap3A_2218 = arith.constant 384 : index
      %swap3A_2219 = tpu.vector_load %arg9[%swap3A_2217, %swap3A_2218] {strides = array<i32>} : memref<2x1024xf32, #tpu.memory_space<vmem>>, vector<1x16xf32>,
      %swap3A_2220 = vector.shape_cast %swap3A_2219 : vector<1x16xf32> to vector<16xf32>
      %swap3A_2221 = vector.shape_cast %get3A_2216 : vector<16xf32> to vector<1x16xf32>
      tpu.vector_store %arg9[%swap3A_2217, %swap3A_2218], %swap3A_2221 {strides = array<i32>} : memref<2x1024xf32, #tpu.memory_space<vmem>>, vector<1x16xf32>,
      %get3A_2222 = arith.constant 6 : i32
      %get3A_2223 = arith.index_cast %get3A_2222 : i32 to index
      %get3A_2224 = arith.index_cast %and3A_2210 : i32 to index
      %get3A_2225 = arith.constant 16 : index
      %get3A_2226 = tpu.vector_load %arg8[%get3A_2223, %get3A_2224, %get3A_2225] {strides = array<i32>} : memref<16x8x64xf32, #tpu.memory_space<vmem>>, vector<1x1x16xf32>,
      %get3A_2227 = vector.shape_cast %get3A_2226 : vector<1x1x16xf32> to vector<16xf32>
      %swap3A_2228 = arith.index_cast %rem3A_1625 : i32 to index
      %swap3A_2229 = arith.constant 400 : index
      %swap3A_2230 = tpu.vector_load %arg9[%swap3A_2228, %swap3A_2229] {strides = array<i32>} : memref<2x1024xf32, #tpu.memory_space<vmem>>, vector<1x16xf32>,
      %swap3A_2231 = vector.shape_cast %swap3A_2230 : vector<1x16xf32> to vector<16xf32>
      %swap3A_2232 = vector.shape_cast %get3A_2227 : vector<16xf32> to vector<1x16xf32>
      tpu.vector_store %arg9[%swap3A_2228, %swap3A_2229], %swap3A_2232 {strides = array<i32>} : memref<2x1024xf32, #tpu.memory_space<vmem>>, vector<1x16xf32>,
      %get3A_2233 = arith.constant 6 : i32
      %get3A_2234 = arith.index_cast %get3A_2233 : i32 to index
      %get3A_2235 = arith.index_cast %and3A_2210 : i32 to index
      %get3A_2236 = arith.constant 32 : index
      %get3A_2237 = tpu.vector_load %arg8[%get3A_2234, %get3A_2235, %get3A_2236] {strides = array<i32>} : memref<16x8x64xf32, #tpu.memory_space<vmem>>, vector<1x1x16xf32>,
      %get3A_2238 = vector.shape_cast %get3A_2237 : vector<1x1x16xf32> to vector<16xf32>
      %swap3A_2239 = arith.index_cast %rem3A_1625 : i32 to index
      %swap3A_2240 = arith.constant 416 : index
      %swap3A_2241 = tpu.vector_load %arg9[%swap3A_2239, %swap3A_2240] {strides = array<i32>} : memref<2x1024xf32, #tpu.memory_space<vmem>>, vector<1x16xf32>,
      %swap3A_2242 = vector.shape_cast %swap3A_2241 : vector<1x16xf32> to vector<16xf32>
      %swap3A_2243 = vector.shape_cast %get3A_2238 : vector<16xf32> to vector<1x16xf32>
      tpu.vector_store %arg9[%swap3A_2239, %swap3A_2240], %swap3A_2243 {strides = array<i32>} : memref<2x1024xf32, #tpu.memory_space<vmem>>, vector<1x16xf32>,
      %get3A_2244 = arith.constant 6 : i32
      %get3A_2245 = arith.index_cast %get3A_2244 : i32 to index
      %get3A_2246 = arith.index_cast %and3A_2210 : i32 to index
      %get3A_2247 = arith.constant 48 : index
      %get3A_2248 = tpu.vector_load %arg8[%get3A_2245, %get3A_2246, %get3A_2247] {strides = array<i32>} : memref<16x8x64xf32, #tpu.memory_space<vmem>>, vector<1x1x16xf32>,
      %get3A_2249 = vector.shape_cast %get3A_2248 : vector<1x1x16xf32> to vector<16xf32>
      %swap3A_2250 = arith.index_cast %rem3A_1625 : i32 to index
      %swap3A_2251 = arith.constant 432 : index
      %swap3A_2252 = tpu.vector_load %arg9[%swap3A_2250, %swap3A_2251] {strides = array<i32>} : memref<2x1024xf32, #tpu.memory_space<vmem>>, vector<1x16xf32>,
      %swap3A_2253 = vector.shape_cast %swap3A_2252 : vector<1x16xf32> to vector<16xf32>
      %swap3A_2254 = vector.shape_cast %get3A_2249 : vector<16xf32> to vector<1x16xf32>
      tpu.vector_store %arg9[%swap3A_2250, %swap3A_2251], %swap3A_2254 {strides = array<i32>} : memref<2x1024xf32, #tpu.memory_space<vmem>>, vector<1x16xf32>,
      %slice3A_2255 = vector.extract_strided_slice %get3A_1623 {offsets = [6], sizes = [1], strides = [1]} : vector<16xi32> to vector<1xi32>
      %squeeze3A_2256 = vector.extract %slice3A_2255[0] : i32 from vector<1xi32>
      %shift_right_arithmetic3A_2257 = arith.constant 3 : i32
      %shift_right_arithmetic3A_2258 = arith.shrsi %squeeze3A_2256, %shift_right_arithmetic3A_2257 : i32
      %dma_start3A_2259 = arith.constant 6 : i32
      %dma_start3A_2260 = arith.constant 6 : i32
      %dma_start3A_2261 = arith.constant 0 : i32
      %dma_start3A_2262 = arith.constant 0 : i32
      %dma_start3A_2263 = tpu.memref_slice %arg8[%dma_start3A_2259, %dma_start3A_2261, %dma_start3A_2262] : memref<16x8x64xf32, #tpu.memory_space<vmem>> -> memref<1x8x64xf32, #tpu.memory_space<vmem>>
      %dma_start3A_2264 = tpu.memref_squeeze %dma_start3A_2263 : memref<1x8x64xf32, #tpu.memory_space<vmem>> -> memref<8x64xf32, #tpu.memory_space<vmem>>
      %dma_start3A_2265 = arith.constant 0 : i32
      %dma_start3A_2266 = arith.constant 0 : i32
      %dma_start3A_2267 = tpu.memref_slice %arg2[%shift_right_arithmetic3A_2258, %dma_start3A_2265, %dma_start3A_2266] : memref<125000x8x64xf32, #tpu.memory_space<hbm>> -> memref<1x8x64xf32, #tpu.memory_space<hbm>>
      %dma_start3A_2268 = tpu.memref_squeeze %dma_start3A_2267 : memref<1x8x64xf32, #tpu.memory_space<hbm>> -> memref<8x64xf32, #tpu.memory_space<hbm>>
      %dma_start3A_2269 = tpu.memref_slice %arg11[%dma_start3A_2260] : memref<16x!tpu.dma_semaphore, #tpu.memory_space<semaphore_mem>> -> memref<1x!tpu.dma_semaphore, #tpu.memory_space<semaphore_mem>>
      %dma_start3A_2270 = tpu.memref_squeeze %dma_start3A_2269 : memref<1x!tpu.dma_semaphore, #tpu.memory_space<semaphore_mem>> -> memref<!tpu.dma_semaphore, #tpu.memory_space<semaphore_mem>>
      %dma_start3A_2271 = arith.constant 0 : i32
      %dma_start3A_2272 = arith.constant 0 : i32
      %dma_start3A_2273 = tpu.memref_slice %arg8[%dma_start3A_2259, %dma_start3A_2271, %dma_start3A_2272] : memref<16x8x64xf32, #tpu.memory_space<vmem>> -> memref<1x8x64xf32, #tpu.memory_space<vmem>>
      %dma_start3A_2274 = tpu.memref_squeeze %dma_start3A_2273 : memref<1x8x64xf32, #tpu.memory_space<vmem>> -> memref<8x64xf32, #tpu.memory_space<vmem>>
      %dma_start3A_2275 = arith.constant 0 : i32
      %dma_start3A_2276 = arith.constant 0 : i32
      %dma_start3A_2277 = tpu.memref_slice %arg2[%shift_right_arithmetic3A_2258, %dma_start3A_2275, %dma_start3A_2276] : memref<125000x8x64xf32, #tpu.memory_space<hbm>> -> memref<1x8x64xf32, #tpu.memory_space<hbm>>
      %dma_start3A_2278 = tpu.memref_squeeze %dma_start3A_2277 : memref<1x8x64xf32, #tpu.memory_space<hbm>> -> memref<8x64xf32, #tpu.memory_space<hbm>>
      tpu.enqueue_dma source(%dma_start3A_2278 : memref<8x64xf32, #tpu.memory_space<hbm>>) target(%dma_start3A_2274 : memref<8x64xf32, #tpu.memory_space<vmem>>) target_semaphore(%dma_start3A_2270 : memref<!tpu.dma_semaphore, #tpu.memory_space<semaphore_mem>>)
      %slice3A_2279 = vector.extract_strided_slice %scan3A_1618 {offsets = [7], sizes = [1], strides = [1]} : vector<16xi32> to vector<1xi32>
      %squeeze3A_2280 = vector.extract %slice3A_2279[0] : i32 from vector<1xi32>
      %dma_wait3A_2281 = arith.constant 0 : i32
      %dma_wait3A_2282 = arith.constant 7 : i32
      %dma_wait3A_2283 = arith.constant 7 : i32
      %dma_wait3A_2284 = arith.constant 0 : i32
      %dma_wait3A_2285 = arith.constant 0 : i32
      %dma_wait3A_2286 = tpu.memref_slice %arg8[%dma_wait3A_2282, %dma_wait3A_2284, %dma_wait3A_2285] : memref<16x8x64xf32, #tpu.memory_space<vmem>> -> memref<1x8x64xf32, #tpu.memory_space<vmem>>
      %dma_wait3A_2287 = tpu.memref_squeeze %dma_wait3A_2286 : memref<1x8x64xf32, #tpu.memory_space<vmem>> -> memref<8x64xf32, #tpu.memory_space<vmem>>
      %dma_wait3A_2288 = arith.constant 0 : i32
      %dma_wait3A_2289 = arith.constant 0 : i32
      %dma_wait3A_2290 = tpu.memref_slice %arg2[%dma_wait3A_2281, %dma_wait3A_2288, %dma_wait3A_2289] : memref<125000x8x64xf32, #tpu.memory_space<hbm>> -> memref<1x8x64xf32, #tpu.memory_space<hbm>>
      %dma_wait3A_2291 = tpu.memref_squeeze %dma_wait3A_2290 : memref<1x8x64xf32, #tpu.memory_space<hbm>> -> memref<8x64xf32, #tpu.memory_space<hbm>>
      %dma_wait3A_2292 = tpu.memref_slice %arg11[%dma_wait3A_2283] : memref<16x!tpu.dma_semaphore, #tpu.memory_space<semaphore_mem>> -> memref<1x!tpu.dma_semaphore, #tpu.memory_space<semaphore_mem>>
      %dma_wait3A_2293 = tpu.memref_squeeze %dma_wait3A_2292 : memref<1x!tpu.dma_semaphore, #tpu.memory_space<semaphore_mem>> -> memref<!tpu.dma_semaphore, #tpu.memory_space<semaphore_mem>>
      %dma_wait3A_2294 = arith.constant 0 : i32
      %dma_wait3A_2295 = arith.constant 0 : i32
      %dma_wait3A_2296 = tpu.memref_slice %arg8[%dma_wait3A_2282, %dma_wait3A_2294, %dma_wait3A_2295] : memref<16x8x64xf32, #tpu.memory_space<vmem>> -> memref<1x8x64xf32, #tpu.memory_space<vmem>>
      %dma_wait3A_2297 = tpu.memref_squeeze %dma_wait3A_2296 : memref<1x8x64xf32, #tpu.memory_space<vmem>> -> memref<8x64xf32, #tpu.memory_space<vmem>>
      %dma_wait3A_2298 = arith.constant 0 : i32
      %dma_wait3A_2299 = arith.constant 0 : i32
      %dma_wait3A_2300 = tpu.memref_slice %arg2[%dma_wait3A_2281, %dma_wait3A_2298, %dma_wait3A_2299] : memref<125000x8x64xf32, #tpu.memory_space<hbm>> -> memref<1x8x64xf32, #tpu.memory_space<hbm>>
      %dma_wait3A_2301 = tpu.memref_squeeze %dma_wait3A_2300 : memref<1x8x64xf32, #tpu.memory_space<hbm>> -> memref<8x64xf32, #tpu.memory_space<hbm>>
      tpu.wait_dma2 semaphore(%dma_wait3A_2293 : memref<!tpu.dma_semaphore, #tpu.memory_space<semaphore_mem>>) src(%dma_wait3A_2301 : memref<8x64xf32, #tpu.memory_space<hbm>>) dst(%dma_wait3A_2297 : memref<8x64xf32, #tpu.memory_space<vmem>>)
      %and3A_2302 = arith.constant 7 : i32
      %and3A_2303 = arith.andi %squeeze3A_2280, %and3A_2302 : i32
      %get3A_2304 = arith.constant 7 : i32
      %get3A_2305 = arith.index_cast %get3A_2304 : i32 to index
      %get3A_2306 = arith.index_cast %and3A_2303 : i32 to index
      %get3A_2307 = arith.constant 0 : index
      %get3A_2308 = tpu.vector_load %arg8[%get3A_2305, %get3A_2306, %get3A_2307] {strides = array<i32>} : memref<16x8x64xf32, #tpu.memory_space<vmem>>, vector<1x1x16xf32>,
      %get3A_2309 = vector.shape_cast %get3A_2308 : vector<1x1x16xf32> to vector<16xf32>
      %swap3A_2310 = arith.index_cast %rem3A_1625 : i32 to index
      %swap3A_2311 = arith.constant 448 : index
      %swap3A_2312 = tpu.vector_load %arg9[%swap3A_2310, %swap3A_2311] {strides = array<i32>} : memref<2x1024xf32, #tpu.memory_space<vmem>>, vector<1x16xf32>,
      %swap3A_2313 = vector.shape_cast %swap3A_2312 : vector<1x16xf32> to vector<16xf32>
      %swap3A_2314 = vector.shape_cast %get3A_2309 : vector<16xf32> to vector<1x16xf32>
      tpu.vector_store %arg9[%swap3A_2310, %swap3A_2311], %swap3A_2314 {strides = array<i32>} : memref<2x1024xf32, #tpu.memory_space<vmem>>, vector<1x16xf32>,
      %get3A_2315 = arith.constant 7 : i32
      %get3A_2316 = arith.index_cast %get3A_2315 : i32 to index
      %get3A_2317 = arith.index_cast %and3A_2303 : i32 to index
      %get3A_2318 = arith.constant 16 : index
      %get3A_2319 = tpu.vector_load %arg8[%get3A_2316, %get3A_2317, %get3A_2318] {strides = array<i32>} : memref<16x8x64xf32, #tpu.memory_space<vmem>>, vector<1x1x16xf32>,
      %get3A_2320 = vector.shape_cast %get3A_2319 : vector<1x1x16xf32> to vector<16xf32>
      %swap3A_2321 = arith.index_cast %rem3A_1625 : i32 to index
      %swap3A_2322 = arith.constant 464 : index
      %swap3A_2323 = tpu.vector_load %arg9[%swap3A_2321, %swap3A_2322] {strides = array<i32>} : memref<2x1024xf32, #tpu.memory_space<vmem>>, vector<1x16xf32>,
      %swap3A_2324 = vector.shape_cast %swap3A_2323 : vector<1x16xf32> to vector<16xf32>
      %swap3A_2325 = vector.shape_cast %get3A_2320 : vector<16xf32> to vector<1x16xf32>
      tpu.vector_store %arg9[%swap3A_2321, %swap3A_2322], %swap3A_2325 {strides = array<i32>} : memref<2x1024xf32, #tpu.memory_space<vmem>>, vector<1x16xf32>,
      %get3A_2326 = arith.constant 7 : i32
      %get3A_2327 = arith.index_cast %get3A_2326 : i32 to index
      %get3A_2328 = arith.index_cast %and3A_2303 : i32 to index
      %get3A_2329 = arith.constant 32 : index
      %get3A_2330 = tpu.vector_load %arg8[%get3A_2327, %get3A_2328, %get3A_2329] {strides = array<i32>} : memref<16x8x64xf32, #tpu.memory_space<vmem>>, vector<1x1x16xf32>,
      %get3A_2331 = vector.shape_cast %get3A_2330 : vector<1x1x16xf32> to vector<16xf32>
      %swap3A_2332 = arith.index_cast %rem3A_1625 : i32 to index
      %swap3A_2333 = arith.constant 480 : index
      %swap3A_2334 = tpu.vector_load %arg9[%swap3A_2332, %swap3A_2333] {strides = array<i32>} : memref<2x1024xf32, #tpu.memory_space<vmem>>, vector<1x16xf32>,
      %swap3A_2335 = vector.shape_cast %swap3A_2334 : vector<1x16xf32> to vector<16xf32>
      %swap3A_2336 = vector.shape_cast %get3A_2331 : vector<16xf32> to vector<1x16xf32>
      tpu.vector_store %arg9[%swap3A_2332, %swap3A_2333], %swap3A_2336 {strides = array<i32>} : memref<2x1024xf32, #tpu.memory_space<vmem>>, vector<1x16xf32>,
      %get3A_2337 = arith.constant 7 : i32
      %get3A_2338 = arith.index_cast %get3A_2337 : i32 to index
      %get3A_2339 = arith.index_cast %and3A_2303 : i32 to index
      %get3A_2340 = arith.constant 48 : index
      %get3A_2341 = tpu.vector_load %arg8[%get3A_2338, %get3A_2339, %get3A_2340] {strides = array<i32>} : memref<16x8x64xf32, #tpu.memory_space<vmem>>, vector<1x1x16xf32>,
      %get3A_2342 = vector.shape_cast %get3A_2341 : vector<1x1x16xf32> to vector<16xf32>
      %swap3A_2343 = arith.index_cast %rem3A_1625 : i32 to index
      %swap3A_2344 = arith.constant 496 : index
      %swap3A_2345 = tpu.vector_load %arg9[%swap3A_2343, %swap3A_2344] {strides = array<i32>} : memref<2x1024xf32, #tpu.memory_space<vmem>>, vector<1x16xf32>,
      %swap3A_2346 = vector.shape_cast %swap3A_2345 : vector<1x16xf32> to vector<16xf32>
      %swap3A_2347 = vector.shape_cast %get3A_2342 : vector<16xf32> to vector<1x16xf32>
      tpu.vector_store %arg9[%swap3A_2343, %swap3A_2344], %swap3A_2347 {strides = array<i32>} : memref<2x1024xf32, #tpu.memory_space<vmem>>, vector<1x16xf32>,
      %slice3A_2348 = vector.extract_strided_slice %get3A_1623 {offsets = [7], sizes = [1], strides = [1]} : vector<16xi32> to vector<1xi32>
      %squeeze3A_2349 = vector.extract %slice3A_2348[0] : i32 from vector<1xi32>
      %shift_right_arithmetic3A_2350 = arith.constant 3 : i32
      %shift_right_arithmetic3A_2351 = arith.shrsi %squeeze3A_2349, %shift_right_arithmetic3A_2350 : i32
      %dma_start3A_2352 = arith.constant 7 : i32
      %dma_start3A_2353 = arith.constant 7 : i32
      %dma_start3A_2354 = arith.constant 0 : i32
      %dma_start3A_2355 = arith.constant 0 : i32
      %dma_start3A_2356 = tpu.memref_slice %arg8[%dma_start3A_2352, %dma_start3A_2354, %dma_start3A_2355] : memref<16x8x64xf32, #tpu.memory_space<vmem>> -> memref<1x8x64xf32, #tpu.memory_space<vmem>>
      %dma_start3A_2357 = tpu.memref_squeeze %dma_start3A_2356 : memref<1x8x64xf32, #tpu.memory_space<vmem>> -> memref<8x64xf32, #tpu.memory_space<vmem>>
      %dma_start3A_2358 = arith.constant 0 : i32
      %dma_start3A_2359 = arith.constant 0 : i32
      %dma_start3A_2360 = tpu.memref_slice %arg2[%shift_right_arithmetic3A_2351, %dma_start3A_2358, %dma_start3A_2359] : memref<125000x8x64xf32, #tpu.memory_space<hbm>> -> memref<1x8x64xf32, #tpu.memory_space<hbm>>
      %dma_start3A_2361 = tpu.memref_squeeze %dma_start3A_2360 : memref<1x8x64xf32, #tpu.memory_space<hbm>> -> memref<8x64xf32, #tpu.memory_space<hbm>>
      %dma_start3A_2362 = tpu.memref_slice %arg11[%dma_start3A_2353] : memref<16x!tpu.dma_semaphore, #tpu.memory_space<semaphore_mem>> -> memref<1x!tpu.dma_semaphore, #tpu.memory_space<semaphore_mem>>
      %dma_start3A_2363 = tpu.memref_squeeze %dma_start3A_2362 : memref<1x!tpu.dma_semaphore, #tpu.memory_space<semaphore_mem>> -> memref<!tpu.dma_semaphore, #tpu.memory_space<semaphore_mem>>
      %dma_start3A_2364 = arith.constant 0 : i32
      %dma_start3A_2365 = arith.constant 0 : i32
      %dma_start3A_2366 = tpu.memref_slice %arg8[%dma_start3A_2352, %dma_start3A_2364, %dma_start3A_2365] : memref<16x8x64xf32, #tpu.memory_space<vmem>> -> memref<1x8x64xf32, #tpu.memory_space<vmem>>
      %dma_start3A_2367 = tpu.memref_squeeze %dma_start3A_2366 : memref<1x8x64xf32, #tpu.memory_space<vmem>> -> memref<8x64xf32, #tpu.memory_space<vmem>>
      %dma_start3A_2368 = arith.constant 0 : i32
      %dma_start3A_2369 = arith.constant 0 : i32
      %dma_start3A_2370 = tpu.memref_slice %arg2[%shift_right_arithmetic3A_2351, %dma_start3A_2368, %dma_start3A_2369] : memref<125000x8x64xf32, #tpu.memory_space<hbm>> -> memref<1x8x64xf32, #tpu.memory_space<hbm>>
      %dma_start3A_2371 = tpu.memref_squeeze %dma_start3A_2370 : memref<1x8x64xf32, #tpu.memory_space<hbm>> -> memref<8x64xf32, #tpu.memory_space<hbm>>
      tpu.enqueue_dma source(%dma_start3A_2371 : memref<8x64xf32, #tpu.memory_space<hbm>>) target(%dma_start3A_2367 : memref<8x64xf32, #tpu.memory_space<vmem>>) target_semaphore(%dma_start3A_2363 : memref<!tpu.dma_semaphore, #tpu.memory_space<semaphore_mem>>)
      %slice3A_2372 = vector.extract_strided_slice %scan3A_1618 {offsets = [8], sizes = [1], strides = [1]} : vector<16xi32> to vector<1xi32>
      %squeeze3A_2373 = vector.extract %slice3A_2372[0] : i32 from vector<1xi32>
      %dma_wait3A_2374 = arith.constant 0 : i32
      %dma_wait3A_2375 = arith.constant 8 : i32
      %dma_wait3A_2376 = arith.constant 8 : i32
      %dma_wait3A_2377 = arith.constant 0 : i32
      %dma_wait3A_2378 = arith.constant 0 : i32
      %dma_wait3A_2379 = tpu.memref_slice %arg8[%dma_wait3A_2375, %dma_wait3A_2377, %dma_wait3A_2378] : memref<16x8x64xf32, #tpu.memory_space<vmem>> -> memref<1x8x64xf32, #tpu.memory_space<vmem>>
      %dma_wait3A_2380 = tpu.memref_squeeze %dma_wait3A_2379 : memref<1x8x64xf32, #tpu.memory_space<vmem>> -> memref<8x64xf32, #tpu.memory_space<vmem>>
      %dma_wait3A_2381 = arith.constant 0 : i32
      %dma_wait3A_2382 = arith.constant 0 : i32
      %dma_wait3A_2383 = tpu.memref_slice %arg2[%dma_wait3A_2374, %dma_wait3A_2381, %dma_wait3A_2382] : memref<125000x8x64xf32, #tpu.memory_space<hbm>> -> memref<1x8x64xf32, #tpu.memory_space<hbm>>
      %dma_wait3A_2384 = tpu.memref_squeeze %dma_wait3A_2383 : memref<1x8x64xf32, #tpu.memory_space<hbm>> -> memref<8x64xf32, #tpu.memory_space<hbm>>
      %dma_wait3A_2385 = tpu.memref_slice %arg11[%dma_wait3A_2376] : memref<16x!tpu.dma_semaphore, #tpu.memory_space<semaphore_mem>> -> memref<1x!tpu.dma_semaphore, #tpu.memory_space<semaphore_mem>>
      %dma_wait3A_2386 = tpu.memref_squeeze %dma_wait3A_2385 : memref<1x!tpu.dma_semaphore, #tpu.memory_space<semaphore_mem>> -> memref<!tpu.dma_semaphore, #tpu.memory_space<semaphore_mem>>
      %dma_wait3A_2387 = arith.constant 0 : i32
      %dma_wait3A_2388 = arith.constant 0 : i32
      %dma_wait3A_2389 = tpu.memref_slice %arg8[%dma_wait3A_2375, %dma_wait3A_2387, %dma_wait3A_2388] : memref<16x8x64xf32, #tpu.memory_space<vmem>> -> memref<1x8x64xf32, #tpu.memory_space<vmem>>
      %dma_wait3A_2390 = tpu.memref_squeeze %dma_wait3A_2389 : memref<1x8x64xf32, #tpu.memory_space<vmem>> -> memref<8x64xf32, #tpu.memory_space<vmem>>
      %dma_wait3A_2391 = arith.constant 0 : i32
      %dma_wait3A_2392 = arith.constant 0 : i32
      %dma_wait3A_2393 = tpu.memref_slice %arg2[%dma_wait3A_2374, %dma_wait3A_2391, %dma_wait3A_2392] : memref<125000x8x64xf32, #tpu.memory_space<hbm>> -> memref<1x8x64xf32, #tpu.memory_space<hbm>>
      %dma_wait3A_2394 = tpu.memref_squeeze %dma_wait3A_2393 : memref<1x8x64xf32, #tpu.memory_space<hbm>> -> memref<8x64xf32, #tpu.memory_space<hbm>>
      tpu.wait_dma2 semaphore(%dma_wait3A_2386 : memref<!tpu.dma_semaphore, #tpu.memory_space<semaphore_mem>>) src(%dma_wait3A_2394 : memref<8x64xf32, #tpu.memory_space<hbm>>) dst(%dma_wait3A_2390 : memref<8x64xf32, #tpu.memory_space<vmem>>)
      %and3A_2395 = arith.constant 7 : i32
      %and3A_2396 = arith.andi %squeeze3A_2373, %and3A_2395 : i32
      %get3A_2397 = arith.constant 8 : i32
      %get3A_2398 = arith.index_cast %get3A_2397 : i32 to index
      %get3A_2399 = arith.index_cast %and3A_2396 : i32 to index
      %get3A_2400 = arith.constant 0 : index
      %get3A_2401 = tpu.vector_load %arg8[%get3A_2398, %get3A_2399, %get3A_2400] {strides = array<i32>} : memref<16x8x64xf32, #tpu.memory_space<vmem>>, vector<1x1x16xf32>,
      %get3A_2402 = vector.shape_cast %get3A_2401 : vector<1x1x16xf32> to vector<16xf32>
      %swap3A_2403 = arith.index_cast %rem3A_1625 : i32 to index
      %swap3A_2404 = arith.constant 512 : index
      %swap3A_2405 = tpu.vector_load %arg9[%swap3A_2403, %swap3A_2404] {strides = array<i32>} : memref<2x1024xf32, #tpu.memory_space<vmem>>, vector<1x16xf32>,
      %swap3A_2406 = vector.shape_cast %swap3A_2405 : vector<1x16xf32> to vector<16xf32>
      %swap3A_2407 = vector.shape_cast %get3A_2402 : vector<16xf32> to vector<1x16xf32>
      tpu.vector_store %arg9[%swap3A_2403, %swap3A_2404], %swap3A_2407 {strides = array<i32>} : memref<2x1024xf32, #tpu.memory_space<vmem>>, vector<1x16xf32>,
      %get3A_2408 = arith.constant 8 : i32
      %get3A_2409 = arith.index_cast %get3A_2408 : i32 to index
      %get3A_2410 = arith.index_cast %and3A_2396 : i32 to index
      %get3A_2411 = arith.constant 16 : index
      %get3A_2412 = tpu.vector_load %arg8[%get3A_2409, %get3A_2410, %get3A_2411] {strides = array<i32>} : memref<16x8x64xf32, #tpu.memory_space<vmem>>, vector<1x1x16xf32>,
      %get3A_2413 = vector.shape_cast %get3A_2412 : vector<1x1x16xf32> to vector<16xf32>
      %swap3A_2414 = arith.index_cast %rem3A_1625 : i32 to index
      %swap3A_2415 = arith.constant 528 : index
      %swap3A_2416 = tpu.vector_load %arg9[%swap3A_2414, %swap3A_2415] {strides = array<i32>} : memref<2x1024xf32, #tpu.memory_space<vmem>>, vector<1x16xf32>,
      %swap3A_2417 = vector.shape_cast %swap3A_2416 : vector<1x16xf32> to vector<16xf32>
      %swap3A_2418 = vector.shape_cast %get3A_2413 : vector<16xf32> to vector<1x16xf32>
      tpu.vector_store %arg9[%swap3A_2414, %swap3A_2415], %swap3A_2418 {strides = array<i32>} : memref<2x1024xf32, #tpu.memory_space<vmem>>, vector<1x16xf32>,
      %get3A_2419 = arith.constant 8 : i32
      %get3A_2420 = arith.index_cast %get3A_2419 : i32 to index
      %get3A_2421 = arith.index_cast %and3A_2396 : i32 to index
      %get3A_2422 = arith.constant 32 : index
      %get3A_2423 = tpu.vector_load %arg8[%get3A_2420, %get3A_2421, %get3A_2422] {strides = array<i32>} : memref<16x8x64xf32, #tpu.memory_space<vmem>>, vector<1x1x16xf32>,
      %get3A_2424 = vector.shape_cast %get3A_2423 : vector<1x1x16xf32> to vector<16xf32>
      %swap3A_2425 = arith.index_cast %rem3A_1625 : i32 to index
      %swap3A_2426 = arith.constant 544 : index
      %swap3A_2427 = tpu.vector_load %arg9[%swap3A_2425, %swap3A_2426] {strides = array<i32>} : memref<2x1024xf32, #tpu.memory_space<vmem>>, vector<1x16xf32>,
      %swap3A_2428 = vector.shape_cast %swap3A_2427 : vector<1x16xf32> to vector<16xf32>
      %swap3A_2429 = vector.shape_cast %get3A_2424 : vector<16xf32> to vector<1x16xf32>
      tpu.vector_store %arg9[%swap3A_2425, %swap3A_2426], %swap3A_2429 {strides = array<i32>} : memref<2x1024xf32, #tpu.memory_space<vmem>>, vector<1x16xf32>,
      %get3A_2430 = arith.constant 8 : i32
      %get3A_2431 = arith.index_cast %get3A_2430 : i32 to index
      %get3A_2432 = arith.index_cast %and3A_2396 : i32 to index
      %get3A_2433 = arith.constant 48 : index
      %get3A_2434 = tpu.vector_load %arg8[%get3A_2431, %get3A_2432, %get3A_2433] {strides = array<i32>} : memref<16x8x64xf32, #tpu.memory_space<vmem>>, vector<1x1x16xf32>,
      %get3A_2435 = vector.shape_cast %get3A_2434 : vector<1x1x16xf32> to vector<16xf32>
      %swap3A_2436 = arith.index_cast %rem3A_1625 : i32 to index
      %swap3A_2437 = arith.constant 560 : index
      %swap3A_2438 = tpu.vector_load %arg9[%swap3A_2436, %swap3A_2437] {strides = array<i32>} : memref<2x1024xf32, #tpu.memory_space<vmem>>, vector<1x16xf32>,
      %swap3A_2439 = vector.shape_cast %swap3A_2438 : vector<1x16xf32> to vector<16xf32>
      %swap3A_2440 = vector.shape_cast %get3A_2435 : vector<16xf32> to vector<1x16xf32>
      tpu.vector_store %arg9[%swap3A_2436, %swap3A_2437], %swap3A_2440 {strides = array<i32>} : memref<2x1024xf32, #tpu.memory_space<vmem>>, vector<1x16xf32>,
      %slice3A_2441 = vector.extract_strided_slice %get3A_1623 {offsets = [8], sizes = [1], strides = [1]} : vector<16xi32> to vector<1xi32>
      %squeeze3A_2442 = vector.extract %slice3A_2441[0] : i32 from vector<1xi32>
      %shift_right_arithmetic3A_2443 = arith.constant 3 : i32
      %shift_right_arithmetic3A_2444 = arith.shrsi %squeeze3A_2442, %shift_right_arithmetic3A_2443 : i32
      %dma_start3A_2445 = arith.constant 8 : i32
      %dma_start3A_2446 = arith.constant 8 : i32
      %dma_start3A_2447 = arith.constant 0 : i32
      %dma_start3A_2448 = arith.constant 0 : i32
      %dma_start3A_2449 = tpu.memref_slice %arg8[%dma_start3A_2445, %dma_start3A_2447, %dma_start3A_2448] : memref<16x8x64xf32, #tpu.memory_space<vmem>> -> memref<1x8x64xf32, #tpu.memory_space<vmem>>
      %dma_start3A_2450 = tpu.memref_squeeze %dma_start3A_2449 : memref<1x8x64xf32, #tpu.memory_space<vmem>> -> memref<8x64xf32, #tpu.memory_space<vmem>>
      %dma_start3A_2451 = arith.constant 0 : i32
      %dma_start3A_2452 = arith.constant 0 : i32
      %dma_start3A_2453 = tpu.memref_slice %arg2[%shift_right_arithmetic3A_2444, %dma_start3A_2451, %dma_start3A_2452] : memref<125000x8x64xf32, #tpu.memory_space<hbm>> -> memref<1x8x64xf32, #tpu.memory_space<hbm>>
      %dma_start3A_2454 = tpu.memref_squeeze %dma_start3A_2453 : memref<1x8x64xf32, #tpu.memory_space<hbm>> -> memref<8x64xf32, #tpu.memory_space<hbm>>
      %dma_start3A_2455 = tpu.memref_slice %arg11[%dma_start3A_2446] : memref<16x!tpu.dma_semaphore, #tpu.memory_space<semaphore_mem>> -> memref<1x!tpu.dma_semaphore, #tpu.memory_space<semaphore_mem>>
      %dma_start3A_2456 = tpu.memref_squeeze %dma_start3A_2455 : memref<1x!tpu.dma_semaphore, #tpu.memory_space<semaphore_mem>> -> memref<!tpu.dma_semaphore, #tpu.memory_space<semaphore_mem>>
      %dma_start3A_2457 = arith.constant 0 : i32
      %dma_start3A_2458 = arith.constant 0 : i32
      %dma_start3A_2459 = tpu.memref_slice %arg8[%dma_start3A_2445, %dma_start3A_2457, %dma_start3A_2458] : memref<16x8x64xf32, #tpu.memory_space<vmem>> -> memref<1x8x64xf32, #tpu.memory_space<vmem>>
      %dma_start3A_2460 = tpu.memref_squeeze %dma_start3A_2459 : memref<1x8x64xf32, #tpu.memory_space<vmem>> -> memref<8x64xf32, #tpu.memory_space<vmem>>
      %dma_start3A_2461 = arith.constant 0 : i32
      %dma_start3A_2462 = arith.constant 0 : i32
      %dma_start3A_2463 = tpu.memref_slice %arg2[%shift_right_arithmetic3A_2444, %dma_start3A_2461, %dma_start3A_2462] : memref<125000x8x64xf32, #tpu.memory_space<hbm>> -> memref<1x8x64xf32, #tpu.memory_space<hbm>>
      %dma_start3A_2464 = tpu.memref_squeeze %dma_start3A_2463 : memref<1x8x64xf32, #tpu.memory_space<hbm>> -> memref<8x64xf32, #tpu.memory_space<hbm>>
      tpu.enqueue_dma source(%dma_start3A_2464 : memref<8x64xf32, #tpu.memory_space<hbm>>) target(%dma_start3A_2460 : memref<8x64xf32, #tpu.memory_space<vmem>>) target_semaphore(%dma_start3A_2456 : memref<!tpu.dma_semaphore, #tpu.memory_space<semaphore_mem>>)
      %slice3A_2465 = vector.extract_strided_slice %scan3A_1618 {offsets = [9], sizes = [1], strides = [1]} : vector<16xi32> to vector<1xi32>
      %squeeze3A_2466 = vector.extract %slice3A_2465[0] : i32 from vector<1xi32>
      %dma_wait3A_2467 = arith.constant 0 : i32
      %dma_wait3A_2468 = arith.constant 9 : i32
      %dma_wait3A_2469 = arith.constant 9 : i32
      %dma_wait3A_2470 = arith.constant 0 : i32
      %dma_wait3A_2471 = arith.constant 0 : i32
      %dma_wait3A_2472 = tpu.memref_slice %arg8[%dma_wait3A_2468, %dma_wait3A_2470, %dma_wait3A_2471] : memref<16x8x64xf32, #tpu.memory_space<vmem>> -> memref<1x8x64xf32, #tpu.memory_space<vmem>>
      %dma_wait3A_2473 = tpu.memref_squeeze %dma_wait3A_2472 : memref<1x8x64xf32, #tpu.memory_space<vmem>> -> memref<8x64xf32, #tpu.memory_space<vmem>>
      %dma_wait3A_2474 = arith.constant 0 : i32
      %dma_wait3A_2475 = arith.constant 0 : i32
      %dma_wait3A_2476 = tpu.memref_slice %arg2[%dma_wait3A_2467, %dma_wait3A_2474, %dma_wait3A_2475] : memref<125000x8x64xf32, #tpu.memory_space<hbm>> -> memref<1x8x64xf32, #tpu.memory_space<hbm>>
      %dma_wait3A_2477 = tpu.memref_squeeze %dma_wait3A_2476 : memref<1x8x64xf32, #tpu.memory_space<hbm>> -> memref<8x64xf32, #tpu.memory_space<hbm>>
      %dma_wait3A_2478 = tpu.memref_slice %arg11[%dma_wait3A_2469] : memref<16x!tpu.dma_semaphore, #tpu.memory_space<semaphore_mem>> -> memref<1x!tpu.dma_semaphore, #tpu.memory_space<semaphore_mem>>
      %dma_wait3A_2479 = tpu.memref_squeeze %dma_wait3A_2478 : memref<1x!tpu.dma_semaphore, #tpu.memory_space<semaphore_mem>> -> memref<!tpu.dma_semaphore, #tpu.memory_space<semaphore_mem>>
      %dma_wait3A_2480 = arith.constant 0 : i32
      %dma_wait3A_2481 = arith.constant 0 : i32
      %dma_wait3A_2482 = tpu.memref_slice %arg8[%dma_wait3A_2468, %dma_wait3A_2480, %dma_wait3A_2481] : memref<16x8x64xf32, #tpu.memory_space<vmem>> -> memref<1x8x64xf32, #tpu.memory_space<vmem>>
      %dma_wait3A_2483 = tpu.memref_squeeze %dma_wait3A_2482 : memref<1x8x64xf32, #tpu.memory_space<vmem>> -> memref<8x64xf32, #tpu.memory_space<vmem>>
      %dma_wait3A_2484 = arith.constant 0 : i32
      %dma_wait3A_2485 = arith.constant 0 : i32
      %dma_wait3A_2486 = tpu.memref_slice %arg2[%dma_wait3A_2467, %dma_wait3A_2484, %dma_wait3A_2485] : memref<125000x8x64xf32, #tpu.memory_space<hbm>> -> memref<1x8x64xf32, #tpu.memory_space<hbm>>
      %dma_wait3A_2487 = tpu.memref_squeeze %dma_wait3A_2486 : memref<1x8x64xf32, #tpu.memory_space<hbm>> -> memref<8x64xf32, #tpu.memory_space<hbm>>
      tpu.wait_dma2 semaphore(%dma_wait3A_2479 : memref<!tpu.dma_semaphore, #tpu.memory_space<semaphore_mem>>) src(%dma_wait3A_2487 : memref<8x64xf32, #tpu.memory_space<hbm>>) dst(%dma_wait3A_2483 : memref<8x64xf32, #tpu.memory_space<vmem>>)
      %and3A_2488 = arith.constant 7 : i32
      %and3A_2489 = arith.andi %squeeze3A_2466, %and3A_2488 : i32
      %get3A_2490 = arith.constant 9 : i32
      %get3A_2491 = arith.index_cast %get3A_2490 : i32 to index
      %get3A_2492 = arith.index_cast %and3A_2489 : i32 to index
      %get3A_2493 = arith.constant 0 : index
      %get3A_2494 = tpu.vector_load %arg8[%get3A_2491, %get3A_2492, %get3A_2493] {strides = array<i32>} : memref<16x8x64xf32, #tpu.memory_space<vmem>>, vector<1x1x16xf32>,
      %get3A_2495 = vector.shape_cast %get3A_2494 : vector<1x1x16xf32> to vector<16xf32>
      %swap3A_2496 = arith.index_cast %rem3A_1625 : i32 to index
      %swap3A_2497 = arith.constant 576 : index
      %swap3A_2498 = tpu.vector_load %arg9[%swap3A_2496, %swap3A_2497] {strides = array<i32>} : memref<2x1024xf32, #tpu.memory_space<vmem>>, vector<1x16xf32>,
      %swap3A_2499 = vector.shape_cast %swap3A_2498 : vector<1x16xf32> to vector<16xf32>
      %swap3A_2500 = vector.shape_cast %get3A_2495 : vector<16xf32> to vector<1x16xf32>
      tpu.vector_store %arg9[%swap3A_2496, %swap3A_2497], %swap3A_2500 {strides = array<i32>} : memref<2x1024xf32, #tpu.memory_space<vmem>>, vector<1x16xf32>,
      %get3A_2501 = arith.constant 9 : i32
      %get3A_2502 = arith.index_cast %get3A_2501 : i32 to index
      %get3A_2503 = arith.index_cast %and3A_2489 : i32 to index
      %get3A_2504 = arith.constant 16 : index
      %get3A_2505 = tpu.vector_load %arg8[%get3A_2502, %get3A_2503, %get3A_2504] {strides = array<i32>} : memref<16x8x64xf32, #tpu.memory_space<vmem>>, vector<1x1x16xf32>,
      %get3A_2506 = vector.shape_cast %get3A_2505 : vector<1x1x16xf32> to vector<16xf32>
      %swap3A_2507 = arith.index_cast %rem3A_1625 : i32 to index
      %swap3A_2508 = arith.constant 592 : index
      %swap3A_2509 = tpu.vector_load %arg9[%swap3A_2507, %swap3A_2508] {strides = array<i32>} : memref<2x1024xf32, #tpu.memory_space<vmem>>, vector<1x16xf32>,
      %swap3A_2510 = vector.shape_cast %swap3A_2509 : vector<1x16xf32> to vector<16xf32>
      %swap3A_2511 = vector.shape_cast %get3A_2506 : vector<16xf32> to vector<1x16xf32>
      tpu.vector_store %arg9[%swap3A_2507, %swap3A_2508], %swap3A_2511 {strides = array<i32>} : memref<2x1024xf32, #tpu.memory_space<vmem>>, vector<1x16xf32>,
      %get3A_2512 = arith.constant 9 : i32
      %get3A_2513 = arith.index_cast %get3A_2512 : i32 to index
      %get3A_2514 = arith.index_cast %and3A_2489 : i32 to index
      %get3A_2515 = arith.constant 32 : index
      %get3A_2516 = tpu.vector_load %arg8[%get3A_2513, %get3A_2514, %get3A_2515] {strides = array<i32>} : memref<16x8x64xf32, #tpu.memory_space<vmem>>, vector<1x1x16xf32>,
      %get3A_2517 = vector.shape_cast %get3A_2516 : vector<1x1x16xf32> to vector<16xf32>
      %swap3A_2518 = arith.index_cast %rem3A_1625 : i32 to index
      %swap3A_2519 = arith.constant 608 : index
      %swap3A_2520 = tpu.vector_load %arg9[%swap3A_2518, %swap3A_2519] {strides = array<i32>} : memref<2x1024xf32, #tpu.memory_space<vmem>>, vector<1x16xf32>,
      %swap3A_2521 = vector.shape_cast %swap3A_2520 : vector<1x16xf32> to vector<16xf32>
      %swap3A_2522 = vector.shape_cast %get3A_2517 : vector<16xf32> to vector<1x16xf32>
      tpu.vector_store %arg9[%swap3A_2518, %swap3A_2519], %swap3A_2522 {strides = array<i32>} : memref<2x1024xf32, #tpu.memory_space<vmem>>, vector<1x16xf32>,
      %get3A_2523 = arith.constant 9 : i32
      %get3A_2524 = arith.index_cast %get3A_2523 : i32 to index
      %get3A_2525 = arith.index_cast %and3A_2489 : i32 to index
      %get3A_2526 = arith.constant 48 : index
      %get3A_2527 = tpu.vector_load %arg8[%get3A_2524, %get3A_2525, %get3A_2526] {strides = array<i32>} : memref<16x8x64xf32, #tpu.memory_space<vmem>>, vector<1x1x16xf32>,
      %get3A_2528 = vector.shape_cast %get3A_2527 : vector<1x1x16xf32> to vector<16xf32>
      %swap3A_2529 = arith.index_cast %rem3A_1625 : i32 to index
      %swap3A_2530 = arith.constant 624 : index
      %swap3A_2531 = tpu.vector_load %arg9[%swap3A_2529, %swap3A_2530] {strides = array<i32>} : memref<2x1024xf32, #tpu.memory_space<vmem>>, vector<1x16xf32>,
      %swap3A_2532 = vector.shape_cast %swap3A_2531 : vector<1x16xf32> to vector<16xf32>
      %swap3A_2533 = vector.shape_cast %get3A_2528 : vector<16xf32> to vector<1x16xf32>
      tpu.vector_store %arg9[%swap3A_2529, %swap3A_2530], %swap3A_2533 {strides = array<i32>} : memref<2x1024xf32, #tpu.memory_space<vmem>>, vector<1x16xf32>,
      %slice3A_2534 = vector.extract_strided_slice %get3A_1623 {offsets = [9], sizes = [1], strides = [1]} : vector<16xi32> to vector<1xi32>
      %squeeze3A_2535 = vector.extract %slice3A_2534[0] : i32 from vector<1xi32>
      %shift_right_arithmetic3A_2536 = arith.constant 3 : i32
      %shift_right_arithmetic3A_2537 = arith.shrsi %squeeze3A_2535, %shift_right_arithmetic3A_2536 : i32
      %dma_start3A_2538 = arith.constant 9 : i32
      %dma_start3A_2539 = arith.constant 9 : i32
      %dma_start3A_2540 = arith.constant 0 : i32
      %dma_start3A_2541 = arith.constant 0 : i32
      %dma_start3A_2542 = tpu.memref_slice %arg8[%dma_start3A_2538, %dma_start3A_2540, %dma_start3A_2541] : memref<16x8x64xf32, #tpu.memory_space<vmem>> -> memref<1x8x64xf32, #tpu.memory_space<vmem>>
      %dma_start3A_2543 = tpu.memref_squeeze %dma_start3A_2542 : memref<1x8x64xf32, #tpu.memory_space<vmem>> -> memref<8x64xf32, #tpu.memory_space<vmem>>
      %dma_start3A_2544 = arith.constant 0 : i32
      %dma_start3A_2545 = arith.constant 0 : i32
      %dma_start3A_2546 = tpu.memref_slice %arg2[%shift_right_arithmetic3A_2537, %dma_start3A_2544, %dma_start3A_2545] : memref<125000x8x64xf32, #tpu.memory_space<hbm>> -> memref<1x8x64xf32, #tpu.memory_space<hbm>>
      %dma_start3A_2547 = tpu.memref_squeeze %dma_start3A_2546 : memref<1x8x64xf32, #tpu.memory_space<hbm>> -> memref<8x64xf32, #tpu.memory_space<hbm>>
      %dma_start3A_2548 = tpu.memref_slice %arg11[%dma_start3A_2539] : memref<16x!tpu.dma_semaphore, #tpu.memory_space<semaphore_mem>> -> memref<1x!tpu.dma_semaphore, #tpu.memory_space<semaphore_mem>>
      %dma_start3A_2549 = tpu.memref_squeeze %dma_start3A_2548 : memref<1x!tpu.dma_semaphore, #tpu.memory_space<semaphore_mem>> -> memref<!tpu.dma_semaphore, #tpu.memory_space<semaphore_mem>>
      %dma_start3A_2550 = arith.constant 0 : i32
      %dma_start3A_2551 = arith.constant 0 : i32
      %dma_start3A_2552 = tpu.memref_slice %arg8[%dma_start3A_2538, %dma_start3A_2550, %dma_start3A_2551] : memref<16x8x64xf32, #tpu.memory_space<vmem>> -> memref<1x8x64xf32, #tpu.memory_space<vmem>>
      %dma_start3A_2553 = tpu.memref_squeeze %dma_start3A_2552 : memref<1x8x64xf32, #tpu.memory_space<vmem>> -> memref<8x64xf32, #tpu.memory_space<vmem>>
      %dma_start3A_2554 = arith.constant 0 : i32
      %dma_start3A_2555 = arith.constant 0 : i32
      %dma_start3A_2556 = tpu.memref_slice %arg2[%shift_right_arithmetic3A_2537, %dma_start3A_2554, %dma_start3A_2555] : memref<125000x8x64xf32, #tpu.memory_space<hbm>> -> memref<1x8x64xf32, #tpu.memory_space<hbm>>
      %dma_start3A_2557 = tpu.memref_squeeze %dma_start3A_2556 : memref<1x8x64xf32, #tpu.memory_space<hbm>> -> memref<8x64xf32, #tpu.memory_space<hbm>>
      tpu.enqueue_dma source(%dma_start3A_2557 : memref<8x64xf32, #tpu.memory_space<hbm>>) target(%dma_start3A_2553 : memref<8x64xf32, #tpu.memory_space<vmem>>) target_semaphore(%dma_start3A_2549 : memref<!tpu.dma_semaphore, #tpu.memory_space<semaphore_mem>>)
      %slice3A_2558 = vector.extract_strided_slice %scan3A_1618 {offsets = [10], sizes = [1], strides = [1]} : vector<16xi32> to vector<1xi32>
      %squeeze3A_2559 = vector.extract %slice3A_2558[0] : i32 from vector<1xi32>
      %dma_wait3A_2560 = arith.constant 0 : i32
      %dma_wait3A_2561 = arith.constant 10 : i32
      %dma_wait3A_2562 = arith.constant 10 : i32
      %dma_wait3A_2563 = arith.constant 0 : i32
      %dma_wait3A_2564 = arith.constant 0 : i32
      %dma_wait3A_2565 = tpu.memref_slice %arg8[%dma_wait3A_2561, %dma_wait3A_2563, %dma_wait3A_2564] : memref<16x8x64xf32, #tpu.memory_space<vmem>> -> memref<1x8x64xf32, #tpu.memory_space<vmem>>
      %dma_wait3A_2566 = tpu.memref_squeeze %dma_wait3A_2565 : memref<1x8x64xf32, #tpu.memory_space<vmem>> -> memref<8x64xf32, #tpu.memory_space<vmem>>
      %dma_wait3A_2567 = arith.constant 0 : i32
      %dma_wait3A_2568 = arith.constant 0 : i32
      %dma_wait3A_2569 = tpu.memref_slice %arg2[%dma_wait3A_2560, %dma_wait3A_2567, %dma_wait3A_2568] : memref<125000x8x64xf32, #tpu.memory_space<hbm>> -> memref<1x8x64xf32, #tpu.memory_space<hbm>>
      %dma_wait3A_2570 = tpu.memref_squeeze %dma_wait3A_2569 : memref<1x8x64xf32, #tpu.memory_space<hbm>> -> memref<8x64xf32, #tpu.memory_space<hbm>>
      %dma_wait3A_2571 = tpu.memref_slice %arg11[%dma_wait3A_2562] : memref<16x!tpu.dma_semaphore, #tpu.memory_space<semaphore_mem>> -> memref<1x!tpu.dma_semaphore, #tpu.memory_space<semaphore_mem>>
      %dma_wait3A_2572 = tpu.memref_squeeze %dma_wait3A_2571 : memref<1x!tpu.dma_semaphore, #tpu.memory_space<semaphore_mem>> -> memref<!tpu.dma_semaphore, #tpu.memory_space<semaphore_mem>>
      %dma_wait3A_2573 = arith.constant 0 : i32
      %dma_wait3A_2574 = arith.constant 0 : i32
      %dma_wait3A_2575 = tpu.memref_slice %arg8[%dma_wait3A_2561, %dma_wait3A_2573, %dma_wait3A_2574] : memref<16x8x64xf32, #tpu.memory_space<vmem>> -> memref<1x8x64xf32, #tpu.memory_space<vmem>>
      %dma_wait3A_2576 = tpu.memref_squeeze %dma_wait3A_2575 : memref<1x8x64xf32, #tpu.memory_space<vmem>> -> memref<8x64xf32, #tpu.memory_space<vmem>>
      %dma_wait3A_2577 = arith.constant 0 : i32
      %dma_wait3A_2578 = arith.constant 0 : i32
      %dma_wait3A_2579 = tpu.memref_slice %arg2[%dma_wait3A_2560, %dma_wait3A_2577, %dma_wait3A_2578] : memref<125000x8x64xf32, #tpu.memory_space<hbm>> -> memref<1x8x64xf32, #tpu.memory_space<hbm>>
      %dma_wait3A_2580 = tpu.memref_squeeze %dma_wait3A_2579 : memref<1x8x64xf32, #tpu.memory_space<hbm>> -> memref<8x64xf32, #tpu.memory_space<hbm>>
      tpu.wait_dma2 semaphore(%dma_wait3A_2572 : memref<!tpu.dma_semaphore, #tpu.memory_space<semaphore_mem>>) src(%dma_wait3A_2580 : memref<8x64xf32, #tpu.memory_space<hbm>>) dst(%dma_wait3A_2576 : memref<8x64xf32, #tpu.memory_space<vmem>>)
      %and3A_2581 = arith.constant 7 : i32
      %and3A_2582 = arith.andi %squeeze3A_2559, %and3A_2581 : i32
      %get3A_2583 = arith.constant 10 : i32
      %get3A_2584 = arith.index_cast %get3A_2583 : i32 to index
      %get3A_2585 = arith.index_cast %and3A_2582 : i32 to index
      %get3A_2586 = arith.constant 0 : index
      %get3A_2587 = tpu.vector_load %arg8[%get3A_2584, %get3A_2585, %get3A_2586] {strides = array<i32>} : memref<16x8x64xf32, #tpu.memory_space<vmem>>, vector<1x1x16xf32>,
      %get3A_2588 = vector.shape_cast %get3A_2587 : vector<1x1x16xf32> to vector<16xf32>
      %swap3A_2589 = arith.index_cast %rem3A_1625 : i32 to index
      %swap3A_2590 = arith.constant 640 : index
      %swap3A_2591 = tpu.vector_load %arg9[%swap3A_2589, %swap3A_2590] {strides = array<i32>} : memref<2x1024xf32, #tpu.memory_space<vmem>>, vector<1x16xf32>,
      %swap3A_2592 = vector.shape_cast %swap3A_2591 : vector<1x16xf32> to vector<16xf32>
      %swap3A_2593 = vector.shape_cast %get3A_2588 : vector<16xf32> to vector<1x16xf32>
      tpu.vector_store %arg9[%swap3A_2589, %swap3A_2590], %swap3A_2593 {strides = array<i32>} : memref<2x1024xf32, #tpu.memory_space<vmem>>, vector<1x16xf32>,
      %get3A_2594 = arith.constant 10 : i32
      %get3A_2595 = arith.index_cast %get3A_2594 : i32 to index
      %get3A_2596 = arith.index_cast %and3A_2582 : i32 to index
      %get3A_2597 = arith.constant 16 : index
      %get3A_2598 = tpu.vector_load %arg8[%get3A_2595, %get3A_2596, %get3A_2597] {strides = array<i32>} : memref<16x8x64xf32, #tpu.memory_space<vmem>>, vector<1x1x16xf32>,
      %get3A_2599 = vector.shape_cast %get3A_2598 : vector<1x1x16xf32> to vector<16xf32>
      %swap3A_2600 = arith.index_cast %rem3A_1625 : i32 to index
      %swap3A_2601 = arith.constant 656 : index
      %swap3A_2602 = tpu.vector_load %arg9[%swap3A_2600, %swap3A_2601] {strides = array<i32>} : memref<2x1024xf32, #tpu.memory_space<vmem>>, vector<1x16xf32>,
      %swap3A_2603 = vector.shape_cast %swap3A_2602 : vector<1x16xf32> to vector<16xf32>
      %swap3A_2604 = vector.shape_cast %get3A_2599 : vector<16xf32> to vector<1x16xf32>
      tpu.vector_store %arg9[%swap3A_2600, %swap3A_2601], %swap3A_2604 {strides = array<i32>} : memref<2x1024xf32, #tpu.memory_space<vmem>>, vector<1x16xf32>,
      %get3A_2605 = arith.constant 10 : i32
      %get3A_2606 = arith.index_cast %get3A_2605 : i32 to index
      %get3A_2607 = arith.index_cast %and3A_2582 : i32 to index
      %get3A_2608 = arith.constant 32 : index
      %get3A_2609 = tpu.vector_load %arg8[%get3A_2606, %get3A_2607, %get3A_2608] {strides = array<i32>} : memref<16x8x64xf32, #tpu.memory_space<vmem>>, vector<1x1x16xf32>,
      %get3A_2610 = vector.shape_cast %get3A_2609 : vector<1x1x16xf32> to vector<16xf32>
      %swap3A_2611 = arith.index_cast %rem3A_1625 : i32 to index
      %swap3A_2612 = arith.constant 672 : index
      %swap3A_2613 = tpu.vector_load %arg9[%swap3A_2611, %swap3A_2612] {strides = array<i32>} : memref<2x1024xf32, #tpu.memory_space<vmem>>, vector<1x16xf32>,
      %swap3A_2614 = vector.shape_cast %swap3A_2613 : vector<1x16xf32> to vector<16xf32>
      %swap3A_2615 = vector.shape_cast %get3A_2610 : vector<16xf32> to vector<1x16xf32>
      tpu.vector_store %arg9[%swap3A_2611, %swap3A_2612], %swap3A_2615 {strides = array<i32>} : memref<2x1024xf32, #tpu.memory_space<vmem>>, vector<1x16xf32>,
      %get3A_2616 = arith.constant 10 : i32
      %get3A_2617 = arith.index_cast %get3A_2616 : i32 to index
      %get3A_2618 = arith.index_cast %and3A_2582 : i32 to index
      %get3A_2619 = arith.constant 48 : index
      %get3A_2620 = tpu.vector_load %arg8[%get3A_2617, %get3A_2618, %get3A_2619] {strides = array<i32>} : memref<16x8x64xf32, #tpu.memory_space<vmem>>, vector<1x1x16xf32>,
      %get3A_2621 = vector.shape_cast %get3A_2620 : vector<1x1x16xf32> to vector<16xf32>
      %swap3A_2622 = arith.index_cast %rem3A_1625 : i32 to index
      %swap3A_2623 = arith.constant 688 : index
      %swap3A_2624 = tpu.vector_load %arg9[%swap3A_2622, %swap3A_2623] {strides = array<i32>} : memref<2x1024xf32, #tpu.memory_space<vmem>>, vector<1x16xf32>,
      %swap3A_2625 = vector.shape_cast %swap3A_2624 : vector<1x16xf32> to vector<16xf32>
      %swap3A_2626 = vector.shape_cast %get3A_2621 : vector<16xf32> to vector<1x16xf32>
      tpu.vector_store %arg9[%swap3A_2622, %swap3A_2623], %swap3A_2626 {strides = array<i32>} : memref<2x1024xf32, #tpu.memory_space<vmem>>, vector<1x16xf32>,
      %slice3A_2627 = vector.extract_strided_slice %get3A_1623 {offsets = [10], sizes = [1], strides = [1]} : vector<16xi32> to vector<1xi32>
      %squeeze3A_2628 = vector.extract %slice3A_2627[0] : i32 from vector<1xi32>
      %shift_right_arithmetic3A_2629 = arith.constant 3 : i32
      %shift_right_arithmetic3A_2630 = arith.shrsi %squeeze3A_2628, %shift_right_arithmetic3A_2629 : i32
      %dma_start3A_2631 = arith.constant 10 : i32
      %dma_start3A_2632 = arith.constant 10 : i32
      %dma_start3A_2633 = arith.constant 0 : i32
      %dma_start3A_2634 = arith.constant 0 : i32
      %dma_start3A_2635 = tpu.memref_slice %arg8[%dma_start3A_2631, %dma_start3A_2633, %dma_start3A_2634] : memref<16x8x64xf32, #tpu.memory_space<vmem>> -> memref<1x8x64xf32, #tpu.memory_space<vmem>>
      %dma_start3A_2636 = tpu.memref_squeeze %dma_start3A_2635 : memref<1x8x64xf32, #tpu.memory_space<vmem>> -> memref<8x64xf32, #tpu.memory_space<vmem>>
      %dma_start3A_2637 = arith.constant 0 : i32
      %dma_start3A_2638 = arith.constant 0 : i32
      %dma_start3A_2639 = tpu.memref_slice %arg2[%shift_right_arithmetic3A_2630, %dma_start3A_2637, %dma_start3A_2638] : memref<125000x8x64xf32, #tpu.memory_space<hbm>> -> memref<1x8x64xf32, #tpu.memory_space<hbm>>
      %dma_start3A_2640 = tpu.memref_squeeze %dma_start3A_2639 : memref<1x8x64xf32, #tpu.memory_space<hbm>> -> memref<8x64xf32, #tpu.memory_space<hbm>>
      %dma_start3A_2641 = tpu.memref_slice %arg11[%dma_start3A_2632] : memref<16x!tpu.dma_semaphore, #tpu.memory_space<semaphore_mem>> -> memref<1x!tpu.dma_semaphore, #tpu.memory_space<semaphore_mem>>
      %dma_start3A_2642 = tpu.memref_squeeze %dma_start3A_2641 : memref<1x!tpu.dma_semaphore, #tpu.memory_space<semaphore_mem>> -> memref<!tpu.dma_semaphore, #tpu.memory_space<semaphore_mem>>
      %dma_start3A_2643 = arith.constant 0 : i32
      %dma_start3A_2644 = arith.constant 0 : i32
      %dma_start3A_2645 = tpu.memref_slice %arg8[%dma_start3A_2631, %dma_start3A_2643, %dma_start3A_2644] : memref<16x8x64xf32, #tpu.memory_space<vmem>> -> memref<1x8x64xf32, #tpu.memory_space<vmem>>
      %dma_start3A_2646 = tpu.memref_squeeze %dma_start3A_2645 : memref<1x8x64xf32, #tpu.memory_space<vmem>> -> memref<8x64xf32, #tpu.memory_space<vmem>>
      %dma_start3A_2647 = arith.constant 0 : i32
      %dma_start3A_2648 = arith.constant 0 : i32
      %dma_start3A_2649 = tpu.memref_slice %arg2[%shift_right_arithmetic3A_2630, %dma_start3A_2647, %dma_start3A_2648] : memref<125000x8x64xf32, #tpu.memory_space<hbm>> -> memref<1x8x64xf32, #tpu.memory_space<hbm>>
      %dma_start3A_2650 = tpu.memref_squeeze %dma_start3A_2649 : memref<1x8x64xf32, #tpu.memory_space<hbm>> -> memref<8x64xf32, #tpu.memory_space<hbm>>
      tpu.enqueue_dma source(%dma_start3A_2650 : memref<8x64xf32, #tpu.memory_space<hbm>>) target(%dma_start3A_2646 : memref<8x64xf32, #tpu.memory_space<vmem>>) target_semaphore(%dma_start3A_2642 : memref<!tpu.dma_semaphore, #tpu.memory_space<semaphore_mem>>)
      %slice3A_2651 = vector.extract_strided_slice %scan3A_1618 {offsets = [11], sizes = [1], strides = [1]} : vector<16xi32> to vector<1xi32>
      %squeeze3A_2652 = vector.extract %slice3A_2651[0] : i32 from vector<1xi32>
      %dma_wait3A_2653 = arith.constant 0 : i32
      %dma_wait3A_2654 = arith.constant 11 : i32
      %dma_wait3A_2655 = arith.constant 11 : i32
      %dma_wait3A_2656 = arith.constant 0 : i32
      %dma_wait3A_2657 = arith.constant 0 : i32
      %dma_wait3A_2658 = tpu.memref_slice %arg8[%dma_wait3A_2654, %dma_wait3A_2656, %dma_wait3A_2657] : memref<16x8x64xf32, #tpu.memory_space<vmem>> -> memref<1x8x64xf32, #tpu.memory_space<vmem>>
      %dma_wait3A_2659 = tpu.memref_squeeze %dma_wait3A_2658 : memref<1x8x64xf32, #tpu.memory_space<vmem>> -> memref<8x64xf32, #tpu.memory_space<vmem>>
      %dma_wait3A_2660 = arith.constant 0 : i32
      %dma_wait3A_2661 = arith.constant 0 : i32
      %dma_wait3A_2662 = tpu.memref_slice %arg2[%dma_wait3A_2653, %dma_wait3A_2660, %dma_wait3A_2661] : memref<125000x8x64xf32, #tpu.memory_space<hbm>> -> memref<1x8x64xf32, #tpu.memory_space<hbm>>
      %dma_wait3A_2663 = tpu.memref_squeeze %dma_wait3A_2662 : memref<1x8x64xf32, #tpu.memory_space<hbm>> -> memref<8x64xf32, #tpu.memory_space<hbm>>
      %dma_wait3A_2664 = tpu.memref_slice %arg11[%dma_wait3A_2655] : memref<16x!tpu.dma_semaphore, #tpu.memory_space<semaphore_mem>> -> memref<1x!tpu.dma_semaphore, #tpu.memory_space<semaphore_mem>>
      %dma_wait3A_2665 = tpu.memref_squeeze %dma_wait3A_2664 : memref<1x!tpu.dma_semaphore, #tpu.memory_space<semaphore_mem>> -> memref<!tpu.dma_semaphore, #tpu.memory_space<semaphore_mem>>
      %dma_wait3A_2666 = arith.constant 0 : i32
      %dma_wait3A_2667 = arith.constant 0 : i32
      %dma_wait3A_2668 = tpu.memref_slice %arg8[%dma_wait3A_2654, %dma_wait3A_2666, %dma_wait3A_2667] : memref<16x8x64xf32, #tpu.memory_space<vmem>> -> memref<1x8x64xf32, #tpu.memory_space<vmem>>
      %dma_wait3A_2669 = tpu.memref_squeeze %dma_wait3A_2668 : memref<1x8x64xf32, #tpu.memory_space<vmem>> -> memref<8x64xf32, #tpu.memory_space<vmem>>
      %dma_wait3A_2670 = arith.constant 0 : i32
      %dma_wait3A_2671 = arith.constant 0 : i32
      %dma_wait3A_2672 = tpu.memref_slice %arg2[%dma_wait3A_2653, %dma_wait3A_2670, %dma_wait3A_2671] : memref<125000x8x64xf32, #tpu.memory_space<hbm>> -> memref<1x8x64xf32, #tpu.memory_space<hbm>>
      %dma_wait3A_2673 = tpu.memref_squeeze %dma_wait3A_2672 : memref<1x8x64xf32, #tpu.memory_space<hbm>> -> memref<8x64xf32, #tpu.memory_space<hbm>>
      tpu.wait_dma2 semaphore(%dma_wait3A_2665 : memref<!tpu.dma_semaphore, #tpu.memory_space<semaphore_mem>>) src(%dma_wait3A_2673 : memref<8x64xf32, #tpu.memory_space<hbm>>) dst(%dma_wait3A_2669 : memref<8x64xf32, #tpu.memory_space<vmem>>)
      %and3A_2674 = arith.constant 7 : i32
      %and3A_2675 = arith.andi %squeeze3A_2652, %and3A_2674 : i32
      %get3A_2676 = arith.constant 11 : i32
      %get3A_2677 = arith.index_cast %get3A_2676 : i32 to index
      %get3A_2678 = arith.index_cast %and3A_2675 : i32 to index
      %get3A_2679 = arith.constant 0 : index
      %get3A_2680 = tpu.vector_load %arg8[%get3A_2677, %get3A_2678, %get3A_2679] {strides = array<i32>} : memref<16x8x64xf32, #tpu.memory_space<vmem>>, vector<1x1x16xf32>,
      %get3A_2681 = vector.shape_cast %get3A_2680 : vector<1x1x16xf32> to vector<16xf32>
      %swap3A_2682 = arith.index_cast %rem3A_1625 : i32 to index
      %swap3A_2683 = arith.constant 704 : index
      %swap3A_2684 = tpu.vector_load %arg9[%swap3A_2682, %swap3A_2683] {strides = array<i32>} : memref<2x1024xf32, #tpu.memory_space<vmem>>, vector<1x16xf32>,
      %swap3A_2685 = vector.shape_cast %swap3A_2684 : vector<1x16xf32> to vector<16xf32>
      %swap3A_2686 = vector.shape_cast %get3A_2681 : vector<16xf32> to vector<1x16xf32>
      tpu.vector_store %arg9[%swap3A_2682, %swap3A_2683], %swap3A_2686 {strides = array<i32>} : memref<2x1024xf32, #tpu.memory_space<vmem>>, vector<1x16xf32>,
      %get3A_2687 = arith.constant 11 : i32
      %get3A_2688 = arith.index_cast %get3A_2687 : i32 to index
      %get3A_2689 = arith.index_cast %and3A_2675 : i32 to index
      %get3A_2690 = arith.constant 16 : index
      %get3A_2691 = tpu.vector_load %arg8[%get3A_2688, %get3A_2689, %get3A_2690] {strides = array<i32>} : memref<16x8x64xf32, #tpu.memory_space<vmem>>, vector<1x1x16xf32>,
      %get3A_2692 = vector.shape_cast %get3A_2691 : vector<1x1x16xf32> to vector<16xf32>
      %swap3A_2693 = arith.index_cast %rem3A_1625 : i32 to index
      %swap3A_2694 = arith.constant 720 : index
      %swap3A_2695 = tpu.vector_load %arg9[%swap3A_2693, %swap3A_2694] {strides = array<i32>} : memref<2x1024xf32, #tpu.memory_space<vmem>>, vector<1x16xf32>,
      %swap3A_2696 = vector.shape_cast %swap3A_2695 : vector<1x16xf32> to vector<16xf32>
      %swap3A_2697 = vector.shape_cast %get3A_2692 : vector<16xf32> to vector<1x16xf32>
      tpu.vector_store %arg9[%swap3A_2693, %swap3A_2694], %swap3A_2697 {strides = array<i32>} : memref<2x1024xf32, #tpu.memory_space<vmem>>, vector<1x16xf32>,
      %get3A_2698 = arith.constant 11 : i32
      %get3A_2699 = arith.index_cast %get3A_2698 : i32 to index
      %get3A_2700 = arith.index_cast %and3A_2675 : i32 to index
      %get3A_2701 = arith.constant 32 : index
      %get3A_2702 = tpu.vector_load %arg8[%get3A_2699, %get3A_2700, %get3A_2701] {strides = array<i32>} : memref<16x8x64xf32, #tpu.memory_space<vmem>>, vector<1x1x16xf32>,
      %get3A_2703 = vector.shape_cast %get3A_2702 : vector<1x1x16xf32> to vector<16xf32>
      %swap3A_2704 = arith.index_cast %rem3A_1625 : i32 to index
      %swap3A_2705 = arith.constant 736 : index
      %swap3A_2706 = tpu.vector_load %arg9[%swap3A_2704, %swap3A_2705] {strides = array<i32>} : memref<2x1024xf32, #tpu.memory_space<vmem>>, vector<1x16xf32>,
      %swap3A_2707 = vector.shape_cast %swap3A_2706 : vector<1x16xf32> to vector<16xf32>
      %swap3A_2708 = vector.shape_cast %get3A_2703 : vector<16xf32> to vector<1x16xf32>
      tpu.vector_store %arg9[%swap3A_2704, %swap3A_2705], %swap3A_2708 {strides = array<i32>} : memref<2x1024xf32, #tpu.memory_space<vmem>>, vector<1x16xf32>,
      %get3A_2709 = arith.constant 11 : i32
      %get3A_2710 = arith.index_cast %get3A_2709 : i32 to index
      %get3A_2711 = arith.index_cast %and3A_2675 : i32 to index
      %get3A_2712 = arith.constant 48 : index
      %get3A_2713 = tpu.vector_load %arg8[%get3A_2710, %get3A_2711, %get3A_2712] {strides = array<i32>} : memref<16x8x64xf32, #tpu.memory_space<vmem>>, vector<1x1x16xf32>,
      %get3A_2714 = vector.shape_cast %get3A_2713 : vector<1x1x16xf32> to vector<16xf32>
      %swap3A_2715 = arith.index_cast %rem3A_1625 : i32 to index
      %swap3A_2716 = arith.constant 752 : index
      %swap3A_2717 = tpu.vector_load %arg9[%swap3A_2715, %swap3A_2716] {strides = array<i32>} : memref<2x1024xf32, #tpu.memory_space<vmem>>, vector<1x16xf32>,
      %swap3A_2718 = vector.shape_cast %swap3A_2717 : vector<1x16xf32> to vector<16xf32>
      %swap3A_2719 = vector.shape_cast %get3A_2714 : vector<16xf32> to vector<1x16xf32>
      tpu.vector_store %arg9[%swap3A_2715, %swap3A_2716], %swap3A_2719 {strides = array<i32>} : memref<2x1024xf32, #tpu.memory_space<vmem>>, vector<1x16xf32>,
      %slice3A_2720 = vector.extract_strided_slice %get3A_1623 {offsets = [11], sizes = [1], strides = [1]} : vector<16xi32> to vector<1xi32>
      %squeeze3A_2721 = vector.extract %slice3A_2720[0] : i32 from vector<1xi32>
      %shift_right_arithmetic3A_2722 = arith.constant 3 : i32
      %shift_right_arithmetic3A_2723 = arith.shrsi %squeeze3A_2721, %shift_right_arithmetic3A_2722 : i32
      %dma_start3A_2724 = arith.constant 11 : i32
      %dma_start3A_2725 = arith.constant 11 : i32
      %dma_start3A_2726 = arith.constant 0 : i32
      %dma_start3A_2727 = arith.constant 0 : i32
      %dma_start3A_2728 = tpu.memref_slice %arg8[%dma_start3A_2724, %dma_start3A_2726, %dma_start3A_2727] : memref<16x8x64xf32, #tpu.memory_space<vmem>> -> memref<1x8x64xf32, #tpu.memory_space<vmem>>
      %dma_start3A_2729 = tpu.memref_squeeze %dma_start3A_2728 : memref<1x8x64xf32, #tpu.memory_space<vmem>> -> memref<8x64xf32, #tpu.memory_space<vmem>>
      %dma_start3A_2730 = arith.constant 0 : i32
      %dma_start3A_2731 = arith.constant 0 : i32
      %dma_start3A_2732 = tpu.memref_slice %arg2[%shift_right_arithmetic3A_2723, %dma_start3A_2730, %dma_start3A_2731] : memref<125000x8x64xf32, #tpu.memory_space<hbm>> -> memref<1x8x64xf32, #tpu.memory_space<hbm>>
      %dma_start3A_2733 = tpu.memref_squeeze %dma_start3A_2732 : memref<1x8x64xf32, #tpu.memory_space<hbm>> -> memref<8x64xf32, #tpu.memory_space<hbm>>
      %dma_start3A_2734 = tpu.memref_slice %arg11[%dma_start3A_2725] : memref<16x!tpu.dma_semaphore, #tpu.memory_space<semaphore_mem>> -> memref<1x!tpu.dma_semaphore, #tpu.memory_space<semaphore_mem>>
      %dma_start3A_2735 = tpu.memref_squeeze %dma_start3A_2734 : memref<1x!tpu.dma_semaphore, #tpu.memory_space<semaphore_mem>> -> memref<!tpu.dma_semaphore, #tpu.memory_space<semaphore_mem>>
      %dma_start3A_2736 = arith.constant 0 : i32
      %dma_start3A_2737 = arith.constant 0 : i32
      %dma_start3A_2738 = tpu.memref_slice %arg8[%dma_start3A_2724, %dma_start3A_2736, %dma_start3A_2737] : memref<16x8x64xf32, #tpu.memory_space<vmem>> -> memref<1x8x64xf32, #tpu.memory_space<vmem>>
      %dma_start3A_2739 = tpu.memref_squeeze %dma_start3A_2738 : memref<1x8x64xf32, #tpu.memory_space<vmem>> -> memref<8x64xf32, #tpu.memory_space<vmem>>
      %dma_start3A_2740 = arith.constant 0 : i32
      %dma_start3A_2741 = arith.constant 0 : i32
      %dma_start3A_2742 = tpu.memref_slice %arg2[%shift_right_arithmetic3A_2723, %dma_start3A_2740, %dma_start3A_2741] : memref<125000x8x64xf32, #tpu.memory_space<hbm>> -> memref<1x8x64xf32, #tpu.memory_space<hbm>>
      %dma_start3A_2743 = tpu.memref_squeeze %dma_start3A_2742 : memref<1x8x64xf32, #tpu.memory_space<hbm>> -> memref<8x64xf32, #tpu.memory_space<hbm>>
      tpu.enqueue_dma source(%dma_start3A_2743 : memref<8x64xf32, #tpu.memory_space<hbm>>) target(%dma_start3A_2739 : memref<8x64xf32, #tpu.memory_space<vmem>>) target_semaphore(%dma_start3A_2735 : memref<!tpu.dma_semaphore, #tpu.memory_space<semaphore_mem>>)
      %slice3A_2744 = vector.extract_strided_slice %scan3A_1618 {offsets = [12], sizes = [1], strides = [1]} : vector<16xi32> to vector<1xi32>
      %squeeze3A_2745 = vector.extract %slice3A_2744[0] : i32 from vector<1xi32>
      %dma_wait3A_2746 = arith.constant 0 : i32
      %dma_wait3A_2747 = arith.constant 12 : i32
      %dma_wait3A_2748 = arith.constant 12 : i32
      %dma_wait3A_2749 = arith.constant 0 : i32
      %dma_wait3A_2750 = arith.constant 0 : i32
      %dma_wait3A_2751 = tpu.memref_slice %arg8[%dma_wait3A_2747, %dma_wait3A_2749, %dma_wait3A_2750] : memref<16x8x64xf32, #tpu.memory_space<vmem>> -> memref<1x8x64xf32, #tpu.memory_space<vmem>>
      %dma_wait3A_2752 = tpu.memref_squeeze %dma_wait3A_2751 : memref<1x8x64xf32, #tpu.memory_space<vmem>> -> memref<8x64xf32, #tpu.memory_space<vmem>>
      %dma_wait3A_2753 = arith.constant 0 : i32
      %dma_wait3A_2754 = arith.constant 0 : i32
      %dma_wait3A_2755 = tpu.memref_slice %arg2[%dma_wait3A_2746, %dma_wait3A_2753, %dma_wait3A_2754] : memref<125000x8x64xf32, #tpu.memory_space<hbm>> -> memref<1x8x64xf32, #tpu.memory_space<hbm>>
      %dma_wait3A_2756 = tpu.memref_squeeze %dma_wait3A_2755 : memref<1x8x64xf32, #tpu.memory_space<hbm>> -> memref<8x64xf32, #tpu.memory_space<hbm>>
      %dma_wait3A_2757 = tpu.memref_slice %arg11[%dma_wait3A_2748] : memref<16x!tpu.dma_semaphore, #tpu.memory_space<semaphore_mem>> -> memref<1x!tpu.dma_semaphore, #tpu.memory_space<semaphore_mem>>
      %dma_wait3A_2758 = tpu.memref_squeeze %dma_wait3A_2757 : memref<1x!tpu.dma_semaphore, #tpu.memory_space<semaphore_mem>> -> memref<!tpu.dma_semaphore, #tpu.memory_space<semaphore_mem>>
      %dma_wait3A_2759 = arith.constant 0 : i32
      %dma_wait3A_2760 = arith.constant 0 : i32
      %dma_wait3A_2761 = tpu.memref_slice %arg8[%dma_wait3A_2747, %dma_wait3A_2759, %dma_wait3A_2760] : memref<16x8x64xf32, #tpu.memory_space<vmem>> -> memref<1x8x64xf32, #tpu.memory_space<vmem>>
      %dma_wait3A_2762 = tpu.memref_squeeze %dma_wait3A_2761 : memref<1x8x64xf32, #tpu.memory_space<vmem>> -> memref<8x64xf32, #tpu.memory_space<vmem>>
      %dma_wait3A_2763 = arith.constant 0 : i32
      %dma_wait3A_2764 = arith.constant 0 : i32
      %dma_wait3A_2765 = tpu.memref_slice %arg2[%dma_wait3A_2746, %dma_wait3A_2763, %dma_wait3A_2764] : memref<125000x8x64xf32, #tpu.memory_space<hbm>> -> memref<1x8x64xf32, #tpu.memory_space<hbm>>
      %dma_wait3A_2766 = tpu.memref_squeeze %dma_wait3A_2765 : memref<1x8x64xf32, #tpu.memory_space<hbm>> -> memref<8x64xf32, #tpu.memory_space<hbm>>
      tpu.wait_dma2 semaphore(%dma_wait3A_2758 : memref<!tpu.dma_semaphore, #tpu.memory_space<semaphore_mem>>) src(%dma_wait3A_2766 : memref<8x64xf32, #tpu.memory_space<hbm>>) dst(%dma_wait3A_2762 : memref<8x64xf32, #tpu.memory_space<vmem>>)
      %and3A_2767 = arith.constant 7 : i32
      %and3A_2768 = arith.andi %squeeze3A_2745, %and3A_2767 : i32
      %get3A_2769 = arith.constant 12 : i32
      %get3A_2770 = arith.index_cast %get3A_2769 : i32 to index
      %get3A_2771 = arith.index_cast %and3A_2768 : i32 to index
      %get3A_2772 = arith.constant 0 : index
      %get3A_2773 = tpu.vector_load %arg8[%get3A_2770, %get3A_2771, %get3A_2772] {strides = array<i32>} : memref<16x8x64xf32, #tpu.memory_space<vmem>>, vector<1x1x16xf32>,
      %get3A_2774 = vector.shape_cast %get3A_2773 : vector<1x1x16xf32> to vector<16xf32>
      %swap3A_2775 = arith.index_cast %rem3A_1625 : i32 to index
      %swap3A_2776 = arith.constant 768 : index
      %swap3A_2777 = tpu.vector_load %arg9[%swap3A_2775, %swap3A_2776] {strides = array<i32>} : memref<2x1024xf32, #tpu.memory_space<vmem>>, vector<1x16xf32>,
      %swap3A_2778 = vector.shape_cast %swap3A_2777 : vector<1x16xf32> to vector<16xf32>
      %swap3A_2779 = vector.shape_cast %get3A_2774 : vector<16xf32> to vector<1x16xf32>
      tpu.vector_store %arg9[%swap3A_2775, %swap3A_2776], %swap3A_2779 {strides = array<i32>} : memref<2x1024xf32, #tpu.memory_space<vmem>>, vector<1x16xf32>,
      %get3A_2780 = arith.constant 12 : i32
      %get3A_2781 = arith.index_cast %get3A_2780 : i32 to index
      %get3A_2782 = arith.index_cast %and3A_2768 : i32 to index
      %get3A_2783 = arith.constant 16 : index
      %get3A_2784 = tpu.vector_load %arg8[%get3A_2781, %get3A_2782, %get3A_2783] {strides = array<i32>} : memref<16x8x64xf32, #tpu.memory_space<vmem>>, vector<1x1x16xf32>,
      %get3A_2785 = vector.shape_cast %get3A_2784 : vector<1x1x16xf32> to vector<16xf32>
      %swap3A_2786 = arith.index_cast %rem3A_1625 : i32 to index
      %swap3A_2787 = arith.constant 784 : index
      %swap3A_2788 = tpu.vector_load %arg9[%swap3A_2786, %swap3A_2787] {strides = array<i32>} : memref<2x1024xf32, #tpu.memory_space<vmem>>, vector<1x16xf32>,
      %swap3A_2789 = vector.shape_cast %swap3A_2788 : vector<1x16xf32> to vector<16xf32>
      %swap3A_2790 = vector.shape_cast %get3A_2785 : vector<16xf32> to vector<1x16xf32>
      tpu.vector_store %arg9[%swap3A_2786, %swap3A_2787], %swap3A_2790 {strides = array<i32>} : memref<2x1024xf32, #tpu.memory_space<vmem>>, vector<1x16xf32>,
      %get3A_2791 = arith.constant 12 : i32
      %get3A_2792 = arith.index_cast %get3A_2791 : i32 to index
      %get3A_2793 = arith.index_cast %and3A_2768 : i32 to index
      %get3A_2794 = arith.constant 32 : index
      %get3A_2795 = tpu.vector_load %arg8[%get3A_2792, %get3A_2793, %get3A_2794] {strides = array<i32>} : memref<16x8x64xf32, #tpu.memory_space<vmem>>, vector<1x1x16xf32>,
      %get3A_2796 = vector.shape_cast %get3A_2795 : vector<1x1x16xf32> to vector<16xf32>
      %swap3A_2797 = arith.index_cast %rem3A_1625 : i32 to index
      %swap3A_2798 = arith.constant 800 : index
      %swap3A_2799 = tpu.vector_load %arg9[%swap3A_2797, %swap3A_2798] {strides = array<i32>} : memref<2x1024xf32, #tpu.memory_space<vmem>>, vector<1x16xf32>,
      %swap3A_2800 = vector.shape_cast %swap3A_2799 : vector<1x16xf32> to vector<16xf32>
      %swap3A_2801 = vector.shape_cast %get3A_2796 : vector<16xf32> to vector<1x16xf32>
      tpu.vector_store %arg9[%swap3A_2797, %swap3A_2798], %swap3A_2801 {strides = array<i32>} : memref<2x1024xf32, #tpu.memory_space<vmem>>, vector<1x16xf32>,
      %get3A_2802 = arith.constant 12 : i32
      %get3A_2803 = arith.index_cast %get3A_2802 : i32 to index
      %get3A_2804 = arith.index_cast %and3A_2768 : i32 to index
      %get3A_2805 = arith.constant 48 : index
      %get3A_2806 = tpu.vector_load %arg8[%get3A_2803, %get3A_2804, %get3A_2805] {strides = array<i32>} : memref<16x8x64xf32, #tpu.memory_space<vmem>>, vector<1x1x16xf32>,
      %get3A_2807 = vector.shape_cast %get3A_2806 : vector<1x1x16xf32> to vector<16xf32>
      %swap3A_2808 = arith.index_cast %rem3A_1625 : i32 to index
      %swap3A_2809 = arith.constant 816 : index
      %swap3A_2810 = tpu.vector_load %arg9[%swap3A_2808, %swap3A_2809] {strides = array<i32>} : memref<2x1024xf32, #tpu.memory_space<vmem>>, vector<1x16xf32>,
      %swap3A_2811 = vector.shape_cast %swap3A_2810 : vector<1x16xf32> to vector<16xf32>
      %swap3A_2812 = vector.shape_cast %get3A_2807 : vector<16xf32> to vector<1x16xf32>
      tpu.vector_store %arg9[%swap3A_2808, %swap3A_2809], %swap3A_2812 {strides = array<i32>} : memref<2x1024xf32, #tpu.memory_space<vmem>>, vector<1x16xf32>,
      %slice3A_2813 = vector.extract_strided_slice %get3A_1623 {offsets = [12], sizes = [1], strides = [1]} : vector<16xi32> to vector<1xi32>
      %squeeze3A_2814 = vector.extract %slice3A_2813[0] : i32 from vector<1xi32>
      %shift_right_arithmetic3A_2815 = arith.constant 3 : i32
      %shift_right_arithmetic3A_2816 = arith.shrsi %squeeze3A_2814, %shift_right_arithmetic3A_2815 : i32
      %dma_start3A_2817 = arith.constant 12 : i32
      %dma_start3A_2818 = arith.constant 12 : i32
      %dma_start3A_2819 = arith.constant 0 : i32
      %dma_start3A_2820 = arith.constant 0 : i32
      %dma_start3A_2821 = tpu.memref_slice %arg8[%dma_start3A_2817, %dma_start3A_2819, %dma_start3A_2820] : memref<16x8x64xf32, #tpu.memory_space<vmem>> -> memref<1x8x64xf32, #tpu.memory_space<vmem>>
      %dma_start3A_2822 = tpu.memref_squeeze %dma_start3A_2821 : memref<1x8x64xf32, #tpu.memory_space<vmem>> -> memref<8x64xf32, #tpu.memory_space<vmem>>
      %dma_start3A_2823 = arith.constant 0 : i32
      %dma_start3A_2824 = arith.constant 0 : i32
      %dma_start3A_2825 = tpu.memref_slice %arg2[%shift_right_arithmetic3A_2816, %dma_start3A_2823, %dma_start3A_2824] : memref<125000x8x64xf32, #tpu.memory_space<hbm>> -> memref<1x8x64xf32, #tpu.memory_space<hbm>>
      %dma_start3A_2826 = tpu.memref_squeeze %dma_start3A_2825 : memref<1x8x64xf32, #tpu.memory_space<hbm>> -> memref<8x64xf32, #tpu.memory_space<hbm>>
      %dma_start3A_2827 = tpu.memref_slice %arg11[%dma_start3A_2818] : memref<16x!tpu.dma_semaphore, #tpu.memory_space<semaphore_mem>> -> memref<1x!tpu.dma_semaphore, #tpu.memory_space<semaphore_mem>>
      %dma_start3A_2828 = tpu.memref_squeeze %dma_start3A_2827 : memref<1x!tpu.dma_semaphore, #tpu.memory_space<semaphore_mem>> -> memref<!tpu.dma_semaphore, #tpu.memory_space<semaphore_mem>>
      %dma_start3A_2829 = arith.constant 0 : i32
      %dma_start3A_2830 = arith.constant 0 : i32
      %dma_start3A_2831 = tpu.memref_slice %arg8[%dma_start3A_2817, %dma_start3A_2829, %dma_start3A_2830] : memref<16x8x64xf32, #tpu.memory_space<vmem>> -> memref<1x8x64xf32, #tpu.memory_space<vmem>>
      %dma_start3A_2832 = tpu.memref_squeeze %dma_start3A_2831 : memref<1x8x64xf32, #tpu.memory_space<vmem>> -> memref<8x64xf32, #tpu.memory_space<vmem>>
      %dma_start3A_2833 = arith.constant 0 : i32
      %dma_start3A_2834 = arith.constant 0 : i32
      %dma_start3A_2835 = tpu.memref_slice %arg2[%shift_right_arithmetic3A_2816, %dma_start3A_2833, %dma_start3A_2834] : memref<125000x8x64xf32, #tpu.memory_space<hbm>> -> memref<1x8x64xf32, #tpu.memory_space<hbm>>
      %dma_start3A_2836 = tpu.memref_squeeze %dma_start3A_2835 : memref<1x8x64xf32, #tpu.memory_space<hbm>> -> memref<8x64xf32, #tpu.memory_space<hbm>>
      tpu.enqueue_dma source(%dma_start3A_2836 : memref<8x64xf32, #tpu.memory_space<hbm>>) target(%dma_start3A_2832 : memref<8x64xf32, #tpu.memory_space<vmem>>) target_semaphore(%dma_start3A_2828 : memref<!tpu.dma_semaphore, #tpu.memory_space<semaphore_mem>>)
      %slice3A_2837 = vector.extract_strided_slice %scan3A_1618 {offsets = [13], sizes = [1], strides = [1]} : vector<16xi32> to vector<1xi32>
      %squeeze3A_2838 = vector.extract %slice3A_2837[0] : i32 from vector<1xi32>
      %dma_wait3A_2839 = arith.constant 0 : i32
      %dma_wait3A_2840 = arith.constant 13 : i32
      %dma_wait3A_2841 = arith.constant 13 : i32
      %dma_wait3A_2842 = arith.constant 0 : i32
      %dma_wait3A_2843 = arith.constant 0 : i32
      %dma_wait3A_2844 = tpu.memref_slice %arg8[%dma_wait3A_2840, %dma_wait3A_2842, %dma_wait3A_2843] : memref<16x8x64xf32, #tpu.memory_space<vmem>> -> memref<1x8x64xf32, #tpu.memory_space<vmem>>
      %dma_wait3A_2845 = tpu.memref_squeeze %dma_wait3A_2844 : memref<1x8x64xf32, #tpu.memory_space<vmem>> -> memref<8x64xf32, #tpu.memory_space<vmem>>
      %dma_wait3A_2846 = arith.constant 0 : i32
      %dma_wait3A_2847 = arith.constant 0 : i32
      %dma_wait3A_2848 = tpu.memref_slice %arg2[%dma_wait3A_2839, %dma_wait3A_2846, %dma_wait3A_2847] : memref<125000x8x64xf32, #tpu.memory_space<hbm>> -> memref<1x8x64xf32, #tpu.memory_space<hbm>>
      %dma_wait3A_2849 = tpu.memref_squeeze %dma_wait3A_2848 : memref<1x8x64xf32, #tpu.memory_space<hbm>> -> memref<8x64xf32, #tpu.memory_space<hbm>>
      %dma_wait3A_2850 = tpu.memref_slice %arg11[%dma_wait3A_2841] : memref<16x!tpu.dma_semaphore, #tpu.memory_space<semaphore_mem>> -> memref<1x!tpu.dma_semaphore, #tpu.memory_space<semaphore_mem>>
      %dma_wait3A_2851 = tpu.memref_squeeze %dma_wait3A_2850 : memref<1x!tpu.dma_semaphore, #tpu.memory_space<semaphore_mem>> -> memref<!tpu.dma_semaphore, #tpu.memory_space<semaphore_mem>>
      %dma_wait3A_2852 = arith.constant 0 : i32
      %dma_wait3A_2853 = arith.constant 0 : i32
      %dma_wait3A_2854 = tpu.memref_slice %arg8[%dma_wait3A_2840, %dma_wait3A_2852, %dma_wait3A_2853] : memref<16x8x64xf32, #tpu.memory_space<vmem>> -> memref<1x8x64xf32, #tpu.memory_space<vmem>>
      %dma_wait3A_2855 = tpu.memref_squeeze %dma_wait3A_2854 : memref<1x8x64xf32, #tpu.memory_space<vmem>> -> memref<8x64xf32, #tpu.memory_space<vmem>>
      %dma_wait3A_2856 = arith.constant 0 : i32
      %dma_wait3A_2857 = arith.constant 0 : i32
      %dma_wait3A_2858 = tpu.memref_slice %arg2[%dma_wait3A_2839, %dma_wait3A_2856, %dma_wait3A_2857] : memref<125000x8x64xf32, #tpu.memory_space<hbm>> -> memref<1x8x64xf32, #tpu.memory_space<hbm>>
      %dma_wait3A_2859 = tpu.memref_squeeze %dma_wait3A_2858 : memref<1x8x64xf32, #tpu.memory_space<hbm>> -> memref<8x64xf32, #tpu.memory_space<hbm>>
      tpu.wait_dma2 semaphore(%dma_wait3A_2851 : memref<!tpu.dma_semaphore, #tpu.memory_space<semaphore_mem>>) src(%dma_wait3A_2859 : memref<8x64xf32, #tpu.memory_space<hbm>>) dst(%dma_wait3A_2855 : memref<8x64xf32, #tpu.memory_space<vmem>>)
      %and3A_2860 = arith.constant 7 : i32
      %and3A_2861 = arith.andi %squeeze3A_2838, %and3A_2860 : i32
      %get3A_2862 = arith.constant 13 : i32
      %get3A_2863 = arith.index_cast %get3A_2862 : i32 to index
      %get3A_2864 = arith.index_cast %and3A_2861 : i32 to index
      %get3A_2865 = arith.constant 0 : index
      %get3A_2866 = tpu.vector_load %arg8[%get3A_2863, %get3A_2864, %get3A_2865] {strides = array<i32>} : memref<16x8x64xf32, #tpu.memory_space<vmem>>, vector<1x1x16xf32>,
      %get3A_2867 = vector.shape_cast %get3A_2866 : vector<1x1x16xf32> to vector<16xf32>
      %swap3A_2868 = arith.index_cast %rem3A_1625 : i32 to index
      %swap3A_2869 = arith.constant 832 : index
      %swap3A_2870 = tpu.vector_load %arg9[%swap3A_2868, %swap3A_2869] {strides = array<i32>} : memref<2x1024xf32, #tpu.memory_space<vmem>>, vector<1x16xf32>,
      %swap3A_2871 = vector.shape_cast %swap3A_2870 : vector<1x16xf32> to vector<16xf32>
      %swap3A_2872 = vector.shape_cast %get3A_2867 : vector<16xf32> to vector<1x16xf32>
      tpu.vector_store %arg9[%swap3A_2868, %swap3A_2869], %swap3A_2872 {strides = array<i32>} : memref<2x1024xf32, #tpu.memory_space<vmem>>, vector<1x16xf32>,
      %get3A_2873 = arith.constant 13 : i32
      %get3A_2874 = arith.index_cast %get3A_2873 : i32 to index
      %get3A_2875 = arith.index_cast %and3A_2861 : i32 to index
      %get3A_2876 = arith.constant 16 : index
      %get3A_2877 = tpu.vector_load %arg8[%get3A_2874, %get3A_2875, %get3A_2876] {strides = array<i32>} : memref<16x8x64xf32, #tpu.memory_space<vmem>>, vector<1x1x16xf32>,
      %get3A_2878 = vector.shape_cast %get3A_2877 : vector<1x1x16xf32> to vector<16xf32>
      %swap3A_2879 = arith.index_cast %rem3A_1625 : i32 to index
      %swap3A_2880 = arith.constant 848 : index
      %swap3A_2881 = tpu.vector_load %arg9[%swap3A_2879, %swap3A_2880] {strides = array<i32>} : memref<2x1024xf32, #tpu.memory_space<vmem>>, vector<1x16xf32>,
      %swap3A_2882 = vector.shape_cast %swap3A_2881 : vector<1x16xf32> to vector<16xf32>
      %swap3A_2883 = vector.shape_cast %get3A_2878 : vector<16xf32> to vector<1x16xf32>
      tpu.vector_store %arg9[%swap3A_2879, %swap3A_2880], %swap3A_2883 {strides = array<i32>} : memref<2x1024xf32, #tpu.memory_space<vmem>>, vector<1x16xf32>,
      %get3A_2884 = arith.constant 13 : i32
      %get3A_2885 = arith.index_cast %get3A_2884 : i32 to index
      %get3A_2886 = arith.index_cast %and3A_2861 : i32 to index
      %get3A_2887 = arith.constant 32 : index
      %get3A_2888 = tpu.vector_load %arg8[%get3A_2885, %get3A_2886, %get3A_2887] {strides = array<i32>} : memref<16x8x64xf32, #tpu.memory_space<vmem>>, vector<1x1x16xf32>,
      %get3A_2889 = vector.shape_cast %get3A_2888 : vector<1x1x16xf32> to vector<16xf32>
      %swap3A_2890 = arith.index_cast %rem3A_1625 : i32 to index
      %swap3A_2891 = arith.constant 864 : index
      %swap3A_2892 = tpu.vector_load %arg9[%swap3A_2890, %swap3A_2891] {strides = array<i32>} : memref<2x1024xf32, #tpu.memory_space<vmem>>, vector<1x16xf32>,
      %swap3A_2893 = vector.shape_cast %swap3A_2892 : vector<1x16xf32> to vector<16xf32>
      %swap3A_2894 = vector.shape_cast %get3A_2889 : vector<16xf32> to vector<1x16xf32>
      tpu.vector_store %arg9[%swap3A_2890, %swap3A_2891], %swap3A_2894 {strides = array<i32>} : memref<2x1024xf32, #tpu.memory_space<vmem>>, vector<1x16xf32>,
      %get3A_2895 = arith.constant 13 : i32
      %get3A_2896 = arith.index_cast %get3A_2895 : i32 to index
      %get3A_2897 = arith.index_cast %and3A_2861 : i32 to index
      %get3A_2898 = arith.constant 48 : index
      %get3A_2899 = tpu.vector_load %arg8[%get3A_2896, %get3A_2897, %get3A_2898] {strides = array<i32>} : memref<16x8x64xf32, #tpu.memory_space<vmem>>, vector<1x1x16xf32>,
      %get3A_2900 = vector.shape_cast %get3A_2899 : vector<1x1x16xf32> to vector<16xf32>
      %swap3A_2901 = arith.index_cast %rem3A_1625 : i32 to index
      %swap3A_2902 = arith.constant 880 : index
      %swap3A_2903 = tpu.vector_load %arg9[%swap3A_2901, %swap3A_2902] {strides = array<i32>} : memref<2x1024xf32, #tpu.memory_space<vmem>>, vector<1x16xf32>,
      %swap3A_2904 = vector.shape_cast %swap3A_2903 : vector<1x16xf32> to vector<16xf32>
      %swap3A_2905 = vector.shape_cast %get3A_2900 : vector<16xf32> to vector<1x16xf32>
      tpu.vector_store %arg9[%swap3A_2901, %swap3A_2902], %swap3A_2905 {strides = array<i32>} : memref<2x1024xf32, #tpu.memory_space<vmem>>, vector<1x16xf32>,
      %slice3A_2906 = vector.extract_strided_slice %get3A_1623 {offsets = [13], sizes = [1], strides = [1]} : vector<16xi32> to vector<1xi32>
      %squeeze3A_2907 = vector.extract %slice3A_2906[0] : i32 from vector<1xi32>
      %shift_right_arithmetic3A_2908 = arith.constant 3 : i32
      %shift_right_arithmetic3A_2909 = arith.shrsi %squeeze3A_2907, %shift_right_arithmetic3A_2908 : i32
      %dma_start3A_2910 = arith.constant 13 : i32
      %dma_start3A_2911 = arith.constant 13 : i32
      %dma_start3A_2912 = arith.constant 0 : i32
      %dma_start3A_2913 = arith.constant 0 : i32
      %dma_start3A_2914 = tpu.memref_slice %arg8[%dma_start3A_2910, %dma_start3A_2912, %dma_start3A_2913] : memref<16x8x64xf32, #tpu.memory_space<vmem>> -> memref<1x8x64xf32, #tpu.memory_space<vmem>>
      %dma_start3A_2915 = tpu.memref_squeeze %dma_start3A_2914 : memref<1x8x64xf32, #tpu.memory_space<vmem>> -> memref<8x64xf32, #tpu.memory_space<vmem>>
      %dma_start3A_2916 = arith.constant 0 : i32
      %dma_start3A_2917 = arith.constant 0 : i32
      %dma_start3A_2918 = tpu.memref_slice %arg2[%shift_right_arithmetic3A_2909, %dma_start3A_2916, %dma_start3A_2917] : memref<125000x8x64xf32, #tpu.memory_space<hbm>> -> memref<1x8x64xf32, #tpu.memory_space<hbm>>
      %dma_start3A_2919 = tpu.memref_squeeze %dma_start3A_2918 : memref<1x8x64xf32, #tpu.memory_space<hbm>> -> memref<8x64xf32, #tpu.memory_space<hbm>>
      %dma_start3A_2920 = tpu.memref_slice %arg11[%dma_start3A_2911] : memref<16x!tpu.dma_semaphore, #tpu.memory_space<semaphore_mem>> -> memref<1x!tpu.dma_semaphore, #tpu.memory_space<semaphore_mem>>
      %dma_start3A_2921 = tpu.memref_squeeze %dma_start3A_2920 : memref<1x!tpu.dma_semaphore, #tpu.memory_space<semaphore_mem>> -> memref<!tpu.dma_semaphore, #tpu.memory_space<semaphore_mem>>
      %dma_start3A_2922 = arith.constant 0 : i32
      %dma_start3A_2923 = arith.constant 0 : i32
      %dma_start3A_2924 = tpu.memref_slice %arg8[%dma_start3A_2910, %dma_start3A_2922, %dma_start3A_2923] : memref<16x8x64xf32, #tpu.memory_space<vmem>> -> memref<1x8x64xf32, #tpu.memory_space<vmem>>
      %dma_start3A_2925 = tpu.memref_squeeze %dma_start3A_2924 : memref<1x8x64xf32, #tpu.memory_space<vmem>> -> memref<8x64xf32, #tpu.memory_space<vmem>>
      %dma_start3A_2926 = arith.constant 0 : i32
      %dma_start3A_2927 = arith.constant 0 : i32
      %dma_start3A_2928 = tpu.memref_slice %arg2[%shift_right_arithmetic3A_2909, %dma_start3A_2926, %dma_start3A_2927] : memref<125000x8x64xf32, #tpu.memory_space<hbm>> -> memref<1x8x64xf32, #tpu.memory_space<hbm>>
      %dma_start3A_2929 = tpu.memref_squeeze %dma_start3A_2928 : memref<1x8x64xf32, #tpu.memory_space<hbm>> -> memref<8x64xf32, #tpu.memory_space<hbm>>
      tpu.enqueue_dma source(%dma_start3A_2929 : memref<8x64xf32, #tpu.memory_space<hbm>>) target(%dma_start3A_2925 : memref<8x64xf32, #tpu.memory_space<vmem>>) target_semaphore(%dma_start3A_2921 : memref<!tpu.dma_semaphore, #tpu.memory_space<semaphore_mem>>)
      %slice3A_2930 = vector.extract_strided_slice %scan3A_1618 {offsets = [14], sizes = [1], strides = [1]} : vector<16xi32> to vector<1xi32>
      %squeeze3A_2931 = vector.extract %slice3A_2930[0] : i32 from vector<1xi32>
      %dma_wait3A_2932 = arith.constant 0 : i32
      %dma_wait3A_2933 = arith.constant 14 : i32
      %dma_wait3A_2934 = arith.constant 14 : i32
      %dma_wait3A_2935 = arith.constant 0 : i32
      %dma_wait3A_2936 = arith.constant 0 : i32
      %dma_wait3A_2937 = tpu.memref_slice %arg8[%dma_wait3A_2933, %dma_wait3A_2935, %dma_wait3A_2936] : memref<16x8x64xf32, #tpu.memory_space<vmem>> -> memref<1x8x64xf32, #tpu.memory_space<vmem>>
      %dma_wait3A_2938 = tpu.memref_squeeze %dma_wait3A_2937 : memref<1x8x64xf32, #tpu.memory_space<vmem>> -> memref<8x64xf32, #tpu.memory_space<vmem>>
      %dma_wait3A_2939 = arith.constant 0 : i32
      %dma_wait3A_2940 = arith.constant 0 : i32
      %dma_wait3A_2941 = tpu.memref_slice %arg2[%dma_wait3A_2932, %dma_wait3A_2939, %dma_wait3A_2940] : memref<125000x8x64xf32, #tpu.memory_space<hbm>> -> memref<1x8x64xf32, #tpu.memory_space<hbm>>
      %dma_wait3A_2942 = tpu.memref_squeeze %dma_wait3A_2941 : memref<1x8x64xf32, #tpu.memory_space<hbm>> -> memref<8x64xf32, #tpu.memory_space<hbm>>
      %dma_wait3A_2943 = tpu.memref_slice %arg11[%dma_wait3A_2934] : memref<16x!tpu.dma_semaphore, #tpu.memory_space<semaphore_mem>> -> memref<1x!tpu.dma_semaphore, #tpu.memory_space<semaphore_mem>>
      %dma_wait3A_2944 = tpu.memref_squeeze %dma_wait3A_2943 : memref<1x!tpu.dma_semaphore, #tpu.memory_space<semaphore_mem>> -> memref<!tpu.dma_semaphore, #tpu.memory_space<semaphore_mem>>
      %dma_wait3A_2945 = arith.constant 0 : i32
      %dma_wait3A_2946 = arith.constant 0 : i32
      %dma_wait3A_2947 = tpu.memref_slice %arg8[%dma_wait3A_2933, %dma_wait3A_2945, %dma_wait3A_2946] : memref<16x8x64xf32, #tpu.memory_space<vmem>> -> memref<1x8x64xf32, #tpu.memory_space<vmem>>
      %dma_wait3A_2948 = tpu.memref_squeeze %dma_wait3A_2947 : memref<1x8x64xf32, #tpu.memory_space<vmem>> -> memref<8x64xf32, #tpu.memory_space<vmem>>
      %dma_wait3A_2949 = arith.constant 0 : i32
      %dma_wait3A_2950 = arith.constant 0 : i32
      %dma_wait3A_2951 = tpu.memref_slice %arg2[%dma_wait3A_2932, %dma_wait3A_2949, %dma_wait3A_2950] : memref<125000x8x64xf32, #tpu.memory_space<hbm>> -> memref<1x8x64xf32, #tpu.memory_space<hbm>>
      %dma_wait3A_2952 = tpu.memref_squeeze %dma_wait3A_2951 : memref<1x8x64xf32, #tpu.memory_space<hbm>> -> memref<8x64xf32, #tpu.memory_space<hbm>>
      tpu.wait_dma2 semaphore(%dma_wait3A_2944 : memref<!tpu.dma_semaphore, #tpu.memory_space<semaphore_mem>>) src(%dma_wait3A_2952 : memref<8x64xf32, #tpu.memory_space<hbm>>) dst(%dma_wait3A_2948 : memref<8x64xf32, #tpu.memory_space<vmem>>)
      %and3A_2953 = arith.constant 7 : i32
      %and3A_2954 = arith.andi %squeeze3A_2931, %and3A_2953 : i32
      %get3A_2955 = arith.constant 14 : i32
      %get3A_2956 = arith.index_cast %get3A_2955 : i32 to index
      %get3A_2957 = arith.index_cast %and3A_2954 : i32 to index
      %get3A_2958 = arith.constant 0 : index
      %get3A_2959 = tpu.vector_load %arg8[%get3A_2956, %get3A_2957, %get3A_2958] {strides = array<i32>} : memref<16x8x64xf32, #tpu.memory_space<vmem>>, vector<1x1x16xf32>,
      %get3A_2960 = vector.shape_cast %get3A_2959 : vector<1x1x16xf32> to vector<16xf32>
      %swap3A_2961 = arith.index_cast %rem3A_1625 : i32 to index
      %swap3A_2962 = arith.constant 896 : index
      %swap3A_2963 = tpu.vector_load %arg9[%swap3A_2961, %swap3A_2962] {strides = array<i32>} : memref<2x1024xf32, #tpu.memory_space<vmem>>, vector<1x16xf32>,
      %swap3A_2964 = vector.shape_cast %swap3A_2963 : vector<1x16xf32> to vector<16xf32>
      %swap3A_2965 = vector.shape_cast %get3A_2960 : vector<16xf32> to vector<1x16xf32>
      tpu.vector_store %arg9[%swap3A_2961, %swap3A_2962], %swap3A_2965 {strides = array<i32>} : memref<2x1024xf32, #tpu.memory_space<vmem>>, vector<1x16xf32>,
      %get3A_2966 = arith.constant 14 : i32
      %get3A_2967 = arith.index_cast %get3A_2966 : i32 to index
      %get3A_2968 = arith.index_cast %and3A_2954 : i32 to index
      %get3A_2969 = arith.constant 16 : index
      %get3A_2970 = tpu.vector_load %arg8[%get3A_2967, %get3A_2968, %get3A_2969] {strides = array<i32>} : memref<16x8x64xf32, #tpu.memory_space<vmem>>, vector<1x1x16xf32>,
      %get3A_2971 = vector.shape_cast %get3A_2970 : vector<1x1x16xf32> to vector<16xf32>
      %swap3A_2972 = arith.index_cast %rem3A_1625 : i32 to index
      %swap3A_2973 = arith.constant 912 : index
      %swap3A_2974 = tpu.vector_load %arg9[%swap3A_2972, %swap3A_2973] {strides = array<i32>} : memref<2x1024xf32, #tpu.memory_space<vmem>>, vector<1x16xf32>,
      %swap3A_2975 = vector.shape_cast %swap3A_2974 : vector<1x16xf32> to vector<16xf32>
      %swap3A_2976 = vector.shape_cast %get3A_2971 : vector<16xf32> to vector<1x16xf32>
      tpu.vector_store %arg9[%swap3A_2972, %swap3A_2973], %swap3A_2976 {strides = array<i32>} : memref<2x1024xf32, #tpu.memory_space<vmem>>, vector<1x16xf32>,
      %get3A_2977 = arith.constant 14 : i32
      %get3A_2978 = arith.index_cast %get3A_2977 : i32 to index
      %get3A_2979 = arith.index_cast %and3A_2954 : i32 to index
      %get3A_2980 = arith.constant 32 : index
      %get3A_2981 = tpu.vector_load %arg8[%get3A_2978, %get3A_2979, %get3A_2980] {strides = array<i32>} : memref<16x8x64xf32, #tpu.memory_space<vmem>>, vector<1x1x16xf32>,
      %get3A_2982 = vector.shape_cast %get3A_2981 : vector<1x1x16xf32> to vector<16xf32>
      %swap3A_2983 = arith.index_cast %rem3A_1625 : i32 to index
      %swap3A_2984 = arith.constant 928 : index
      %swap3A_2985 = tpu.vector_load %arg9[%swap3A_2983, %swap3A_2984] {strides = array<i32>} : memref<2x1024xf32, #tpu.memory_space<vmem>>, vector<1x16xf32>,
      %swap3A_2986 = vector.shape_cast %swap3A_2985 : vector<1x16xf32> to vector<16xf32>
      %swap3A_2987 = vector.shape_cast %get3A_2982 : vector<16xf32> to vector<1x16xf32>
      tpu.vector_store %arg9[%swap3A_2983, %swap3A_2984], %swap3A_2987 {strides = array<i32>} : memref<2x1024xf32, #tpu.memory_space<vmem>>, vector<1x16xf32>,
      %get3A_2988 = arith.constant 14 : i32
      %get3A_2989 = arith.index_cast %get3A_2988 : i32 to index
      %get3A_2990 = arith.index_cast %and3A_2954 : i32 to index
      %get3A_2991 = arith.constant 48 : index
      %get3A_2992 = tpu.vector_load %arg8[%get3A_2989, %get3A_2990, %get3A_2991] {strides = array<i32>} : memref<16x8x64xf32, #tpu.memory_space<vmem>>, vector<1x1x16xf32>,
      %get3A_2993 = vector.shape_cast %get3A_2992 : vector<1x1x16xf32> to vector<16xf32>
      %swap3A_2994 = arith.index_cast %rem3A_1625 : i32 to index
      %swap3A_2995 = arith.constant 944 : index
      %swap3A_2996 = tpu.vector_load %arg9[%swap3A_2994, %swap3A_2995] {strides = array<i32>} : memref<2x1024xf32, #tpu.memory_space<vmem>>, vector<1x16xf32>,
      %swap3A_2997 = vector.shape_cast %swap3A_2996 : vector<1x16xf32> to vector<16xf32>
      %swap3A_2998 = vector.shape_cast %get3A_2993 : vector<16xf32> to vector<1x16xf32>
      tpu.vector_store %arg9[%swap3A_2994, %swap3A_2995], %swap3A_2998 {strides = array<i32>} : memref<2x1024xf32, #tpu.memory_space<vmem>>, vector<1x16xf32>,
      %slice3A_2999 = vector.extract_strided_slice %get3A_1623 {offsets = [14], sizes = [1], strides = [1]} : vector<16xi32> to vector<1xi32>
      %squeeze3A_3000 = vector.extract %slice3A_2999[0] : i32 from vector<1xi32>
      %shift_right_arithmetic3A_3001 = arith.constant 3 : i32
      %shift_right_arithmetic3A_3002 = arith.shrsi %squeeze3A_3000, %shift_right_arithmetic3A_3001 : i32
      %dma_start3A_3003 = arith.constant 14 : i32
      %dma_start3A_3004 = arith.constant 14 : i32
      %dma_start3A_3005 = arith.constant 0 : i32
      %dma_start3A_3006 = arith.constant 0 : i32
      %dma_start3A_3007 = tpu.memref_slice %arg8[%dma_start3A_3003, %dma_start3A_3005, %dma_start3A_3006] : memref<16x8x64xf32, #tpu.memory_space<vmem>> -> memref<1x8x64xf32, #tpu.memory_space<vmem>>
      %dma_start3A_3008 = tpu.memref_squeeze %dma_start3A_3007 : memref<1x8x64xf32, #tpu.memory_space<vmem>> -> memref<8x64xf32, #tpu.memory_space<vmem>>
      %dma_start3A_3009 = arith.constant 0 : i32
      %dma_start3A_3010 = arith.constant 0 : i32
      %dma_start3A_3011 = tpu.memref_slice %arg2[%shift_right_arithmetic3A_3002, %dma_start3A_3009, %dma_start3A_3010] : memref<125000x8x64xf32, #tpu.memory_space<hbm>> -> memref<1x8x64xf32, #tpu.memory_space<hbm>>
      %dma_start3A_3012 = tpu.memref_squeeze %dma_start3A_3011 : memref<1x8x64xf32, #tpu.memory_space<hbm>> -> memref<8x64xf32, #tpu.memory_space<hbm>>
      %dma_start3A_3013 = tpu.memref_slice %arg11[%dma_start3A_3004] : memref<16x!tpu.dma_semaphore, #tpu.memory_space<semaphore_mem>> -> memref<1x!tpu.dma_semaphore, #tpu.memory_space<semaphore_mem>>
      %dma_start3A_3014 = tpu.memref_squeeze %dma_start3A_3013 : memref<1x!tpu.dma_semaphore, #tpu.memory_space<semaphore_mem>> -> memref<!tpu.dma_semaphore, #tpu.memory_space<semaphore_mem>>
      %dma_start3A_3015 = arith.constant 0 : i32
      %dma_start3A_3016 = arith.constant 0 : i32
      %dma_start3A_3017 = tpu.memref_slice %arg8[%dma_start3A_3003, %dma_start3A_3015, %dma_start3A_3016] : memref<16x8x64xf32, #tpu.memory_space<vmem>> -> memref<1x8x64xf32, #tpu.memory_space<vmem>>
      %dma_start3A_3018 = tpu.memref_squeeze %dma_start3A_3017 : memref<1x8x64xf32, #tpu.memory_space<vmem>> -> memref<8x64xf32, #tpu.memory_space<vmem>>
      %dma_start3A_3019 = arith.constant 0 : i32
      %dma_start3A_3020 = arith.constant 0 : i32
      %dma_start3A_3021 = tpu.memref_slice %arg2[%shift_right_arithmetic3A_3002, %dma_start3A_3019, %dma_start3A_3020] : memref<125000x8x64xf32, #tpu.memory_space<hbm>> -> memref<1x8x64xf32, #tpu.memory_space<hbm>>
      %dma_start3A_3022 = tpu.memref_squeeze %dma_start3A_3021 : memref<1x8x64xf32, #tpu.memory_space<hbm>> -> memref<8x64xf32, #tpu.memory_space<hbm>>
      tpu.enqueue_dma source(%dma_start3A_3022 : memref<8x64xf32, #tpu.memory_space<hbm>>) target(%dma_start3A_3018 : memref<8x64xf32, #tpu.memory_space<vmem>>) target_semaphore(%dma_start3A_3014 : memref<!tpu.dma_semaphore, #tpu.memory_space<semaphore_mem>>)
      %slice3A_3023 = vector.extract_strided_slice %scan3A_1618 {offsets = [15], sizes = [1], strides = [1]} : vector<16xi32> to vector<1xi32>
      %squeeze3A_3024 = vector.extract %slice3A_3023[0] : i32 from vector<1xi32>
      %dma_wait3A_3025 = arith.constant 0 : i32
      %dma_wait3A_3026 = arith.constant 15 : i32
      %dma_wait3A_3027 = arith.constant 15 : i32
      %dma_wait3A_3028 = arith.constant 0 : i32
      %dma_wait3A_3029 = arith.constant 0 : i32
      %dma_wait3A_3030 = tpu.memref_slice %arg8[%dma_wait3A_3026, %dma_wait3A_3028, %dma_wait3A_3029] : memref<16x8x64xf32, #tpu.memory_space<vmem>> -> memref<1x8x64xf32, #tpu.memory_space<vmem>>
      %dma_wait3A_3031 = tpu.memref_squeeze %dma_wait3A_3030 : memref<1x8x64xf32, #tpu.memory_space<vmem>> -> memref<8x64xf32, #tpu.memory_space<vmem>>
      %dma_wait3A_3032 = arith.constant 0 : i32
      %dma_wait3A_3033 = arith.constant 0 : i32
      %dma_wait3A_3034 = tpu.memref_slice %arg2[%dma_wait3A_3025, %dma_wait3A_3032, %dma_wait3A_3033] : memref<125000x8x64xf32, #tpu.memory_space<hbm>> -> memref<1x8x64xf32, #tpu.memory_space<hbm>>
      %dma_wait3A_3035 = tpu.memref_squeeze %dma_wait3A_3034 : memref<1x8x64xf32, #tpu.memory_space<hbm>> -> memref<8x64xf32, #tpu.memory_space<hbm>>
      %dma_wait3A_3036 = tpu.memref_slice %arg11[%dma_wait3A_3027] : memref<16x!tpu.dma_semaphore, #tpu.memory_space<semaphore_mem>> -> memref<1x!tpu.dma_semaphore, #tpu.memory_space<semaphore_mem>>
      %dma_wait3A_3037 = tpu.memref_squeeze %dma_wait3A_3036 : memref<1x!tpu.dma_semaphore, #tpu.memory_space<semaphore_mem>> -> memref<!tpu.dma_semaphore, #tpu.memory_space<semaphore_mem>>
      %dma_wait3A_3038 = arith.constant 0 : i32
      %dma_wait3A_3039 = arith.constant 0 : i32
      %dma_wait3A_3040 = tpu.memref_slice %arg8[%dma_wait3A_3026, %dma_wait3A_3038, %dma_wait3A_3039] : memref<16x8x64xf32, #tpu.memory_space<vmem>> -> memref<1x8x64xf32, #tpu.memory_space<vmem>>
      %dma_wait3A_3041 = tpu.memref_squeeze %dma_wait3A_3040 : memref<1x8x64xf32, #tpu.memory_space<vmem>> -> memref<8x64xf32, #tpu.memory_space<vmem>>
      %dma_wait3A_3042 = arith.constant 0 : i32
      %dma_wait3A_3043 = arith.constant 0 : i32
      %dma_wait3A_3044 = tpu.memref_slice %arg2[%dma_wait3A_3025, %dma_wait3A_3042, %dma_wait3A_3043] : memref<125000x8x64xf32, #tpu.memory_space<hbm>> -> memref<1x8x64xf32, #tpu.memory_space<hbm>>
      %dma_wait3A_3045 = tpu.memref_squeeze %dma_wait3A_3044 : memref<1x8x64xf32, #tpu.memory_space<hbm>> -> memref<8x64xf32, #tpu.memory_space<hbm>>
      tpu.wait_dma2 semaphore(%dma_wait3A_3037 : memref<!tpu.dma_semaphore, #tpu.memory_space<semaphore_mem>>) src(%dma_wait3A_3045 : memref<8x64xf32, #tpu.memory_space<hbm>>) dst(%dma_wait3A_3041 : memref<8x64xf32, #tpu.memory_space<vmem>>)
      %and3A_3046 = arith.constant 7 : i32
      %and3A_3047 = arith.andi %squeeze3A_3024, %and3A_3046 : i32
      %get3A_3048 = arith.constant 15 : i32
      %get3A_3049 = arith.index_cast %get3A_3048 : i32 to index
      %get3A_3050 = arith.index_cast %and3A_3047 : i32 to index
      %get3A_3051 = arith.constant 0 : index
      %get3A_3052 = tpu.vector_load %arg8[%get3A_3049, %get3A_3050, %get3A_3051] {strides = array<i32>} : memref<16x8x64xf32, #tpu.memory_space<vmem>>, vector<1x1x16xf32>,
      %get3A_3053 = vector.shape_cast %get3A_3052 : vector<1x1x16xf32> to vector<16xf32>
      %swap3A_3054 = arith.index_cast %rem3A_1625 : i32 to index
      %swap3A_3055 = arith.constant 960 : index
      %swap3A_3056 = tpu.vector_load %arg9[%swap3A_3054, %swap3A_3055] {strides = array<i32>} : memref<2x1024xf32, #tpu.memory_space<vmem>>, vector<1x16xf32>,
      %swap3A_3057 = vector.shape_cast %swap3A_3056 : vector<1x16xf32> to vector<16xf32>
      %swap3A_3058 = vector.shape_cast %get3A_3053 : vector<16xf32> to vector<1x16xf32>
      tpu.vector_store %arg9[%swap3A_3054, %swap3A_3055], %swap3A_3058 {strides = array<i32>} : memref<2x1024xf32, #tpu.memory_space<vmem>>, vector<1x16xf32>,
      %get3A_3059 = arith.constant 15 : i32
      %get3A_3060 = arith.index_cast %get3A_3059 : i32 to index
      %get3A_3061 = arith.index_cast %and3A_3047 : i32 to index
      %get3A_3062 = arith.constant 16 : index
      %get3A_3063 = tpu.vector_load %arg8[%get3A_3060, %get3A_3061, %get3A_3062] {strides = array<i32>} : memref<16x8x64xf32, #tpu.memory_space<vmem>>, vector<1x1x16xf32>,
      %get3A_3064 = vector.shape_cast %get3A_3063 : vector<1x1x16xf32> to vector<16xf32>
      %swap3A_3065 = arith.index_cast %rem3A_1625 : i32 to index
      %swap3A_3066 = arith.constant 976 : index
      %swap3A_3067 = tpu.vector_load %arg9[%swap3A_3065, %swap3A_3066] {strides = array<i32>} : memref<2x1024xf32, #tpu.memory_space<vmem>>, vector<1x16xf32>,
      %swap3A_3068 = vector.shape_cast %swap3A_3067 : vector<1x16xf32> to vector<16xf32>
      %swap3A_3069 = vector.shape_cast %get3A_3064 : vector<16xf32> to vector<1x16xf32>
      tpu.vector_store %arg9[%swap3A_3065, %swap3A_3066], %swap3A_3069 {strides = array<i32>} : memref<2x1024xf32, #tpu.memory_space<vmem>>, vector<1x16xf32>,
      %get3A_3070 = arith.constant 15 : i32
      %get3A_3071 = arith.index_cast %get3A_3070 : i32 to index
      %get3A_3072 = arith.index_cast %and3A_3047 : i32 to index
      %get3A_3073 = arith.constant 32 : index
      %get3A_3074 = tpu.vector_load %arg8[%get3A_3071, %get3A_3072, %get3A_3073] {strides = array<i32>} : memref<16x8x64xf32, #tpu.memory_space<vmem>>, vector<1x1x16xf32>,
      %get3A_3075 = vector.shape_cast %get3A_3074 : vector<1x1x16xf32> to vector<16xf32>
      %swap3A_3076 = arith.index_cast %rem3A_1625 : i32 to index
      %swap3A_3077 = arith.constant 992 : index
      %swap3A_3078 = tpu.vector_load %arg9[%swap3A_3076, %swap3A_3077] {strides = array<i32>} : memref<2x1024xf32, #tpu.memory_space<vmem>>, vector<1x16xf32>,
      %swap3A_3079 = vector.shape_cast %swap3A_3078 : vector<1x16xf32> to vector<16xf32>
      %swap3A_3080 = vector.shape_cast %get3A_3075 : vector<16xf32> to vector<1x16xf32>
      tpu.vector_store %arg9[%swap3A_3076, %swap3A_3077], %swap3A_3080 {strides = array<i32>} : memref<2x1024xf32, #tpu.memory_space<vmem>>, vector<1x16xf32>,
      %get3A_3081 = arith.constant 15 : i32
      %get3A_3082 = arith.index_cast %get3A_3081 : i32 to index
      %get3A_3083 = arith.index_cast %and3A_3047 : i32 to index
      %get3A_3084 = arith.constant 48 : index
      %get3A_3085 = tpu.vector_load %arg8[%get3A_3082, %get3A_3083, %get3A_3084] {strides = array<i32>} : memref<16x8x64xf32, #tpu.memory_space<vmem>>, vector<1x1x16xf32>,
      %get3A_3086 = vector.shape_cast %get3A_3085 : vector<1x1x16xf32> to vector<16xf32>
      %swap3A_3087 = arith.index_cast %rem3A_1625 : i32 to index
      %swap3A_3088 = arith.constant 1008 : index
      %swap3A_3089 = tpu.vector_load %arg9[%swap3A_3087, %swap3A_3088] {strides = array<i32>} : memref<2x1024xf32, #tpu.memory_space<vmem>>, vector<1x16xf32>,
      %swap3A_3090 = vector.shape_cast %swap3A_3089 : vector<1x16xf32> to vector<16xf32>
      %swap3A_3091 = vector.shape_cast %get3A_3086 : vector<16xf32> to vector<1x16xf32>
      tpu.vector_store %arg9[%swap3A_3087, %swap3A_3088], %swap3A_3091 {strides = array<i32>} : memref<2x1024xf32, #tpu.memory_space<vmem>>, vector<1x16xf32>,
      %slice3A_3092 = vector.extract_strided_slice %get3A_1623 {offsets = [15], sizes = [1], strides = [1]} : vector<16xi32> to vector<1xi32>
      %squeeze3A_3093 = vector.extract %slice3A_3092[0] : i32 from vector<1xi32>
      %shift_right_arithmetic3A_3094 = arith.constant 3 : i32
      %shift_right_arithmetic3A_3095 = arith.shrsi %squeeze3A_3093, %shift_right_arithmetic3A_3094 : i32
      %dma_start3A_3096 = arith.constant 15 : i32
      %dma_start3A_3097 = arith.constant 15 : i32
      %dma_start3A_3098 = arith.constant 0 : i32
      %dma_start3A_3099 = arith.constant 0 : i32
      %dma_start3A_3100 = tpu.memref_slice %arg8[%dma_start3A_3096, %dma_start3A_3098, %dma_start3A_3099] : memref<16x8x64xf32, #tpu.memory_space<vmem>> -> memref<1x8x64xf32, #tpu.memory_space<vmem>>
      %dma_start3A_3101 = tpu.memref_squeeze %dma_start3A_3100 : memref<1x8x64xf32, #tpu.memory_space<vmem>> -> memref<8x64xf32, #tpu.memory_space<vmem>>
      %dma_start3A_3102 = arith.constant 0 : i32
      %dma_start3A_3103 = arith.constant 0 : i32
      %dma_start3A_3104 = tpu.memref_slice %arg2[%shift_right_arithmetic3A_3095, %dma_start3A_3102, %dma_start3A_3103] : memref<125000x8x64xf32, #tpu.memory_space<hbm>> -> memref<1x8x64xf32, #tpu.memory_space<hbm>>
      %dma_start3A_3105 = tpu.memref_squeeze %dma_start3A_3104 : memref<1x8x64xf32, #tpu.memory_space<hbm>> -> memref<8x64xf32, #tpu.memory_space<hbm>>
      %dma_start3A_3106 = tpu.memref_slice %arg11[%dma_start3A_3097] : memref<16x!tpu.dma_semaphore, #tpu.memory_space<semaphore_mem>> -> memref<1x!tpu.dma_semaphore, #tpu.memory_space<semaphore_mem>>
      %dma_start3A_3107 = tpu.memref_squeeze %dma_start3A_3106 : memref<1x!tpu.dma_semaphore, #tpu.memory_space<semaphore_mem>> -> memref<!tpu.dma_semaphore, #tpu.memory_space<semaphore_mem>>
      %dma_start3A_3108 = arith.constant 0 : i32
      %dma_start3A_3109 = arith.constant 0 : i32
      %dma_start3A_3110 = tpu.memref_slice %arg8[%dma_start3A_3096, %dma_start3A_3108, %dma_start3A_3109] : memref<16x8x64xf32, #tpu.memory_space<vmem>> -> memref<1x8x64xf32, #tpu.memory_space<vmem>>
      %dma_start3A_3111 = tpu.memref_squeeze %dma_start3A_3110 : memref<1x8x64xf32, #tpu.memory_space<vmem>> -> memref<8x64xf32, #tpu.memory_space<vmem>>
      %dma_start3A_3112 = arith.constant 0 : i32
      %dma_start3A_3113 = arith.constant 0 : i32
      %dma_start3A_3114 = tpu.memref_slice %arg2[%shift_right_arithmetic3A_3095, %dma_start3A_3112, %dma_start3A_3113] : memref<125000x8x64xf32, #tpu.memory_space<hbm>> -> memref<1x8x64xf32, #tpu.memory_space<hbm>>
      %dma_start3A_3115 = tpu.memref_squeeze %dma_start3A_3114 : memref<1x8x64xf32, #tpu.memory_space<hbm>> -> memref<8x64xf32, #tpu.memory_space<hbm>>
      tpu.enqueue_dma source(%dma_start3A_3115 : memref<8x64xf32, #tpu.memory_space<hbm>>) target(%dma_start3A_3111 : memref<8x64xf32, #tpu.memory_space<vmem>>) target_semaphore(%dma_start3A_3107 : memref<!tpu.dma_semaphore, #tpu.memory_space<semaphore_mem>>)
      %sub3A_3116 = arith.constant 1 : i32
      %sub3A_3117 = arith.subi %scan3A_1617, %sub3A_3116 : i32
      %mul3A_3118 = arith.constant 16 : i32
      %mul3A_3119 = arith.muli %sub3A_3117, %mul3A_3118 : i32
      %add3A_3120 = arith.addi %mul3A_2, %mul3A_3119 : i32
      %mul3A_3121 = arith.constant 64 : i32
      %mul3A_3122 = arith.muli %add3A_3120, %mul3A_3121 : i32
      %dma_start3A_3123 = arith.constant 0 : i32
      %dma_start3A_3124 = tpu.memref_slice %arg9[%rem3A_1625, %dma_start3A_3123] : memref<2x1024xf32, #tpu.memory_space<vmem>> -> memref<1x1024xf32, #tpu.memory_space<vmem>>
      %dma_start3A_3125 = tpu.memref_squeeze %dma_start3A_3124 : memref<1x1024xf32, #tpu.memory_space<vmem>> -> memref<1024xf32, #tpu.memory_space<vmem>>
      %dma_start3A_3126 = tpu.memref_slice %arg5[%mul3A_3122] : memref<1048576xf32, #tpu.memory_space<hbm>> -> memref<1024xf32, #tpu.memory_space<hbm>>
      %dma_start3A_3127 = tpu.memref_slice %arg13[%rem3A_1625] : memref<2x!tpu.dma_semaphore, #tpu.memory_space<semaphore_mem>> -> memref<1x!tpu.dma_semaphore, #tpu.memory_space<semaphore_mem>>
      %dma_start3A_3128 = tpu.memref_squeeze %dma_start3A_3127 : memref<1x!tpu.dma_semaphore, #tpu.memory_space<semaphore_mem>> -> memref<!tpu.dma_semaphore, #tpu.memory_space<semaphore_mem>>
      %dma_start3A_3129 = tpu.memref_slice %arg5[%mul3A_3122] : memref<1048576xf32, #tpu.memory_space<hbm>> -> memref<1024xf32, #tpu.memory_space<hbm>>
      %dma_start3A_3130 = arith.constant 0 : i32
      %dma_start3A_3131 = tpu.memref_slice %arg9[%rem3A_1625, %dma_start3A_3130] : memref<2x1024xf32, #tpu.memory_space<vmem>> -> memref<1x1024xf32, #tpu.memory_space<vmem>>
      %dma_start3A_3132 = tpu.memref_squeeze %dma_start3A_3131 : memref<1x1024xf32, #tpu.memory_space<vmem>> -> memref<1024xf32, #tpu.memory_space<vmem>>
      tpu.enqueue_dma source(%dma_start3A_3132 : memref<1024xf32, #tpu.memory_space<vmem>>) target(%dma_start3A_3129 : memref<1024xf32, #tpu.memory_space<hbm>>) target_semaphore(%dma_start3A_3128 : memref<!tpu.dma_semaphore, #tpu.memory_space<semaphore_mem>>)
      scf.yield %get3A_1623 : vector<16xi32>
    }
    %scan3A_391 = arith.constant 31 : i32
    %dma_wait3A = arith.constant 1 : i32
    %dma_wait3A_392 = arith.constant 1 : i32
    %dma_wait3A_393 = arith.constant 0 : i32
    %dma_wait3A_394 = tpu.memref_slice %arg9[%dma_wait3A, %dma_wait3A_393] : memref<2x1024xf32, #tpu.memory_space<vmem>> -> memref<1x1024xf32, #tpu.memory_space<vmem>>
    %dma_wait3A_395 = tpu.memref_squeeze %dma_wait3A_394 : memref<1x1024xf32, #tpu.memory_space<vmem>> -> memref<1024xf32, #tpu.memory_space<vmem>>
    %dma_wait3A_396 = arith.constant 0 : i32
    %dma_wait3A_397 = tpu.memref_slice %arg5[%dma_wait3A_396] : memref<1048576xf32, #tpu.memory_space<hbm>> -> memref<1024xf32, #tpu.memory_space<hbm>>
    %dma_wait3A_398 = tpu.memref_slice %arg13[%dma_wait3A_392] : memref<2x!tpu.dma_semaphore, #tpu.memory_space<semaphore_mem>> -> memref<1x!tpu.dma_semaphore, #tpu.memory_space<semaphore_mem>>
    %dma_wait3A_399 = tpu.memref_squeeze %dma_wait3A_398 : memref<1x!tpu.dma_semaphore, #tpu.memory_space<semaphore_mem>> -> memref<!tpu.dma_semaphore, #tpu.memory_space<semaphore_mem>>
    %dma_wait3A_400 = arith.constant 0 : i32
    %dma_wait3A_401 = tpu.memref_slice %arg5[%dma_wait3A_400] : memref<1048576xf32, #tpu.memory_space<hbm>> -> memref<1024xf32, #tpu.memory_space<hbm>>
    %dma_wait3A_402 = arith.constant 0 : i32
    %dma_wait3A_403 = tpu.memref_slice %arg9[%dma_wait3A, %dma_wait3A_402] : memref<2x1024xf32, #tpu.memory_space<vmem>> -> memref<1x1024xf32, #tpu.memory_space<vmem>>
    %dma_wait3A_404 = tpu.memref_squeeze %dma_wait3A_403 : memref<1x1024xf32, #tpu.memory_space<vmem>> -> memref<1024xf32, #tpu.memory_space<vmem>>
    tpu.wait_dma2 semaphore(%dma_wait3A_399 : memref<!tpu.dma_semaphore, #tpu.memory_space<semaphore_mem>>) src(%dma_wait3A_404 : memref<1024xf32, #tpu.memory_space<vmem>>) dst(%dma_wait3A_401 : memref<1024xf32, #tpu.memory_space<hbm>>)
    %slice3A_405 = vector.extract_strided_slice %scan3A_390 {offsets = [0], sizes = [1], strides = [1]} : vector<16xi32> to vector<1xi32>
    %squeeze3A_406 = vector.extract %slice3A_405[0] : i32 from vector<1xi32>
    %dma_wait3A_407 = arith.constant 0 : i32
    %dma_wait3A_408 = arith.constant 0 : i32
    %dma_wait3A_409 = arith.constant 0 : i32
    %dma_wait3A_410 = arith.constant 0 : i32
    %dma_wait3A_411 = arith.constant 0 : i32
    %dma_wait3A_412 = tpu.memref_slice %arg8[%dma_wait3A_408, %dma_wait3A_410, %dma_wait3A_411] : memref<16x8x64xf32, #tpu.memory_space<vmem>> -> memref<1x8x64xf32, #tpu.memory_space<vmem>>
    %dma_wait3A_413 = tpu.memref_squeeze %dma_wait3A_412 : memref<1x8x64xf32, #tpu.memory_space<vmem>> -> memref<8x64xf32, #tpu.memory_space<vmem>>
    %dma_wait3A_414 = arith.constant 0 : i32
    %dma_wait3A_415 = arith.constant 0 : i32
    %dma_wait3A_416 = tpu.memref_slice %arg2[%dma_wait3A_407, %dma_wait3A_414, %dma_wait3A_415] : memref<125000x8x64xf32, #tpu.memory_space<hbm>> -> memref<1x8x64xf32, #tpu.memory_space<hbm>>
    %dma_wait3A_417 = tpu.memref_squeeze %dma_wait3A_416 : memref<1x8x64xf32, #tpu.memory_space<hbm>> -> memref<8x64xf32, #tpu.memory_space<hbm>>
    %dma_wait3A_418 = tpu.memref_slice %arg11[%dma_wait3A_409] : memref<16x!tpu.dma_semaphore, #tpu.memory_space<semaphore_mem>> -> memref<1x!tpu.dma_semaphore, #tpu.memory_space<semaphore_mem>>
    %dma_wait3A_419 = tpu.memref_squeeze %dma_wait3A_418 : memref<1x!tpu.dma_semaphore, #tpu.memory_space<semaphore_mem>> -> memref<!tpu.dma_semaphore, #tpu.memory_space<semaphore_mem>>
    %dma_wait3A_420 = arith.constant 0 : i32
    %dma_wait3A_421 = arith.constant 0 : i32
    %dma_wait3A_422 = tpu.memref_slice %arg8[%dma_wait3A_408, %dma_wait3A_420, %dma_wait3A_421] : memref<16x8x64xf32, #tpu.memory_space<vmem>> -> memref<1x8x64xf32, #tpu.memory_space<vmem>>
    %dma_wait3A_423 = tpu.memref_squeeze %dma_wait3A_422 : memref<1x8x64xf32, #tpu.memory_space<vmem>> -> memref<8x64xf32, #tpu.memory_space<vmem>>
    %dma_wait3A_424 = arith.constant 0 : i32
    %dma_wait3A_425 = arith.constant 0 : i32
    %dma_wait3A_426 = tpu.memref_slice %arg2[%dma_wait3A_407, %dma_wait3A_424, %dma_wait3A_425] : memref<125000x8x64xf32, #tpu.memory_space<hbm>> -> memref<1x8x64xf32, #tpu.memory_space<hbm>>
    %dma_wait3A_427 = tpu.memref_squeeze %dma_wait3A_426 : memref<1x8x64xf32, #tpu.memory_space<hbm>> -> memref<8x64xf32, #tpu.memory_space<hbm>>
    tpu.wait_dma2 semaphore(%dma_wait3A_419 : memref<!tpu.dma_semaphore, #tpu.memory_space<semaphore_mem>>) src(%dma_wait3A_427 : memref<8x64xf32, #tpu.memory_space<hbm>>) dst(%dma_wait3A_423 : memref<8x64xf32, #tpu.memory_space<vmem>>)
    %and3A = arith.constant 7 : i32
    %and3A_428 = arith.andi %squeeze3A_406, %and3A : i32
    %get3A_429 = arith.constant 0 : i32
    %get3A_430 = arith.index_cast %get3A_429 : i32 to index
    %get3A_431 = arith.index_cast %and3A_428 : i32 to index
    %get3A_432 = arith.constant 0 : index
    %get3A_433 = tpu.vector_load %arg8[%get3A_430, %get3A_431, %get3A_432] {strides = array<i32>} : memref<16x8x64xf32, #tpu.memory_space<vmem>>, vector<1x1x16xf32>,
    %get3A_434 = vector.shape_cast %get3A_433 : vector<1x1x16xf32> to vector<16xf32>
    %swap3A = arith.constant 1 : i32
    %swap3A_435 = arith.index_cast %swap3A : i32 to index
    %swap3A_436 = arith.constant 0 : index
    %swap3A_437 = tpu.vector_load %arg9[%swap3A_435, %swap3A_436] {strides = array<i32>} : memref<2x1024xf32, #tpu.memory_space<vmem>>, vector<1x16xf32>,
    %swap3A_438 = vector.shape_cast %swap3A_437 : vector<1x16xf32> to vector<16xf32>
    %swap3A_439 = vector.shape_cast %get3A_434 : vector<16xf32> to vector<1x16xf32>
    tpu.vector_store %arg9[%swap3A_435, %swap3A_436], %swap3A_439 {strides = array<i32>} : memref<2x1024xf32, #tpu.memory_space<vmem>>, vector<1x16xf32>,
    %get3A_440 = arith.constant 0 : i32
    %get3A_441 = arith.index_cast %get3A_440 : i32 to index
    %get3A_442 = arith.index_cast %and3A_428 : i32 to index
    %get3A_443 = arith.constant 16 : index
    %get3A_444 = tpu.vector_load %arg8[%get3A_441, %get3A_442, %get3A_443] {strides = array<i32>} : memref<16x8x64xf32, #tpu.memory_space<vmem>>, vector<1x1x16xf32>,
    %get3A_445 = vector.shape_cast %get3A_444 : vector<1x1x16xf32> to vector<16xf32>
    %swap3A_446 = arith.constant 1 : i32
    %swap3A_447 = arith.index_cast %swap3A_446 : i32 to index
    %swap3A_448 = arith.constant 16 : index
    %swap3A_449 = tpu.vector_load %arg9[%swap3A_447, %swap3A_448] {strides = array<i32>} : memref<2x1024xf32, #tpu.memory_space<vmem>>, vector<1x16xf32>,
    %swap3A_450 = vector.shape_cast %swap3A_449 : vector<1x16xf32> to vector<16xf32>
    %swap3A_451 = vector.shape_cast %get3A_445 : vector<16xf32> to vector<1x16xf32>
    tpu.vector_store %arg9[%swap3A_447, %swap3A_448], %swap3A_451 {strides = array<i32>} : memref<2x1024xf32, #tpu.memory_space<vmem>>, vector<1x16xf32>,
    %get3A_452 = arith.constant 0 : i32
    %get3A_453 = arith.index_cast %get3A_452 : i32 to index
    %get3A_454 = arith.index_cast %and3A_428 : i32 to index
    %get3A_455 = arith.constant 32 : index
    %get3A_456 = tpu.vector_load %arg8[%get3A_453, %get3A_454, %get3A_455] {strides = array<i32>} : memref<16x8x64xf32, #tpu.memory_space<vmem>>, vector<1x1x16xf32>,
    %get3A_457 = vector.shape_cast %get3A_456 : vector<1x1x16xf32> to vector<16xf32>
    %swap3A_458 = arith.constant 1 : i32
    %swap3A_459 = arith.index_cast %swap3A_458 : i32 to index
    %swap3A_460 = arith.constant 32 : index
    %swap3A_461 = tpu.vector_load %arg9[%swap3A_459, %swap3A_460] {strides = array<i32>} : memref<2x1024xf32, #tpu.memory_space<vmem>>, vector<1x16xf32>,
    %swap3A_462 = vector.shape_cast %swap3A_461 : vector<1x16xf32> to vector<16xf32>
    %swap3A_463 = vector.shape_cast %get3A_457 : vector<16xf32> to vector<1x16xf32>
    tpu.vector_store %arg9[%swap3A_459, %swap3A_460], %swap3A_463 {strides = array<i32>} : memref<2x1024xf32, #tpu.memory_space<vmem>>, vector<1x16xf32>,
    %get3A_464 = arith.constant 0 : i32
    %get3A_465 = arith.index_cast %get3A_464 : i32 to index
    %get3A_466 = arith.index_cast %and3A_428 : i32 to index
    %get3A_467 = arith.constant 48 : index
    %get3A_468 = tpu.vector_load %arg8[%get3A_465, %get3A_466, %get3A_467] {strides = array<i32>} : memref<16x8x64xf32, #tpu.memory_space<vmem>>, vector<1x1x16xf32>,
    %get3A_469 = vector.shape_cast %get3A_468 : vector<1x1x16xf32> to vector<16xf32>
    %swap3A_470 = arith.constant 1 : i32
    %swap3A_471 = arith.index_cast %swap3A_470 : i32 to index
    %swap3A_472 = arith.constant 48 : index
    %swap3A_473 = tpu.vector_load %arg9[%swap3A_471, %swap3A_472] {strides = array<i32>} : memref<2x1024xf32, #tpu.memory_space<vmem>>, vector<1x16xf32>,
    %swap3A_474 = vector.shape_cast %swap3A_473 : vector<1x16xf32> to vector<16xf32>
    %swap3A_475 = vector.shape_cast %get3A_469 : vector<16xf32> to vector<1x16xf32>
    tpu.vector_store %arg9[%swap3A_471, %swap3A_472], %swap3A_475 {strides = array<i32>} : memref<2x1024xf32, #tpu.memory_space<vmem>>, vector<1x16xf32>,
    %slice3A_476 = vector.extract_strided_slice %scan3A_390 {offsets = [1], sizes = [1], strides = [1]} : vector<16xi32> to vector<1xi32>
    %squeeze3A_477 = vector.extract %slice3A_476[0] : i32 from vector<1xi32>
    %dma_wait3A_478 = arith.constant 0 : i32
    %dma_wait3A_479 = arith.constant 1 : i32
    %dma_wait3A_480 = arith.constant 1 : i32
    %dma_wait3A_481 = arith.constant 0 : i32
    %dma_wait3A_482 = arith.constant 0 : i32
    %dma_wait3A_483 = tpu.memref_slice %arg8[%dma_wait3A_479, %dma_wait3A_481, %dma_wait3A_482] : memref<16x8x64xf32, #tpu.memory_space<vmem>> -> memref<1x8x64xf32, #tpu.memory_space<vmem>>
    %dma_wait3A_484 = tpu.memref_squeeze %dma_wait3A_483 : memref<1x8x64xf32, #tpu.memory_space<vmem>> -> memref<8x64xf32, #tpu.memory_space<vmem>>
    %dma_wait3A_485 = arith.constant 0 : i32
    %dma_wait3A_486 = arith.constant 0 : i32
    %dma_wait3A_487 = tpu.memref_slice %arg2[%dma_wait3A_478, %dma_wait3A_485, %dma_wait3A_486] : memref<125000x8x64xf32, #tpu.memory_space<hbm>> -> memref<1x8x64xf32, #tpu.memory_space<hbm>>
    %dma_wait3A_488 = tpu.memref_squeeze %dma_wait3A_487 : memref<1x8x64xf32, #tpu.memory_space<hbm>> -> memref<8x64xf32, #tpu.memory_space<hbm>>
    %dma_wait3A_489 = tpu.memref_slice %arg11[%dma_wait3A_480] : memref<16x!tpu.dma_semaphore, #tpu.memory_space<semaphore_mem>> -> memref<1x!tpu.dma_semaphore, #tpu.memory_space<semaphore_mem>>
    %dma_wait3A_490 = tpu.memref_squeeze %dma_wait3A_489 : memref<1x!tpu.dma_semaphore, #tpu.memory_space<semaphore_mem>> -> memref<!tpu.dma_semaphore, #tpu.memory_space<semaphore_mem>>
    %dma_wait3A_491 = arith.constant 0 : i32
    %dma_wait3A_492 = arith.constant 0 : i32
    %dma_wait3A_493 = tpu.memref_slice %arg8[%dma_wait3A_479, %dma_wait3A_491, %dma_wait3A_492] : memref<16x8x64xf32, #tpu.memory_space<vmem>> -> memref<1x8x64xf32, #tpu.memory_space<vmem>>
    %dma_wait3A_494 = tpu.memref_squeeze %dma_wait3A_493 : memref<1x8x64xf32, #tpu.memory_space<vmem>> -> memref<8x64xf32, #tpu.memory_space<vmem>>
    %dma_wait3A_495 = arith.constant 0 : i32
    %dma_wait3A_496 = arith.constant 0 : i32
    %dma_wait3A_497 = tpu.memref_slice %arg2[%dma_wait3A_478, %dma_wait3A_495, %dma_wait3A_496] : memref<125000x8x64xf32, #tpu.memory_space<hbm>> -> memref<1x8x64xf32, #tpu.memory_space<hbm>>
    %dma_wait3A_498 = tpu.memref_squeeze %dma_wait3A_497 : memref<1x8x64xf32, #tpu.memory_space<hbm>> -> memref<8x64xf32, #tpu.memory_space<hbm>>
    tpu.wait_dma2 semaphore(%dma_wait3A_490 : memref<!tpu.dma_semaphore, #tpu.memory_space<semaphore_mem>>) src(%dma_wait3A_498 : memref<8x64xf32, #tpu.memory_space<hbm>>) dst(%dma_wait3A_494 : memref<8x64xf32, #tpu.memory_space<vmem>>)
    %and3A_499 = arith.constant 7 : i32
    %and3A_500 = arith.andi %squeeze3A_477, %and3A_499 : i32
    %get3A_501 = arith.constant 1 : i32
    %get3A_502 = arith.index_cast %get3A_501 : i32 to index
    %get3A_503 = arith.index_cast %and3A_500 : i32 to index
    %get3A_504 = arith.constant 0 : index
    %get3A_505 = tpu.vector_load %arg8[%get3A_502, %get3A_503, %get3A_504] {strides = array<i32>} : memref<16x8x64xf32, #tpu.memory_space<vmem>>, vector<1x1x16xf32>,
    %get3A_506 = vector.shape_cast %get3A_505 : vector<1x1x16xf32> to vector<16xf32>
    %swap3A_507 = arith.constant 1 : i32
    %swap3A_508 = arith.index_cast %swap3A_507 : i32 to index
    %swap3A_509 = arith.constant 64 : index
    %swap3A_510 = tpu.vector_load %arg9[%swap3A_508, %swap3A_509] {strides = array<i32>} : memref<2x1024xf32, #tpu.memory_space<vmem>>, vector<1x16xf32>,
    %swap3A_511 = vector.shape_cast %swap3A_510 : vector<1x16xf32> to vector<16xf32>
    %swap3A_512 = vector.shape_cast %get3A_506 : vector<16xf32> to vector<1x16xf32>
    tpu.vector_store %arg9[%swap3A_508, %swap3A_509], %swap3A_512 {strides = array<i32>} : memref<2x1024xf32, #tpu.memory_space<vmem>>, vector<1x16xf32>,
    %get3A_513 = arith.constant 1 : i32
    %get3A_514 = arith.index_cast %get3A_513 : i32 to index
    %get3A_515 = arith.index_cast %and3A_500 : i32 to index
    %get3A_516 = arith.constant 16 : index
    %get3A_517 = tpu.vector_load %arg8[%get3A_514, %get3A_515, %get3A_516] {strides = array<i32>} : memref<16x8x64xf32, #tpu.memory_space<vmem>>, vector<1x1x16xf32>,
    %get3A_518 = vector.shape_cast %get3A_517 : vector<1x1x16xf32> to vector<16xf32>
    %swap3A_519 = arith.constant 1 : i32
    %swap3A_520 = arith.index_cast %swap3A_519 : i32 to index
    %swap3A_521 = arith.constant 80 : index
    %swap3A_522 = tpu.vector_load %arg9[%swap3A_520, %swap3A_521] {strides = array<i32>} : memref<2x1024xf32, #tpu.memory_space<vmem>>, vector<1x16xf32>,
    %swap3A_523 = vector.shape_cast %swap3A_522 : vector<1x16xf32> to vector<16xf32>
    %swap3A_524 = vector.shape_cast %get3A_518 : vector<16xf32> to vector<1x16xf32>
    tpu.vector_store %arg9[%swap3A_520, %swap3A_521], %swap3A_524 {strides = array<i32>} : memref<2x1024xf32, #tpu.memory_space<vmem>>, vector<1x16xf32>,
    %get3A_525 = arith.constant 1 : i32
    %get3A_526 = arith.index_cast %get3A_525 : i32 to index
    %get3A_527 = arith.index_cast %and3A_500 : i32 to index
    %get3A_528 = arith.constant 32 : index
    %get3A_529 = tpu.vector_load %arg8[%get3A_526, %get3A_527, %get3A_528] {strides = array<i32>} : memref<16x8x64xf32, #tpu.memory_space<vmem>>, vector<1x1x16xf32>,
    %get3A_530 = vector.shape_cast %get3A_529 : vector<1x1x16xf32> to vector<16xf32>
    %swap3A_531 = arith.constant 1 : i32
    %swap3A_532 = arith.index_cast %swap3A_531 : i32 to index
    %swap3A_533 = arith.constant 96 : index
    %swap3A_534 = tpu.vector_load %arg9[%swap3A_532, %swap3A_533] {strides = array<i32>} : memref<2x1024xf32, #tpu.memory_space<vmem>>, vector<1x16xf32>,
    %swap3A_535 = vector.shape_cast %swap3A_534 : vector<1x16xf32> to vector<16xf32>
    %swap3A_536 = vector.shape_cast %get3A_530 : vector<16xf32> to vector<1x16xf32>
    tpu.vector_store %arg9[%swap3A_532, %swap3A_533], %swap3A_536 {strides = array<i32>} : memref<2x1024xf32, #tpu.memory_space<vmem>>, vector<1x16xf32>,
    %get3A_537 = arith.constant 1 : i32
    %get3A_538 = arith.index_cast %get3A_537 : i32 to index
    %get3A_539 = arith.index_cast %and3A_500 : i32 to index
    %get3A_540 = arith.constant 48 : index
    %get3A_541 = tpu.vector_load %arg8[%get3A_538, %get3A_539, %get3A_540] {strides = array<i32>} : memref<16x8x64xf32, #tpu.memory_space<vmem>>, vector<1x1x16xf32>,
    %get3A_542 = vector.shape_cast %get3A_541 : vector<1x1x16xf32> to vector<16xf32>
    %swap3A_543 = arith.constant 1 : i32
    %swap3A_544 = arith.index_cast %swap3A_543 : i32 to index
    %swap3A_545 = arith.constant 112 : index
    %swap3A_546 = tpu.vector_load %arg9[%swap3A_544, %swap3A_545] {strides = array<i32>} : memref<2x1024xf32, #tpu.memory_space<vmem>>, vector<1x16xf32>,
    %swap3A_547 = vector.shape_cast %swap3A_546 : vector<1x16xf32> to vector<16xf32>
    %swap3A_548 = vector.shape_cast %get3A_542 : vector<16xf32> to vector<1x16xf32>
    tpu.vector_store %arg9[%swap3A_544, %swap3A_545], %swap3A_548 {strides = array<i32>} : memref<2x1024xf32, #tpu.memory_space<vmem>>, vector<1x16xf32>,
    %slice3A_549 = vector.extract_strided_slice %scan3A_390 {offsets = [2], sizes = [1], strides = [1]} : vector<16xi32> to vector<1xi32>
    %squeeze3A_550 = vector.extract %slice3A_549[0] : i32 from vector<1xi32>
    %dma_wait3A_551 = arith.constant 0 : i32
    %dma_wait3A_552 = arith.constant 2 : i32
    %dma_wait3A_553 = arith.constant 2 : i32
    %dma_wait3A_554 = arith.constant 0 : i32
    %dma_wait3A_555 = arith.constant 0 : i32
    %dma_wait3A_556 = tpu.memref_slice %arg8[%dma_wait3A_552, %dma_wait3A_554, %dma_wait3A_555] : memref<16x8x64xf32, #tpu.memory_space<vmem>> -> memref<1x8x64xf32, #tpu.memory_space<vmem>>
    %dma_wait3A_557 = tpu.memref_squeeze %dma_wait3A_556 : memref<1x8x64xf32, #tpu.memory_space<vmem>> -> memref<8x64xf32, #tpu.memory_space<vmem>>
    %dma_wait3A_558 = arith.constant 0 : i32
    %dma_wait3A_559 = arith.constant 0 : i32
    %dma_wait3A_560 = tpu.memref_slice %arg2[%dma_wait3A_551, %dma_wait3A_558, %dma_wait3A_559] : memref<125000x8x64xf32, #tpu.memory_space<hbm>> -> memref<1x8x64xf32, #tpu.memory_space<hbm>>
    %dma_wait3A_561 = tpu.memref_squeeze %dma_wait3A_560 : memref<1x8x64xf32, #tpu.memory_space<hbm>> -> memref<8x64xf32, #tpu.memory_space<hbm>>
    %dma_wait3A_562 = tpu.memref_slice %arg11[%dma_wait3A_553] : memref<16x!tpu.dma_semaphore, #tpu.memory_space<semaphore_mem>> -> memref<1x!tpu.dma_semaphore, #tpu.memory_space<semaphore_mem>>
    %dma_wait3A_563 = tpu.memref_squeeze %dma_wait3A_562 : memref<1x!tpu.dma_semaphore, #tpu.memory_space<semaphore_mem>> -> memref<!tpu.dma_semaphore, #tpu.memory_space<semaphore_mem>>
    %dma_wait3A_564 = arith.constant 0 : i32
    %dma_wait3A_565 = arith.constant 0 : i32
    %dma_wait3A_566 = tpu.memref_slice %arg8[%dma_wait3A_552, %dma_wait3A_564, %dma_wait3A_565] : memref<16x8x64xf32, #tpu.memory_space<vmem>> -> memref<1x8x64xf32, #tpu.memory_space<vmem>>
    %dma_wait3A_567 = tpu.memref_squeeze %dma_wait3A_566 : memref<1x8x64xf32, #tpu.memory_space<vmem>> -> memref<8x64xf32, #tpu.memory_space<vmem>>
    %dma_wait3A_568 = arith.constant 0 : i32
    %dma_wait3A_569 = arith.constant 0 : i32
    %dma_wait3A_570 = tpu.memref_slice %arg2[%dma_wait3A_551, %dma_wait3A_568, %dma_wait3A_569] : memref<125000x8x64xf32, #tpu.memory_space<hbm>> -> memref<1x8x64xf32, #tpu.memory_space<hbm>>
    %dma_wait3A_571 = tpu.memref_squeeze %dma_wait3A_570 : memref<1x8x64xf32, #tpu.memory_space<hbm>> -> memref<8x64xf32, #tpu.memory_space<hbm>>
    tpu.wait_dma2 semaphore(%dma_wait3A_563 : memref<!tpu.dma_semaphore, #tpu.memory_space<semaphore_mem>>) src(%dma_wait3A_571 : memref<8x64xf32, #tpu.memory_space<hbm>>) dst(%dma_wait3A_567 : memref<8x64xf32, #tpu.memory_space<vmem>>)
    %and3A_572 = arith.constant 7 : i32
    %and3A_573 = arith.andi %squeeze3A_550, %and3A_572 : i32
    %get3A_574 = arith.constant 2 : i32
    %get3A_575 = arith.index_cast %get3A_574 : i32 to index
    %get3A_576 = arith.index_cast %and3A_573 : i32 to index
    %get3A_577 = arith.constant 0 : index
    %get3A_578 = tpu.vector_load %arg8[%get3A_575, %get3A_576, %get3A_577] {strides = array<i32>} : memref<16x8x64xf32, #tpu.memory_space<vmem>>, vector<1x1x16xf32>,
    %get3A_579 = vector.shape_cast %get3A_578 : vector<1x1x16xf32> to vector<16xf32>
    %swap3A_580 = arith.constant 1 : i32
    %swap3A_581 = arith.index_cast %swap3A_580 : i32 to index
    %swap3A_582 = arith.constant 128 : index
    %swap3A_583 = tpu.vector_load %arg9[%swap3A_581, %swap3A_582] {strides = array<i32>} : memref<2x1024xf32, #tpu.memory_space<vmem>>, vector<1x16xf32>,
    %swap3A_584 = vector.shape_cast %swap3A_583 : vector<1x16xf32> to vector<16xf32>
    %swap3A_585 = vector.shape_cast %get3A_579 : vector<16xf32> to vector<1x16xf32>
    tpu.vector_store %arg9[%swap3A_581, %swap3A_582], %swap3A_585 {strides = array<i32>} : memref<2x1024xf32, #tpu.memory_space<vmem>>, vector<1x16xf32>,
    %get3A_586 = arith.constant 2 : i32
    %get3A_587 = arith.index_cast %get3A_586 : i32 to index
    %get3A_588 = arith.index_cast %and3A_573 : i32 to index
    %get3A_589 = arith.constant 16 : index
    %get3A_590 = tpu.vector_load %arg8[%get3A_587, %get3A_588, %get3A_589] {strides = array<i32>} : memref<16x8x64xf32, #tpu.memory_space<vmem>>, vector<1x1x16xf32>,
    %get3A_591 = vector.shape_cast %get3A_590 : vector<1x1x16xf32> to vector<16xf32>
    %swap3A_592 = arith.constant 1 : i32
    %swap3A_593 = arith.index_cast %swap3A_592 : i32 to index
    %swap3A_594 = arith.constant 144 : index
    %swap3A_595 = tpu.vector_load %arg9[%swap3A_593, %swap3A_594] {strides = array<i32>} : memref<2x1024xf32, #tpu.memory_space<vmem>>, vector<1x16xf32>,
    %swap3A_596 = vector.shape_cast %swap3A_595 : vector<1x16xf32> to vector<16xf32>
    %swap3A_597 = vector.shape_cast %get3A_591 : vector<16xf32> to vector<1x16xf32>
    tpu.vector_store %arg9[%swap3A_593, %swap3A_594], %swap3A_597 {strides = array<i32>} : memref<2x1024xf32, #tpu.memory_space<vmem>>, vector<1x16xf32>,
    %get3A_598 = arith.constant 2 : i32
    %get3A_599 = arith.index_cast %get3A_598 : i32 to index
    %get3A_600 = arith.index_cast %and3A_573 : i32 to index
    %get3A_601 = arith.constant 32 : index
    %get3A_602 = tpu.vector_load %arg8[%get3A_599, %get3A_600, %get3A_601] {strides = array<i32>} : memref<16x8x64xf32, #tpu.memory_space<vmem>>, vector<1x1x16xf32>,
    %get3A_603 = vector.shape_cast %get3A_602 : vector<1x1x16xf32> to vector<16xf32>
    %swap3A_604 = arith.constant 1 : i32
    %swap3A_605 = arith.index_cast %swap3A_604 : i32 to index
    %swap3A_606 = arith.constant 160 : index
    %swap3A_607 = tpu.vector_load %arg9[%swap3A_605, %swap3A_606] {strides = array<i32>} : memref<2x1024xf32, #tpu.memory_space<vmem>>, vector<1x16xf32>,
    %swap3A_608 = vector.shape_cast %swap3A_607 : vector<1x16xf32> to vector<16xf32>
    %swap3A_609 = vector.shape_cast %get3A_603 : vector<16xf32> to vector<1x16xf32>
    tpu.vector_store %arg9[%swap3A_605, %swap3A_606], %swap3A_609 {strides = array<i32>} : memref<2x1024xf32, #tpu.memory_space<vmem>>, vector<1x16xf32>,
    %get3A_610 = arith.constant 2 : i32
    %get3A_611 = arith.index_cast %get3A_610 : i32 to index
    %get3A_612 = arith.index_cast %and3A_573 : i32 to index
    %get3A_613 = arith.constant 48 : index
    %get3A_614 = tpu.vector_load %arg8[%get3A_611, %get3A_612, %get3A_613] {strides = array<i32>} : memref<16x8x64xf32, #tpu.memory_space<vmem>>, vector<1x1x16xf32>,
    %get3A_615 = vector.shape_cast %get3A_614 : vector<1x1x16xf32> to vector<16xf32>
    %swap3A_616 = arith.constant 1 : i32
    %swap3A_617 = arith.index_cast %swap3A_616 : i32 to index
    %swap3A_618 = arith.constant 176 : index
    %swap3A_619 = tpu.vector_load %arg9[%swap3A_617, %swap3A_618] {strides = array<i32>} : memref<2x1024xf32, #tpu.memory_space<vmem>>, vector<1x16xf32>,
    %swap3A_620 = vector.shape_cast %swap3A_619 : vector<1x16xf32> to vector<16xf32>
    %swap3A_621 = vector.shape_cast %get3A_615 : vector<16xf32> to vector<1x16xf32>
    tpu.vector_store %arg9[%swap3A_617, %swap3A_618], %swap3A_621 {strides = array<i32>} : memref<2x1024xf32, #tpu.memory_space<vmem>>, vector<1x16xf32>,
    %slice3A_622 = vector.extract_strided_slice %scan3A_390 {offsets = [3], sizes = [1], strides = [1]} : vector<16xi32> to vector<1xi32>
    %squeeze3A_623 = vector.extract %slice3A_622[0] : i32 from vector<1xi32>
    %dma_wait3A_624 = arith.constant 0 : i32
    %dma_wait3A_625 = arith.constant 3 : i32
    %dma_wait3A_626 = arith.constant 3 : i32
    %dma_wait3A_627 = arith.constant 0 : i32
    %dma_wait3A_628 = arith.constant 0 : i32
    %dma_wait3A_629 = tpu.memref_slice %arg8[%dma_wait3A_625, %dma_wait3A_627, %dma_wait3A_628] : memref<16x8x64xf32, #tpu.memory_space<vmem>> -> memref<1x8x64xf32, #tpu.memory_space<vmem>>
    %dma_wait3A_630 = tpu.memref_squeeze %dma_wait3A_629 : memref<1x8x64xf32, #tpu.memory_space<vmem>> -> memref<8x64xf32, #tpu.memory_space<vmem>>
    %dma_wait3A_631 = arith.constant 0 : i32
    %dma_wait3A_632 = arith.constant 0 : i32
    %dma_wait3A_633 = tpu.memref_slice %arg2[%dma_wait3A_624, %dma_wait3A_631, %dma_wait3A_632] : memref<125000x8x64xf32, #tpu.memory_space<hbm>> -> memref<1x8x64xf32, #tpu.memory_space<hbm>>
    %dma_wait3A_634 = tpu.memref_squeeze %dma_wait3A_633 : memref<1x8x64xf32, #tpu.memory_space<hbm>> -> memref<8x64xf32, #tpu.memory_space<hbm>>
    %dma_wait3A_635 = tpu.memref_slice %arg11[%dma_wait3A_626] : memref<16x!tpu.dma_semaphore, #tpu.memory_space<semaphore_mem>> -> memref<1x!tpu.dma_semaphore, #tpu.memory_space<semaphore_mem>>
    %dma_wait3A_636 = tpu.memref_squeeze %dma_wait3A_635 : memref<1x!tpu.dma_semaphore, #tpu.memory_space<semaphore_mem>> -> memref<!tpu.dma_semaphore, #tpu.memory_space<semaphore_mem>>
    %dma_wait3A_637 = arith.constant 0 : i32
    %dma_wait3A_638 = arith.constant 0 : i32
    %dma_wait3A_639 = tpu.memref_slice %arg8[%dma_wait3A_625, %dma_wait3A_637, %dma_wait3A_638] : memref<16x8x64xf32, #tpu.memory_space<vmem>> -> memref<1x8x64xf32, #tpu.memory_space<vmem>>
    %dma_wait3A_640 = tpu.memref_squeeze %dma_wait3A_639 : memref<1x8x64xf32, #tpu.memory_space<vmem>> -> memref<8x64xf32, #tpu.memory_space<vmem>>
    %dma_wait3A_641 = arith.constant 0 : i32
    %dma_wait3A_642 = arith.constant 0 : i32
    %dma_wait3A_643 = tpu.memref_slice %arg2[%dma_wait3A_624, %dma_wait3A_641, %dma_wait3A_642] : memref<125000x8x64xf32, #tpu.memory_space<hbm>> -> memref<1x8x64xf32, #tpu.memory_space<hbm>>
    %dma_wait3A_644 = tpu.memref_squeeze %dma_wait3A_643 : memref<1x8x64xf32, #tpu.memory_space<hbm>> -> memref<8x64xf32, #tpu.memory_space<hbm>>
    tpu.wait_dma2 semaphore(%dma_wait3A_636 : memref<!tpu.dma_semaphore, #tpu.memory_space<semaphore_mem>>) src(%dma_wait3A_644 : memref<8x64xf32, #tpu.memory_space<hbm>>) dst(%dma_wait3A_640 : memref<8x64xf32, #tpu.memory_space<vmem>>)
    %and3A_645 = arith.constant 7 : i32
    %and3A_646 = arith.andi %squeeze3A_623, %and3A_645 : i32
    %get3A_647 = arith.constant 3 : i32
    %get3A_648 = arith.index_cast %get3A_647 : i32 to index
    %get3A_649 = arith.index_cast %and3A_646 : i32 to index
    %get3A_650 = arith.constant 0 : index
    %get3A_651 = tpu.vector_load %arg8[%get3A_648, %get3A_649, %get3A_650] {strides = array<i32>} : memref<16x8x64xf32, #tpu.memory_space<vmem>>, vector<1x1x16xf32>,
    %get3A_652 = vector.shape_cast %get3A_651 : vector<1x1x16xf32> to vector<16xf32>
    %swap3A_653 = arith.constant 1 : i32
    %swap3A_654 = arith.index_cast %swap3A_653 : i32 to index
    %swap3A_655 = arith.constant 192 : index
    %swap3A_656 = tpu.vector_load %arg9[%swap3A_654, %swap3A_655] {strides = array<i32>} : memref<2x1024xf32, #tpu.memory_space<vmem>>, vector<1x16xf32>,
    %swap3A_657 = vector.shape_cast %swap3A_656 : vector<1x16xf32> to vector<16xf32>
    %swap3A_658 = vector.shape_cast %get3A_652 : vector<16xf32> to vector<1x16xf32>
    tpu.vector_store %arg9[%swap3A_654, %swap3A_655], %swap3A_658 {strides = array<i32>} : memref<2x1024xf32, #tpu.memory_space<vmem>>, vector<1x16xf32>,
    %get3A_659 = arith.constant 3 : i32
    %get3A_660 = arith.index_cast %get3A_659 : i32 to index
    %get3A_661 = arith.index_cast %and3A_646 : i32 to index
    %get3A_662 = arith.constant 16 : index
    %get3A_663 = tpu.vector_load %arg8[%get3A_660, %get3A_661, %get3A_662] {strides = array<i32>} : memref<16x8x64xf32, #tpu.memory_space<vmem>>, vector<1x1x16xf32>,
    %get3A_664 = vector.shape_cast %get3A_663 : vector<1x1x16xf32> to vector<16xf32>
    %swap3A_665 = arith.constant 1 : i32
    %swap3A_666 = arith.index_cast %swap3A_665 : i32 to index
    %swap3A_667 = arith.constant 208 : index
    %swap3A_668 = tpu.vector_load %arg9[%swap3A_666, %swap3A_667] {strides = array<i32>} : memref<2x1024xf32, #tpu.memory_space<vmem>>, vector<1x16xf32>,
    %swap3A_669 = vector.shape_cast %swap3A_668 : vector<1x16xf32> to vector<16xf32>
    %swap3A_670 = vector.shape_cast %get3A_664 : vector<16xf32> to vector<1x16xf32>
    tpu.vector_store %arg9[%swap3A_666, %swap3A_667], %swap3A_670 {strides = array<i32>} : memref<2x1024xf32, #tpu.memory_space<vmem>>, vector<1x16xf32>,
    %get3A_671 = arith.constant 3 : i32
    %get3A_672 = arith.index_cast %get3A_671 : i32 to index
    %get3A_673 = arith.index_cast %and3A_646 : i32 to index
    %get3A_674 = arith.constant 32 : index
    %get3A_675 = tpu.vector_load %arg8[%get3A_672, %get3A_673, %get3A_674] {strides = array<i32>} : memref<16x8x64xf32, #tpu.memory_space<vmem>>, vector<1x1x16xf32>,
    %get3A_676 = vector.shape_cast %get3A_675 : vector<1x1x16xf32> to vector<16xf32>
    %swap3A_677 = arith.constant 1 : i32
    %swap3A_678 = arith.index_cast %swap3A_677 : i32 to index
    %swap3A_679 = arith.constant 224 : index
    %swap3A_680 = tpu.vector_load %arg9[%swap3A_678, %swap3A_679] {strides = array<i32>} : memref<2x1024xf32, #tpu.memory_space<vmem>>, vector<1x16xf32>,
    %swap3A_681 = vector.shape_cast %swap3A_680 : vector<1x16xf32> to vector<16xf32>
    %swap3A_682 = vector.shape_cast %get3A_676 : vector<16xf32> to vector<1x16xf32>
    tpu.vector_store %arg9[%swap3A_678, %swap3A_679], %swap3A_682 {strides = array<i32>} : memref<2x1024xf32, #tpu.memory_space<vmem>>, vector<1x16xf32>,
    %get3A_683 = arith.constant 3 : i32
    %get3A_684 = arith.index_cast %get3A_683 : i32 to index
    %get3A_685 = arith.index_cast %and3A_646 : i32 to index
    %get3A_686 = arith.constant 48 : index
    %get3A_687 = tpu.vector_load %arg8[%get3A_684, %get3A_685, %get3A_686] {strides = array<i32>} : memref<16x8x64xf32, #tpu.memory_space<vmem>>, vector<1x1x16xf32>,
    %get3A_688 = vector.shape_cast %get3A_687 : vector<1x1x16xf32> to vector<16xf32>
    %swap3A_689 = arith.constant 1 : i32
    %swap3A_690 = arith.index_cast %swap3A_689 : i32 to index
    %swap3A_691 = arith.constant 240 : index
    %swap3A_692 = tpu.vector_load %arg9[%swap3A_690, %swap3A_691] {strides = array<i32>} : memref<2x1024xf32, #tpu.memory_space<vmem>>, vector<1x16xf32>,
    %swap3A_693 = vector.shape_cast %swap3A_692 : vector<1x16xf32> to vector<16xf32>
    %swap3A_694 = vector.shape_cast %get3A_688 : vector<16xf32> to vector<1x16xf32>
    tpu.vector_store %arg9[%swap3A_690, %swap3A_691], %swap3A_694 {strides = array<i32>} : memref<2x1024xf32, #tpu.memory_space<vmem>>, vector<1x16xf32>,
    %slice3A_695 = vector.extract_strided_slice %scan3A_390 {offsets = [4], sizes = [1], strides = [1]} : vector<16xi32> to vector<1xi32>
    %squeeze3A_696 = vector.extract %slice3A_695[0] : i32 from vector<1xi32>
    %dma_wait3A_697 = arith.constant 0 : i32
    %dma_wait3A_698 = arith.constant 4 : i32
    %dma_wait3A_699 = arith.constant 4 : i32
    %dma_wait3A_700 = arith.constant 0 : i32
    %dma_wait3A_701 = arith.constant 0 : i32
    %dma_wait3A_702 = tpu.memref_slice %arg8[%dma_wait3A_698, %dma_wait3A_700, %dma_wait3A_701] : memref<16x8x64xf32, #tpu.memory_space<vmem>> -> memref<1x8x64xf32, #tpu.memory_space<vmem>>
    %dma_wait3A_703 = tpu.memref_squeeze %dma_wait3A_702 : memref<1x8x64xf32, #tpu.memory_space<vmem>> -> memref<8x64xf32, #tpu.memory_space<vmem>>
    %dma_wait3A_704 = arith.constant 0 : i32
    %dma_wait3A_705 = arith.constant 0 : i32
    %dma_wait3A_706 = tpu.memref_slice %arg2[%dma_wait3A_697, %dma_wait3A_704, %dma_wait3A_705] : memref<125000x8x64xf32, #tpu.memory_space<hbm>> -> memref<1x8x64xf32, #tpu.memory_space<hbm>>
    %dma_wait3A_707 = tpu.memref_squeeze %dma_wait3A_706 : memref<1x8x64xf32, #tpu.memory_space<hbm>> -> memref<8x64xf32, #tpu.memory_space<hbm>>
    %dma_wait3A_708 = tpu.memref_slice %arg11[%dma_wait3A_699] : memref<16x!tpu.dma_semaphore, #tpu.memory_space<semaphore_mem>> -> memref<1x!tpu.dma_semaphore, #tpu.memory_space<semaphore_mem>>
    %dma_wait3A_709 = tpu.memref_squeeze %dma_wait3A_708 : memref<1x!tpu.dma_semaphore, #tpu.memory_space<semaphore_mem>> -> memref<!tpu.dma_semaphore, #tpu.memory_space<semaphore_mem>>
    %dma_wait3A_710 = arith.constant 0 : i32
    %dma_wait3A_711 = arith.constant 0 : i32
    %dma_wait3A_712 = tpu.memref_slice %arg8[%dma_wait3A_698, %dma_wait3A_710, %dma_wait3A_711] : memref<16x8x64xf32, #tpu.memory_space<vmem>> -> memref<1x8x64xf32, #tpu.memory_space<vmem>>
    %dma_wait3A_713 = tpu.memref_squeeze %dma_wait3A_712 : memref<1x8x64xf32, #tpu.memory_space<vmem>> -> memref<8x64xf32, #tpu.memory_space<vmem>>
    %dma_wait3A_714 = arith.constant 0 : i32
    %dma_wait3A_715 = arith.constant 0 : i32
    %dma_wait3A_716 = tpu.memref_slice %arg2[%dma_wait3A_697, %dma_wait3A_714, %dma_wait3A_715] : memref<125000x8x64xf32, #tpu.memory_space<hbm>> -> memref<1x8x64xf32, #tpu.memory_space<hbm>>
    %dma_wait3A_717 = tpu.memref_squeeze %dma_wait3A_716 : memref<1x8x64xf32, #tpu.memory_space<hbm>> -> memref<8x64xf32, #tpu.memory_space<hbm>>
    tpu.wait_dma2 semaphore(%dma_wait3A_709 : memref<!tpu.dma_semaphore, #tpu.memory_space<semaphore_mem>>) src(%dma_wait3A_717 : memref<8x64xf32, #tpu.memory_space<hbm>>) dst(%dma_wait3A_713 : memref<8x64xf32, #tpu.memory_space<vmem>>)
    %and3A_718 = arith.constant 7 : i32
    %and3A_719 = arith.andi %squeeze3A_696, %and3A_718 : i32
    %get3A_720 = arith.constant 4 : i32
    %get3A_721 = arith.index_cast %get3A_720 : i32 to index
    %get3A_722 = arith.index_cast %and3A_719 : i32 to index
    %get3A_723 = arith.constant 0 : index
    %get3A_724 = tpu.vector_load %arg8[%get3A_721, %get3A_722, %get3A_723] {strides = array<i32>} : memref<16x8x64xf32, #tpu.memory_space<vmem>>, vector<1x1x16xf32>,
    %get3A_725 = vector.shape_cast %get3A_724 : vector<1x1x16xf32> to vector<16xf32>
    %swap3A_726 = arith.constant 1 : i32
    %swap3A_727 = arith.index_cast %swap3A_726 : i32 to index
    %swap3A_728 = arith.constant 256 : index
    %swap3A_729 = tpu.vector_load %arg9[%swap3A_727, %swap3A_728] {strides = array<i32>} : memref<2x1024xf32, #tpu.memory_space<vmem>>, vector<1x16xf32>,
    %swap3A_730 = vector.shape_cast %swap3A_729 : vector<1x16xf32> to vector<16xf32>
    %swap3A_731 = vector.shape_cast %get3A_725 : vector<16xf32> to vector<1x16xf32>
    tpu.vector_store %arg9[%swap3A_727, %swap3A_728], %swap3A_731 {strides = array<i32>} : memref<2x1024xf32, #tpu.memory_space<vmem>>, vector<1x16xf32>,
    %get3A_732 = arith.constant 4 : i32
    %get3A_733 = arith.index_cast %get3A_732 : i32 to index
    %get3A_734 = arith.index_cast %and3A_719 : i32 to index
    %get3A_735 = arith.constant 16 : index
    %get3A_736 = tpu.vector_load %arg8[%get3A_733, %get3A_734, %get3A_735] {strides = array<i32>} : memref<16x8x64xf32, #tpu.memory_space<vmem>>, vector<1x1x16xf32>,
    %get3A_737 = vector.shape_cast %get3A_736 : vector<1x1x16xf32> to vector<16xf32>
    %swap3A_738 = arith.constant 1 : i32
    %swap3A_739 = arith.index_cast %swap3A_738 : i32 to index
    %swap3A_740 = arith.constant 272 : index
    %swap3A_741 = tpu.vector_load %arg9[%swap3A_739, %swap3A_740] {strides = array<i32>} : memref<2x1024xf32, #tpu.memory_space<vmem>>, vector<1x16xf32>,
    %swap3A_742 = vector.shape_cast %swap3A_741 : vector<1x16xf32> to vector<16xf32>
    %swap3A_743 = vector.shape_cast %get3A_737 : vector<16xf32> to vector<1x16xf32>
    tpu.vector_store %arg9[%swap3A_739, %swap3A_740], %swap3A_743 {strides = array<i32>} : memref<2x1024xf32, #tpu.memory_space<vmem>>, vector<1x16xf32>,
    %get3A_744 = arith.constant 4 : i32
    %get3A_745 = arith.index_cast %get3A_744 : i32 to index
    %get3A_746 = arith.index_cast %and3A_719 : i32 to index
    %get3A_747 = arith.constant 32 : index
    %get3A_748 = tpu.vector_load %arg8[%get3A_745, %get3A_746, %get3A_747] {strides = array<i32>} : memref<16x8x64xf32, #tpu.memory_space<vmem>>, vector<1x1x16xf32>,
    %get3A_749 = vector.shape_cast %get3A_748 : vector<1x1x16xf32> to vector<16xf32>
    %swap3A_750 = arith.constant 1 : i32
    %swap3A_751 = arith.index_cast %swap3A_750 : i32 to index
    %swap3A_752 = arith.constant 288 : index
    %swap3A_753 = tpu.vector_load %arg9[%swap3A_751, %swap3A_752] {strides = array<i32>} : memref<2x1024xf32, #tpu.memory_space<vmem>>, vector<1x16xf32>,
    %swap3A_754 = vector.shape_cast %swap3A_753 : vector<1x16xf32> to vector<16xf32>
    %swap3A_755 = vector.shape_cast %get3A_749 : vector<16xf32> to vector<1x16xf32>
    tpu.vector_store %arg9[%swap3A_751, %swap3A_752], %swap3A_755 {strides = array<i32>} : memref<2x1024xf32, #tpu.memory_space<vmem>>, vector<1x16xf32>,
    %get3A_756 = arith.constant 4 : i32
    %get3A_757 = arith.index_cast %get3A_756 : i32 to index
    %get3A_758 = arith.index_cast %and3A_719 : i32 to index
    %get3A_759 = arith.constant 48 : index
    %get3A_760 = tpu.vector_load %arg8[%get3A_757, %get3A_758, %get3A_759] {strides = array<i32>} : memref<16x8x64xf32, #tpu.memory_space<vmem>>, vector<1x1x16xf32>,
    %get3A_761 = vector.shape_cast %get3A_760 : vector<1x1x16xf32> to vector<16xf32>
    %swap3A_762 = arith.constant 1 : i32
    %swap3A_763 = arith.index_cast %swap3A_762 : i32 to index
    %swap3A_764 = arith.constant 304 : index
    %swap3A_765 = tpu.vector_load %arg9[%swap3A_763, %swap3A_764] {strides = array<i32>} : memref<2x1024xf32, #tpu.memory_space<vmem>>, vector<1x16xf32>,
    %swap3A_766 = vector.shape_cast %swap3A_765 : vector<1x16xf32> to vector<16xf32>
    %swap3A_767 = vector.shape_cast %get3A_761 : vector<16xf32> to vector<1x16xf32>
    tpu.vector_store %arg9[%swap3A_763, %swap3A_764], %swap3A_767 {strides = array<i32>} : memref<2x1024xf32, #tpu.memory_space<vmem>>, vector<1x16xf32>,
    %slice3A_768 = vector.extract_strided_slice %scan3A_390 {offsets = [5], sizes = [1], strides = [1]} : vector<16xi32> to vector<1xi32>
    %squeeze3A_769 = vector.extract %slice3A_768[0] : i32 from vector<1xi32>
    %dma_wait3A_770 = arith.constant 0 : i32
    %dma_wait3A_771 = arith.constant 5 : i32
    %dma_wait3A_772 = arith.constant 5 : i32
    %dma_wait3A_773 = arith.constant 0 : i32
    %dma_wait3A_774 = arith.constant 0 : i32
    %dma_wait3A_775 = tpu.memref_slice %arg8[%dma_wait3A_771, %dma_wait3A_773, %dma_wait3A_774] : memref<16x8x64xf32, #tpu.memory_space<vmem>> -> memref<1x8x64xf32, #tpu.memory_space<vmem>>
    %dma_wait3A_776 = tpu.memref_squeeze %dma_wait3A_775 : memref<1x8x64xf32, #tpu.memory_space<vmem>> -> memref<8x64xf32, #tpu.memory_space<vmem>>
    %dma_wait3A_777 = arith.constant 0 : i32
    %dma_wait3A_778 = arith.constant 0 : i32
    %dma_wait3A_779 = tpu.memref_slice %arg2[%dma_wait3A_770, %dma_wait3A_777, %dma_wait3A_778] : memref<125000x8x64xf32, #tpu.memory_space<hbm>> -> memref<1x8x64xf32, #tpu.memory_space<hbm>>
    %dma_wait3A_780 = tpu.memref_squeeze %dma_wait3A_779 : memref<1x8x64xf32, #tpu.memory_space<hbm>> -> memref<8x64xf32, #tpu.memory_space<hbm>>
    %dma_wait3A_781 = tpu.memref_slice %arg11[%dma_wait3A_772] : memref<16x!tpu.dma_semaphore, #tpu.memory_space<semaphore_mem>> -> memref<1x!tpu.dma_semaphore, #tpu.memory_space<semaphore_mem>>
    %dma_wait3A_782 = tpu.memref_squeeze %dma_wait3A_781 : memref<1x!tpu.dma_semaphore, #tpu.memory_space<semaphore_mem>> -> memref<!tpu.dma_semaphore, #tpu.memory_space<semaphore_mem>>
    %dma_wait3A_783 = arith.constant 0 : i32
    %dma_wait3A_784 = arith.constant 0 : i32
    %dma_wait3A_785 = tpu.memref_slice %arg8[%dma_wait3A_771, %dma_wait3A_783, %dma_wait3A_784] : memref<16x8x64xf32, #tpu.memory_space<vmem>> -> memref<1x8x64xf32, #tpu.memory_space<vmem>>
    %dma_wait3A_786 = tpu.memref_squeeze %dma_wait3A_785 : memref<1x8x64xf32, #tpu.memory_space<vmem>> -> memref<8x64xf32, #tpu.memory_space<vmem>>
    %dma_wait3A_787 = arith.constant 0 : i32
    %dma_wait3A_788 = arith.constant 0 : i32
    %dma_wait3A_789 = tpu.memref_slice %arg2[%dma_wait3A_770, %dma_wait3A_787, %dma_wait3A_788] : memref<125000x8x64xf32, #tpu.memory_space<hbm>> -> memref<1x8x64xf32, #tpu.memory_space<hbm>>
    %dma_wait3A_790 = tpu.memref_squeeze %dma_wait3A_789 : memref<1x8x64xf32, #tpu.memory_space<hbm>> -> memref<8x64xf32, #tpu.memory_space<hbm>>
    tpu.wait_dma2 semaphore(%dma_wait3A_782 : memref<!tpu.dma_semaphore, #tpu.memory_space<semaphore_mem>>) src(%dma_wait3A_790 : memref<8x64xf32, #tpu.memory_space<hbm>>) dst(%dma_wait3A_786 : memref<8x64xf32, #tpu.memory_space<vmem>>)
    %and3A_791 = arith.constant 7 : i32
    %and3A_792 = arith.andi %squeeze3A_769, %and3A_791 : i32
    %get3A_793 = arith.constant 5 : i32
    %get3A_794 = arith.index_cast %get3A_793 : i32 to index
    %get3A_795 = arith.index_cast %and3A_792 : i32 to index
    %get3A_796 = arith.constant 0 : index
    %get3A_797 = tpu.vector_load %arg8[%get3A_794, %get3A_795, %get3A_796] {strides = array<i32>} : memref<16x8x64xf32, #tpu.memory_space<vmem>>, vector<1x1x16xf32>,
    %get3A_798 = vector.shape_cast %get3A_797 : vector<1x1x16xf32> to vector<16xf32>
    %swap3A_799 = arith.constant 1 : i32
    %swap3A_800 = arith.index_cast %swap3A_799 : i32 to index
    %swap3A_801 = arith.constant 320 : index
    %swap3A_802 = tpu.vector_load %arg9[%swap3A_800, %swap3A_801] {strides = array<i32>} : memref<2x1024xf32, #tpu.memory_space<vmem>>, vector<1x16xf32>,
    %swap3A_803 = vector.shape_cast %swap3A_802 : vector<1x16xf32> to vector<16xf32>
    %swap3A_804 = vector.shape_cast %get3A_798 : vector<16xf32> to vector<1x16xf32>
    tpu.vector_store %arg9[%swap3A_800, %swap3A_801], %swap3A_804 {strides = array<i32>} : memref<2x1024xf32, #tpu.memory_space<vmem>>, vector<1x16xf32>,
    %get3A_805 = arith.constant 5 : i32
    %get3A_806 = arith.index_cast %get3A_805 : i32 to index
    %get3A_807 = arith.index_cast %and3A_792 : i32 to index
    %get3A_808 = arith.constant 16 : index
    %get3A_809 = tpu.vector_load %arg8[%get3A_806, %get3A_807, %get3A_808] {strides = array<i32>} : memref<16x8x64xf32, #tpu.memory_space<vmem>>, vector<1x1x16xf32>,
    %get3A_810 = vector.shape_cast %get3A_809 : vector<1x1x16xf32> to vector<16xf32>
    %swap3A_811 = arith.constant 1 : i32
    %swap3A_812 = arith.index_cast %swap3A_811 : i32 to index
    %swap3A_813 = arith.constant 336 : index
    %swap3A_814 = tpu.vector_load %arg9[%swap3A_812, %swap3A_813] {strides = array<i32>} : memref<2x1024xf32, #tpu.memory_space<vmem>>, vector<1x16xf32>,
    %swap3A_815 = vector.shape_cast %swap3A_814 : vector<1x16xf32> to vector<16xf32>
    %swap3A_816 = vector.shape_cast %get3A_810 : vector<16xf32> to vector<1x16xf32>
    tpu.vector_store %arg9[%swap3A_812, %swap3A_813], %swap3A_816 {strides = array<i32>} : memref<2x1024xf32, #tpu.memory_space<vmem>>, vector<1x16xf32>,
    %get3A_817 = arith.constant 5 : i32
    %get3A_818 = arith.index_cast %get3A_817 : i32 to index
    %get3A_819 = arith.index_cast %and3A_792 : i32 to index
    %get3A_820 = arith.constant 32 : index
    %get3A_821 = tpu.vector_load %arg8[%get3A_818, %get3A_819, %get3A_820] {strides = array<i32>} : memref<16x8x64xf32, #tpu.memory_space<vmem>>, vector<1x1x16xf32>,
    %get3A_822 = vector.shape_cast %get3A_821 : vector<1x1x16xf32> to vector<16xf32>
    %swap3A_823 = arith.constant 1 : i32
    %swap3A_824 = arith.index_cast %swap3A_823 : i32 to index
    %swap3A_825 = arith.constant 352 : index
    %swap3A_826 = tpu.vector_load %arg9[%swap3A_824, %swap3A_825] {strides = array<i32>} : memref<2x1024xf32, #tpu.memory_space<vmem>>, vector<1x16xf32>,
    %swap3A_827 = vector.shape_cast %swap3A_826 : vector<1x16xf32> to vector<16xf32>
    %swap3A_828 = vector.shape_cast %get3A_822 : vector<16xf32> to vector<1x16xf32>
    tpu.vector_store %arg9[%swap3A_824, %swap3A_825], %swap3A_828 {strides = array<i32>} : memref<2x1024xf32, #tpu.memory_space<vmem>>, vector<1x16xf32>,
    %get3A_829 = arith.constant 5 : i32
    %get3A_830 = arith.index_cast %get3A_829 : i32 to index
    %get3A_831 = arith.index_cast %and3A_792 : i32 to index
    %get3A_832 = arith.constant 48 : index
    %get3A_833 = tpu.vector_load %arg8[%get3A_830, %get3A_831, %get3A_832] {strides = array<i32>} : memref<16x8x64xf32, #tpu.memory_space<vmem>>, vector<1x1x16xf32>,
    %get3A_834 = vector.shape_cast %get3A_833 : vector<1x1x16xf32> to vector<16xf32>
    %swap3A_835 = arith.constant 1 : i32
    %swap3A_836 = arith.index_cast %swap3A_835 : i32 to index
    %swap3A_837 = arith.constant 368 : index
    %swap3A_838 = tpu.vector_load %arg9[%swap3A_836, %swap3A_837] {strides = array<i32>} : memref<2x1024xf32, #tpu.memory_space<vmem>>, vector<1x16xf32>,
    %swap3A_839 = vector.shape_cast %swap3A_838 : vector<1x16xf32> to vector<16xf32>
    %swap3A_840 = vector.shape_cast %get3A_834 : vector<16xf32> to vector<1x16xf32>
    tpu.vector_store %arg9[%swap3A_836, %swap3A_837], %swap3A_840 {strides = array<i32>} : memref<2x1024xf32, #tpu.memory_space<vmem>>, vector<1x16xf32>,
    %slice3A_841 = vector.extract_strided_slice %scan3A_390 {offsets = [6], sizes = [1], strides = [1]} : vector<16xi32> to vector<1xi32>
    %squeeze3A_842 = vector.extract %slice3A_841[0] : i32 from vector<1xi32>
    %dma_wait3A_843 = arith.constant 0 : i32
    %dma_wait3A_844 = arith.constant 6 : i32
    %dma_wait3A_845 = arith.constant 6 : i32
    %dma_wait3A_846 = arith.constant 0 : i32
    %dma_wait3A_847 = arith.constant 0 : i32
    %dma_wait3A_848 = tpu.memref_slice %arg8[%dma_wait3A_844, %dma_wait3A_846, %dma_wait3A_847] : memref<16x8x64xf32, #tpu.memory_space<vmem>> -> memref<1x8x64xf32, #tpu.memory_space<vmem>>
    %dma_wait3A_849 = tpu.memref_squeeze %dma_wait3A_848 : memref<1x8x64xf32, #tpu.memory_space<vmem>> -> memref<8x64xf32, #tpu.memory_space<vmem>>
    %dma_wait3A_850 = arith.constant 0 : i32
    %dma_wait3A_851 = arith.constant 0 : i32
    %dma_wait3A_852 = tpu.memref_slice %arg2[%dma_wait3A_843, %dma_wait3A_850, %dma_wait3A_851] : memref<125000x8x64xf32, #tpu.memory_space<hbm>> -> memref<1x8x64xf32, #tpu.memory_space<hbm>>
    %dma_wait3A_853 = tpu.memref_squeeze %dma_wait3A_852 : memref<1x8x64xf32, #tpu.memory_space<hbm>> -> memref<8x64xf32, #tpu.memory_space<hbm>>
    %dma_wait3A_854 = tpu.memref_slice %arg11[%dma_wait3A_845] : memref<16x!tpu.dma_semaphore, #tpu.memory_space<semaphore_mem>> -> memref<1x!tpu.dma_semaphore, #tpu.memory_space<semaphore_mem>>
    %dma_wait3A_855 = tpu.memref_squeeze %dma_wait3A_854 : memref<1x!tpu.dma_semaphore, #tpu.memory_space<semaphore_mem>> -> memref<!tpu.dma_semaphore, #tpu.memory_space<semaphore_mem>>
    %dma_wait3A_856 = arith.constant 0 : i32
    %dma_wait3A_857 = arith.constant 0 : i32
    %dma_wait3A_858 = tpu.memref_slice %arg8[%dma_wait3A_844, %dma_wait3A_856, %dma_wait3A_857] : memref<16x8x64xf32, #tpu.memory_space<vmem>> -> memref<1x8x64xf32, #tpu.memory_space<vmem>>
    %dma_wait3A_859 = tpu.memref_squeeze %dma_wait3A_858 : memref<1x8x64xf32, #tpu.memory_space<vmem>> -> memref<8x64xf32, #tpu.memory_space<vmem>>
    %dma_wait3A_860 = arith.constant 0 : i32
    %dma_wait3A_861 = arith.constant 0 : i32
    %dma_wait3A_862 = tpu.memref_slice %arg2[%dma_wait3A_843, %dma_wait3A_860, %dma_wait3A_861] : memref<125000x8x64xf32, #tpu.memory_space<hbm>> -> memref<1x8x64xf32, #tpu.memory_space<hbm>>
    %dma_wait3A_863 = tpu.memref_squeeze %dma_wait3A_862 : memref<1x8x64xf32, #tpu.memory_space<hbm>> -> memref<8x64xf32, #tpu.memory_space<hbm>>
    tpu.wait_dma2 semaphore(%dma_wait3A_855 : memref<!tpu.dma_semaphore, #tpu.memory_space<semaphore_mem>>) src(%dma_wait3A_863 : memref<8x64xf32, #tpu.memory_space<hbm>>) dst(%dma_wait3A_859 : memref<8x64xf32, #tpu.memory_space<vmem>>)
    %and3A_864 = arith.constant 7 : i32
    %and3A_865 = arith.andi %squeeze3A_842, %and3A_864 : i32
    %get3A_866 = arith.constant 6 : i32
    %get3A_867 = arith.index_cast %get3A_866 : i32 to index
    %get3A_868 = arith.index_cast %and3A_865 : i32 to index
    %get3A_869 = arith.constant 0 : index
    %get3A_870 = tpu.vector_load %arg8[%get3A_867, %get3A_868, %get3A_869] {strides = array<i32>} : memref<16x8x64xf32, #tpu.memory_space<vmem>>, vector<1x1x16xf32>,
    %get3A_871 = vector.shape_cast %get3A_870 : vector<1x1x16xf32> to vector<16xf32>
    %swap3A_872 = arith.constant 1 : i32
    %swap3A_873 = arith.index_cast %swap3A_872 : i32 to index
    %swap3A_874 = arith.constant 384 : index
    %swap3A_875 = tpu.vector_load %arg9[%swap3A_873, %swap3A_874] {strides = array<i32>} : memref<2x1024xf32, #tpu.memory_space<vmem>>, vector<1x16xf32>,
    %swap3A_876 = vector.shape_cast %swap3A_875 : vector<1x16xf32> to vector<16xf32>
    %swap3A_877 = vector.shape_cast %get3A_871 : vector<16xf32> to vector<1x16xf32>
    tpu.vector_store %arg9[%swap3A_873, %swap3A_874], %swap3A_877 {strides = array<i32>} : memref<2x1024xf32, #tpu.memory_space<vmem>>, vector<1x16xf32>,
    %get3A_878 = arith.constant 6 : i32
    %get3A_879 = arith.index_cast %get3A_878 : i32 to index
    %get3A_880 = arith.index_cast %and3A_865 : i32 to index
    %get3A_881 = arith.constant 16 : index
    %get3A_882 = tpu.vector_load %arg8[%get3A_879, %get3A_880, %get3A_881] {strides = array<i32>} : memref<16x8x64xf32, #tpu.memory_space<vmem>>, vector<1x1x16xf32>,
    %get3A_883 = vector.shape_cast %get3A_882 : vector<1x1x16xf32> to vector<16xf32>
    %swap3A_884 = arith.constant 1 : i32
    %swap3A_885 = arith.index_cast %swap3A_884 : i32 to index
    %swap3A_886 = arith.constant 400 : index
    %swap3A_887 = tpu.vector_load %arg9[%swap3A_885, %swap3A_886] {strides = array<i32>} : memref<2x1024xf32, #tpu.memory_space<vmem>>, vector<1x16xf32>,
    %swap3A_888 = vector.shape_cast %swap3A_887 : vector<1x16xf32> to vector<16xf32>
    %swap3A_889 = vector.shape_cast %get3A_883 : vector<16xf32> to vector<1x16xf32>
    tpu.vector_store %arg9[%swap3A_885, %swap3A_886], %swap3A_889 {strides = array<i32>} : memref<2x1024xf32, #tpu.memory_space<vmem>>, vector<1x16xf32>,
    %get3A_890 = arith.constant 6 : i32
    %get3A_891 = arith.index_cast %get3A_890 : i32 to index
    %get3A_892 = arith.index_cast %and3A_865 : i32 to index
    %get3A_893 = arith.constant 32 : index
    %get3A_894 = tpu.vector_load %arg8[%get3A_891, %get3A_892, %get3A_893] {strides = array<i32>} : memref<16x8x64xf32, #tpu.memory_space<vmem>>, vector<1x1x16xf32>,
    %get3A_895 = vector.shape_cast %get3A_894 : vector<1x1x16xf32> to vector<16xf32>
    %swap3A_896 = arith.constant 1 : i32
    %swap3A_897 = arith.index_cast %swap3A_896 : i32 to index
    %swap3A_898 = arith.constant 416 : index
    %swap3A_899 = tpu.vector_load %arg9[%swap3A_897, %swap3A_898] {strides = array<i32>} : memref<2x1024xf32, #tpu.memory_space<vmem>>, vector<1x16xf32>,
    %swap3A_900 = vector.shape_cast %swap3A_899 : vector<1x16xf32> to vector<16xf32>
    %swap3A_901 = vector.shape_cast %get3A_895 : vector<16xf32> to vector<1x16xf32>
    tpu.vector_store %arg9[%swap3A_897, %swap3A_898], %swap3A_901 {strides = array<i32>} : memref<2x1024xf32, #tpu.memory_space<vmem>>, vector<1x16xf32>,
    %get3A_902 = arith.constant 6 : i32
    %get3A_903 = arith.index_cast %get3A_902 : i32 to index
    %get3A_904 = arith.index_cast %and3A_865 : i32 to index
    %get3A_905 = arith.constant 48 : index
    %get3A_906 = tpu.vector_load %arg8[%get3A_903, %get3A_904, %get3A_905] {strides = array<i32>} : memref<16x8x64xf32, #tpu.memory_space<vmem>>, vector<1x1x16xf32>,
    %get3A_907 = vector.shape_cast %get3A_906 : vector<1x1x16xf32> to vector<16xf32>
    %swap3A_908 = arith.constant 1 : i32
    %swap3A_909 = arith.index_cast %swap3A_908 : i32 to index
    %swap3A_910 = arith.constant 432 : index
    %swap3A_911 = tpu.vector_load %arg9[%swap3A_909, %swap3A_910] {strides = array<i32>} : memref<2x1024xf32, #tpu.memory_space<vmem>>, vector<1x16xf32>,
    %swap3A_912 = vector.shape_cast %swap3A_911 : vector<1x16xf32> to vector<16xf32>
    %swap3A_913 = vector.shape_cast %get3A_907 : vector<16xf32> to vector<1x16xf32>
    tpu.vector_store %arg9[%swap3A_909, %swap3A_910], %swap3A_913 {strides = array<i32>} : memref<2x1024xf32, #tpu.memory_space<vmem>>, vector<1x16xf32>,
    %slice3A_914 = vector.extract_strided_slice %scan3A_390 {offsets = [7], sizes = [1], strides = [1]} : vector<16xi32> to vector<1xi32>
    %squeeze3A_915 = vector.extract %slice3A_914[0] : i32 from vector<1xi32>
    %dma_wait3A_916 = arith.constant 0 : i32
    %dma_wait3A_917 = arith.constant 7 : i32
    %dma_wait3A_918 = arith.constant 7 : i32
    %dma_wait3A_919 = arith.constant 0 : i32
    %dma_wait3A_920 = arith.constant 0 : i32
    %dma_wait3A_921 = tpu.memref_slice %arg8[%dma_wait3A_917, %dma_wait3A_919, %dma_wait3A_920] : memref<16x8x64xf32, #tpu.memory_space<vmem>> -> memref<1x8x64xf32, #tpu.memory_space<vmem>>
    %dma_wait3A_922 = tpu.memref_squeeze %dma_wait3A_921 : memref<1x8x64xf32, #tpu.memory_space<vmem>> -> memref<8x64xf32, #tpu.memory_space<vmem>>
    %dma_wait3A_923 = arith.constant 0 : i32
    %dma_wait3A_924 = arith.constant 0 : i32
    %dma_wait3A_925 = tpu.memref_slice %arg2[%dma_wait3A_916, %dma_wait3A_923, %dma_wait3A_924] : memref<125000x8x64xf32, #tpu.memory_space<hbm>> -> memref<1x8x64xf32, #tpu.memory_space<hbm>>
    %dma_wait3A_926 = tpu.memref_squeeze %dma_wait3A_925 : memref<1x8x64xf32, #tpu.memory_space<hbm>> -> memref<8x64xf32, #tpu.memory_space<hbm>>
    %dma_wait3A_927 = tpu.memref_slice %arg11[%dma_wait3A_918] : memref<16x!tpu.dma_semaphore, #tpu.memory_space<semaphore_mem>> -> memref<1x!tpu.dma_semaphore, #tpu.memory_space<semaphore_mem>>
    %dma_wait3A_928 = tpu.memref_squeeze %dma_wait3A_927 : memref<1x!tpu.dma_semaphore, #tpu.memory_space<semaphore_mem>> -> memref<!tpu.dma_semaphore, #tpu.memory_space<semaphore_mem>>
    %dma_wait3A_929 = arith.constant 0 : i32
    %dma_wait3A_930 = arith.constant 0 : i32
    %dma_wait3A_931 = tpu.memref_slice %arg8[%dma_wait3A_917, %dma_wait3A_929, %dma_wait3A_930] : memref<16x8x64xf32, #tpu.memory_space<vmem>> -> memref<1x8x64xf32, #tpu.memory_space<vmem>>
    %dma_wait3A_932 = tpu.memref_squeeze %dma_wait3A_931 : memref<1x8x64xf32, #tpu.memory_space<vmem>> -> memref<8x64xf32, #tpu.memory_space<vmem>>
    %dma_wait3A_933 = arith.constant 0 : i32
    %dma_wait3A_934 = arith.constant 0 : i32
    %dma_wait3A_935 = tpu.memref_slice %arg2[%dma_wait3A_916, %dma_wait3A_933, %dma_wait3A_934] : memref<125000x8x64xf32, #tpu.memory_space<hbm>> -> memref<1x8x64xf32, #tpu.memory_space<hbm>>
    %dma_wait3A_936 = tpu.memref_squeeze %dma_wait3A_935 : memref<1x8x64xf32, #tpu.memory_space<hbm>> -> memref<8x64xf32, #tpu.memory_space<hbm>>
    tpu.wait_dma2 semaphore(%dma_wait3A_928 : memref<!tpu.dma_semaphore, #tpu.memory_space<semaphore_mem>>) src(%dma_wait3A_936 : memref<8x64xf32, #tpu.memory_space<hbm>>) dst(%dma_wait3A_932 : memref<8x64xf32, #tpu.memory_space<vmem>>)
    %and3A_937 = arith.constant 7 : i32
    %and3A_938 = arith.andi %squeeze3A_915, %and3A_937 : i32
    %get3A_939 = arith.constant 7 : i32
    %get3A_940 = arith.index_cast %get3A_939 : i32 to index
    %get3A_941 = arith.index_cast %and3A_938 : i32 to index
    %get3A_942 = arith.constant 0 : index
    %get3A_943 = tpu.vector_load %arg8[%get3A_940, %get3A_941, %get3A_942] {strides = array<i32>} : memref<16x8x64xf32, #tpu.memory_space<vmem>>, vector<1x1x16xf32>,
    %get3A_944 = vector.shape_cast %get3A_943 : vector<1x1x16xf32> to vector<16xf32>
    %swap3A_945 = arith.constant 1 : i32
    %swap3A_946 = arith.index_cast %swap3A_945 : i32 to index
    %swap3A_947 = arith.constant 448 : index
    %swap3A_948 = tpu.vector_load %arg9[%swap3A_946, %swap3A_947] {strides = array<i32>} : memref<2x1024xf32, #tpu.memory_space<vmem>>, vector<1x16xf32>,
    %swap3A_949 = vector.shape_cast %swap3A_948 : vector<1x16xf32> to vector<16xf32>
    %swap3A_950 = vector.shape_cast %get3A_944 : vector<16xf32> to vector<1x16xf32>
    tpu.vector_store %arg9[%swap3A_946, %swap3A_947], %swap3A_950 {strides = array<i32>} : memref<2x1024xf32, #tpu.memory_space<vmem>>, vector<1x16xf32>,
    %get3A_951 = arith.constant 7 : i32
    %get3A_952 = arith.index_cast %get3A_951 : i32 to index
    %get3A_953 = arith.index_cast %and3A_938 : i32 to index
    %get3A_954 = arith.constant 16 : index
    %get3A_955 = tpu.vector_load %arg8[%get3A_952, %get3A_953, %get3A_954] {strides = array<i32>} : memref<16x8x64xf32, #tpu.memory_space<vmem>>, vector<1x1x16xf32>,
    %get3A_956 = vector.shape_cast %get3A_955 : vector<1x1x16xf32> to vector<16xf32>
    %swap3A_957 = arith.constant 1 : i32
    %swap3A_958 = arith.index_cast %swap3A_957 : i32 to index
    %swap3A_959 = arith.constant 464 : index
    %swap3A_960 = tpu.vector_load %arg9[%swap3A_958, %swap3A_959] {strides = array<i32>} : memref<2x1024xf32, #tpu.memory_space<vmem>>, vector<1x16xf32>,
    %swap3A_961 = vector.shape_cast %swap3A_960 : vector<1x16xf32> to vector<16xf32>
    %swap3A_962 = vector.shape_cast %get3A_956 : vector<16xf32> to vector<1x16xf32>
    tpu.vector_store %arg9[%swap3A_958, %swap3A_959], %swap3A_962 {strides = array<i32>} : memref<2x1024xf32, #tpu.memory_space<vmem>>, vector<1x16xf32>,
    %get3A_963 = arith.constant 7 : i32
    %get3A_964 = arith.index_cast %get3A_963 : i32 to index
    %get3A_965 = arith.index_cast %and3A_938 : i32 to index
    %get3A_966 = arith.constant 32 : index
    %get3A_967 = tpu.vector_load %arg8[%get3A_964, %get3A_965, %get3A_966] {strides = array<i32>} : memref<16x8x64xf32, #tpu.memory_space<vmem>>, vector<1x1x16xf32>,
    %get3A_968 = vector.shape_cast %get3A_967 : vector<1x1x16xf32> to vector<16xf32>
    %swap3A_969 = arith.constant 1 : i32
    %swap3A_970 = arith.index_cast %swap3A_969 : i32 to index
    %swap3A_971 = arith.constant 480 : index
    %swap3A_972 = tpu.vector_load %arg9[%swap3A_970, %swap3A_971] {strides = array<i32>} : memref<2x1024xf32, #tpu.memory_space<vmem>>, vector<1x16xf32>,
    %swap3A_973 = vector.shape_cast %swap3A_972 : vector<1x16xf32> to vector<16xf32>
    %swap3A_974 = vector.shape_cast %get3A_968 : vector<16xf32> to vector<1x16xf32>
    tpu.vector_store %arg9[%swap3A_970, %swap3A_971], %swap3A_974 {strides = array<i32>} : memref<2x1024xf32, #tpu.memory_space<vmem>>, vector<1x16xf32>,
    %get3A_975 = arith.constant 7 : i32
    %get3A_976 = arith.index_cast %get3A_975 : i32 to index
    %get3A_977 = arith.index_cast %and3A_938 : i32 to index
    %get3A_978 = arith.constant 48 : index
    %get3A_979 = tpu.vector_load %arg8[%get3A_976, %get3A_977, %get3A_978] {strides = array<i32>} : memref<16x8x64xf32, #tpu.memory_space<vmem>>, vector<1x1x16xf32>,
    %get3A_980 = vector.shape_cast %get3A_979 : vector<1x1x16xf32> to vector<16xf32>
    %swap3A_981 = arith.constant 1 : i32
    %swap3A_982 = arith.index_cast %swap3A_981 : i32 to index
    %swap3A_983 = arith.constant 496 : index
    %swap3A_984 = tpu.vector_load %arg9[%swap3A_982, %swap3A_983] {strides = array<i32>} : memref<2x1024xf32, #tpu.memory_space<vmem>>, vector<1x16xf32>,
    %swap3A_985 = vector.shape_cast %swap3A_984 : vector<1x16xf32> to vector<16xf32>
    %swap3A_986 = vector.shape_cast %get3A_980 : vector<16xf32> to vector<1x16xf32>
    tpu.vector_store %arg9[%swap3A_982, %swap3A_983], %swap3A_986 {strides = array<i32>} : memref<2x1024xf32, #tpu.memory_space<vmem>>, vector<1x16xf32>,
    %slice3A_987 = vector.extract_strided_slice %scan3A_390 {offsets = [8], sizes = [1], strides = [1]} : vector<16xi32> to vector<1xi32>
    %squeeze3A_988 = vector.extract %slice3A_987[0] : i32 from vector<1xi32>
    %dma_wait3A_989 = arith.constant 0 : i32
    %dma_wait3A_990 = arith.constant 8 : i32
    %dma_wait3A_991 = arith.constant 8 : i32
    %dma_wait3A_992 = arith.constant 0 : i32
    %dma_wait3A_993 = arith.constant 0 : i32
    %dma_wait3A_994 = tpu.memref_slice %arg8[%dma_wait3A_990, %dma_wait3A_992, %dma_wait3A_993] : memref<16x8x64xf32, #tpu.memory_space<vmem>> -> memref<1x8x64xf32, #tpu.memory_space<vmem>>
    %dma_wait3A_995 = tpu.memref_squeeze %dma_wait3A_994 : memref<1x8x64xf32, #tpu.memory_space<vmem>> -> memref<8x64xf32, #tpu.memory_space<vmem>>
    %dma_wait3A_996 = arith.constant 0 : i32
    %dma_wait3A_997 = arith.constant 0 : i32
    %dma_wait3A_998 = tpu.memref_slice %arg2[%dma_wait3A_989, %dma_wait3A_996, %dma_wait3A_997] : memref<125000x8x64xf32, #tpu.memory_space<hbm>> -> memref<1x8x64xf32, #tpu.memory_space<hbm>>
    %dma_wait3A_999 = tpu.memref_squeeze %dma_wait3A_998 : memref<1x8x64xf32, #tpu.memory_space<hbm>> -> memref<8x64xf32, #tpu.memory_space<hbm>>
    %dma_wait3A_1000 = tpu.memref_slice %arg11[%dma_wait3A_991] : memref<16x!tpu.dma_semaphore, #tpu.memory_space<semaphore_mem>> -> memref<1x!tpu.dma_semaphore, #tpu.memory_space<semaphore_mem>>
    %dma_wait3A_1001 = tpu.memref_squeeze %dma_wait3A_1000 : memref<1x!tpu.dma_semaphore, #tpu.memory_space<semaphore_mem>> -> memref<!tpu.dma_semaphore, #tpu.memory_space<semaphore_mem>>
    %dma_wait3A_1002 = arith.constant 0 : i32
    %dma_wait3A_1003 = arith.constant 0 : i32
    %dma_wait3A_1004 = tpu.memref_slice %arg8[%dma_wait3A_990, %dma_wait3A_1002, %dma_wait3A_1003] : memref<16x8x64xf32, #tpu.memory_space<vmem>> -> memref<1x8x64xf32, #tpu.memory_space<vmem>>
    %dma_wait3A_1005 = tpu.memref_squeeze %dma_wait3A_1004 : memref<1x8x64xf32, #tpu.memory_space<vmem>> -> memref<8x64xf32, #tpu.memory_space<vmem>>
    %dma_wait3A_1006 = arith.constant 0 : i32
    %dma_wait3A_1007 = arith.constant 0 : i32
    %dma_wait3A_1008 = tpu.memref_slice %arg2[%dma_wait3A_989, %dma_wait3A_1006, %dma_wait3A_1007] : memref<125000x8x64xf32, #tpu.memory_space<hbm>> -> memref<1x8x64xf32, #tpu.memory_space<hbm>>
    %dma_wait3A_1009 = tpu.memref_squeeze %dma_wait3A_1008 : memref<1x8x64xf32, #tpu.memory_space<hbm>> -> memref<8x64xf32, #tpu.memory_space<hbm>>
    tpu.wait_dma2 semaphore(%dma_wait3A_1001 : memref<!tpu.dma_semaphore, #tpu.memory_space<semaphore_mem>>) src(%dma_wait3A_1009 : memref<8x64xf32, #tpu.memory_space<hbm>>) dst(%dma_wait3A_1005 : memref<8x64xf32, #tpu.memory_space<vmem>>)
    %and3A_1010 = arith.constant 7 : i32
    %and3A_1011 = arith.andi %squeeze3A_988, %and3A_1010 : i32
    %get3A_1012 = arith.constant 8 : i32
    %get3A_1013 = arith.index_cast %get3A_1012 : i32 to index
    %get3A_1014 = arith.index_cast %and3A_1011 : i32 to index
    %get3A_1015 = arith.constant 0 : index
    %get3A_1016 = tpu.vector_load %arg8[%get3A_1013, %get3A_1014, %get3A_1015] {strides = array<i32>} : memref<16x8x64xf32, #tpu.memory_space<vmem>>, vector<1x1x16xf32>,
    %get3A_1017 = vector.shape_cast %get3A_1016 : vector<1x1x16xf32> to vector<16xf32>
    %swap3A_1018 = arith.constant 1 : i32
    %swap3A_1019 = arith.index_cast %swap3A_1018 : i32 to index
    %swap3A_1020 = arith.constant 512 : index
    %swap3A_1021 = tpu.vector_load %arg9[%swap3A_1019, %swap3A_1020] {strides = array<i32>} : memref<2x1024xf32, #tpu.memory_space<vmem>>, vector<1x16xf32>,
    %swap3A_1022 = vector.shape_cast %swap3A_1021 : vector<1x16xf32> to vector<16xf32>
    %swap3A_1023 = vector.shape_cast %get3A_1017 : vector<16xf32> to vector<1x16xf32>
    tpu.vector_store %arg9[%swap3A_1019, %swap3A_1020], %swap3A_1023 {strides = array<i32>} : memref<2x1024xf32, #tpu.memory_space<vmem>>, vector<1x16xf32>,
    %get3A_1024 = arith.constant 8 : i32
    %get3A_1025 = arith.index_cast %get3A_1024 : i32 to index
    %get3A_1026 = arith.index_cast %and3A_1011 : i32 to index
    %get3A_1027 = arith.constant 16 : index
    %get3A_1028 = tpu.vector_load %arg8[%get3A_1025, %get3A_1026, %get3A_1027] {strides = array<i32>} : memref<16x8x64xf32, #tpu.memory_space<vmem>>, vector<1x1x16xf32>,
    %get3A_1029 = vector.shape_cast %get3A_1028 : vector<1x1x16xf32> to vector<16xf32>
    %swap3A_1030 = arith.constant 1 : i32
    %swap3A_1031 = arith.index_cast %swap3A_1030 : i32 to index
    %swap3A_1032 = arith.constant 528 : index
    %swap3A_1033 = tpu.vector_load %arg9[%swap3A_1031, %swap3A_1032] {strides = array<i32>} : memref<2x1024xf32, #tpu.memory_space<vmem>>, vector<1x16xf32>,
    %swap3A_1034 = vector.shape_cast %swap3A_1033 : vector<1x16xf32> to vector<16xf32>
    %swap3A_1035 = vector.shape_cast %get3A_1029 : vector<16xf32> to vector<1x16xf32>
    tpu.vector_store %arg9[%swap3A_1031, %swap3A_1032], %swap3A_1035 {strides = array<i32>} : memref<2x1024xf32, #tpu.memory_space<vmem>>, vector<1x16xf32>,
    %get3A_1036 = arith.constant 8 : i32
    %get3A_1037 = arith.index_cast %get3A_1036 : i32 to index
    %get3A_1038 = arith.index_cast %and3A_1011 : i32 to index
    %get3A_1039 = arith.constant 32 : index
    %get3A_1040 = tpu.vector_load %arg8[%get3A_1037, %get3A_1038, %get3A_1039] {strides = array<i32>} : memref<16x8x64xf32, #tpu.memory_space<vmem>>, vector<1x1x16xf32>,
    %get3A_1041 = vector.shape_cast %get3A_1040 : vector<1x1x16xf32> to vector<16xf32>
    %swap3A_1042 = arith.constant 1 : i32
    %swap3A_1043 = arith.index_cast %swap3A_1042 : i32 to index
    %swap3A_1044 = arith.constant 544 : index
    %swap3A_1045 = tpu.vector_load %arg9[%swap3A_1043, %swap3A_1044] {strides = array<i32>} : memref<2x1024xf32, #tpu.memory_space<vmem>>, vector<1x16xf32>,
    %swap3A_1046 = vector.shape_cast %swap3A_1045 : vector<1x16xf32> to vector<16xf32>
    %swap3A_1047 = vector.shape_cast %get3A_1041 : vector<16xf32> to vector<1x16xf32>
    tpu.vector_store %arg9[%swap3A_1043, %swap3A_1044], %swap3A_1047 {strides = array<i32>} : memref<2x1024xf32, #tpu.memory_space<vmem>>, vector<1x16xf32>,
    %get3A_1048 = arith.constant 8 : i32
    %get3A_1049 = arith.index_cast %get3A_1048 : i32 to index
    %get3A_1050 = arith.index_cast %and3A_1011 : i32 to index
    %get3A_1051 = arith.constant 48 : index
    %get3A_1052 = tpu.vector_load %arg8[%get3A_1049, %get3A_1050, %get3A_1051] {strides = array<i32>} : memref<16x8x64xf32, #tpu.memory_space<vmem>>, vector<1x1x16xf32>,
    %get3A_1053 = vector.shape_cast %get3A_1052 : vector<1x1x16xf32> to vector<16xf32>
    %swap3A_1054 = arith.constant 1 : i32
    %swap3A_1055 = arith.index_cast %swap3A_1054 : i32 to index
    %swap3A_1056 = arith.constant 560 : index
    %swap3A_1057 = tpu.vector_load %arg9[%swap3A_1055, %swap3A_1056] {strides = array<i32>} : memref<2x1024xf32, #tpu.memory_space<vmem>>, vector<1x16xf32>,
    %swap3A_1058 = vector.shape_cast %swap3A_1057 : vector<1x16xf32> to vector<16xf32>
    %swap3A_1059 = vector.shape_cast %get3A_1053 : vector<16xf32> to vector<1x16xf32>
    tpu.vector_store %arg9[%swap3A_1055, %swap3A_1056], %swap3A_1059 {strides = array<i32>} : memref<2x1024xf32, #tpu.memory_space<vmem>>, vector<1x16xf32>,
    %slice3A_1060 = vector.extract_strided_slice %scan3A_390 {offsets = [9], sizes = [1], strides = [1]} : vector<16xi32> to vector<1xi32>
    %squeeze3A_1061 = vector.extract %slice3A_1060[0] : i32 from vector<1xi32>
    %dma_wait3A_1062 = arith.constant 0 : i32
    %dma_wait3A_1063 = arith.constant 9 : i32
    %dma_wait3A_1064 = arith.constant 9 : i32
    %dma_wait3A_1065 = arith.constant 0 : i32
    %dma_wait3A_1066 = arith.constant 0 : i32
    %dma_wait3A_1067 = tpu.memref_slice %arg8[%dma_wait3A_1063, %dma_wait3A_1065, %dma_wait3A_1066] : memref<16x8x64xf32, #tpu.memory_space<vmem>> -> memref<1x8x64xf32, #tpu.memory_space<vmem>>
    %dma_wait3A_1068 = tpu.memref_squeeze %dma_wait3A_1067 : memref<1x8x64xf32, #tpu.memory_space<vmem>> -> memref<8x64xf32, #tpu.memory_space<vmem>>
    %dma_wait3A_1069 = arith.constant 0 : i32
    %dma_wait3A_1070 = arith.constant 0 : i32
    %dma_wait3A_1071 = tpu.memref_slice %arg2[%dma_wait3A_1062, %dma_wait3A_1069, %dma_wait3A_1070] : memref<125000x8x64xf32, #tpu.memory_space<hbm>> -> memref<1x8x64xf32, #tpu.memory_space<hbm>>
    %dma_wait3A_1072 = tpu.memref_squeeze %dma_wait3A_1071 : memref<1x8x64xf32, #tpu.memory_space<hbm>> -> memref<8x64xf32, #tpu.memory_space<hbm>>
    %dma_wait3A_1073 = tpu.memref_slice %arg11[%dma_wait3A_1064] : memref<16x!tpu.dma_semaphore, #tpu.memory_space<semaphore_mem>> -> memref<1x!tpu.dma_semaphore, #tpu.memory_space<semaphore_mem>>
    %dma_wait3A_1074 = tpu.memref_squeeze %dma_wait3A_1073 : memref<1x!tpu.dma_semaphore, #tpu.memory_space<semaphore_mem>> -> memref<!tpu.dma_semaphore, #tpu.memory_space<semaphore_mem>>
    %dma_wait3A_1075 = arith.constant 0 : i32
    %dma_wait3A_1076 = arith.constant 0 : i32
    %dma_wait3A_1077 = tpu.memref_slice %arg8[%dma_wait3A_1063, %dma_wait3A_1075, %dma_wait3A_1076] : memref<16x8x64xf32, #tpu.memory_space<vmem>> -> memref<1x8x64xf32, #tpu.memory_space<vmem>>
    %dma_wait3A_1078 = tpu.memref_squeeze %dma_wait3A_1077 : memref<1x8x64xf32, #tpu.memory_space<vmem>> -> memref<8x64xf32, #tpu.memory_space<vmem>>
    %dma_wait3A_1079 = arith.constant 0 : i32
    %dma_wait3A_1080 = arith.constant 0 : i32
    %dma_wait3A_1081 = tpu.memref_slice %arg2[%dma_wait3A_1062, %dma_wait3A_1079, %dma_wait3A_1080] : memref<125000x8x64xf32, #tpu.memory_space<hbm>> -> memref<1x8x64xf32, #tpu.memory_space<hbm>>
    %dma_wait3A_1082 = tpu.memref_squeeze %dma_wait3A_1081 : memref<1x8x64xf32, #tpu.memory_space<hbm>> -> memref<8x64xf32, #tpu.memory_space<hbm>>
    tpu.wait_dma2 semaphore(%dma_wait3A_1074 : memref<!tpu.dma_semaphore, #tpu.memory_space<semaphore_mem>>) src(%dma_wait3A_1082 : memref<8x64xf32, #tpu.memory_space<hbm>>) dst(%dma_wait3A_1078 : memref<8x64xf32, #tpu.memory_space<vmem>>)
    %and3A_1083 = arith.constant 7 : i32
    %and3A_1084 = arith.andi %squeeze3A_1061, %and3A_1083 : i32
    %get3A_1085 = arith.constant 9 : i32
    %get3A_1086 = arith.index_cast %get3A_1085 : i32 to index
    %get3A_1087 = arith.index_cast %and3A_1084 : i32 to index
    %get3A_1088 = arith.constant 0 : index
    %get3A_1089 = tpu.vector_load %arg8[%get3A_1086, %get3A_1087, %get3A_1088] {strides = array<i32>} : memref<16x8x64xf32, #tpu.memory_space<vmem>>, vector<1x1x16xf32>,
    %get3A_1090 = vector.shape_cast %get3A_1089 : vector<1x1x16xf32> to vector<16xf32>
    %swap3A_1091 = arith.constant 1 : i32
    %swap3A_1092 = arith.index_cast %swap3A_1091 : i32 to index
    %swap3A_1093 = arith.constant 576 : index
    %swap3A_1094 = tpu.vector_load %arg9[%swap3A_1092, %swap3A_1093] {strides = array<i32>} : memref<2x1024xf32, #tpu.memory_space<vmem>>, vector<1x16xf32>,
    %swap3A_1095 = vector.shape_cast %swap3A_1094 : vector<1x16xf32> to vector<16xf32>
    %swap3A_1096 = vector.shape_cast %get3A_1090 : vector<16xf32> to vector<1x16xf32>
    tpu.vector_store %arg9[%swap3A_1092, %swap3A_1093], %swap3A_1096 {strides = array<i32>} : memref<2x1024xf32, #tpu.memory_space<vmem>>, vector<1x16xf32>,
    %get3A_1097 = arith.constant 9 : i32
    %get3A_1098 = arith.index_cast %get3A_1097 : i32 to index
    %get3A_1099 = arith.index_cast %and3A_1084 : i32 to index
    %get3A_1100 = arith.constant 16 : index
    %get3A_1101 = tpu.vector_load %arg8[%get3A_1098, %get3A_1099, %get3A_1100] {strides = array<i32>} : memref<16x8x64xf32, #tpu.memory_space<vmem>>, vector<1x1x16xf32>,
    %get3A_1102 = vector.shape_cast %get3A_1101 : vector<1x1x16xf32> to vector<16xf32>
    %swap3A_1103 = arith.constant 1 : i32
    %swap3A_1104 = arith.index_cast %swap3A_1103 : i32 to index
    %swap3A_1105 = arith.constant 592 : index
    %swap3A_1106 = tpu.vector_load %arg9[%swap3A_1104, %swap3A_1105] {strides = array<i32>} : memref<2x1024xf32, #tpu.memory_space<vmem>>, vector<1x16xf32>,
    %swap3A_1107 = vector.shape_cast %swap3A_1106 : vector<1x16xf32> to vector<16xf32>
    %swap3A_1108 = vector.shape_cast %get3A_1102 : vector<16xf32> to vector<1x16xf32>
    tpu.vector_store %arg9[%swap3A_1104, %swap3A_1105], %swap3A_1108 {strides = array<i32>} : memref<2x1024xf32, #tpu.memory_space<vmem>>, vector<1x16xf32>,
    %get3A_1109 = arith.constant 9 : i32
    %get3A_1110 = arith.index_cast %get3A_1109 : i32 to index
    %get3A_1111 = arith.index_cast %and3A_1084 : i32 to index
    %get3A_1112 = arith.constant 32 : index
    %get3A_1113 = tpu.vector_load %arg8[%get3A_1110, %get3A_1111, %get3A_1112] {strides = array<i32>} : memref<16x8x64xf32, #tpu.memory_space<vmem>>, vector<1x1x16xf32>,
    %get3A_1114 = vector.shape_cast %get3A_1113 : vector<1x1x16xf32> to vector<16xf32>
    %swap3A_1115 = arith.constant 1 : i32
    %swap3A_1116 = arith.index_cast %swap3A_1115 : i32 to index
    %swap3A_1117 = arith.constant 608 : index
    %swap3A_1118 = tpu.vector_load %arg9[%swap3A_1116, %swap3A_1117] {strides = array<i32>} : memref<2x1024xf32, #tpu.memory_space<vmem>>, vector<1x16xf32>,
    %swap3A_1119 = vector.shape_cast %swap3A_1118 : vector<1x16xf32> to vector<16xf32>
    %swap3A_1120 = vector.shape_cast %get3A_1114 : vector<16xf32> to vector<1x16xf32>
    tpu.vector_store %arg9[%swap3A_1116, %swap3A_1117], %swap3A_1120 {strides = array<i32>} : memref<2x1024xf32, #tpu.memory_space<vmem>>, vector<1x16xf32>,
    %get3A_1121 = arith.constant 9 : i32
    %get3A_1122 = arith.index_cast %get3A_1121 : i32 to index
    %get3A_1123 = arith.index_cast %and3A_1084 : i32 to index
    %get3A_1124 = arith.constant 48 : index
    %get3A_1125 = tpu.vector_load %arg8[%get3A_1122, %get3A_1123, %get3A_1124] {strides = array<i32>} : memref<16x8x64xf32, #tpu.memory_space<vmem>>, vector<1x1x16xf32>,
    %get3A_1126 = vector.shape_cast %get3A_1125 : vector<1x1x16xf32> to vector<16xf32>
    %swap3A_1127 = arith.constant 1 : i32
    %swap3A_1128 = arith.index_cast %swap3A_1127 : i32 to index
    %swap3A_1129 = arith.constant 624 : index
    %swap3A_1130 = tpu.vector_load %arg9[%swap3A_1128, %swap3A_1129] {strides = array<i32>} : memref<2x1024xf32, #tpu.memory_space<vmem>>, vector<1x16xf32>,
    %swap3A_1131 = vector.shape_cast %swap3A_1130 : vector<1x16xf32> to vector<16xf32>
    %swap3A_1132 = vector.shape_cast %get3A_1126 : vector<16xf32> to vector<1x16xf32>
    tpu.vector_store %arg9[%swap3A_1128, %swap3A_1129], %swap3A_1132 {strides = array<i32>} : memref<2x1024xf32, #tpu.memory_space<vmem>>, vector<1x16xf32>,
    %slice3A_1133 = vector.extract_strided_slice %scan3A_390 {offsets = [10], sizes = [1], strides = [1]} : vector<16xi32> to vector<1xi32>
    %squeeze3A_1134 = vector.extract %slice3A_1133[0] : i32 from vector<1xi32>
    %dma_wait3A_1135 = arith.constant 0 : i32
    %dma_wait3A_1136 = arith.constant 10 : i32
    %dma_wait3A_1137 = arith.constant 10 : i32
    %dma_wait3A_1138 = arith.constant 0 : i32
    %dma_wait3A_1139 = arith.constant 0 : i32
    %dma_wait3A_1140 = tpu.memref_slice %arg8[%dma_wait3A_1136, %dma_wait3A_1138, %dma_wait3A_1139] : memref<16x8x64xf32, #tpu.memory_space<vmem>> -> memref<1x8x64xf32, #tpu.memory_space<vmem>>
    %dma_wait3A_1141 = tpu.memref_squeeze %dma_wait3A_1140 : memref<1x8x64xf32, #tpu.memory_space<vmem>> -> memref<8x64xf32, #tpu.memory_space<vmem>>
    %dma_wait3A_1142 = arith.constant 0 : i32
    %dma_wait3A_1143 = arith.constant 0 : i32
    %dma_wait3A_1144 = tpu.memref_slice %arg2[%dma_wait3A_1135, %dma_wait3A_1142, %dma_wait3A_1143] : memref<125000x8x64xf32, #tpu.memory_space<hbm>> -> memref<1x8x64xf32, #tpu.memory_space<hbm>>
    %dma_wait3A_1145 = tpu.memref_squeeze %dma_wait3A_1144 : memref<1x8x64xf32, #tpu.memory_space<hbm>> -> memref<8x64xf32, #tpu.memory_space<hbm>>
    %dma_wait3A_1146 = tpu.memref_slice %arg11[%dma_wait3A_1137] : memref<16x!tpu.dma_semaphore, #tpu.memory_space<semaphore_mem>> -> memref<1x!tpu.dma_semaphore, #tpu.memory_space<semaphore_mem>>
    %dma_wait3A_1147 = tpu.memref_squeeze %dma_wait3A_1146 : memref<1x!tpu.dma_semaphore, #tpu.memory_space<semaphore_mem>> -> memref<!tpu.dma_semaphore, #tpu.memory_space<semaphore_mem>>
    %dma_wait3A_1148 = arith.constant 0 : i32
    %dma_wait3A_1149 = arith.constant 0 : i32
    %dma_wait3A_1150 = tpu.memref_slice %arg8[%dma_wait3A_1136, %dma_wait3A_1148, %dma_wait3A_1149] : memref<16x8x64xf32, #tpu.memory_space<vmem>> -> memref<1x8x64xf32, #tpu.memory_space<vmem>>
    %dma_wait3A_1151 = tpu.memref_squeeze %dma_wait3A_1150 : memref<1x8x64xf32, #tpu.memory_space<vmem>> -> memref<8x64xf32, #tpu.memory_space<vmem>>
    %dma_wait3A_1152 = arith.constant 0 : i32
    %dma_wait3A_1153 = arith.constant 0 : i32
    %dma_wait3A_1154 = tpu.memref_slice %arg2[%dma_wait3A_1135, %dma_wait3A_1152, %dma_wait3A_1153] : memref<125000x8x64xf32, #tpu.memory_space<hbm>> -> memref<1x8x64xf32, #tpu.memory_space<hbm>>
    %dma_wait3A_1155 = tpu.memref_squeeze %dma_wait3A_1154 : memref<1x8x64xf32, #tpu.memory_space<hbm>> -> memref<8x64xf32, #tpu.memory_space<hbm>>
    tpu.wait_dma2 semaphore(%dma_wait3A_1147 : memref<!tpu.dma_semaphore, #tpu.memory_space<semaphore_mem>>) src(%dma_wait3A_1155 : memref<8x64xf32, #tpu.memory_space<hbm>>) dst(%dma_wait3A_1151 : memref<8x64xf32, #tpu.memory_space<vmem>>)
    %and3A_1156 = arith.constant 7 : i32
    %and3A_1157 = arith.andi %squeeze3A_1134, %and3A_1156 : i32
    %get3A_1158 = arith.constant 10 : i32
    %get3A_1159 = arith.index_cast %get3A_1158 : i32 to index
    %get3A_1160 = arith.index_cast %and3A_1157 : i32 to index
    %get3A_1161 = arith.constant 0 : index
    %get3A_1162 = tpu.vector_load %arg8[%get3A_1159, %get3A_1160, %get3A_1161] {strides = array<i32>} : memref<16x8x64xf32, #tpu.memory_space<vmem>>, vector<1x1x16xf32>,
    %get3A_1163 = vector.shape_cast %get3A_1162 : vector<1x1x16xf32> to vector<16xf32>
    %swap3A_1164 = arith.constant 1 : i32
    %swap3A_1165 = arith.index_cast %swap3A_1164 : i32 to index
    %swap3A_1166 = arith.constant 640 : index
    %swap3A_1167 = tpu.vector_load %arg9[%swap3A_1165, %swap3A_1166] {strides = array<i32>} : memref<2x1024xf32, #tpu.memory_space<vmem>>, vector<1x16xf32>,
    %swap3A_1168 = vector.shape_cast %swap3A_1167 : vector<1x16xf32> to vector<16xf32>
    %swap3A_1169 = vector.shape_cast %get3A_1163 : vector<16xf32> to vector<1x16xf32>
    tpu.vector_store %arg9[%swap3A_1165, %swap3A_1166], %swap3A_1169 {strides = array<i32>} : memref<2x1024xf32, #tpu.memory_space<vmem>>, vector<1x16xf32>,
    %get3A_1170 = arith.constant 10 : i32
    %get3A_1171 = arith.index_cast %get3A_1170 : i32 to index
    %get3A_1172 = arith.index_cast %and3A_1157 : i32 to index
    %get3A_1173 = arith.constant 16 : index
    %get3A_1174 = tpu.vector_load %arg8[%get3A_1171, %get3A_1172, %get3A_1173] {strides = array<i32>} : memref<16x8x64xf32, #tpu.memory_space<vmem>>, vector<1x1x16xf32>,
    %get3A_1175 = vector.shape_cast %get3A_1174 : vector<1x1x16xf32> to vector<16xf32>
    %swap3A_1176 = arith.constant 1 : i32
    %swap3A_1177 = arith.index_cast %swap3A_1176 : i32 to index
    %swap3A_1178 = arith.constant 656 : index
    %swap3A_1179 = tpu.vector_load %arg9[%swap3A_1177, %swap3A_1178] {strides = array<i32>} : memref<2x1024xf32, #tpu.memory_space<vmem>>, vector<1x16xf32>,
    %swap3A_1180 = vector.shape_cast %swap3A_1179 : vector<1x16xf32> to vector<16xf32>
    %swap3A_1181 = vector.shape_cast %get3A_1175 : vector<16xf32> to vector<1x16xf32>
    tpu.vector_store %arg9[%swap3A_1177, %swap3A_1178], %swap3A_1181 {strides = array<i32>} : memref<2x1024xf32, #tpu.memory_space<vmem>>, vector<1x16xf32>,
    %get3A_1182 = arith.constant 10 : i32
    %get3A_1183 = arith.index_cast %get3A_1182 : i32 to index
    %get3A_1184 = arith.index_cast %and3A_1157 : i32 to index
    %get3A_1185 = arith.constant 32 : index
    %get3A_1186 = tpu.vector_load %arg8[%get3A_1183, %get3A_1184, %get3A_1185] {strides = array<i32>} : memref<16x8x64xf32, #tpu.memory_space<vmem>>, vector<1x1x16xf32>,
    %get3A_1187 = vector.shape_cast %get3A_1186 : vector<1x1x16xf32> to vector<16xf32>
    %swap3A_1188 = arith.constant 1 : i32
    %swap3A_1189 = arith.index_cast %swap3A_1188 : i32 to index
    %swap3A_1190 = arith.constant 672 : index
    %swap3A_1191 = tpu.vector_load %arg9[%swap3A_1189, %swap3A_1190] {strides = array<i32>} : memref<2x1024xf32, #tpu.memory_space<vmem>>, vector<1x16xf32>,
    %swap3A_1192 = vector.shape_cast %swap3A_1191 : vector<1x16xf32> to vector<16xf32>
    %swap3A_1193 = vector.shape_cast %get3A_1187 : vector<16xf32> to vector<1x16xf32>
    tpu.vector_store %arg9[%swap3A_1189, %swap3A_1190], %swap3A_1193 {strides = array<i32>} : memref<2x1024xf32, #tpu.memory_space<vmem>>, vector<1x16xf32>,
    %get3A_1194 = arith.constant 10 : i32
    %get3A_1195 = arith.index_cast %get3A_1194 : i32 to index
    %get3A_1196 = arith.index_cast %and3A_1157 : i32 to index
    %get3A_1197 = arith.constant 48 : index
    %get3A_1198 = tpu.vector_load %arg8[%get3A_1195, %get3A_1196, %get3A_1197] {strides = array<i32>} : memref<16x8x64xf32, #tpu.memory_space<vmem>>, vector<1x1x16xf32>,
    %get3A_1199 = vector.shape_cast %get3A_1198 : vector<1x1x16xf32> to vector<16xf32>
    %swap3A_1200 = arith.constant 1 : i32
    %swap3A_1201 = arith.index_cast %swap3A_1200 : i32 to index
    %swap3A_1202 = arith.constant 688 : index
    %swap3A_1203 = tpu.vector_load %arg9[%swap3A_1201, %swap3A_1202] {strides = array<i32>} : memref<2x1024xf32, #tpu.memory_space<vmem>>, vector<1x16xf32>,
    %swap3A_1204 = vector.shape_cast %swap3A_1203 : vector<1x16xf32> to vector<16xf32>
    %swap3A_1205 = vector.shape_cast %get3A_1199 : vector<16xf32> to vector<1x16xf32>
    tpu.vector_store %arg9[%swap3A_1201, %swap3A_1202], %swap3A_1205 {strides = array<i32>} : memref<2x1024xf32, #tpu.memory_space<vmem>>, vector<1x16xf32>,
    %slice3A_1206 = vector.extract_strided_slice %scan3A_390 {offsets = [11], sizes = [1], strides = [1]} : vector<16xi32> to vector<1xi32>
    %squeeze3A_1207 = vector.extract %slice3A_1206[0] : i32 from vector<1xi32>
    %dma_wait3A_1208 = arith.constant 0 : i32
    %dma_wait3A_1209 = arith.constant 11 : i32
    %dma_wait3A_1210 = arith.constant 11 : i32
    %dma_wait3A_1211 = arith.constant 0 : i32
    %dma_wait3A_1212 = arith.constant 0 : i32
    %dma_wait3A_1213 = tpu.memref_slice %arg8[%dma_wait3A_1209, %dma_wait3A_1211, %dma_wait3A_1212] : memref<16x8x64xf32, #tpu.memory_space<vmem>> -> memref<1x8x64xf32, #tpu.memory_space<vmem>>
    %dma_wait3A_1214 = tpu.memref_squeeze %dma_wait3A_1213 : memref<1x8x64xf32, #tpu.memory_space<vmem>> -> memref<8x64xf32, #tpu.memory_space<vmem>>
    %dma_wait3A_1215 = arith.constant 0 : i32
    %dma_wait3A_1216 = arith.constant 0 : i32
    %dma_wait3A_1217 = tpu.memref_slice %arg2[%dma_wait3A_1208, %dma_wait3A_1215, %dma_wait3A_1216] : memref<125000x8x64xf32, #tpu.memory_space<hbm>> -> memref<1x8x64xf32, #tpu.memory_space<hbm>>
    %dma_wait3A_1218 = tpu.memref_squeeze %dma_wait3A_1217 : memref<1x8x64xf32, #tpu.memory_space<hbm>> -> memref<8x64xf32, #tpu.memory_space<hbm>>
    %dma_wait3A_1219 = tpu.memref_slice %arg11[%dma_wait3A_1210] : memref<16x!tpu.dma_semaphore, #tpu.memory_space<semaphore_mem>> -> memref<1x!tpu.dma_semaphore, #tpu.memory_space<semaphore_mem>>
    %dma_wait3A_1220 = tpu.memref_squeeze %dma_wait3A_1219 : memref<1x!tpu.dma_semaphore, #tpu.memory_space<semaphore_mem>> -> memref<!tpu.dma_semaphore, #tpu.memory_space<semaphore_mem>>
    %dma_wait3A_1221 = arith.constant 0 : i32
    %dma_wait3A_1222 = arith.constant 0 : i32
    %dma_wait3A_1223 = tpu.memref_slice %arg8[%dma_wait3A_1209, %dma_wait3A_1221, %dma_wait3A_1222] : memref<16x8x64xf32, #tpu.memory_space<vmem>> -> memref<1x8x64xf32, #tpu.memory_space<vmem>>
    %dma_wait3A_1224 = tpu.memref_squeeze %dma_wait3A_1223 : memref<1x8x64xf32, #tpu.memory_space<vmem>> -> memref<8x64xf32, #tpu.memory_space<vmem>>
    %dma_wait3A_1225 = arith.constant 0 : i32
    %dma_wait3A_1226 = arith.constant 0 : i32
    %dma_wait3A_1227 = tpu.memref_slice %arg2[%dma_wait3A_1208, %dma_wait3A_1225, %dma_wait3A_1226] : memref<125000x8x64xf32, #tpu.memory_space<hbm>> -> memref<1x8x64xf32, #tpu.memory_space<hbm>>
    %dma_wait3A_1228 = tpu.memref_squeeze %dma_wait3A_1227 : memref<1x8x64xf32, #tpu.memory_space<hbm>> -> memref<8x64xf32, #tpu.memory_space<hbm>>
    tpu.wait_dma2 semaphore(%dma_wait3A_1220 : memref<!tpu.dma_semaphore, #tpu.memory_space<semaphore_mem>>) src(%dma_wait3A_1228 : memref<8x64xf32, #tpu.memory_space<hbm>>) dst(%dma_wait3A_1224 : memref<8x64xf32, #tpu.memory_space<vmem>>)
    %and3A_1229 = arith.constant 7 : i32
    %and3A_1230 = arith.andi %squeeze3A_1207, %and3A_1229 : i32
    %get3A_1231 = arith.constant 11 : i32
    %get3A_1232 = arith.index_cast %get3A_1231 : i32 to index
    %get3A_1233 = arith.index_cast %and3A_1230 : i32 to index
    %get3A_1234 = arith.constant 0 : index
    %get3A_1235 = tpu.vector_load %arg8[%get3A_1232, %get3A_1233, %get3A_1234] {strides = array<i32>} : memref<16x8x64xf32, #tpu.memory_space<vmem>>, vector<1x1x16xf32>,
    %get3A_1236 = vector.shape_cast %get3A_1235 : vector<1x1x16xf32> to vector<16xf32>
    %swap3A_1237 = arith.constant 1 : i32
    %swap3A_1238 = arith.index_cast %swap3A_1237 : i32 to index
    %swap3A_1239 = arith.constant 704 : index
    %swap3A_1240 = tpu.vector_load %arg9[%swap3A_1238, %swap3A_1239] {strides = array<i32>} : memref<2x1024xf32, #tpu.memory_space<vmem>>, vector<1x16xf32>,
    %swap3A_1241 = vector.shape_cast %swap3A_1240 : vector<1x16xf32> to vector<16xf32>
    %swap3A_1242 = vector.shape_cast %get3A_1236 : vector<16xf32> to vector<1x16xf32>
    tpu.vector_store %arg9[%swap3A_1238, %swap3A_1239], %swap3A_1242 {strides = array<i32>} : memref<2x1024xf32, #tpu.memory_space<vmem>>, vector<1x16xf32>,
    %get3A_1243 = arith.constant 11 : i32
    %get3A_1244 = arith.index_cast %get3A_1243 : i32 to index
    %get3A_1245 = arith.index_cast %and3A_1230 : i32 to index
    %get3A_1246 = arith.constant 16 : index
    %get3A_1247 = tpu.vector_load %arg8[%get3A_1244, %get3A_1245, %get3A_1246] {strides = array<i32>} : memref<16x8x64xf32, #tpu.memory_space<vmem>>, vector<1x1x16xf32>,
    %get3A_1248 = vector.shape_cast %get3A_1247 : vector<1x1x16xf32> to vector<16xf32>
    %swap3A_1249 = arith.constant 1 : i32
    %swap3A_1250 = arith.index_cast %swap3A_1249 : i32 to index
    %swap3A_1251 = arith.constant 720 : index
    %swap3A_1252 = tpu.vector_load %arg9[%swap3A_1250, %swap3A_1251] {strides = array<i32>} : memref<2x1024xf32, #tpu.memory_space<vmem>>, vector<1x16xf32>,
    %swap3A_1253 = vector.shape_cast %swap3A_1252 : vector<1x16xf32> to vector<16xf32>
    %swap3A_1254 = vector.shape_cast %get3A_1248 : vector<16xf32> to vector<1x16xf32>
    tpu.vector_store %arg9[%swap3A_1250, %swap3A_1251], %swap3A_1254 {strides = array<i32>} : memref<2x1024xf32, #tpu.memory_space<vmem>>, vector<1x16xf32>,
    %get3A_1255 = arith.constant 11 : i32
    %get3A_1256 = arith.index_cast %get3A_1255 : i32 to index
    %get3A_1257 = arith.index_cast %and3A_1230 : i32 to index
    %get3A_1258 = arith.constant 32 : index
    %get3A_1259 = tpu.vector_load %arg8[%get3A_1256, %get3A_1257, %get3A_1258] {strides = array<i32>} : memref<16x8x64xf32, #tpu.memory_space<vmem>>, vector<1x1x16xf32>,
    %get3A_1260 = vector.shape_cast %get3A_1259 : vector<1x1x16xf32> to vector<16xf32>
    %swap3A_1261 = arith.constant 1 : i32
    %swap3A_1262 = arith.index_cast %swap3A_1261 : i32 to index
    %swap3A_1263 = arith.constant 736 : index
    %swap3A_1264 = tpu.vector_load %arg9[%swap3A_1262, %swap3A_1263] {strides = array<i32>} : memref<2x1024xf32, #tpu.memory_space<vmem>>, vector<1x16xf32>,
    %swap3A_1265 = vector.shape_cast %swap3A_1264 : vector<1x16xf32> to vector<16xf32>
    %swap3A_1266 = vector.shape_cast %get3A_1260 : vector<16xf32> to vector<1x16xf32>
    tpu.vector_store %arg9[%swap3A_1262, %swap3A_1263], %swap3A_1266 {strides = array<i32>} : memref<2x1024xf32, #tpu.memory_space<vmem>>, vector<1x16xf32>,
    %get3A_1267 = arith.constant 11 : i32
    %get3A_1268 = arith.index_cast %get3A_1267 : i32 to index
    %get3A_1269 = arith.index_cast %and3A_1230 : i32 to index
    %get3A_1270 = arith.constant 48 : index
    %get3A_1271 = tpu.vector_load %arg8[%get3A_1268, %get3A_1269, %get3A_1270] {strides = array<i32>} : memref<16x8x64xf32, #tpu.memory_space<vmem>>, vector<1x1x16xf32>,
    %get3A_1272 = vector.shape_cast %get3A_1271 : vector<1x1x16xf32> to vector<16xf32>
    %swap3A_1273 = arith.constant 1 : i32
    %swap3A_1274 = arith.index_cast %swap3A_1273 : i32 to index
    %swap3A_1275 = arith.constant 752 : index
    %swap3A_1276 = tpu.vector_load %arg9[%swap3A_1274, %swap3A_1275] {strides = array<i32>} : memref<2x1024xf32, #tpu.memory_space<vmem>>, vector<1x16xf32>,
    %swap3A_1277 = vector.shape_cast %swap3A_1276 : vector<1x16xf32> to vector<16xf32>
    %swap3A_1278 = vector.shape_cast %get3A_1272 : vector<16xf32> to vector<1x16xf32>
    tpu.vector_store %arg9[%swap3A_1274, %swap3A_1275], %swap3A_1278 {strides = array<i32>} : memref<2x1024xf32, #tpu.memory_space<vmem>>, vector<1x16xf32>,
    %slice3A_1279 = vector.extract_strided_slice %scan3A_390 {offsets = [12], sizes = [1], strides = [1]} : vector<16xi32> to vector<1xi32>
    %squeeze3A_1280 = vector.extract %slice3A_1279[0] : i32 from vector<1xi32>
    %dma_wait3A_1281 = arith.constant 0 : i32
    %dma_wait3A_1282 = arith.constant 12 : i32
    %dma_wait3A_1283 = arith.constant 12 : i32
    %dma_wait3A_1284 = arith.constant 0 : i32
    %dma_wait3A_1285 = arith.constant 0 : i32
    %dma_wait3A_1286 = tpu.memref_slice %arg8[%dma_wait3A_1282, %dma_wait3A_1284, %dma_wait3A_1285] : memref<16x8x64xf32, #tpu.memory_space<vmem>> -> memref<1x8x64xf32, #tpu.memory_space<vmem>>
    %dma_wait3A_1287 = tpu.memref_squeeze %dma_wait3A_1286 : memref<1x8x64xf32, #tpu.memory_space<vmem>> -> memref<8x64xf32, #tpu.memory_space<vmem>>
    %dma_wait3A_1288 = arith.constant 0 : i32
    %dma_wait3A_1289 = arith.constant 0 : i32
    %dma_wait3A_1290 = tpu.memref_slice %arg2[%dma_wait3A_1281, %dma_wait3A_1288, %dma_wait3A_1289] : memref<125000x8x64xf32, #tpu.memory_space<hbm>> -> memref<1x8x64xf32, #tpu.memory_space<hbm>>
    %dma_wait3A_1291 = tpu.memref_squeeze %dma_wait3A_1290 : memref<1x8x64xf32, #tpu.memory_space<hbm>> -> memref<8x64xf32, #tpu.memory_space<hbm>>
    %dma_wait3A_1292 = tpu.memref_slice %arg11[%dma_wait3A_1283] : memref<16x!tpu.dma_semaphore, #tpu.memory_space<semaphore_mem>> -> memref<1x!tpu.dma_semaphore, #tpu.memory_space<semaphore_mem>>
    %dma_wait3A_1293 = tpu.memref_squeeze %dma_wait3A_1292 : memref<1x!tpu.dma_semaphore, #tpu.memory_space<semaphore_mem>> -> memref<!tpu.dma_semaphore, #tpu.memory_space<semaphore_mem>>
    %dma_wait3A_1294 = arith.constant 0 : i32
    %dma_wait3A_1295 = arith.constant 0 : i32
    %dma_wait3A_1296 = tpu.memref_slice %arg8[%dma_wait3A_1282, %dma_wait3A_1294, %dma_wait3A_1295] : memref<16x8x64xf32, #tpu.memory_space<vmem>> -> memref<1x8x64xf32, #tpu.memory_space<vmem>>
    %dma_wait3A_1297 = tpu.memref_squeeze %dma_wait3A_1296 : memref<1x8x64xf32, #tpu.memory_space<vmem>> -> memref<8x64xf32, #tpu.memory_space<vmem>>
    %dma_wait3A_1298 = arith.constant 0 : i32
    %dma_wait3A_1299 = arith.constant 0 : i32
    %dma_wait3A_1300 = tpu.memref_slice %arg2[%dma_wait3A_1281, %dma_wait3A_1298, %dma_wait3A_1299] : memref<125000x8x64xf32, #tpu.memory_space<hbm>> -> memref<1x8x64xf32, #tpu.memory_space<hbm>>
    %dma_wait3A_1301 = tpu.memref_squeeze %dma_wait3A_1300 : memref<1x8x64xf32, #tpu.memory_space<hbm>> -> memref<8x64xf32, #tpu.memory_space<hbm>>
    tpu.wait_dma2 semaphore(%dma_wait3A_1293 : memref<!tpu.dma_semaphore, #tpu.memory_space<semaphore_mem>>) src(%dma_wait3A_1301 : memref<8x64xf32, #tpu.memory_space<hbm>>) dst(%dma_wait3A_1297 : memref<8x64xf32, #tpu.memory_space<vmem>>)
    %and3A_1302 = arith.constant 7 : i32
    %and3A_1303 = arith.andi %squeeze3A_1280, %and3A_1302 : i32
    %get3A_1304 = arith.constant 12 : i32
    %get3A_1305 = arith.index_cast %get3A_1304 : i32 to index
    %get3A_1306 = arith.index_cast %and3A_1303 : i32 to index
    %get3A_1307 = arith.constant 0 : index
    %get3A_1308 = tpu.vector_load %arg8[%get3A_1305, %get3A_1306, %get3A_1307] {strides = array<i32>} : memref<16x8x64xf32, #tpu.memory_space<vmem>>, vector<1x1x16xf32>,
    %get3A_1309 = vector.shape_cast %get3A_1308 : vector<1x1x16xf32> to vector<16xf32>
    %swap3A_1310 = arith.constant 1 : i32
    %swap3A_1311 = arith.index_cast %swap3A_1310 : i32 to index
    %swap3A_1312 = arith.constant 768 : index
    %swap3A_1313 = tpu.vector_load %arg9[%swap3A_1311, %swap3A_1312] {strides = array<i32>} : memref<2x1024xf32, #tpu.memory_space<vmem>>, vector<1x16xf32>,
    %swap3A_1314 = vector.shape_cast %swap3A_1313 : vector<1x16xf32> to vector<16xf32>
    %swap3A_1315 = vector.shape_cast %get3A_1309 : vector<16xf32> to vector<1x16xf32>
    tpu.vector_store %arg9[%swap3A_1311, %swap3A_1312], %swap3A_1315 {strides = array<i32>} : memref<2x1024xf32, #tpu.memory_space<vmem>>, vector<1x16xf32>,
    %get3A_1316 = arith.constant 12 : i32
    %get3A_1317 = arith.index_cast %get3A_1316 : i32 to index
    %get3A_1318 = arith.index_cast %and3A_1303 : i32 to index
    %get3A_1319 = arith.constant 16 : index
    %get3A_1320 = tpu.vector_load %arg8[%get3A_1317, %get3A_1318, %get3A_1319] {strides = array<i32>} : memref<16x8x64xf32, #tpu.memory_space<vmem>>, vector<1x1x16xf32>,
    %get3A_1321 = vector.shape_cast %get3A_1320 : vector<1x1x16xf32> to vector<16xf32>
    %swap3A_1322 = arith.constant 1 : i32
    %swap3A_1323 = arith.index_cast %swap3A_1322 : i32 to index
    %swap3A_1324 = arith.constant 784 : index
    %swap3A_1325 = tpu.vector_load %arg9[%swap3A_1323, %swap3A_1324] {strides = array<i32>} : memref<2x1024xf32, #tpu.memory_space<vmem>>, vector<1x16xf32>,
    %swap3A_1326 = vector.shape_cast %swap3A_1325 : vector<1x16xf32> to vector<16xf32>
    %swap3A_1327 = vector.shape_cast %get3A_1321 : vector<16xf32> to vector<1x16xf32>
    tpu.vector_store %arg9[%swap3A_1323, %swap3A_1324], %swap3A_1327 {strides = array<i32>} : memref<2x1024xf32, #tpu.memory_space<vmem>>, vector<1x16xf32>,
    %get3A_1328 = arith.constant 12 : i32
    %get3A_1329 = arith.index_cast %get3A_1328 : i32 to index
    %get3A_1330 = arith.index_cast %and3A_1303 : i32 to index
    %get3A_1331 = arith.constant 32 : index
    %get3A_1332 = tpu.vector_load %arg8[%get3A_1329, %get3A_1330, %get3A_1331] {strides = array<i32>} : memref<16x8x64xf32, #tpu.memory_space<vmem>>, vector<1x1x16xf32>,
    %get3A_1333 = vector.shape_cast %get3A_1332 : vector<1x1x16xf32> to vector<16xf32>
    %swap3A_1334 = arith.constant 1 : i32
    %swap3A_1335 = arith.index_cast %swap3A_1334 : i32 to index
    %swap3A_1336 = arith.constant 800 : index
    %swap3A_1337 = tpu.vector_load %arg9[%swap3A_1335, %swap3A_1336] {strides = array<i32>} : memref<2x1024xf32, #tpu.memory_space<vmem>>, vector<1x16xf32>,
    %swap3A_1338 = vector.shape_cast %swap3A_1337 : vector<1x16xf32> to vector<16xf32>
    %swap3A_1339 = vector.shape_cast %get3A_1333 : vector<16xf32> to vector<1x16xf32>
    tpu.vector_store %arg9[%swap3A_1335, %swap3A_1336], %swap3A_1339 {strides = array<i32>} : memref<2x1024xf32, #tpu.memory_space<vmem>>, vector<1x16xf32>,
    %get3A_1340 = arith.constant 12 : i32
    %get3A_1341 = arith.index_cast %get3A_1340 : i32 to index
    %get3A_1342 = arith.index_cast %and3A_1303 : i32 to index
    %get3A_1343 = arith.constant 48 : index
    %get3A_1344 = tpu.vector_load %arg8[%get3A_1341, %get3A_1342, %get3A_1343] {strides = array<i32>} : memref<16x8x64xf32, #tpu.memory_space<vmem>>, vector<1x1x16xf32>,
    %get3A_1345 = vector.shape_cast %get3A_1344 : vector<1x1x16xf32> to vector<16xf32>
    %swap3A_1346 = arith.constant 1 : i32
    %swap3A_1347 = arith.index_cast %swap3A_1346 : i32 to index
    %swap3A_1348 = arith.constant 816 : index
    %swap3A_1349 = tpu.vector_load %arg9[%swap3A_1347, %swap3A_1348] {strides = array<i32>} : memref<2x1024xf32, #tpu.memory_space<vmem>>, vector<1x16xf32>,
    %swap3A_1350 = vector.shape_cast %swap3A_1349 : vector<1x16xf32> to vector<16xf32>
    %swap3A_1351 = vector.shape_cast %get3A_1345 : vector<16xf32> to vector<1x16xf32>
    tpu.vector_store %arg9[%swap3A_1347, %swap3A_1348], %swap3A_1351 {strides = array<i32>} : memref<2x1024xf32, #tpu.memory_space<vmem>>, vector<1x16xf32>,
    %slice3A_1352 = vector.extract_strided_slice %scan3A_390 {offsets = [13], sizes = [1], strides = [1]} : vector<16xi32> to vector<1xi32>
    %squeeze3A_1353 = vector.extract %slice3A_1352[0] : i32 from vector<1xi32>
    %dma_wait3A_1354 = arith.constant 0 : i32
    %dma_wait3A_1355 = arith.constant 13 : i32
    %dma_wait3A_1356 = arith.constant 13 : i32
    %dma_wait3A_1357 = arith.constant 0 : i32
    %dma_wait3A_1358 = arith.constant 0 : i32
    %dma_wait3A_1359 = tpu.memref_slice %arg8[%dma_wait3A_1355, %dma_wait3A_1357, %dma_wait3A_1358] : memref<16x8x64xf32, #tpu.memory_space<vmem>> -> memref<1x8x64xf32, #tpu.memory_space<vmem>>
    %dma_wait3A_1360 = tpu.memref_squeeze %dma_wait3A_1359 : memref<1x8x64xf32, #tpu.memory_space<vmem>> -> memref<8x64xf32, #tpu.memory_space<vmem>>
    %dma_wait3A_1361 = arith.constant 0 : i32
    %dma_wait3A_1362 = arith.constant 0 : i32
    %dma_wait3A_1363 = tpu.memref_slice %arg2[%dma_wait3A_1354, %dma_wait3A_1361, %dma_wait3A_1362] : memref<125000x8x64xf32, #tpu.memory_space<hbm>> -> memref<1x8x64xf32, #tpu.memory_space<hbm>>
    %dma_wait3A_1364 = tpu.memref_squeeze %dma_wait3A_1363 : memref<1x8x64xf32, #tpu.memory_space<hbm>> -> memref<8x64xf32, #tpu.memory_space<hbm>>
    %dma_wait3A_1365 = tpu.memref_slice %arg11[%dma_wait3A_1356] : memref<16x!tpu.dma_semaphore, #tpu.memory_space<semaphore_mem>> -> memref<1x!tpu.dma_semaphore, #tpu.memory_space<semaphore_mem>>
    %dma_wait3A_1366 = tpu.memref_squeeze %dma_wait3A_1365 : memref<1x!tpu.dma_semaphore, #tpu.memory_space<semaphore_mem>> -> memref<!tpu.dma_semaphore, #tpu.memory_space<semaphore_mem>>
    %dma_wait3A_1367 = arith.constant 0 : i32
    %dma_wait3A_1368 = arith.constant 0 : i32
    %dma_wait3A_1369 = tpu.memref_slice %arg8[%dma_wait3A_1355, %dma_wait3A_1367, %dma_wait3A_1368] : memref<16x8x64xf32, #tpu.memory_space<vmem>> -> memref<1x8x64xf32, #tpu.memory_space<vmem>>
    %dma_wait3A_1370 = tpu.memref_squeeze %dma_wait3A_1369 : memref<1x8x64xf32, #tpu.memory_space<vmem>> -> memref<8x64xf32, #tpu.memory_space<vmem>>
    %dma_wait3A_1371 = arith.constant 0 : i32
    %dma_wait3A_1372 = arith.constant 0 : i32
    %dma_wait3A_1373 = tpu.memref_slice %arg2[%dma_wait3A_1354, %dma_wait3A_1371, %dma_wait3A_1372] : memref<125000x8x64xf32, #tpu.memory_space<hbm>> -> memref<1x8x64xf32, #tpu.memory_space<hbm>>
    %dma_wait3A_1374 = tpu.memref_squeeze %dma_wait3A_1373 : memref<1x8x64xf32, #tpu.memory_space<hbm>> -> memref<8x64xf32, #tpu.memory_space<hbm>>
    tpu.wait_dma2 semaphore(%dma_wait3A_1366 : memref<!tpu.dma_semaphore, #tpu.memory_space<semaphore_mem>>) src(%dma_wait3A_1374 : memref<8x64xf32, #tpu.memory_space<hbm>>) dst(%dma_wait3A_1370 : memref<8x64xf32, #tpu.memory_space<vmem>>)
    %and3A_1375 = arith.constant 7 : i32
    %and3A_1376 = arith.andi %squeeze3A_1353, %and3A_1375 : i32
    %get3A_1377 = arith.constant 13 : i32
    %get3A_1378 = arith.index_cast %get3A_1377 : i32 to index
    %get3A_1379 = arith.index_cast %and3A_1376 : i32 to index
    %get3A_1380 = arith.constant 0 : index
    %get3A_1381 = tpu.vector_load %arg8[%get3A_1378, %get3A_1379, %get3A_1380] {strides = array<i32>} : memref<16x8x64xf32, #tpu.memory_space<vmem>>, vector<1x1x16xf32>,
    %get3A_1382 = vector.shape_cast %get3A_1381 : vector<1x1x16xf32> to vector<16xf32>
    %swap3A_1383 = arith.constant 1 : i32
    %swap3A_1384 = arith.index_cast %swap3A_1383 : i32 to index
    %swap3A_1385 = arith.constant 832 : index
    %swap3A_1386 = tpu.vector_load %arg9[%swap3A_1384, %swap3A_1385] {strides = array<i32>} : memref<2x1024xf32, #tpu.memory_space<vmem>>, vector<1x16xf32>,
    %swap3A_1387 = vector.shape_cast %swap3A_1386 : vector<1x16xf32> to vector<16xf32>
    %swap3A_1388 = vector.shape_cast %get3A_1382 : vector<16xf32> to vector<1x16xf32>
    tpu.vector_store %arg9[%swap3A_1384, %swap3A_1385], %swap3A_1388 {strides = array<i32>} : memref<2x1024xf32, #tpu.memory_space<vmem>>, vector<1x16xf32>,
    %get3A_1389 = arith.constant 13 : i32
    %get3A_1390 = arith.index_cast %get3A_1389 : i32 to index
    %get3A_1391 = arith.index_cast %and3A_1376 : i32 to index
    %get3A_1392 = arith.constant 16 : index
    %get3A_1393 = tpu.vector_load %arg8[%get3A_1390, %get3A_1391, %get3A_1392] {strides = array<i32>} : memref<16x8x64xf32, #tpu.memory_space<vmem>>, vector<1x1x16xf32>,
    %get3A_1394 = vector.shape_cast %get3A_1393 : vector<1x1x16xf32> to vector<16xf32>
    %swap3A_1395 = arith.constant 1 : i32
    %swap3A_1396 = arith.index_cast %swap3A_1395 : i32 to index
    %swap3A_1397 = arith.constant 848 : index
    %swap3A_1398 = tpu.vector_load %arg9[%swap3A_1396, %swap3A_1397] {strides = array<i32>} : memref<2x1024xf32, #tpu.memory_space<vmem>>, vector<1x16xf32>,
    %swap3A_1399 = vector.shape_cast %swap3A_1398 : vector<1x16xf32> to vector<16xf32>
    %swap3A_1400 = vector.shape_cast %get3A_1394 : vector<16xf32> to vector<1x16xf32>
    tpu.vector_store %arg9[%swap3A_1396, %swap3A_1397], %swap3A_1400 {strides = array<i32>} : memref<2x1024xf32, #tpu.memory_space<vmem>>, vector<1x16xf32>,
    %get3A_1401 = arith.constant 13 : i32
    %get3A_1402 = arith.index_cast %get3A_1401 : i32 to index
    %get3A_1403 = arith.index_cast %and3A_1376 : i32 to index
    %get3A_1404 = arith.constant 32 : index
    %get3A_1405 = tpu.vector_load %arg8[%get3A_1402, %get3A_1403, %get3A_1404] {strides = array<i32>} : memref<16x8x64xf32, #tpu.memory_space<vmem>>, vector<1x1x16xf32>,
    %get3A_1406 = vector.shape_cast %get3A_1405 : vector<1x1x16xf32> to vector<16xf32>
    %swap3A_1407 = arith.constant 1 : i32
    %swap3A_1408 = arith.index_cast %swap3A_1407 : i32 to index
    %swap3A_1409 = arith.constant 864 : index
    %swap3A_1410 = tpu.vector_load %arg9[%swap3A_1408, %swap3A_1409] {strides = array<i32>} : memref<2x1024xf32, #tpu.memory_space<vmem>>, vector<1x16xf32>,
    %swap3A_1411 = vector.shape_cast %swap3A_1410 : vector<1x16xf32> to vector<16xf32>
    %swap3A_1412 = vector.shape_cast %get3A_1406 : vector<16xf32> to vector<1x16xf32>
    tpu.vector_store %arg9[%swap3A_1408, %swap3A_1409], %swap3A_1412 {strides = array<i32>} : memref<2x1024xf32, #tpu.memory_space<vmem>>, vector<1x16xf32>,
    %get3A_1413 = arith.constant 13 : i32
    %get3A_1414 = arith.index_cast %get3A_1413 : i32 to index
    %get3A_1415 = arith.index_cast %and3A_1376 : i32 to index
    %get3A_1416 = arith.constant 48 : index
    %get3A_1417 = tpu.vector_load %arg8[%get3A_1414, %get3A_1415, %get3A_1416] {strides = array<i32>} : memref<16x8x64xf32, #tpu.memory_space<vmem>>, vector<1x1x16xf32>,
    %get3A_1418 = vector.shape_cast %get3A_1417 : vector<1x1x16xf32> to vector<16xf32>
    %swap3A_1419 = arith.constant 1 : i32
    %swap3A_1420 = arith.index_cast %swap3A_1419 : i32 to index
    %swap3A_1421 = arith.constant 880 : index
    %swap3A_1422 = tpu.vector_load %arg9[%swap3A_1420, %swap3A_1421] {strides = array<i32>} : memref<2x1024xf32, #tpu.memory_space<vmem>>, vector<1x16xf32>,
    %swap3A_1423 = vector.shape_cast %swap3A_1422 : vector<1x16xf32> to vector<16xf32>
    %swap3A_1424 = vector.shape_cast %get3A_1418 : vector<16xf32> to vector<1x16xf32>
    tpu.vector_store %arg9[%swap3A_1420, %swap3A_1421], %swap3A_1424 {strides = array<i32>} : memref<2x1024xf32, #tpu.memory_space<vmem>>, vector<1x16xf32>,
    %slice3A_1425 = vector.extract_strided_slice %scan3A_390 {offsets = [14], sizes = [1], strides = [1]} : vector<16xi32> to vector<1xi32>
    %squeeze3A_1426 = vector.extract %slice3A_1425[0] : i32 from vector<1xi32>
    %dma_wait3A_1427 = arith.constant 0 : i32
    %dma_wait3A_1428 = arith.constant 14 : i32
    %dma_wait3A_1429 = arith.constant 14 : i32
    %dma_wait3A_1430 = arith.constant 0 : i32
    %dma_wait3A_1431 = arith.constant 0 : i32
    %dma_wait3A_1432 = tpu.memref_slice %arg8[%dma_wait3A_1428, %dma_wait3A_1430, %dma_wait3A_1431] : memref<16x8x64xf32, #tpu.memory_space<vmem>> -> memref<1x8x64xf32, #tpu.memory_space<vmem>>
    %dma_wait3A_1433 = tpu.memref_squeeze %dma_wait3A_1432 : memref<1x8x64xf32, #tpu.memory_space<vmem>> -> memref<8x64xf32, #tpu.memory_space<vmem>>
    %dma_wait3A_1434 = arith.constant 0 : i32
    %dma_wait3A_1435 = arith.constant 0 : i32
    %dma_wait3A_1436 = tpu.memref_slice %arg2[%dma_wait3A_1427, %dma_wait3A_1434, %dma_wait3A_1435] : memref<125000x8x64xf32, #tpu.memory_space<hbm>> -> memref<1x8x64xf32, #tpu.memory_space<hbm>>
    %dma_wait3A_1437 = tpu.memref_squeeze %dma_wait3A_1436 : memref<1x8x64xf32, #tpu.memory_space<hbm>> -> memref<8x64xf32, #tpu.memory_space<hbm>>
    %dma_wait3A_1438 = tpu.memref_slice %arg11[%dma_wait3A_1429] : memref<16x!tpu.dma_semaphore, #tpu.memory_space<semaphore_mem>> -> memref<1x!tpu.dma_semaphore, #tpu.memory_space<semaphore_mem>>
    %dma_wait3A_1439 = tpu.memref_squeeze %dma_wait3A_1438 : memref<1x!tpu.dma_semaphore, #tpu.memory_space<semaphore_mem>> -> memref<!tpu.dma_semaphore, #tpu.memory_space<semaphore_mem>>
    %dma_wait3A_1440 = arith.constant 0 : i32
    %dma_wait3A_1441 = arith.constant 0 : i32
    %dma_wait3A_1442 = tpu.memref_slice %arg8[%dma_wait3A_1428, %dma_wait3A_1440, %dma_wait3A_1441] : memref<16x8x64xf32, #tpu.memory_space<vmem>> -> memref<1x8x64xf32, #tpu.memory_space<vmem>>
    %dma_wait3A_1443 = tpu.memref_squeeze %dma_wait3A_1442 : memref<1x8x64xf32, #tpu.memory_space<vmem>> -> memref<8x64xf32, #tpu.memory_space<vmem>>
    %dma_wait3A_1444 = arith.constant 0 : i32
    %dma_wait3A_1445 = arith.constant 0 : i32
    %dma_wait3A_1446 = tpu.memref_slice %arg2[%dma_wait3A_1427, %dma_wait3A_1444, %dma_wait3A_1445] : memref<125000x8x64xf32, #tpu.memory_space<hbm>> -> memref<1x8x64xf32, #tpu.memory_space<hbm>>
    %dma_wait3A_1447 = tpu.memref_squeeze %dma_wait3A_1446 : memref<1x8x64xf32, #tpu.memory_space<hbm>> -> memref<8x64xf32, #tpu.memory_space<hbm>>
    tpu.wait_dma2 semaphore(%dma_wait3A_1439 : memref<!tpu.dma_semaphore, #tpu.memory_space<semaphore_mem>>) src(%dma_wait3A_1447 : memref<8x64xf32, #tpu.memory_space<hbm>>) dst(%dma_wait3A_1443 : memref<8x64xf32, #tpu.memory_space<vmem>>)
    %and3A_1448 = arith.constant 7 : i32
    %and3A_1449 = arith.andi %squeeze3A_1426, %and3A_1448 : i32
    %get3A_1450 = arith.constant 14 : i32
    %get3A_1451 = arith.index_cast %get3A_1450 : i32 to index
    %get3A_1452 = arith.index_cast %and3A_1449 : i32 to index
    %get3A_1453 = arith.constant 0 : index
    %get3A_1454 = tpu.vector_load %arg8[%get3A_1451, %get3A_1452, %get3A_1453] {strides = array<i32>} : memref<16x8x64xf32, #tpu.memory_space<vmem>>, vector<1x1x16xf32>,
    %get3A_1455 = vector.shape_cast %get3A_1454 : vector<1x1x16xf32> to vector<16xf32>
    %swap3A_1456 = arith.constant 1 : i32
    %swap3A_1457 = arith.index_cast %swap3A_1456 : i32 to index
    %swap3A_1458 = arith.constant 896 : index
    %swap3A_1459 = tpu.vector_load %arg9[%swap3A_1457, %swap3A_1458] {strides = array<i32>} : memref<2x1024xf32, #tpu.memory_space<vmem>>, vector<1x16xf32>,
    %swap3A_1460 = vector.shape_cast %swap3A_1459 : vector<1x16xf32> to vector<16xf32>
    %swap3A_1461 = vector.shape_cast %get3A_1455 : vector<16xf32> to vector<1x16xf32>
    tpu.vector_store %arg9[%swap3A_1457, %swap3A_1458], %swap3A_1461 {strides = array<i32>} : memref<2x1024xf32, #tpu.memory_space<vmem>>, vector<1x16xf32>,
    %get3A_1462 = arith.constant 14 : i32
    %get3A_1463 = arith.index_cast %get3A_1462 : i32 to index
    %get3A_1464 = arith.index_cast %and3A_1449 : i32 to index
    %get3A_1465 = arith.constant 16 : index
    %get3A_1466 = tpu.vector_load %arg8[%get3A_1463, %get3A_1464, %get3A_1465] {strides = array<i32>} : memref<16x8x64xf32, #tpu.memory_space<vmem>>, vector<1x1x16xf32>,
    %get3A_1467 = vector.shape_cast %get3A_1466 : vector<1x1x16xf32> to vector<16xf32>
    %swap3A_1468 = arith.constant 1 : i32
    %swap3A_1469 = arith.index_cast %swap3A_1468 : i32 to index
    %swap3A_1470 = arith.constant 912 : index
    %swap3A_1471 = tpu.vector_load %arg9[%swap3A_1469, %swap3A_1470] {strides = array<i32>} : memref<2x1024xf32, #tpu.memory_space<vmem>>, vector<1x16xf32>,
    %swap3A_1472 = vector.shape_cast %swap3A_1471 : vector<1x16xf32> to vector<16xf32>
    %swap3A_1473 = vector.shape_cast %get3A_1467 : vector<16xf32> to vector<1x16xf32>
    tpu.vector_store %arg9[%swap3A_1469, %swap3A_1470], %swap3A_1473 {strides = array<i32>} : memref<2x1024xf32, #tpu.memory_space<vmem>>, vector<1x16xf32>,
    %get3A_1474 = arith.constant 14 : i32
    %get3A_1475 = arith.index_cast %get3A_1474 : i32 to index
    %get3A_1476 = arith.index_cast %and3A_1449 : i32 to index
    %get3A_1477 = arith.constant 32 : index
    %get3A_1478 = tpu.vector_load %arg8[%get3A_1475, %get3A_1476, %get3A_1477] {strides = array<i32>} : memref<16x8x64xf32, #tpu.memory_space<vmem>>, vector<1x1x16xf32>,
    %get3A_1479 = vector.shape_cast %get3A_1478 : vector<1x1x16xf32> to vector<16xf32>
    %swap3A_1480 = arith.constant 1 : i32
    %swap3A_1481 = arith.index_cast %swap3A_1480 : i32 to index
    %swap3A_1482 = arith.constant 928 : index
    %swap3A_1483 = tpu.vector_load %arg9[%swap3A_1481, %swap3A_1482] {strides = array<i32>} : memref<2x1024xf32, #tpu.memory_space<vmem>>, vector<1x16xf32>,
    %swap3A_1484 = vector.shape_cast %swap3A_1483 : vector<1x16xf32> to vector<16xf32>
    %swap3A_1485 = vector.shape_cast %get3A_1479 : vector<16xf32> to vector<1x16xf32>
    tpu.vector_store %arg9[%swap3A_1481, %swap3A_1482], %swap3A_1485 {strides = array<i32>} : memref<2x1024xf32, #tpu.memory_space<vmem>>, vector<1x16xf32>,
    %get3A_1486 = arith.constant 14 : i32
    %get3A_1487 = arith.index_cast %get3A_1486 : i32 to index
    %get3A_1488 = arith.index_cast %and3A_1449 : i32 to index
    %get3A_1489 = arith.constant 48 : index
    %get3A_1490 = tpu.vector_load %arg8[%get3A_1487, %get3A_1488, %get3A_1489] {strides = array<i32>} : memref<16x8x64xf32, #tpu.memory_space<vmem>>, vector<1x1x16xf32>,
    %get3A_1491 = vector.shape_cast %get3A_1490 : vector<1x1x16xf32> to vector<16xf32>
    %swap3A_1492 = arith.constant 1 : i32
    %swap3A_1493 = arith.index_cast %swap3A_1492 : i32 to index
    %swap3A_1494 = arith.constant 944 : index
    %swap3A_1495 = tpu.vector_load %arg9[%swap3A_1493, %swap3A_1494] {strides = array<i32>} : memref<2x1024xf32, #tpu.memory_space<vmem>>, vector<1x16xf32>,
    %swap3A_1496 = vector.shape_cast %swap3A_1495 : vector<1x16xf32> to vector<16xf32>
    %swap3A_1497 = vector.shape_cast %get3A_1491 : vector<16xf32> to vector<1x16xf32>
    tpu.vector_store %arg9[%swap3A_1493, %swap3A_1494], %swap3A_1497 {strides = array<i32>} : memref<2x1024xf32, #tpu.memory_space<vmem>>, vector<1x16xf32>,
    %slice3A_1498 = vector.extract_strided_slice %scan3A_390 {offsets = [15], sizes = [1], strides = [1]} : vector<16xi32> to vector<1xi32>
    %squeeze3A_1499 = vector.extract %slice3A_1498[0] : i32 from vector<1xi32>
    %dma_wait3A_1500 = arith.constant 0 : i32
    %dma_wait3A_1501 = arith.constant 15 : i32
    %dma_wait3A_1502 = arith.constant 15 : i32
    %dma_wait3A_1503 = arith.constant 0 : i32
    %dma_wait3A_1504 = arith.constant 0 : i32
    %dma_wait3A_1505 = tpu.memref_slice %arg8[%dma_wait3A_1501, %dma_wait3A_1503, %dma_wait3A_1504] : memref<16x8x64xf32, #tpu.memory_space<vmem>> -> memref<1x8x64xf32, #tpu.memory_space<vmem>>
    %dma_wait3A_1506 = tpu.memref_squeeze %dma_wait3A_1505 : memref<1x8x64xf32, #tpu.memory_space<vmem>> -> memref<8x64xf32, #tpu.memory_space<vmem>>
    %dma_wait3A_1507 = arith.constant 0 : i32
    %dma_wait3A_1508 = arith.constant 0 : i32
    %dma_wait3A_1509 = tpu.memref_slice %arg2[%dma_wait3A_1500, %dma_wait3A_1507, %dma_wait3A_1508] : memref<125000x8x64xf32, #tpu.memory_space<hbm>> -> memref<1x8x64xf32, #tpu.memory_space<hbm>>
    %dma_wait3A_1510 = tpu.memref_squeeze %dma_wait3A_1509 : memref<1x8x64xf32, #tpu.memory_space<hbm>> -> memref<8x64xf32, #tpu.memory_space<hbm>>
    %dma_wait3A_1511 = tpu.memref_slice %arg11[%dma_wait3A_1502] : memref<16x!tpu.dma_semaphore, #tpu.memory_space<semaphore_mem>> -> memref<1x!tpu.dma_semaphore, #tpu.memory_space<semaphore_mem>>
    %dma_wait3A_1512 = tpu.memref_squeeze %dma_wait3A_1511 : memref<1x!tpu.dma_semaphore, #tpu.memory_space<semaphore_mem>> -> memref<!tpu.dma_semaphore, #tpu.memory_space<semaphore_mem>>
    %dma_wait3A_1513 = arith.constant 0 : i32
    %dma_wait3A_1514 = arith.constant 0 : i32
    %dma_wait3A_1515 = tpu.memref_slice %arg8[%dma_wait3A_1501, %dma_wait3A_1513, %dma_wait3A_1514] : memref<16x8x64xf32, #tpu.memory_space<vmem>> -> memref<1x8x64xf32, #tpu.memory_space<vmem>>
    %dma_wait3A_1516 = tpu.memref_squeeze %dma_wait3A_1515 : memref<1x8x64xf32, #tpu.memory_space<vmem>> -> memref<8x64xf32, #tpu.memory_space<vmem>>
    %dma_wait3A_1517 = arith.constant 0 : i32
    %dma_wait3A_1518 = arith.constant 0 : i32
    %dma_wait3A_1519 = tpu.memref_slice %arg2[%dma_wait3A_1500, %dma_wait3A_1517, %dma_wait3A_1518] : memref<125000x8x64xf32, #tpu.memory_space<hbm>> -> memref<1x8x64xf32, #tpu.memory_space<hbm>>
    %dma_wait3A_1520 = tpu.memref_squeeze %dma_wait3A_1519 : memref<1x8x64xf32, #tpu.memory_space<hbm>> -> memref<8x64xf32, #tpu.memory_space<hbm>>
    tpu.wait_dma2 semaphore(%dma_wait3A_1512 : memref<!tpu.dma_semaphore, #tpu.memory_space<semaphore_mem>>) src(%dma_wait3A_1520 : memref<8x64xf32, #tpu.memory_space<hbm>>) dst(%dma_wait3A_1516 : memref<8x64xf32, #tpu.memory_space<vmem>>)
    %and3A_1521 = arith.constant 7 : i32
    %and3A_1522 = arith.andi %squeeze3A_1499, %and3A_1521 : i32
    %get3A_1523 = arith.constant 15 : i32
    %get3A_1524 = arith.index_cast %get3A_1523 : i32 to index
    %get3A_1525 = arith.index_cast %and3A_1522 : i32 to index
    %get3A_1526 = arith.constant 0 : index
    %get3A_1527 = tpu.vector_load %arg8[%get3A_1524, %get3A_1525, %get3A_1526] {strides = array<i32>} : memref<16x8x64xf32, #tpu.memory_space<vmem>>, vector<1x1x16xf32>,
    %get3A_1528 = vector.shape_cast %get3A_1527 : vector<1x1x16xf32> to vector<16xf32>
    %swap3A_1529 = arith.constant 1 : i32
    %swap3A_1530 = arith.index_cast %swap3A_1529 : i32 to index
    %swap3A_1531 = arith.constant 960 : index
    %swap3A_1532 = tpu.vector_load %arg9[%swap3A_1530, %swap3A_1531] {strides = array<i32>} : memref<2x1024xf32, #tpu.memory_space<vmem>>, vector<1x16xf32>,
    %swap3A_1533 = vector.shape_cast %swap3A_1532 : vector<1x16xf32> to vector<16xf32>
    %swap3A_1534 = vector.shape_cast %get3A_1528 : vector<16xf32> to vector<1x16xf32>
    tpu.vector_store %arg9[%swap3A_1530, %swap3A_1531], %swap3A_1534 {strides = array<i32>} : memref<2x1024xf32, #tpu.memory_space<vmem>>, vector<1x16xf32>,
    %get3A_1535 = arith.constant 15 : i32
    %get3A_1536 = arith.index_cast %get3A_1535 : i32 to index
    %get3A_1537 = arith.index_cast %and3A_1522 : i32 to index
    %get3A_1538 = arith.constant 16 : index
    %get3A_1539 = tpu.vector_load %arg8[%get3A_1536, %get3A_1537, %get3A_1538] {strides = array<i32>} : memref<16x8x64xf32, #tpu.memory_space<vmem>>, vector<1x1x16xf32>,
    %get3A_1540 = vector.shape_cast %get3A_1539 : vector<1x1x16xf32> to vector<16xf32>
    %swap3A_1541 = arith.constant 1 : i32
    %swap3A_1542 = arith.index_cast %swap3A_1541 : i32 to index
    %swap3A_1543 = arith.constant 976 : index
    %swap3A_1544 = tpu.vector_load %arg9[%swap3A_1542, %swap3A_1543] {strides = array<i32>} : memref<2x1024xf32, #tpu.memory_space<vmem>>, vector<1x16xf32>,
    %swap3A_1545 = vector.shape_cast %swap3A_1544 : vector<1x16xf32> to vector<16xf32>
    %swap3A_1546 = vector.shape_cast %get3A_1540 : vector<16xf32> to vector<1x16xf32>
    tpu.vector_store %arg9[%swap3A_1542, %swap3A_1543], %swap3A_1546 {strides = array<i32>} : memref<2x1024xf32, #tpu.memory_space<vmem>>, vector<1x16xf32>,
    %get3A_1547 = arith.constant 15 : i32
    %get3A_1548 = arith.index_cast %get3A_1547 : i32 to index
    %get3A_1549 = arith.index_cast %and3A_1522 : i32 to index
    %get3A_1550 = arith.constant 32 : index
    %get3A_1551 = tpu.vector_load %arg8[%get3A_1548, %get3A_1549, %get3A_1550] {strides = array<i32>} : memref<16x8x64xf32, #tpu.memory_space<vmem>>, vector<1x1x16xf32>,
    %get3A_1552 = vector.shape_cast %get3A_1551 : vector<1x1x16xf32> to vector<16xf32>
    %swap3A_1553 = arith.constant 1 : i32
    %swap3A_1554 = arith.index_cast %swap3A_1553 : i32 to index
    %swap3A_1555 = arith.constant 992 : index
    %swap3A_1556 = tpu.vector_load %arg9[%swap3A_1554, %swap3A_1555] {strides = array<i32>} : memref<2x1024xf32, #tpu.memory_space<vmem>>, vector<1x16xf32>,
    %swap3A_1557 = vector.shape_cast %swap3A_1556 : vector<1x16xf32> to vector<16xf32>
    %swap3A_1558 = vector.shape_cast %get3A_1552 : vector<16xf32> to vector<1x16xf32>
    tpu.vector_store %arg9[%swap3A_1554, %swap3A_1555], %swap3A_1558 {strides = array<i32>} : memref<2x1024xf32, #tpu.memory_space<vmem>>, vector<1x16xf32>,
    %get3A_1559 = arith.constant 15 : i32
    %get3A_1560 = arith.index_cast %get3A_1559 : i32 to index
    %get3A_1561 = arith.index_cast %and3A_1522 : i32 to index
    %get3A_1562 = arith.constant 48 : index
    %get3A_1563 = tpu.vector_load %arg8[%get3A_1560, %get3A_1561, %get3A_1562] {strides = array<i32>} : memref<16x8x64xf32, #tpu.memory_space<vmem>>, vector<1x1x16xf32>,
    %get3A_1564 = vector.shape_cast %get3A_1563 : vector<1x1x16xf32> to vector<16xf32>
    %swap3A_1565 = arith.constant 1 : i32
    %swap3A_1566 = arith.index_cast %swap3A_1565 : i32 to index
    %swap3A_1567 = arith.constant 1008 : index
    %swap3A_1568 = tpu.vector_load %arg9[%swap3A_1566, %swap3A_1567] {strides = array<i32>} : memref<2x1024xf32, #tpu.memory_space<vmem>>, vector<1x16xf32>,
    %swap3A_1569 = vector.shape_cast %swap3A_1568 : vector<1x16xf32> to vector<16xf32>
    %swap3A_1570 = vector.shape_cast %get3A_1564 : vector<16xf32> to vector<1x16xf32>
    tpu.vector_store %arg9[%swap3A_1566, %swap3A_1567], %swap3A_1570 {strides = array<i32>} : memref<2x1024xf32, #tpu.memory_space<vmem>>, vector<1x16xf32>,
    %add3A_1571 = arith.constant 496 : i32
    %add3A_1572 = arith.addi %mul3A_2, %add3A_1571 : i32
    %mul3A_1573 = arith.constant 64 : i32
    %mul3A_1574 = arith.muli %add3A_1572, %mul3A_1573 : i32
    %dma_start3A_1575 = arith.constant 1 : i32
    %dma_start3A_1576 = arith.constant 1 : i32
    %dma_start3A_1577 = arith.constant 0 : i32
    %dma_start3A_1578 = tpu.memref_slice %arg9[%dma_start3A_1575, %dma_start3A_1577] : memref<2x1024xf32, #tpu.memory_space<vmem>> -> memref<1x1024xf32, #tpu.memory_space<vmem>>
    %dma_start3A_1579 = tpu.memref_squeeze %dma_start3A_1578 : memref<1x1024xf32, #tpu.memory_space<vmem>> -> memref<1024xf32, #tpu.memory_space<vmem>>
    %dma_start3A_1580 = tpu.memref_slice %arg5[%mul3A_1574] : memref<1048576xf32, #tpu.memory_space<hbm>> -> memref<1024xf32, #tpu.memory_space<hbm>>
    %dma_start3A_1581 = tpu.memref_slice %arg13[%dma_start3A_1576] : memref<2x!tpu.dma_semaphore, #tpu.memory_space<semaphore_mem>> -> memref<1x!tpu.dma_semaphore, #tpu.memory_space<semaphore_mem>>
    %dma_start3A_1582 = tpu.memref_squeeze %dma_start3A_1581 : memref<1x!tpu.dma_semaphore, #tpu.memory_space<semaphore_mem>> -> memref<!tpu.dma_semaphore, #tpu.memory_space<semaphore_mem>>
    %dma_start3A_1583 = tpu.memref_slice %arg5[%mul3A_1574] : memref<1048576xf32, #tpu.memory_space<hbm>> -> memref<1024xf32, #tpu.memory_space<hbm>>
    %dma_start3A_1584 = arith.constant 0 : i32
    %dma_start3A_1585 = tpu.memref_slice %arg9[%dma_start3A_1575, %dma_start3A_1584] : memref<2x1024xf32, #tpu.memory_space<vmem>> -> memref<1x1024xf32, #tpu.memory_space<vmem>>
    %dma_start3A_1586 = tpu.memref_squeeze %dma_start3A_1585 : memref<1x1024xf32, #tpu.memory_space<vmem>> -> memref<1024xf32, #tpu.memory_space<vmem>>
    tpu.enqueue_dma source(%dma_start3A_1586 : memref<1024xf32, #tpu.memory_space<vmem>>) target(%dma_start3A_1583 : memref<1024xf32, #tpu.memory_space<hbm>>) target_semaphore(%dma_start3A_1582 : memref<!tpu.dma_semaphore, #tpu.memory_space<semaphore_mem>>)
    %dma_wait3A_1587 = arith.constant 0 : i32
    %dma_wait3A_1588 = arith.constant 0 : i32
    %dma_wait3A_1589 = arith.constant 0 : i32
    %dma_wait3A_1590 = tpu.memref_slice %arg9[%dma_wait3A_1587, %dma_wait3A_1589] : memref<2x1024xf32, #tpu.memory_space<vmem>> -> memref<1x1024xf32, #tpu.memory_space<vmem>>
    %dma_wait3A_1591 = tpu.memref_squeeze %dma_wait3A_1590 : memref<1x1024xf32, #tpu.memory_space<vmem>> -> memref<1024xf32, #tpu.memory_space<vmem>>
    %dma_wait3A_1592 = arith.constant 0 : i32
    %dma_wait3A_1593 = tpu.memref_slice %arg5[%dma_wait3A_1592] : memref<1048576xf32, #tpu.memory_space<hbm>> -> memref<1024xf32, #tpu.memory_space<hbm>>
    %dma_wait3A_1594 = tpu.memref_slice %arg13[%dma_wait3A_1588] : memref<2x!tpu.dma_semaphore, #tpu.memory_space<semaphore_mem>> -> memref<1x!tpu.dma_semaphore, #tpu.memory_space<semaphore_mem>>
    %dma_wait3A_1595 = tpu.memref_squeeze %dma_wait3A_1594 : memref<1x!tpu.dma_semaphore, #tpu.memory_space<semaphore_mem>> -> memref<!tpu.dma_semaphore, #tpu.memory_space<semaphore_mem>>
    %dma_wait3A_1596 = arith.constant 0 : i32
    %dma_wait3A_1597 = tpu.memref_slice %arg5[%dma_wait3A_1596] : memref<1048576xf32, #tpu.memory_space<hbm>> -> memref<1024xf32, #tpu.memory_space<hbm>>
    %dma_wait3A_1598 = arith.constant 0 : i32
    %dma_wait3A_1599 = tpu.memref_slice %arg9[%dma_wait3A_1587, %dma_wait3A_1598] : memref<2x1024xf32, #tpu.memory_space<vmem>> -> memref<1x1024xf32, #tpu.memory_space<vmem>>
    %dma_wait3A_1600 = tpu.memref_squeeze %dma_wait3A_1599 : memref<1x1024xf32, #tpu.memory_space<vmem>> -> memref<1024xf32, #tpu.memory_space<vmem>>
    tpu.wait_dma2 semaphore(%dma_wait3A_1595 : memref<!tpu.dma_semaphore, #tpu.memory_space<semaphore_mem>>) src(%dma_wait3A_1600 : memref<1024xf32, #tpu.memory_space<vmem>>) dst(%dma_wait3A_1597 : memref<1024xf32, #tpu.memory_space<hbm>>)
    %dma_wait3A_1601 = arith.constant 1 : i32
    %dma_wait3A_1602 = arith.constant 1 : i32
    %dma_wait3A_1603 = arith.constant 0 : i32
    %dma_wait3A_1604 = tpu.memref_slice %arg9[%dma_wait3A_1601, %dma_wait3A_1603] : memref<2x1024xf32, #tpu.memory_space<vmem>> -> memref<1x1024xf32, #tpu.memory_space<vmem>>
    %dma_wait3A_1605 = tpu.memref_squeeze %dma_wait3A_1604 : memref<1x1024xf32, #tpu.memory_space<vmem>> -> memref<1024xf32, #tpu.memory_space<vmem>>
    %dma_wait3A_1606 = arith.constant 0 : i32
    %dma_wait3A_1607 = tpu.memref_slice %arg5[%dma_wait3A_1606] : memref<1048576xf32, #tpu.memory_space<hbm>> -> memref<1024xf32, #tpu.memory_space<hbm>>
    %dma_wait3A_1608 = tpu.memref_slice %arg13[%dma_wait3A_1602] : memref<2x!tpu.dma_semaphore, #tpu.memory_space<semaphore_mem>> -> memref<1x!tpu.dma_semaphore, #tpu.memory_space<semaphore_mem>>
    %dma_wait3A_1609 = tpu.memref_squeeze %dma_wait3A_1608 : memref<1x!tpu.dma_semaphore, #tpu.memory_space<semaphore_mem>> -> memref<!tpu.dma_semaphore, #tpu.memory_space<semaphore_mem>>
    %dma_wait3A_1610 = arith.constant 0 : i32
    %dma_wait3A_1611 = tpu.memref_slice %arg5[%dma_wait3A_1610] : memref<1048576xf32, #tpu.memory_space<hbm>> -> memref<1024xf32, #tpu.memory_space<hbm>>
    %dma_wait3A_1612 = arith.constant 0 : i32
    %dma_wait3A_1613 = tpu.memref_slice %arg9[%dma_wait3A_1601, %dma_wait3A_1612] : memref<2x1024xf32, #tpu.memory_space<vmem>> -> memref<1x1024xf32, #tpu.memory_space<vmem>>
    %dma_wait3A_1614 = tpu.memref_squeeze %dma_wait3A_1613 : memref<1x1024xf32, #tpu.memory_space<vmem>> -> memref<1024xf32, #tpu.memory_space<vmem>>
    tpu.wait_dma2 semaphore(%dma_wait3A_1609 : memref<!tpu.dma_semaphore, #tpu.memory_space<semaphore_mem>>) src(%dma_wait3A_1614 : memref<1024xf32, #tpu.memory_space<vmem>>) dst(%dma_wait3A_1611 : memref<1024xf32, #tpu.memory_space<hbm>>)
    %dma_wait3A_1615 = arith.constant 0 : i32
    %dma_wait3A_1616 = tpu.memref_slice %arg3[%dma_wait3A_1615] : memref<1000000xi32, #tpu.memory_space<hbm>> -> memref<1000000xi32, #tpu.memory_space<hbm>>
    tpu.wait_indirect_dma semaphore(%arg12 : memref<!tpu.dma_semaphore, #tpu.memory_space<semaphore_mem>>) src(%dma_wait3A_1616 : memref<1000000xi32, #tpu.memory_space<hbm>>) dst(%arg10 : memref<512xi32, #tpu.memory_space<vmem>>)
    "tpu.region"() ({
      %run_scoped3A = tpu.sem_alloc : memref<!tpu.dma_semaphore, #tpu.memory_space<semaphore_mem>>
      %dma_start3A_1617 = tpu.memref_slice %arg6[%mul3A_2] : memref<16384xi32, #tpu.memory_space<hbm>> -> memref<512xi32, #tpu.memory_space<hbm>>
      %dma_start3A_1618 = tpu.memref_slice %arg6[%mul3A_2] : memref<16384xi32, #tpu.memory_space<hbm>> -> memref<512xi32, #tpu.memory_space<hbm>>
      tpu.enqueue_dma source(%arg10 : memref<512xi32, #tpu.memory_space<vmem>>) target(%dma_start3A_1618 : memref<512xi32, #tpu.memory_space<hbm>>) target_semaphore(%run_scoped3A : memref<!tpu.dma_semaphore, #tpu.memory_space<semaphore_mem>>)
      %dma_wait3A_1619 = tpu.memref_slice %arg6[%mul3A_2] : memref<16384xi32, #tpu.memory_space<hbm>> -> memref<512xi32, #tpu.memory_space<hbm>>
      %dma_wait3A_1620 = tpu.memref_slice %arg6[%mul3A_2] : memref<16384xi32, #tpu.memory_space<hbm>> -> memref<512xi32, #tpu.memory_space<hbm>>
      tpu.wait_dma2 semaphore(%run_scoped3A : memref<!tpu.dma_semaphore, #tpu.memory_space<semaphore_mem>>) src(%arg10 : memref<512xi32, #tpu.memory_space<vmem>>) dst(%dma_wait3A_1620 : memref<512xi32, #tpu.memory_space<hbm>>)
      tpu.yield
    }) : () -> ()
    return
  }
}

</mosaic_0001>

<sc_bundles>
// kernel: kernel.3.cloned.1.call-start
scs
__scs_entry_jumppad:
0x0: {  	(pc) =	sbr.rel $0x88, $3  }
0x1: {  	(tag) =	ssettag $0x0;
	lr =	simm.s32 $0x1  }
0x2: {  	[smem:$0x3F9E] =	sst lr;
	_ =	strace $0xD0000000  }
0x3: {  	_ = 	snop  }
0x4: {  	_ = 	snop  }
0x5: {  	_ = 	snop  }
0x6: {  	_ = 	snop  }
0x7: {  	_ = 	snop  }
__scs_overlays_trampoline_lowered:
0x8: {  	[smem:$0x3FAD] =	sst s0  }
0x9: {  	[smem:$0x3FAE] =	sst s1  }
0xa: {  	[smem:$0x3FAF] =	sst s2  }
0xb: {  	[smem:$0x3FB0] =	sst s3  }
0xc: {  	[smem:$0x3FB1] =	sst s4  }
0xd: {  	[smem:$0x3FB2] =	sst s5  }
0xe: {  	[smem:$0x3FB3] =	sst s6  }
0xf: {  	[smem:$0x3FB4] =	sst s7  }
0x10: {  	[smem:$0x3FB5] =	sst s8  }
0x11: {  	[smem:$0x3FB6] =	sst s9;
	s0 =	simm.s32 @!p0 $0x0  }
0x12: {  	s1 =	sld [smem:$0x3F9C];
	s0 =	simm.s32 @p0 $0x1  }
0x13: {  	[smem:$0x3FB7] =	sst s0;
	s0 =	simm.s32 @!p1 $0x0  }
0x14: {  	s2 =	sld [smem:$0x3F9B];
	s0 =	simm.s32 @p1 $0x1  }
0x15: {  	[smem:$0x3FB8] =	sst s0;
	s0 =	simm.s32 @!p2 $0x0  }
0x16: {  	s3 =	sld [smem:$0x3FDB];
	s0 =	simm.s32 @p2 $0x1  }
0x17: {  	s4 =	simm.s32 $0x1BF5;
	[smem:$0x3FBA] =	sst s0  }
0x18: {  	s0 =	sld [smem:$0x3F9D];
	_ =	swait.ge [sflag:s4], $0x0  }
0x19: {  	s7 =	sld [smem:$0x3F9E]  }
0x1a: {  	s8 =	sadd.s32 $0xFFFFE003, lr  }
0x1b: {  	s9 =	sadd.s32 $0xFFFFFEF7, lr;
	s5 =	simm.s32 $0xFFFFFFFF;
	p2 =	slt.u32 s8, $0xFFFFF086  }
0x1c: {  	p1 =	slt.u32 s9, $0xF7A;
	s5 =	simm.s32 @!p2 $0x0  }
0x1d: {  	s5 =	simm.s32 @p1 $0x1;
	p0 =	seq.s32 s7, s2  }
0x1e: {  	s7 =	smul.u32 @!p0 $0xF7A, s2;
	p2 =	seq.s32 @!p0 s5, $0x0  }
0x1f: {  	s9 =	smul.u32 $0xF7A, s1;
	s8 =	simm.s32 @!p0 $0x1BF5;
	p2 =	por !p2, p0  }
0x20: {  	[sflag:s8] =	ssyncset.s32 @!p0 $0xFFFFF086;
	s6 =	sadd.s32 @!p0 s3, s7;
	s7 =	simm.s32 @!p0 $0x108  }
0x21: {  	s3 =	sadd.s32 s3, s9;
	s6 =	sadd.s32 @!p0 $0x88, s6;
	s7 =	simm.s32 @p2 $0x1082  }
0x22: {  	[simem:s7], [sflag:s8] =	dma.local @!p0 [hbm:s6], $0xF7A  }
0x23: {  	s9 =	sor.u32 $0xD0000000, s2;
	s6 =	simm.s32 $0x108;
	_ =	swait.ge @!p0 [sflag:s8], $0x0  }
0x24: {  	s3 =	sadd.s32 $0x88, s3;
	s6 =	simm.s32 @!p1 $0x1082;
	[sflag:s4] =	ssyncset.s32 $0xFFFFF086  }
0x25: {  	[simem:s6], [sflag:s4] =	dma.local [hbm:s3], $0xF7A  }
0x26: {  	[smem:$0x3F9E] =	sst s1;
	(tag) =	ssettag s2;
	_ =	strace s9  }
0x27: {  	s1 =	sld [smem:$0x3FAE]  }
0x28: {  	s2 =	sld [smem:$0x3FAF]  }
0x29: {  	s4 =	sld [smem:$0x3FB1]  }
0x2a: {  	p0 =	seq.s32 s5, $0x0;
	s5 =	sld [smem:$0x3FB2]  }
0x2b: {  	s6 =	sld [smem:$0x3FB3]  }
0x2c: {  	s7 =	sld [smem:$0x3FB4]  }
0x2d: {  	s3 =	simm.s32 $0x108;
	s8 =	sld [smem:$0x3FB5]  }
0x2e: {  	s3 =	simm.s32 @!p0 $0x1082;
	s9 =	sld [smem:$0x3FB6]  }
0x2f: {  	lr =	sadd.s32 s0, s3;
	s0 =	sld [smem:$0x3FAD]  }
0x30: {  	s3 =	sld [smem:$0x3FB0]  }
0x31: {  	[smem:$0x3FB9] =	sst s10  }
0x32: {  	s10 =	sld [smem:$0x3FB7];
	_ =	sdelay $0x3  }
0x33: {  	p0 =	seq.s32 s10, $0x1;
	s10 =	sld [smem:$0x3FB9];
	_ =	sdelay $0x3  }
0x34: {  	[smem:$0x3FB9] =	sst s10  }
0x35: {  	s10 =	sld [smem:$0x3FB8];
	_ =	sdelay $0x3  }
0x36: {  	p1 =	seq.s32 s10, $0x1;
	s10 =	sld [smem:$0x3FB9];
	_ =	sdelay $0x3  }
0x37: {  	[smem:$0x3FB9] =	sst s10  }
0x38: {  	s10 =	sld [smem:$0x3FBA]  }
0x39: {  	_ = 	snop;
	(pc) =	sbr.ind lr, $3  }
0x3a: {  	_ = 	snop  }
0x3b: {  	_ = 	snop  }
0x3c: {  	p2 =	seq.s32 s10, $0x1;
	s10 =	sld [smem:$0x3FB9]  }
0x3d: {  	_ =	shalt  }
0x3e: {  	_ =	shalt  }
0x3f: {  	_ =	shalt  }
0x40: {  	_ =	shalt  }
0x41: {  	_ =	shalt  }
0x42: {  	_ =	shalt  }
0x43: {  	_ =	shalt  }
0x44: {  	_ =	shalt  }
0x45: {  	_ =	shalt  }
0x46: {  	_ =	shalt  }
0x47: {  	_ =	shalt  }
0x48: {  	_ =	shalt  }
0x49: {  	_ =	shalt  }
0x4a: {  	_ =	shalt  }
0x4b: {  	_ =	shalt  }
0x4c: {  	_ =	shalt  }
0x4d: {  	_ =	shalt  }
0x4e: {  	_ =	shalt  }
0x4f: {  	_ =	shalt  }
0x50: {  	_ =	shalt  }
0x51: {  	_ =	shalt  }
0x52: {  	_ =	shalt  }
0x53: {  	_ =	shalt  }
0x54: {  	_ =	shalt  }
0x55: {  	_ =	shalt  }
0x56: {  	_ =	shalt  }
0x57: {  	_ =	shalt  }
0x58: {  	_ =	shalt  }
0x59: {  	_ =	shalt  }
0x5a: {  	_ =	shalt  }
0x5b: {  	_ =	shalt  }
0x5c: {  	_ =	shalt  }
0x5d: {  	_ =	shalt  }
0x5e: {  	_ =	shalt  }
0x5f: {  	_ =	shalt  }
0x60: {  	_ =	shalt  }
0x61: {  	_ =	shalt  }
0x62: {  	_ =	shalt  }
0x63: {  	_ =	shalt  }
0x64: {  	_ =	shalt  }
0x65: {  	_ =	shalt  }
0x66: {  	_ =	shalt  }
0x67: {  	_ =	shalt  }
0x68: {  	_ =	shalt  }
0x69: {  	_ =	shalt  }
0x6a: {  	_ =	shalt  }
0x6b: {  	_ =	shalt  }
0x6c: {  	_ =	shalt  }
0x6d: {  	_ =	shalt  }
0x6e: {  	_ =	shalt  }
0x6f: {  	_ =	shalt  }
0x70: {  	_ =	shalt  }
0x71: {  	_ =	shalt  }
0x72: {  	_ =	shalt  }
0x73: {  	_ =	shalt  }
0x74: {  	_ =	shalt  }
0x75: {  	_ =	shalt  }
0x76: {  	_ =	shalt  }
0x77: {  	_ =	shalt  }
0x78: {  	_ =	shalt  }
0x79: {  	_ =	shalt  }
0x7a: {  	_ =	shalt  }
0x7b: {  	_ =	shalt  }
0x7c: {  	_ =	shalt  }
0x7d: {  	_ =	shalt  }
0x7e: {  	_ =	shalt  }
0x7f: {  	_ =	shalt  }
0x80: {  	_ =	shalt  }
0x81: {  	_ =	shalt  }
0x82: {  	_ =	shalt  }
0x83: {  	_ =	shalt  }
0x84: {  	_ =	shalt  }
0x85: {  	_ =	shalt  }
0x86: {  	_ =	shalt  }
0x87: {  	_ =	shalt  }
.Lfunc_end0:
.L_simem_size_0:
called_computation_lowered:
.L_overlay_start_0:
0x88: {  	s2 =	sld [smem:$0x3FD9]  }
0x89: {  	s3 =	sld [smem:$0x3FFE];
	_ =	sdelay $0x1  }
0x8a: {  	s1 =	srdreg.scid  }
0x8b: {  	s0 =	sand.u32 $0x1, s1  }
0x8c: {  	s14 =	sshll.u32 s0, $0xA;
	s2 =	sadd.s32 s3, s2  }
0x8d: {  	s2 =	sadd.s32 s2, s14  }
0x8e: {  	[smem:$0x3FC5] =	sst s2  }
0x8f: {  	_ = 	snop  }
0x90: {  	s2 =	sld [smem:$0x3FD0];
	_ =	sdelay $0x1  }
0x91: {  	s15 =	sld [smem:$0x3FC8]  }
0x92: {  	s5 =	simm.s32 $0xA;
	s6 =	simm.s32 $0x10;
	s4 =	sld [smem:$0x3FC7]  }
0x93: {  	[smem:s6], [sflag:s5] =	dma.local [hbm:s2], $0x1  }
0x94: {  	_ =	swait.eq [sflag:s5], $0x1  }
0x95: {  	[sflag:s5] =	ssyncset.done $0x0  }
0x96: {  	s16 =	sld [smem:$0x10];
	[sflag:s5] =	ssyncadd.s32 $0xFFFFFFFF  }
0x97: {  	s17 =	sld [smem:$0x11];
	(tm) =	ssettm $0x1  }
0x98: {  	s18 =	sld [smem:$0x3FFB];
	_ =	sdelay $0x3  }
0x99: {  	_ =	strace s18  }
0x9a: {  	s6 =	sld [smem:$0x3FFC];
	_ =	sdelay $0x3  }
0x9b: {  	_ =	strace s6  }
0x9c: {  	s6 =	sld [smem:$0x3FFD];
	_ =	sdelay $0x3  }
0x9d: {  	_ =	strace s6  }
0x9e: {  	_ =	strace $0x8FFFFFFF  }
0x9f: {  	s19 =	sld [smem:$0x3FDB];
	_ =	sdelay $0x1  }
0xa0: {  	s7 =	simm.s32 $_scs_section_size  }
0xa1: {  	s8 =	simm.s32 $_size__tile_overlayer_lowered;
	s9 =	simm.s32 $_tile_overlayer_lowered  }
0xa2: {  	s22 =	simm.s32 $0x1BFF;
	s21 =	sshll.u32 s9, $0x1;
	s6 =	sadd.s32 s7, s19  }
0xa3: {  	s10 =	simm.s32 $0x0;
	s20 =	sshll.u32 s8, $0x1;
	s8 =	sadd.s32 s21, s6  }
0xa4: {  	[timem:s10], [sflag:s22] =	dma.local [hbm:s8], s20  }
0xa5: {  	_ =	swait.ge [sflag:s22], s20  }
0xa6: {  	s7 =	ssub.s32 $0x0, s20;
	[sflag:s22] =	ssyncset.done $0x0  }
0xa7: {  	[sflag:s22] =	ssyncadd.s32 s7;
	_ =	sdelay $0x1  }
0xa8: {  	s23 =	simm.s32 $0x1B8B  }
0xa9: {  	_ =	swait.ge [sflag:s23], $0x1  }
0xaa: {  	[sflag:s23] =	ssyncset.done $0x0  }
0xab: {  	s25 =	simm.s32 $0x1B8E;
	s24 =	sld [smem:$0x3FFE];
	[sflag:s23] =	ssyncadd.s32 $0xFFFFFFFF  }
0xac: {  	s26 =	simm.s32 $execute0_lowered;
	[smem:$0x3FD2] =	sst s25  }
0xad: {  	s8 =	sshll.u32 s26, $0x1;
	_ =	strace $0x80000046;
	[dreg:$0x1] =	wrdreg $0xFFFFFFFF  }
0xae: {  	s28 =	simm.s32 $_size_execute0_lowered;
	s6 =	sadd.s32 s6, s8;
	[dreg:$0x0] =	wrdreg $0x0  }
0xaf: {  	s8 =	sshll.u32 s28, $0x1;
	[dreg:$0x2] =	wrdreg s6  }
0xb0: {  	[dreg:$0x3] =	wrdreg s8  }
0xb1: {  	[dreg:$0x4] =	wrdreg $0xC0  }
0xb2: {  	_ =	task [dreg:s10], $0x5FFFF  }
0xb3: {  	[dreg:$0x1] =	wrdreg $0xFFFFFFFF  }
0xb4: {  	[dreg:$0x0] =	wrdreg $0x60  }
0xb5: {  	[dreg:$0x2] =	wrdreg s24  }
0xb6: {  	[dreg:$0x3] =	wrdreg s15  }
0xb7: {  	[dreg:$0x4] =	wrdreg s4  }
0xb8: {  	[dreg:$0x5] =	wrdreg s16  }
0xb9: {  	[dreg:$0x6] =	wrdreg s17  }
0xba: {  	[dreg:$0x7] =	wrdreg $0x9  }
0xbb: {  	_ =	task.clear_ibuf [dreg:s10], $0x8FFFF;
	_ =	strace $0x90000046  }
0xbc: {  	s29 =	simm.s32 $0x9;
	_ =	strace $0x80000048  }
0xbd: {  	_ =	swait.ge [sflag:s29], $0x1  }
0xbe: {  	[sflag:s29] =	ssyncadd.s32 $0xFFFFFFFF  }
0xbf: {  	_ =	strace $0x90000048  }
0xc0: {  	_ =	sfence  }
0xc1: {  	s30 =	sld [smem:$0x0];
	_ =	sdelay $0x2  }
0xc2: {  	s31 =	sshll.u32 s1, $0xD;
	s1 =	sshrl.u32 s1, $0x2  }
0xc3: {  	s3 =	sand.u32 $0x4000, s31;
	s1 =	sadd.s32 s1, s30  }
0xc4: {  	s0 =	sor.u32 s3, s0;
	s1 =	sshll.u32 s1, $0x11  }
0xc5: {  	s0 =	sor.u32 s1, s0  }
0xc6: {  	s0 =	sadd.s32 $0x8F2B, s0  }
0xc7: {  	[sflag:s0] =	ssyncadd.remote.s32 $0x1  }
0xc8: {  	_ =	sfence.sel $0xFFFF  }
0xc9: {  	[dreg:$0x0] =	wrdreg $0xFFFFFFFF;
	(pc) =	sbr.abs _section_cstart, $3  }
0xca: {  	[dreg:$0x1] =	wrdreg $0xFFFFFFFF  }
0xcb: {  	_ =	task.clear_ibuf [dreg:s10], $0x2FFFF;
	_ =	strace $0x9FFFFFFF  }
0xcc: {  	(tm) =	ssettm $0x7FFFFFFF  }
0xcd: {  	_ =	shalt  }
tec
execute0_lowered:
.L_overlay_start_1:
0x0: {  	(tag) =	ssettag $0x1  }
0x1: {  	s0 =	rddreg [dreg:$0x0]  }
0x2: {  	s1 =	rddreg [dreg:$0x2]  }
0x3: {  	s2 =	rddreg [dreg:$0x3]  }
0x4: {  	s5 =	rddreg [dreg:$0x4]  }
0x5: {  	s3 =	simm.s32 $0x0;
	s4 =	srdreg.scid;
	s10 =	stileid.u32  }
0x6: {  	s11 =	simm.s32 $0xE00;
	s12 =	simm.s32 $0x1200;
	s16 =	simm.s32 $0x1600  }
0x7: {  	s17 =	simm.s32 $0x1A00;
	s18 =	simm.s32 $0x1E00;
	s19 =	simm.s32 $0x2200  }
0x8: {  	s20 =	simm.s32 $0x2600;
	s21 =	simm.s32 $0x2A00;
	s22 =	simm.s32 $0x2E00  }
0x9: {  	s13 =	simm.s32 $0x4;
	s14 =	simm.s32 $0x5;
	s15 =	simm.s32 $0x6  }
0xa: {  	[smem:$0x7FF] =	sst s3;
	s6 =	sand.u32 $0x1, s4;
	s23 =	sshll.u32 s10, $0xA  }
0xb: {  	s4 =	sadd.s32 $0x800, s0;
	s26 =	sshll.u32 s10, $0x10;
	s10 =	simm.s32 $0x2  }
0xc: {  	s7 =	ssub.s32 $0x2, s6;
	s8 =	sshll.u32 s6, $0x9;
	_ =	strace $0x80000047  }
0xd: {  	s6 =	sshll.u32 s6, $0xF;
	s9 =	sshrl.u32 s7, $0x1;
	s8 =	sor.u32 s8, s23  }
0xe: {  	s6 =	sor.u32 s6, s26;
	s23 =	simm.s32 $0x3200;
	s26 =	simm.s32 $0x3E00  }
0xf: {  	s24 =	ssub.s32 s7, s9;
	s25 =	sshrl.u32 s8, $0x3;
	s8 =	sshll.u32 s8, $0x3  }
0x10: {  	s30 =	sshrl.u32 s6, $0x3;
	s7 =	simm.s32 $0xA00;
	s6 =	simm.s32 $0x0  }
0x11: {  	s9 =	simm.s32 $0x1;
	s1 =	sadd.s32 s1, s25;
	s28 =	sadd.s32 s8, s2  }
0x12: {  	s29 =	sadd.s32 s5, s25;
	s0 =	smax.u32 s24, $0x1;
	[dreg:$0x6] =	wrdreg s1  }
0x13: {  	s31 =	sadd.s32 s30, s2;
	s8 =	simm.s32 $0x200;
	[dreg:$0x8] =	wrdreg s29  }
0x14: {  	s2 =	simm.s32 $0x4A00;
	s5 =	simm.s32 $0x600;
	[dreg:$0x9] =	wrdreg s0  }
0x15: {  	s24 =	simm.s32 $0x3600;
	s1 =	sadd.s32 $0xF80, s28;
	[dreg:$0xa] =	wrdreg s31  }
0x16: {  	s25 =	simm.s32 $0x3A00;
	[dreg:$0x7] =	wrdreg s1;
	s1 =	simm.s32 $0x14  }
.LBB2_1:
0x17: {  	[dreg:$0xb] =	wrdreg s6  }
0x18: {  	s0 =	rddreg [dreg:$0x6]  }
0x19: {  	[tilespmem:s3], [sflag:$0x14] =	stream.linear.gather [hbm4b:s0+s3], $0x200, $0x38;
	[tilespmem:$0x4C00] =	vst v63  }
0x1a: {  	_ =	swait.ge [sflag:s1], $0x200  }
0x1b: {  	[sflag:s1] =	ssyncset.done $0x0  }
0x1c: {  	[sflag:s1] =	ssyncadd.s32 $0xFFFFFE00  }
0x1d: {  	s29 =	rddreg [dreg:$0x1]  }
0x1e: {  	[tilespmem:s2], [sflag:$0x11] =	stream.indirect.gather [hbm4b:s29+s8], $0x1, s3, s8, $0xb8;
	[tilespmem:$0x4C00] =	vst v63  }
0x1f: {  	v1 =	vld [tilespmem:$0x0];
	_ =	sdelay $0x4  }
0x20: {  	v0 =	vshll.u32 v1, $0x4  }
0x21: {  	(v2sf) =	vpush v0, $0x0  }
0x22: {  	(v2sf) =	vpush v0, $0x1;
	_ =	sdelay $0x5  }
0x23: {  	(v2sf) =	vpush v0, $0x2;
	_ =	sdelay $0x1  }
0x24: {  	(v2sf) =	vpush v0, $0x3;
	_ =	sdelay $0x5  }
0x25: {  	s30 =	spop (v2sf);
	(v2sf) =	vpush v0, $0x4  }
0x26: {  	s31 =	spop (v2sf);
	(v2sf) =	vpush v0, $0x5;
	_ =	sdelay $0x4  }
0x27: {  	s0 =	sand.u32 $0x1FFFFF80, s30  }
0x28: {  	s0 =	sadd.s32 s4, s0;
	s1 =	spop (v2sf);
	(v2sf) =	vpush v0, $0x6  }
0x29: {  	[tilespmem:s8], [sflag:$0x1] =	stream.linear.gather [hbm4b:s0+s3], $0x400, $0x38;
	[tilespmem:$0x4C00] =	vst v63  }
0x2a: {  	s0 =	sand.u32 $0x1FFFFF80, s31;
	s2 =	spop (v2sf);
	(v2sf) =	vpush v0, $0x7  }
0x2b: {  	s0 =	sadd.s32 s4, s0  }
0x2c: {  	[tilespmem:s5], [sflag:$0x2] =	stream.linear.gather [hbm4b:s0+s3], $0x400, $0x38;
	[tilespmem:$0x4C00] =	vst v63  }
0x2d: {  	s0 =	sand.u32 $0x1FFFFF80, s1  }
0x2e: {  	s0 =	sadd.s32 s4, s0  }
0x2f: {  	[tilespmem:s7], [sflag:$0x3] =	stream.linear.gather [hbm4b:s0+s3], $0x400, $0x38;
	[tilespmem:$0x4C00] =	vst v63  }
0x30: {  	s0 =	sand.u32 $0x1FFFFF80, s2;
	s5 =	spop (v2sf);
	(v2sf) =	vpush v0, $0x8  }
0x31: {  	s0 =	sadd.s32 s4, s0;
	s6 =	spop (v2sf);
	(v2sf) =	vpush v0, $0x9  }
0x32: {  	[tilespmem:s11], [sflag:$0x4] =	stream.linear.gather [hbm4b:s0+s3], $0x400, $0x38;
	[tilespmem:$0x4C00] =	vst v63  }
0x33: {  	s0 =	sand.u32 $0x1FFFFF80, s5;
	(v2sf) =	vpush v0, $0xA  }
0x34: {  	s0 =	sadd.s32 s4, s0  }
0x35: {  	[tilespmem:s12], [sflag:$0x5] =	stream.linear.gather [hbm4b:s0+s3], $0x400, $0x38;
	[tilespmem:$0x4C00] =	vst v63  }
0x36: {  	s0 =	sand.u32 $0x1FFFFF80, s6  }
0x37: {  	s7 =	spop (v2sf);
	s0 =	sadd.s32 s4, s0  }
0x38: {  	(v2sf) =	vpush v0, $0xB;
	[tilespmem:s16], [sflag:$0x6] =	stream.linear.gather [hbm4b:s0+s3], $0x400, $0x38;
	[tilespmem:$0x4C00] =	vst v63  }
0x39: {  	s11 =	spop (v2sf);
	(v2sf) =	vpush v0, $0xC;
	s0 =	sand.u32 $0x1FFFFF80, s7  }
0x3a: {  	s0 =	sadd.s32 s4, s0  }
0x3b: {  	[tilespmem:s17], [sflag:$0x7] =	stream.linear.gather [hbm4b:s0+s3], $0x400, $0x38;
	[tilespmem:$0x4C00] =	vst v63  }
0x3c: {  	s0 =	sand.u32 $0x1FFFFF80, s11  }
0x3d: {  	s0 =	sadd.s32 s4, s0  }
0x3e: {  	[tilespmem:s18], [sflag:$0x8] =	stream.linear.gather [hbm4b:s0+s3], $0x400, $0x38;
	[tilespmem:$0x4C00] =	vst v63  }
0x3f: {  	s12 =	spop (v2sf);
	(v2sf) =	vpush v0, $0xD  }
0x40: {  	s16 =	spop (v2sf);
	(v2sf) =	vpush v0, $0xE  }
0x41: {  	s0 =	sand.u32 $0x1FFFFF80, s12  }
0x42: {  	s0 =	sadd.s32 s4, s0;
	s17 =	spop (v2sf)  }
0x43: {  	(v2sf) =	vpush v0, $0xF;
	[tilespmem:s19], [sflag:$0x9] =	stream.linear.gather [hbm4b:s0+s3], $0x400, $0x38;
	[tilespmem:$0x4C00] =	vst v63  }
0x44: {  	s0 =	sand.u32 $0x1FFFFF80, s16  }
0x45: {  	s0 =	sadd.s32 s4, s0  }
0x46: {  	[tilespmem:s20], [sflag:$0xA] =	stream.linear.gather [hbm4b:s0+s3], $0x400, $0x38;
	[tilespmem:$0x4C00] =	vst v63  }
0x47: {  	s18 =	spop (v2sf);
	s0 =	sand.u32 $0x1FFFFF80, s17  }
0x48: {  	s19 =	sand.u32 $0x1FFFFF80, s18;
	s20 =	spop (v2sf);
	s0 =	sadd.s32 s4, s0  }
0x49: {  	[tilespmem:s21], [sflag:$0xB] =	stream.linear.gather [hbm4b:s0+s3], $0x400, $0x38;
	[tilespmem:$0x4C00] =	vst v63  }
0x4a: {  	s0 =	sadd.s32 s4, s19;
	s21 =	sand.u32 $0x1FFFFF80, s20  }
0x4b: {  	[tilespmem:s22], [sflag:$0xC] =	stream.linear.gather [hbm4b:s0+s3], $0x400, $0x38;
	[tilespmem:$0x4C00] =	vst v63  }
0x4c: {  	s0 =	sadd.s32 s4, s21  }
0x4d: {  	[tilespmem:s23], [sflag:$0xD] =	stream.linear.gather [hbm4b:s0+s3], $0x400, $0x38;
	[tilespmem:$0x4C00] =	vst v63  }
0x4e: {  	s22 =	spop (v2sf)  }
0x4f: {  	s28 =	sand.u32 $0x1FFFFF80, s22;
	s29 =	spop (v2sf)  }
0x50: {  	s0 =	sadd.s32 s4, s28;
	s30 =	sand.u32 $0x1FFFFF80, s29  }
0x51: {  	[tilespmem:s24], [sflag:$0xE] =	stream.linear.gather [hbm4b:s0+s3], $0x400, $0x38;
	[tilespmem:$0x4C00] =	vst v63  }
0x52: {  	s31 =	spop (v2sf);
	s0 =	sadd.s32 s4, s30  }
0x53: {  	[tilespmem:s25], [sflag:$0xF] =	stream.linear.gather [hbm4b:s0+s3], $0x400, $0x38;
	[tilespmem:$0x4C00] =	vst v63  }
0x54: {  	s6 =	simm.s32 $0x3;
	s16 =	simm.s32 $0x10;
	s0 =	sand.u32 $0x1FFFFF80, s31  }
0x55: {  	s18 =	simm.s32 $0x1;
	s17 =	rddreg [dreg:$0xa];
	s0 =	sadd.s32 s4, s0  }
0x56: {  	[tilespmem:s26], [sflag:$0x10] =	stream.linear.gather [hbm4b:s0+s3], $0x400, $0x38;
	[tilespmem:$0x4C00] =	vst v63  }
.LBB2_2:
0x57: {  	s0 =	sadd.s32 $0xFFFFFFFF, s18  }
0x58: {  	p0 =	slt.u32 s18, $0x3;
	s22 =	sand.u32 $0x1, s0  }
0x59: {  	s0 =	sor.u32 @!p0 $0x12, s22  }
0x5a: {  	v0 =	vld [tilespmem:s16+$0x0];
	_ =	swait.ge @!p0 [sflag:s0], $0x400  }
0x5b: {  	[sflag:s0] =	ssyncset.done @!p0 $0x0  }
0x5c: {  	[sflag:s0] =	ssyncadd.s32 @!p0 $0xFFFFFC00  }
0x5d: {  	v1 =	vshll.u32 v1, $0x7;
	_ =	swait.ge [sflag:s9], $0x400  }
0x5e: {  	(v2sf) =	vpush v1, $0x0;
	_ =	sdelay $0xe  }
0x5f: {  	[sflag:s9] =	ssyncset.done $0x0;
	s1 =	spop (v2sf)  }
0x60: {  	[sflag:s9] =	ssyncadd.s32 $0xFFFFFC00;
	s0 =	sand.u32 $0x380, s1  }
0x61: {  	v2 =	vld [tilespmem:s0+$0x200];
	_ =	sdelay $0x3  }
0x62: {  	s21 =	sshll.u32 s22, $0x7  }
0x63: {  	(v2sf) =	vpush v0, $0x0;
	[tilespmem:s21+$0x4200] =	vst v2  }
0x64: {  	v2 =	vld [tilespmem:s0+$0x210];
	_ =	sdelay $0x4  }
0x65: {  	[tilespmem:s21+$0x4210] =	vst v2  }
0x66: {  	v2 =	vld [tilespmem:s0+$0x220];
	_ =	sdelay $0x4  }
0x67: {  	[tilespmem:s21+$0x4220] =	vst v2  }
0x68: {  	v2 =	vld [tilespmem:s0+$0x230];
	_ =	sdelay $0x1  }
0x69: {  	s19 =	spop (v2sf)  }
0x6a: {  	s2 =	sshll.u32 s19, $0x4  }
0x6b: {  	s0 =	sand.u32 $0x1FFFFF80, s2  }
0x6c: {  	s0 =	sadd.s32 s4, s0;
	[tilespmem:s21+$0x4230] =	vst v2  }
0x6d: {  	[tilespmem:s8], [sflag:$0x1] =	stream.linear.gather [hbm4b:s0+s3], $0x400, $0x38;
	[tilespmem:$0x4C00] =	vst v63  }
0x6e: {  	_ =	swait.ge [sflag:s10], $0x400  }
0x6f: {  	(v2sf) =	vpush v1, $0x1;
	_ =	sdelay $0xe  }
0x70: {  	[sflag:s10] =	ssyncset.done $0x0;
	s5 =	spop (v2sf)  }
0x71: {  	[sflag:s10] =	ssyncadd.s32 $0xFFFFFC00;
	s0 =	sand.u32 $0x380, s5  }
0x72: {  	v2 =	vld [tilespmem:s0+$0x600];
	_ =	sdelay $0x4  }
0x73: {  	(v2sf) =	vpush v0, $0x1;
	[tilespmem:s21+$0x4240] =	vst v2  }
0x74: {  	v2 =	vld [tilespmem:s0+$0x610];
	_ =	sdelay $0x4  }
0x75: {  	[tilespmem:s21+$0x4250] =	vst v2  }
0x76: {  	v2 =	vld [tilespmem:s0+$0x620];
	_ =	sdelay $0x4  }
0x77: {  	[tilespmem:s21+$0x4260] =	vst v2  }
0x78: {  	v2 =	vld [tilespmem:s0+$0x630];
	_ =	sdelay $0x1  }
0x79: {  	s20 =	spop (v2sf)  }
0x7a: {  	s7 =	sshll.u32 s20, $0x4  }
0x7b: {  	s0 =	sand.u32 $0x1FFFFF80, s7  }
0x7c: {  	s1 =	simm.s32 $0x600;
	s0 =	sadd.s32 s4, s0;
	[tilespmem:s21+$0x4270] =	vst v2  }
0x7d: {  	[tilespmem:s1], [sflag:$0x2] =	stream.linear.gather [hbm4b:s0+s3], $0x400, $0x38;
	[tilespmem:$0x4C00] =	vst v63  }
0x7e: {  	_ =	swait.ge [sflag:s6], $0x400  }
0x7f: {  	(v2sf) =	vpush v1, $0x2;
	_ =	sdelay $0xe  }
0x80: {  	[sflag:s6] =	ssyncset.done $0x0;
	s8 =	spop (v2sf)  }
0x81: {  	[sflag:s6] =	ssyncadd.s32 $0xFFFFFC00;
	s0 =	sand.u32 $0x380, s8  }
0x82: {  	v2 =	vld [tilespmem:s0+$0xA00];
	_ =	sdelay $0x4  }
0x83: {  	(v2sf) =	vpush v0, $0x2;
	[tilespmem:s21+$0x4300] =	vst v2  }
0x84: {  	v2 =	vld [tilespmem:s0+$0xA10];
	_ =	sdelay $0x4  }
0x85: {  	[tilespmem:s21+$0x4310] =	vst v2  }
0x86: {  	v2 =	vld [tilespmem:s0+$0xA20];
	_ =	sdelay $0x4  }
0x87: {  	[tilespmem:s21+$0x4320] =	vst v2  }
0x88: {  	v2 =	vld [tilespmem:s0+$0xA30];
	_ =	sdelay $0x1  }
0x89: {  	s23 =	spop (v2sf)  }
0x8a: {  	s11 =	sshll.u32 s23, $0x4  }
0x8b: {  	s0 =	sand.u32 $0x1FFFFF80, s11  }
0x8c: {  	s12 =	simm.s32 $0xA00;
	s0 =	sadd.s32 s4, s0;
	[tilespmem:s21+$0x4330] =	vst v2  }
0x8d: {  	[tilespmem:s12], [sflag:$0x3] =	stream.linear.gather [hbm4b:s0+s3], $0x400, $0x38;
	[tilespmem:$0x4C00] =	vst v63  }
0x8e: {  	_ =	swait.ge [sflag:s13], $0x400  }
0x8f: {  	(v2sf) =	vpush v1, $0x3;
	_ =	sdelay $0xe  }
0x90: {  	[sflag:s13] =	ssyncset.done $0x0;
	s24 =	spop (v2sf)  }
0x91: {  	[sflag:s13] =	ssyncadd.s32 $0xFFFFFC00;
	s0 =	sand.u32 $0x380, s24  }
0x92: {  	v2 =	vld [tilespmem:s0+$0xE00];
	_ =	sdelay $0x4  }
0x93: {  	(v2sf) =	vpush v0, $0x3;
	[tilespmem:s21+$0x4340] =	vst v2  }
0x94: {  	v2 =	vld [tilespmem:s0+$0xE10];
	_ =	sdelay $0x4  }
0x95: {  	[tilespmem:s21+$0x4350] =	vst v2  }
0x96: {  	v2 =	vld [tilespmem:s0+$0xE20];
	_ =	sdelay $0x4  }
0x97: {  	[tilespmem:s21+$0x4360] =	vst v2  }
0x98: {  	v2 =	vld [tilespmem:s0+$0xE30];
	_ =	sdelay $0x1  }
0x99: {  	s24 =	spop (v2sf)  }
0x9a: {  	s25 =	sshll.u32 s24, $0x4  }
0x9b: {  	s0 =	sand.u32 $0x1FFFFF80, s25  }
0x9c: {  	s26 =	simm.s32 $0xE00;
	s0 =	sadd.s32 s4, s0;
	[tilespmem:s21+$0x4370] =	vst v2  }
0x9d: {  	[tilespmem:s26], [sflag:$0x4] =	stream.linear.gather [hbm4b:s0+s3], $0x400, $0x38;
	[tilespmem:$0x4C00] =	vst v63  }
0x9e: {  	_ =	swait.ge [sflag:s14], $0x400  }
0x9f: {  	(v2sf) =	vpush v1, $0x4;
	_ =	sdelay $0xe  }
0xa0: {  	[sflag:s14] =	ssyncset.done $0x0;
	s2 =	spop (v2sf)  }
0xa1: {  	[sflag:s14] =	ssyncadd.s32 $0xFFFFFC00;
	s0 =	sand.u32 $0x380, s2  }
0xa2: {  	v2 =	vld [tilespmem:s0+$0x1200];
	_ =	sdelay $0x4  }
0xa3: {  	(v2sf) =	vpush v0, $0x4;
	[tilespmem:s21+$0x4400] =	vst v2  }
0xa4: {  	v2 =	vld [tilespmem:s0+$0x1210];
	_ =	sdelay $0x4  }
0xa5: {  	[tilespmem:s21+$0x4410] =	vst v2  }
0xa6: {  	v2 =	vld [tilespmem:s0+$0x1220];
	_ =	sdelay $0x4  }
0xa7: {  	[tilespmem:s21+$0x4420] =	vst v2  }
0xa8: {  	v2 =	vld [tilespmem:s0+$0x1230];
	_ =	sdelay $0x1  }
0xa9: {  	s25 =	spop (v2sf)  }
0xaa: {  	s5 =	sshll.u32 s25, $0x4  }
0xab: {  	s0 =	sand.u32 $0x1FFFFF80, s5  }
0xac: {  	s7 =	simm.s32 $0x1200;
	s0 =	sadd.s32 s4, s0;
	[tilespmem:s21+$0x4430] =	vst v2  }
0xad: {  	[tilespmem:s7], [sflag:$0x5] =	stream.linear.gather [hbm4b:s0+s3], $0x400, $0x38;
	[tilespmem:$0x4C00] =	vst v63  }
0xae: {  	_ =	swait.ge [sflag:s15], $0x400  }
0xaf: {  	(v2sf) =	vpush v1, $0x5;
	_ =	sdelay $0xe  }
0xb0: {  	[sflag:s15] =	ssyncset.done $0x0;
	s8 =	spop (v2sf)  }
0xb1: {  	[sflag:s15] =	ssyncadd.s32 $0xFFFFFC00;
	s0 =	sand.u32 $0x380, s8  }
0xb2: {  	v2 =	vld [tilespmem:s0+$0x1600];
	_ =	sdelay $0x4  }
0xb3: {  	(v2sf) =	vpush v0, $0x5;
	[tilespmem:s21+$0x4440] =	vst v2  }
0xb4: {  	v2 =	vld [tilespmem:s0+$0x1610];
	_ =	sdelay $0x4  }
0xb5: {  	[tilespmem:s21+$0x4450] =	vst v2  }
0xb6: {  	v2 =	vld [tilespmem:s0+$0x1620];
	_ =	sdelay $0x4  }
0xb7: {  	[tilespmem:s21+$0x4460] =	vst v2  }
0xb8: {  	v2 =	vld [tilespmem:s0+$0x1630];
	_ =	sdelay $0x1  }
0xb9: {  	s26 =	spop (v2sf)  }
0xba: {  	s11 =	sshll.u32 s26, $0x4  }
0xbb: {  	s0 =	sand.u32 $0x1FFFFF80, s11  }
0xbc: {  	s12 =	simm.s32 $0x1600;
	s2 =	simm.s32 $0x7;
	s0 =	sadd.s32 s4, s0;
	[tilespmem:s21+$0x4470] =	vst v2  }
0xbd: {  	[tilespmem:s12], [sflag:$0x6] =	stream.linear.gather [hbm4b:s0+s3], $0x400, $0x38;
	[tilespmem:$0x4C00] =	vst v63  }
0xbe: {  	_ =	swait.ge [sflag:s2], $0x400  }
0xbf: {  	(v2sf) =	vpush v1, $0x6;
	_ =	sdelay $0xe  }
0xc0: {  	[sflag:s2] =	ssyncset.done $0x0;
	s5 =	spop (v2sf)  }
0xc1: {  	[sflag:s2] =	ssyncadd.s32 $0xFFFFFC00;
	s0 =	sand.u32 $0x380, s5  }
0xc2: {  	v2 =	vld [tilespmem:s0+$0x1A00];
	_ =	sdelay $0x4  }
0xc3: {  	(v2sf) =	vpush v0, $0x6;
	[tilespmem:s21+$0x4500] =	vst v2  }
0xc4: {  	v2 =	vld [tilespmem:s0+$0x1A10];
	_ =	sdelay $0x4  }
0xc5: {  	[tilespmem:s21+$0x4510] =	vst v2  }
0xc6: {  	v2 =	vld [tilespmem:s0+$0x1A20];
	_ =	sdelay $0x4  }
0xc7: {  	[tilespmem:s21+$0x4520] =	vst v2  }
0xc8: {  	v2 =	vld [tilespmem:s0+$0x1A30];
	_ =	sdelay $0x1  }
0xc9: {  	s28 =	spop (v2sf)  }
0xca: {  	s7 =	sshll.u32 s28, $0x4  }
0xcb: {  	s0 =	sand.u32 $0x1FFFFF80, s7  }
0xcc: {  	s8 =	simm.s32 $0x1A00;
	s11 =	simm.s32 $0x8;
	s0 =	sadd.s32 s4, s0;
	[tilespmem:s21+$0x4530] =	vst v2  }
0xcd: {  	[tilespmem:s8], [sflag:$0x7] =	stream.linear.gather [hbm4b:s0+s3], $0x400, $0x38;
	[tilespmem:$0x4C00] =	vst v63  }
0xce: {  	_ =	swait.ge [sflag:s11], $0x400  }
0xcf: {  	(v2sf) =	vpush v1, $0x7;
	_ =	sdelay $0xe  }
0xd0: {  	[sflag:s11] =	ssyncset.done $0x0;
	s12 =	spop (v2sf)  }
0xd1: {  	[sflag:s11] =	ssyncadd.s32 $0xFFFFFC00;
	s0 =	sand.u32 $0x380, s12  }
0xd2: {  	v2 =	vld [tilespmem:s0+$0x1E00];
	_ =	sdelay $0x4  }
0xd3: {  	(v2sf) =	vpush v0, $0x7;
	[tilespmem:s21+$0x4540] =	vst v2  }
0xd4: {  	v2 =	vld [tilespmem:s0+$0x1E10];
	_ =	sdelay $0x4  }
0xd5: {  	[tilespmem:s21+$0x4550] =	vst v2  }
0xd6: {  	v2 =	vld [tilespmem:s0+$0x1E20];
	_ =	sdelay $0x4  }
0xd7: {  	[tilespmem:s21+$0x4560] =	vst v2  }
0xd8: {  	v2 =	vld [tilespmem:s0+$0x1E30];
	_ =	sdelay $0x1  }
0xd9: {  	s11 =	spop (v2sf)  }
0xda: {  	s1 =	sshll.u32 s11, $0x4  }
0xdb: {  	s0 =	sand.u32 $0x1FFFFF80, s1  }
0xdc: {  	s2 =	simm.s32 $0x1E00;
	s5 =	simm.s32 $0x9;
	s0 =	sadd.s32 s4, s0;
	[tilespmem:s21+$0x4570] =	vst v2  }
0xdd: {  	[tilespmem:s2], [sflag:$0x8] =	stream.linear.gather [hbm4b:s0+s3], $0x400, $0x38;
	[tilespmem:$0x4C00] =	vst v63  }
0xde: {  	_ =	swait.ge [sflag:s5], $0x400  }
0xdf: {  	(v2sf) =	vpush v1, $0x8;
	_ =	sdelay $0xe  }
0xe0: {  	[sflag:s5] =	ssyncset.done $0x0;
	s7 =	spop (v2sf)  }
0xe1: {  	[sflag:s5] =	ssyncadd.s32 $0xFFFFFC00;
	s0 =	sand.u32 $0x380, s7  }
0xe2: {  	v2 =	vld [tilespmem:s0+$0x2200];
	_ =	sdelay $0x4  }
0xe3: {  	(v2sf) =	vpush v0, $0x8;
	[tilespmem:s21+$0x4600] =	vst v2  }
0xe4: {  	v2 =	vld [tilespmem:s0+$0x2210];
	_ =	sdelay $0x4  }
0xe5: {  	[tilespmem:s21+$0x4610] =	vst v2  }
0xe6: {  	v2 =	vld [tilespmem:s0+$0x2220];
	_ =	sdelay $0x4  }
0xe7: {  	[tilespmem:s21+$0x4620] =	vst v2  }
0xe8: {  	v2 =	vld [tilespmem:s0+$0x2230];
	_ =	sdelay $0x1  }
0xe9: {  	s29 =	spop (v2sf)  }
0xea: {  	s8 =	sshll.u32 s29, $0x4  }
0xeb: {  	s0 =	sand.u32 $0x1FFFFF80, s8  }
0xec: {  	s12 =	simm.s32 $0x2200;
	s0 =	sadd.s32 s4, s0;
	[tilespmem:s21+$0x4630] =	vst v2  }
0xed: {  	[tilespmem:s12], [sflag:$0x9] =	stream.linear.gather [hbm4b:s0+s3], $0x400, $0x38;
	[tilespmem:$0x4C00] =	vst v63  }
0xee: {  	s0 =	simm.s32 $0xA  }
0xef: {  	_ =	swait.ge [sflag:s0], $0x400  }
0xf0: {  	(v2sf) =	vpush v1, $0x9;
	_ =	sdelay $0xe  }
0xf1: {  	[sflag:s0] =	ssyncset.done $0x0;
	s2 =	spop (v2sf)  }
0xf2: {  	[sflag:s0] =	ssyncadd.s32 $0xFFFFFC00;
	s0 =	sand.u32 $0x380, s2  }
0xf3: {  	v2 =	vld [tilespmem:s0+$0x2600];
	_ =	sdelay $0x4  }
0xf4: {  	(v2sf) =	vpush v0, $0x9;
	[tilespmem:s21+$0x4640] =	vst v2  }
0xf5: {  	v2 =	vld [tilespmem:s0+$0x2610];
	_ =	sdelay $0x4  }
0xf6: {  	[tilespmem:s21+$0x4650] =	vst v2  }
0xf7: {  	v2 =	vld [tilespmem:s0+$0x2620];
	_ =	sdelay $0x4  }
0xf8: {  	[tilespmem:s21+$0x4660] =	vst v2  }
0xf9: {  	v2 =	vld [tilespmem:s0+$0x2630];
	_ =	sdelay $0x1  }
0xfa: {  	s30 =	spop (v2sf)  }
0xfb: {  	s5 =	sshll.u32 s30, $0x4  }
0xfc: {  	s0 =	sand.u32 $0x1FFFFF80, s5  }
0xfd: {  	s7 =	simm.s32 $0x2600;
	s8 =	simm.s32 $0xB;
	s0 =	sadd.s32 s4, s0;
	[tilespmem:s21+$0x4670] =	vst v2  }
0xfe: {  	[tilespmem:s7], [sflag:$0xA] =	stream.linear.gather [hbm4b:s0+s3], $0x400, $0x38;
	[tilespmem:$0x4C00] =	vst v63  }
0xff: {  	_ =	swait.ge [sflag:s8], $0x400  }
0x100: {  	(v2sf) =	vpush v1, $0xA;
	_ =	sdelay $0xe  }
0x101: {  	[sflag:s8] =	ssyncset.done $0x0;
	s12 =	spop (v2sf)  }
0x102: {  	[sflag:s8] =	ssyncadd.s32 $0xFFFFFC00;
	s0 =	sand.u32 $0x380, s12  }
0x103: {  	v2 =	vld [tilespmem:s0+$0x2A00];
	_ =	sdelay $0x4  }
0x104: {  	(v2sf) =	vpush v0, $0xA;
	[tilespmem:s21+$0x4700] =	vst v2  }
0x105: {  	v2 =	vld [tilespmem:s0+$0x2A10];
	_ =	sdelay $0x4  }
0x106: {  	[tilespmem:s21+$0x4710] =	vst v2  }
0x107: {  	v2 =	vld [tilespmem:s0+$0x2A20];
	_ =	sdelay $0x4  }
0x108: {  	[tilespmem:s21+$0x4720] =	vst v2  }
0x109: {  	v2 =	vld [tilespmem:s0+$0x2A30];
	_ =	sdelay $0x1  }
0x10a: {  	s31 =	spop (v2sf)  }
0x10b: {  	s2 =	sshll.u32 s31, $0x4  }
0x10c: {  	s0 =	sand.u32 $0x1FFFFF80, s2  }
0x10d: {  	s5 =	simm.s32 $0x2A00;
	s7 =	simm.s32 $0xC;
	s0 =	sadd.s32 s4, s0;
	[tilespmem:s21+$0x4730] =	vst v2  }
0x10e: {  	[tilespmem:s5], [sflag:$0xB] =	stream.linear.gather [hbm4b:s0+s3], $0x400, $0x38;
	[tilespmem:$0x4C00] =	vst v63  }
0x10f: {  	_ =	swait.ge [sflag:s7], $0x400  }
0x110: {  	(v2sf) =	vpush v1, $0xB;
	_ =	sdelay $0xe  }
0x111: {  	[sflag:s7] =	ssyncset.done $0x0;
	s8 =	spop (v2sf)  }
0x112: {  	[sflag:s7] =	ssyncadd.s32 $0xFFFFFC00;
	s0 =	sand.u32 $0x380, s8  }
0x113: {  	v2 =	vld [tilespmem:s0+$0x2E00];
	_ =	sdelay $0x4  }
0x114: {  	(v2sf) =	vpush v0, $0xB;
	[tilespmem:s21+$0x4740] =	vst v2  }
0x115: {  	v2 =	vld [tilespmem:s0+$0x2E10];
	_ =	sdelay $0x4  }
0x116: {  	[tilespmem:s21+$0x4750] =	vst v2  }
0x117: {  	v2 =	vld [tilespmem:s0+$0x2E20];
	_ =	sdelay $0x4  }
0x118: {  	[tilespmem:s21+$0x4760] =	vst v2  }
0x119: {  	v2 =	vld [tilespmem:s0+$0x2E30];
	_ =	sdelay $0x1  }
0x11a: {  	s0 =	spop (v2sf)  }
0x11b: {  	s12 =	sshll.u32 s0, $0x4  }
0x11c: {  	s1 =	sand.u32 $0x1FFFFF80, s12  }
0x11d: {  	s2 =	simm.s32 $0x2E00;
	s1 =	sadd.s32 s4, s1;
	[tilespmem:s21+$0x4770] =	vst v2  }
0x11e: {  	[tilespmem:s2], [sflag:$0xC] =	stream.linear.gather [hbm4b:s1+s3], $0x400, $0x38;
	[tilespmem:$0x4C00] =	vst v63  }
0x11f: {  	s1 =	simm.s32 $0xD  }
0x120: {  	_ =	swait.ge [sflag:s1], $0x400  }
0x121: {  	(v2sf) =	vpush v1, $0xC;
	_ =	sdelay $0xe  }
0x122: {  	[sflag:s1] =	ssyncset.done $0x0;
	s5 =	spop (v2sf)  }
0x123: {  	[sflag:s1] =	ssyncadd.s32 $0xFFFFFC00;
	s1 =	sand.u32 $0x380, s5  }
0x124: {  	v2 =	vld [tilespmem:s1+$0x3200];
	_ =	sdelay $0x4  }
0x125: {  	(v2sf) =	vpush v0, $0xC;
	[tilespmem:s21+$0x4800] =	vst v2  }
0x126: {  	v2 =	vld [tilespmem:s1+$0x3210];
	_ =	sdelay $0x4  }
0x127: {  	[tilespmem:s21+$0x4810] =	vst v2  }
0x128: {  	v2 =	vld [tilespmem:s1+$0x3220];
	_ =	sdelay $0x4  }
0x129: {  	[tilespmem:s21+$0x4820] =	vst v2  }
0x12a: {  	v2 =	vld [tilespmem:s1+$0x3230];
	_ =	sdelay $0x1  }
0x12b: {  	s2 =	spop (v2sf)  }
0x12c: {  	s7 =	sshll.u32 s2, $0x4  }
0x12d: {  	s1 =	sand.u32 $0x1FFFFF80, s7  }
0x12e: {  	s8 =	simm.s32 $0xE;
	s5 =	simm.s32 $0x3200;
	s1 =	sadd.s32 s4, s1;
	[tilespmem:s21+$0x4830] =	vst v2  }
0x12f: {  	[tilespmem:s5], [sflag:$0xD] =	stream.linear.gather [hbm4b:s1+s3], $0x400, $0x38;
	[tilespmem:$0x4C00] =	vst v63  }
0x130: {  	_ =	swait.ge [sflag:s8], $0x400  }
0x131: {  	(v2sf) =	vpush v1, $0xD;
	_ =	sdelay $0xe  }
0x132: {  	[sflag:s8] =	ssyncset.done $0x0;
	s12 =	spop (v2sf)  }
0x133: {  	[sflag:s8] =	ssyncadd.s32 $0xFFFFFC00;
	s1 =	sand.u32 $0x380, s12  }
0x134: {  	v2 =	vld [tilespmem:s1+$0x3600];
	_ =	sdelay $0x4  }
0x135: {  	(v2sf) =	vpush v0, $0xD;
	[tilespmem:s21+$0x4840] =	vst v2  }
0x136: {  	v2 =	vld [tilespmem:s1+$0x3610];
	_ =	sdelay $0x4  }
0x137: {  	[tilespmem:s21+$0x4850] =	vst v2  }
0x138: {  	v2 =	vld [tilespmem:s1+$0x3620];
	_ =	sdelay $0x4  }
0x139: {  	[tilespmem:s21+$0x4860] =	vst v2  }
0x13a: {  	v2 =	vld [tilespmem:s1+$0x3630];
	_ =	sdelay $0x1  }
0x13b: {  	s1 =	spop (v2sf)  }
0x13c: {  	s7 =	sshll.u32 s1, $0x4  }
0x13d: {  	s5 =	sand.u32 $0x1FFFFF80, s7  }
0x13e: {  	s8 =	simm.s32 $0xF;
	s7 =	simm.s32 $0x3600;
	s5 =	sadd.s32 s4, s5;
	[tilespmem:s21+$0x4870] =	vst v2  }
0x13f: {  	[tilespmem:s7], [sflag:$0xE] =	stream.linear.gather [hbm4b:s5+s3], $0x400, $0x38;
	[tilespmem:$0x4C00] =	vst v63  }
0x140: {  	_ =	swait.ge [sflag:s8], $0x400  }
0x141: {  	(v2sf) =	vpush v1, $0xE;
	_ =	sdelay $0xe  }
0x142: {  	[sflag:s8] =	ssyncset.done $0x0;
	s12 =	spop (v2sf)  }
0x143: {  	[sflag:s8] =	ssyncadd.s32 $0xFFFFFC00;
	s5 =	sand.u32 $0x380, s12  }
0x144: {  	v2 =	vld [tilespmem:s5+$0x3A00];
	_ =	sdelay $0x4  }
0x145: {  	(v2sf) =	vpush v0, $0xE;
	[tilespmem:s21+$0x4900] =	vst v2  }
0x146: {  	v2 =	vld [tilespmem:s5+$0x3A10];
	_ =	sdelay $0x4  }
0x147: {  	[tilespmem:s21+$0x4910] =	vst v2  }
0x148: {  	v2 =	vld [tilespmem:s5+$0x3A20];
	_ =	sdelay $0x4  }
0x149: {  	[tilespmem:s21+$0x4920] =	vst v2  }
0x14a: {  	v2 =	vld [tilespmem:s5+$0x3A30];
	_ =	sdelay $0x1  }
0x14b: {  	s12 =	spop (v2sf)  }
0x14c: {  	s7 =	sshll.u32 s12, $0x4  }
0x14d: {  	s5 =	sand.u32 $0x1FFFFF80, s7  }
0x14e: {  	s8 =	simm.s32 $0x3A00;
	s5 =	sadd.s32 s4, s5;
	[tilespmem:s21+$0x4930] =	vst v2  }
0x14f: {  	[tilespmem:s8], [sflag:$0xF] =	stream.linear.gather [hbm4b:s5+s3], $0x400, $0x38;
	[tilespmem:$0x4C00] =	vst v63  }
0x150: {  	s5 =	simm.s32 $0x10  }
0x151: {  	_ =	swait.ge [sflag:s5], $0x400  }
0x152: {  	(v2sf) =	vpush v1, $0xF;
	_ =	sdelay $0xe  }
0x153: {  	[sflag:s5] =	ssyncset.done $0x0;
	s8 =	spop (v2sf)  }
0x154: {  	[sflag:s5] =	ssyncadd.s32 $0xFFFFFC00;
	s5 =	sand.u32 $0x380, s8  }
0x155: {  	v1 =	vld [tilespmem:s5+$0x3E00];
	_ =	sdelay $0x4  }
0x156: {  	(v2sf) =	vpush v0, $0xF;
	[tilespmem:s21+$0x4940] =	vst v1  }
0x157: {  	v1 =	vld [tilespmem:s5+$0x3E10];
	_ =	sdelay $0x4  }
0x158: {  	[tilespmem:s21+$0x4950] =	vst v1  }
0x159: {  	v1 =	vld [tilespmem:s5+$0x3E20];
	_ =	sdelay $0x4  }
0x15a: {  	[tilespmem:s21+$0x4960] =	vst v1  }
0x15b: {  	v1 =	vld [tilespmem:s5+$0x3E30];
	_ =	sdelay $0x1  }
0x15c: {  	s5 =	spop (v2sf)  }
0x15d: {  	s8 =	sshll.u32 s5, $0x4  }
0x15e: {  	s7 =	sand.u32 $0x1FFFFF80, s8  }
0x15f: {  	s8 =	simm.s32 $0x3E00;
	s7 =	sadd.s32 s4, s7;
	[tilespmem:s21+$0x4970] =	vst v1  }
0x160: {  	[tilespmem:s8], [sflag:$0x10] =	stream.linear.gather [hbm4b:s7+s3], $0x400, $0x38;
	[tilespmem:$0x4C00] =	vst v63  }
0x161: {  	s22 =	sor.u32 $0x12, s22;
	s8 =	sor.u32 $0x4200, s21  }
0x162: {  	[hbm4b:s17+s3] =	stream.linear.scatter [tilespmem:s8], [sflag:s22], $0x80, $0x38;
	[tilespmem:$0x4C00] =	vst v63  }
0x163: {  	s7 =	sor.u32 $0x4300, s21;
	s8 =	sadd.s32 $0x10, s17  }
0x164: {  	[hbm4b:s8+s3] =	stream.linear.scatter [tilespmem:s7], [sflag:s22], $0x80, $0x38;
	[tilespmem:$0x4C00] =	vst v63  }
0x165: {  	s7 =	sor.u32 $0x4400, s21;
	s8 =	sadd.s32 $0x20, s17  }
0x166: {  	[hbm4b:s8+s3] =	stream.linear.scatter [tilespmem:s7], [sflag:s22], $0x80, $0x38;
	[tilespmem:$0x4C00] =	vst v63  }
0x167: {  	s7 =	sor.u32 $0x4500, s21;
	s8 =	sadd.s32 $0x30, s17  }
0x168: {  	[hbm4b:s8+s3] =	stream.linear.scatter [tilespmem:s7], [sflag:s22], $0x80, $0x38;
	[tilespmem:$0x4C00] =	vst v63  }
0x169: {  	s18 =	sadd.s32 $0x1, s18;
	s7 =	sor.u32 $0x4600, s21;
	s8 =	sadd.s32 $0x40, s17  }
0x16a: {  	[hbm4b:s8+s3] =	stream.linear.scatter [tilespmem:s7], [sflag:s22], $0x80, $0x38;
	[tilespmem:$0x4C00] =	vst v63  }
0x16b: {  	p0 =	sne.s32 s18, $0x20;
	s7 =	sor.u32 $0x4700, s21;
	s8 =	sadd.s32 $0x50, s17  }
0x16c: {  	[hbm4b:s8+s3] =	stream.linear.scatter [tilespmem:s7], [sflag:s22], $0x80, $0x38;
	[tilespmem:$0x4C00] =	vst v63  }
.Ltmp0:
0x16d: {  	s7 =	sor.u32 $0x4800, s21;
	s8 =	sadd.s32 $0x60, s17;
	(pc) =	sbr.rel @p0 .LBB2_2-.Ltmp0, $4  }
0x16e: {  	[hbm4b:s8+s3] =	stream.linear.scatter [tilespmem:s7], [sflag:s22], $0x80, $0x38;
	[tilespmem:$0x4C00] =	vst v63  }
0x16f: {  	s8 =	sor.u32 $0x4900, s21;
	s21 =	sadd.s32 $0x70, s17  }
0x170: {  	[hbm4b:s21+s3] =	stream.linear.scatter [tilespmem:s8], [sflag:s22], $0x80, $0x38;
	[tilespmem:$0x4C00] =	vst v63  }
0x171: {  	s16 =	sadd.s32 $0x10, s16;
	v1 =	vmov v0;
	s17 =	sadd.s32 $0x80, s17;
	s8 =	simm.s32 $0x200  }
0x172: {  	s16 =	simm.s32 $0x13  }
0x173: {  	_ =	swait.ge [sflag:s16], $0x400  }
0x174: {  	[sflag:s16] =	ssyncset.done $0x0  }
0x175: {  	[sflag:s16] =	ssyncadd.s32 $0xFFFFFC00  }
0x176: {  	_ =	swait.ge [sflag:s9], $0x400  }
0x177: {  	s7 =	sshll.u32 s19, $0x7;
	[sflag:s9] =	ssyncset.done $0x0  }
0x178: {  	s7 =	sand.u32 $0x380, s7;
	[sflag:s9] =	ssyncadd.s32 $0xFFFFFC00  }
0x179: {  	v0 =	vld [tilespmem:s7+$0x200];
	_ =	sdelay $0x4  }
0x17a: {  	[tilespmem:$0x4280] =	vst v0  }
0x17b: {  	v0 =	vld [tilespmem:s7+$0x210];
	_ =	sdelay $0x4  }
0x17c: {  	[tilespmem:$0x4290] =	vst v0  }
0x17d: {  	v0 =	vld [tilespmem:s7+$0x220];
	_ =	sdelay $0x4  }
0x17e: {  	[tilespmem:$0x42A0] =	vst v0  }
0x17f: {  	v0 =	vld [tilespmem:s7+$0x230];
	_ =	sdelay $0x4  }
0x180: {  	[tilespmem:$0x42B0] =	vst v0  }
0x181: {  	_ =	swait.ge [sflag:s10], $0x400  }
0x182: {  	s19 =	sshll.u32 s20, $0x7;
	[sflag:s10] =	ssyncset.done $0x0  }
0x183: {  	s7 =	sand.u32 $0x380, s19;
	[sflag:s10] =	ssyncadd.s32 $0xFFFFFC00  }
0x184: {  	v49 =	vld [tilespmem:s7+$0x600];
	_ =	sdelay $0x4  }
0x185: {  	[tilespmem:$0x42C0] =	vst v49  }
0x186: {  	v0 =	vld [tilespmem:s7+$0x610];
	_ =	sdelay $0x4  }
0x187: {  	[tilespmem:$0x42D0] =	vst v0  }
0x188: {  	v0 =	vld [tilespmem:s7+$0x620];
	_ =	sdelay $0x4  }
0x189: {  	[tilespmem:$0x42E0] =	vst v0  }
0x18a: {  	v0 =	vld [tilespmem:s7+$0x630];
	_ =	sdelay $0x4  }
0x18b: {  	[tilespmem:$0x42F0] =	vst v0  }
0x18c: {  	_ =	swait.ge [sflag:s6], $0x400  }
0x18d: {  	s20 =	sshll.u32 s23, $0x7;
	[sflag:s6] =	ssyncset.done $0x0  }
0x18e: {  	s7 =	sand.u32 $0x380, s20;
	[sflag:s6] =	ssyncadd.s32 $0xFFFFFC00  }
0x18f: {  	v50 =	vld [tilespmem:s7+$0xA00];
	_ =	sdelay $0x4  }
0x190: {  	[tilespmem:$0x4380] =	vst v50  }
0x191: {  	v0 =	vld [tilespmem:s7+$0xA10];
	_ =	sdelay $0x4  }
0x192: {  	[tilespmem:$0x4390] =	vst v0  }
0x193: {  	v0 =	vld [tilespmem:s7+$0xA20];
	_ =	sdelay $0x4  }
0x194: {  	[tilespmem:$0x43A0] =	vst v0  }
0x195: {  	v0 =	vld [tilespmem:s7+$0xA30];
	_ =	sdelay $0x4  }
0x196: {  	[tilespmem:$0x43B0] =	vst v0  }
0x197: {  	_ =	swait.ge [sflag:s13], $0x400  }
0x198: {  	s21 =	sshll.u32 s24, $0x7;
	[sflag:s13] =	ssyncset.done $0x0  }
0x199: {  	s7 =	sand.u32 $0x380, s21;
	[sflag:s13] =	ssyncadd.s32 $0xFFFFFC00  }
0x19a: {  	v51 =	vld [tilespmem:s7+$0xE00];
	_ =	sdelay $0x4  }
0x19b: {  	[tilespmem:$0x43C0] =	vst v51  }
0x19c: {  	v0 =	vld [tilespmem:s7+$0xE10];
	_ =	sdelay $0x4  }
0x19d: {  	[tilespmem:$0x43D0] =	vst v0  }
0x19e: {  	v0 =	vld [tilespmem:s7+$0xE20];
	_ =	sdelay $0x4  }
0x19f: {  	[tilespmem:$0x43E0] =	vst v0  }
0x1a0: {  	v0 =	vld [tilespmem:s7+$0xE30];
	_ =	sdelay $0x4  }
0x1a1: {  	[tilespmem:$0x43F0] =	vst v0  }
0x1a2: {  	_ =	swait.ge [sflag:s14], $0x400  }
0x1a3: {  	s22 =	sshll.u32 s25, $0x7;
	[sflag:s14] =	ssyncset.done $0x0  }
0x1a4: {  	s7 =	sand.u32 $0x380, s22;
	[sflag:s14] =	ssyncadd.s32 $0xFFFFFC00  }
0x1a5: {  	v52 =	vld [tilespmem:s7+$0x1200];
	_ =	sdelay $0x4  }
0x1a6: {  	[tilespmem:$0x4480] =	vst v52  }
0x1a7: {  	v0 =	vld [tilespmem:s7+$0x1210];
	_ =	sdelay $0x4  }
0x1a8: {  	[tilespmem:$0x4490] =	vst v0  }
0x1a9: {  	v0 =	vld [tilespmem:s7+$0x1220];
	_ =	sdelay $0x4  }
0x1aa: {  	[tilespmem:$0x44A0] =	vst v0  }
0x1ab: {  	v0 =	vld [tilespmem:s7+$0x1230];
	_ =	sdelay $0x4  }
0x1ac: {  	[tilespmem:$0x44B0] =	vst v0  }
0x1ad: {  	_ =	swait.ge [sflag:s15], $0x400  }
0x1ae: {  	s23 =	sshll.u32 s26, $0x7;
	[sflag:s15] =	ssyncset.done $0x0  }
0x1af: {  	s7 =	sand.u32 $0x380, s23;
	[sflag:s15] =	ssyncadd.s32 $0xFFFFFC00  }
0x1b0: {  	v53 =	vld [tilespmem:s7+$0x1600];
	_ =	sdelay $0x4  }
0x1b1: {  	[tilespmem:$0x44C0] =	vst v53  }
0x1b2: {  	v0 =	vld [tilespmem:s7+$0x1610];
	_ =	sdelay $0x4  }
0x1b3: {  	[tilespmem:$0x44D0] =	vst v0  }
0x1b4: {  	v0 =	vld [tilespmem:s7+$0x1620];
	_ =	sdelay $0x4  }
0x1b5: {  	[tilespmem:$0x44E0] =	vst v0  }
0x1b6: {  	v0 =	vld [tilespmem:s7+$0x1630];
	_ =	sdelay $0x4  }
0x1b7: {  	s24 =	simm.s32 $0x7;
	[tilespmem:$0x44F0] =	vst v0  }
0x1b8: {  	_ =	swait.ge [sflag:s24], $0x400  }
0x1b9: {  	s25 =	sshll.u32 s28, $0x7;
	[sflag:s24] =	ssyncset.done $0x0  }
0x1ba: {  	s7 =	sand.u32 $0x380, s25;
	[sflag:s24] =	ssyncadd.s32 $0xFFFFFC00  }
0x1bb: {  	v54 =	vld [tilespmem:s7+$0x1A00];
	_ =	sdelay $0x4  }
0x1bc: {  	[tilespmem:$0x4580] =	vst v54  }
0x1bd: {  	v0 =	vld [tilespmem:s7+$0x1A10];
	_ =	sdelay $0x4  }
0x1be: {  	[tilespmem:$0x4590] =	vst v0  }
0x1bf: {  	v0 =	vld [tilespmem:s7+$0x1A20];
	_ =	sdelay $0x4  }
0x1c0: {  	[tilespmem:$0x45A0] =	vst v0  }
0x1c1: {  	v0 =	vld [tilespmem:s7+$0x1A30];
	_ =	sdelay $0x4  }
0x1c2: {  	s26 =	simm.s32 $0x8;
	[tilespmem:$0x45B0] =	vst v0  }
0x1c3: {  	_ =	swait.ge [sflag:s26], $0x400  }
0x1c4: {  	s28 =	sshll.u32 s11, $0x7;
	[sflag:s26] =	ssyncset.done $0x0  }
0x1c5: {  	s7 =	sand.u32 $0x380, s28;
	[sflag:s26] =	ssyncadd.s32 $0xFFFFFC00  }
0x1c6: {  	v55 =	vld [tilespmem:s7+$0x1E00];
	_ =	sdelay $0x4  }
0x1c7: {  	[tilespmem:$0x45C0] =	vst v55  }
0x1c8: {  	v0 =	vld [tilespmem:s7+$0x1E10];
	_ =	sdelay $0x4  }
0x1c9: {  	[tilespmem:$0x45D0] =	vst v0  }
0x1ca: {  	v0 =	vld [tilespmem:s7+$0x1E20];
	_ =	sdelay $0x4  }
0x1cb: {  	[tilespmem:$0x45E0] =	vst v0  }
0x1cc: {  	v0 =	vld [tilespmem:s7+$0x1E30];
	_ =	sdelay $0x4  }
0x1cd: {  	s7 =	simm.s32 $0x9;
	[tilespmem:$0x45F0] =	vst v0  }
0x1ce: {  	_ =	swait.ge [sflag:s7], $0x400  }
0x1cf: {  	s11 =	sshll.u32 s29, $0x7;
	[sflag:s7] =	ssyncset.done $0x0  }
0x1d0: {  	[sflag:s7] =	ssyncadd.s32 $0xFFFFFC00;
	s7 =	sand.u32 $0x380, s11  }
0x1d1: {  	v56 =	vld [tilespmem:s7+$0x2200];
	_ =	sdelay $0x4  }
0x1d2: {  	[tilespmem:$0x4680] =	vst v56  }
0x1d3: {  	v0 =	vld [tilespmem:s7+$0x2210];
	_ =	sdelay $0x4  }
0x1d4: {  	[tilespmem:$0x4690] =	vst v0  }
0x1d5: {  	v0 =	vld [tilespmem:s7+$0x2220];
	_ =	sdelay $0x4  }
0x1d6: {  	[tilespmem:$0x46A0] =	vst v0  }
0x1d7: {  	v0 =	vld [tilespmem:s7+$0x2230];
	_ =	sdelay $0x4  }
0x1d8: {  	s17 =	simm.s32 $0xA;
	[tilespmem:$0x46B0] =	vst v0  }
0x1d9: {  	_ =	swait.ge [sflag:s17], $0x400  }
0x1da: {  	s18 =	sshll.u32 s30, $0x7;
	[sflag:s17] =	ssyncset.done $0x0  }
0x1db: {  	s7 =	sand.u32 $0x380, s18;
	[sflag:s17] =	ssyncadd.s32 $0xFFFFFC00  }
0x1dc: {  	v57 =	vld [tilespmem:s7+$0x2600];
	_ =	sdelay $0x4  }
0x1dd: {  	[tilespmem:$0x46C0] =	vst v57  }
0x1de: {  	v0 =	vld [tilespmem:s7+$0x2610];
	_ =	sdelay $0x4  }
0x1df: {  	[tilespmem:$0x46D0] =	vst v0  }
0x1e0: {  	v0 =	vld [tilespmem:s7+$0x2620];
	_ =	sdelay $0x4  }
0x1e1: {  	[tilespmem:$0x46E0] =	vst v0  }
0x1e2: {  	v0 =	vld [tilespmem:s7+$0x2630];
	_ =	sdelay $0x4  }
0x1e3: {  	s19 =	simm.s32 $0xB;
	[tilespmem:$0x46F0] =	vst v0  }
0x1e4: {  	_ =	swait.ge [sflag:s19], $0x400  }
0x1e5: {  	s20 =	sshll.u32 s31, $0x7;
	[sflag:s19] =	ssyncset.done $0x0  }
0x1e6: {  	s7 =	sand.u32 $0x380, s20;
	[sflag:s19] =	ssyncadd.s32 $0xFFFFFC00  }
0x1e7: {  	v58 =	vld [tilespmem:s7+$0x2A00];
	_ =	sdelay $0x4  }
0x1e8: {  	[tilespmem:$0x4780] =	vst v58  }
0x1e9: {  	v0 =	vld [tilespmem:s7+$0x2A10];
	_ =	sdelay $0x4  }
0x1ea: {  	[tilespmem:$0x4790] =	vst v0  }
0x1eb: {  	v0 =	vld [tilespmem:s7+$0x2A20];
	_ =	sdelay $0x4  }
0x1ec: {  	[tilespmem:$0x47A0] =	vst v0  }
0x1ed: {  	v0 =	vld [tilespmem:s7+$0x2A30];
	_ =	sdelay $0x4  }
0x1ee: {  	s21 =	simm.s32 $0xC;
	[tilespmem:$0x47B0] =	vst v0  }
0x1ef: {  	_ =	swait.ge [sflag:s21], $0x400  }
0x1f0: {  	s0 =	sshll.u32 s0, $0x7;
	[sflag:s21] =	ssyncset.done $0x0  }
0x1f1: {  	s0 =	sand.u32 $0x380, s0;
	[sflag:s21] =	ssyncadd.s32 $0xFFFFFC00  }
0x1f2: {  	v59 =	vld [tilespmem:s0+$0x2E00];
	_ =	sdelay $0x4  }
0x1f3: {  	[tilespmem:$0x47C0] =	vst v59  }
0x1f4: {  	v0 =	vld [tilespmem:s0+$0x2E10];
	_ =	sdelay $0x4  }
0x1f5: {  	[tilespmem:$0x47D0] =	vst v0  }
0x1f6: {  	v0 =	vld [tilespmem:s0+$0x2E20];
	_ =	sdelay $0x4  }
0x1f7: {  	[tilespmem:$0x47E0] =	vst v0  }
0x1f8: {  	v0 =	vld [tilespmem:s0+$0x2E30];
	_ =	sdelay $0x4  }
0x1f9: {  	s22 =	simm.s32 $0xD;
	[tilespmem:$0x47F0] =	vst v0  }
0x1fa: {  	_ =	swait.ge [sflag:s22], $0x400  }
0x1fb: {  	s23 =	sshll.u32 s2, $0x7;
	[sflag:s22] =	ssyncset.done $0x0  }
0x1fc: {  	s0 =	sand.u32 $0x380, s23;
	[sflag:s22] =	ssyncadd.s32 $0xFFFFFC00  }
0x1fd: {  	v60 =	vld [tilespmem:s0+$0x3200];
	_ =	sdelay $0x4  }
0x1fe: {  	[tilespmem:$0x4880] =	vst v60  }
0x1ff: {  	v0 =	vld [tilespmem:s0+$0x3210];
	_ =	sdelay $0x4  }
0x200: {  	[tilespmem:$0x4890] =	vst v0  }
0x201: {  	v0 =	vld [tilespmem:s0+$0x3220];
	_ =	sdelay $0x4  }
0x202: {  	[tilespmem:$0x48A0] =	vst v0  }
0x203: {  	v0 =	vld [tilespmem:s0+$0x3230];
	_ =	sdelay $0x4  }
0x204: {  	s24 =	simm.s32 $0xE;
	[tilespmem:$0x48B0] =	vst v0  }
0x205: {  	_ =	swait.ge [sflag:s24], $0x400  }
0x206: {  	s25 =	sshll.u32 s1, $0x7;
	[sflag:s24] =	ssyncset.done $0x0  }
0x207: {  	s0 =	sand.u32 $0x380, s25;
	[sflag:s24] =	ssyncadd.s32 $0xFFFFFC00  }
0x208: {  	v61 =	vld [tilespmem:s0+$0x3600];
	_ =	sdelay $0x4  }
0x209: {  	[tilespmem:$0x48C0] =	vst v61  }
0x20a: {  	v0 =	vld [tilespmem:s0+$0x3610];
	_ =	sdelay $0x4  }
0x20b: {  	[tilespmem:$0x48D0] =	vst v0  }
0x20c: {  	v0 =	vld [tilespmem:s0+$0x3620];
	_ =	sdelay $0x4  }
0x20d: {  	[tilespmem:$0x48E0] =	vst v0  }
0x20e: {  	v0 =	vld [tilespmem:s0+$0x3630];
	_ =	sdelay $0x4  }
0x20f: {  	s26 =	simm.s32 $0xF;
	[tilespmem:$0x48F0] =	vst v0  }
0x210: {  	_ =	swait.ge [sflag:s26], $0x400  }
0x211: {  	s28 =	sshll.u32 s12, $0x7;
	[sflag:s26] =	ssyncset.done $0x0  }
0x212: {  	s0 =	sand.u32 $0x380, s28;
	[sflag:s26] =	ssyncadd.s32 $0xFFFFFC00  }
0x213: {  	v62 =	vld [tilespmem:s0+$0x3A00];
	_ =	sdelay $0x4  }
0x214: {  	[tilespmem:$0x4980] =	vst v62  }
0x215: {  	v0 =	vld [tilespmem:s0+$0x3A10];
	_ =	sdelay $0x4  }
0x216: {  	[tilespmem:$0x4990] =	vst v0  }
0x217: {  	v0 =	vld [tilespmem:s0+$0x3A20];
	_ =	sdelay $0x4  }
0x218: {  	[tilespmem:$0x49A0] =	vst v0  }
0x219: {  	v0 =	vld [tilespmem:s0+$0x3A30];
	_ =	sdelay $0x4  }
0x21a: {  	s29 =	simm.s32 $0x10;
	[tilespmem:$0x49B0] =	vst v0  }
0x21b: {  	_ =	swait.ge [sflag:s29], $0x400  }
0x21c: {  	s30 =	sshll.u32 s5, $0x7;
	[sflag:s29] =	ssyncset.done $0x0  }
0x21d: {  	s0 =	sand.u32 $0x380, s30;
	[sflag:s29] =	ssyncadd.s32 $0xFFFFFC00  }
0x21e: {  	v63 =	vld [tilespmem:s0+$0x3E00];
	_ =	sdelay $0x4  }
0x21f: {  	[tilespmem:$0x49C0] =	vst v63  }
0x220: {  	v0 =	vld [tilespmem:s0+$0x3E10];
	_ =	sdelay $0x4  }
0x221: {  	[tilespmem:$0x49D0] =	vst v0  }
0x222: {  	v0 =	vld [tilespmem:s0+$0x3E20];
	_ =	sdelay $0x4  }
0x223: {  	[tilespmem:$0x49E0] =	vst v0  }
0x224: {  	v0 =	vld [tilespmem:s0+$0x3E30];
	_ =	sdelay $0x4  }
0x225: {  	s2 =	simm.s32 $0x4280;
	s31 =	rddreg [dreg:$0x7];
	[tilespmem:$0x49F0] =	vst v0  }
0x226: {  	[hbm4b:s31+s3] =	stream.linear.scatter [tilespmem:s2], [sflag:$0x13], $0x80, $0x38;
	[tilespmem:$0x4C00] =	vst v63  }
0x227: {  	s6 =	simm.s32 $0x4380;
	s5 =	sadd.s32 $0x10, s31  }
0x228: {  	[hbm4b:s5+s3] =	stream.linear.scatter [tilespmem:s6], [sflag:$0x13], $0x80, $0x38;
	[tilespmem:$0x4C00] =	vst v63  }
0x229: {  	s11 =	simm.s32 $0x4480;
	s7 =	sadd.s32 $0x20, s31  }
0x22a: {  	[hbm4b:s7+s3] =	stream.linear.scatter [tilespmem:s11], [sflag:$0x13], $0x80, $0x38;
	[tilespmem:$0x4C00] =	vst v63  }
0x22b: {  	s17 =	simm.s32 $0x4580;
	s12 =	sadd.s32 $0x30, s31  }
0x22c: {  	[hbm4b:s12+s3] =	stream.linear.scatter [tilespmem:s17], [sflag:$0x13], $0x80, $0x38;
	[tilespmem:$0x4C00] =	vst v63  }
0x22d: {  	s19 =	simm.s32 $0x4680;
	s18 =	sadd.s32 $0x40, s31  }
0x22e: {  	[hbm4b:s18+s3] =	stream.linear.scatter [tilespmem:s19], [sflag:$0x13], $0x80, $0x38;
	[tilespmem:$0x4C00] =	vst v63  }
0x22f: {  	s21 =	simm.s32 $0x4780;
	s20 =	sadd.s32 $0x50, s31  }
0x230: {  	[hbm4b:s20+s3] =	stream.linear.scatter [tilespmem:s21], [sflag:$0x13], $0x80, $0x38;
	[tilespmem:$0x4C00] =	vst v63  }
0x231: {  	s23 =	simm.s32 $0x4880;
	s22 =	sadd.s32 $0x60, s31  }
0x232: {  	[hbm4b:s22+s3] =	stream.linear.scatter [tilespmem:s23], [sflag:$0x13], $0x80, $0x38;
	[tilespmem:$0x4C00] =	vst v63  }
0x233: {  	s25 =	simm.s32 $0x4980;
	s26 =	simm.s32 $0x12;
	s24 =	sadd.s32 $0x70, s31  }
0x234: {  	[hbm4b:s24+s3] =	stream.linear.scatter [tilespmem:s25], [sflag:$0x13], $0x80, $0x38;
	[tilespmem:$0x4C00] =	vst v63  }
0x235: {  	_ =	swait.ge [sflag:s26], $0x400  }
0x236: {  	[sflag:s26] =	ssyncset.done $0x0  }
0x237: {  	[sflag:s26] =	ssyncadd.s32 $0xFFFFFC00  }
0x238: {  	_ =	swait.ge [sflag:s16], $0x400  }
0x239: {  	[sflag:s16] =	ssyncset.done $0x0  }
0x23a: {  	s28 =	simm.s32 $0x11;
	[sflag:s16] =	ssyncadd.s32 $0xFFFFFC00  }
0x23b: {  	_ =	swait.ge [sflag:s28], $0x200  }
0x23c: {  	s1 =	simm.s32 $0x14;
	[sflag:s28] =	ssyncset.done $0x0  }
0x23d: {  	s2 =	simm.s32 $0x4A00;
	s29 =	rddreg [dreg:$0x8];
	[sflag:s28] =	ssyncadd.s32 $0xFFFFFE00  }
0x23e: {  	[hbm4b:s29+s3] =	stream.linear.scatter [tilespmem:s2], [sflag:$0x14], $0x200, $0x38;
	[tilespmem:$0x4C00] =	vst v63  }
0x23f: {  	_ =	swait.ge [sflag:s1], $0x200  }
0x240: {  	s30 =	rddreg [dreg:$0xb]  }
0x241: {  	s5 =	simm.s32 $0x600;
	s31 =	rddreg [dreg:$0x9];
	s6 =	sadd.s32 $0x1, s30  }
0x242: {  	s7 =	simm.s32 $0xA00;
	s11 =	simm.s32 $0xE00;
	p0 =	sne.s32 s6, s31  }
.Ltmp1:
0x243: {  	s12 =	simm.s32 $0x1200;
	s17 =	simm.s32 $0x1A00;
	(pc) =	sbr.rel @p0 .LBB2_1-.Ltmp1, $4  }
0x244: {  	s18 =	simm.s32 $0x1E00;
	s19 =	simm.s32 $0x2200;
	s20 =	simm.s32 $0x2600  }
0x245: {  	s21 =	simm.s32 $0x2A00;
	s22 =	simm.s32 $0x2E00;
	s23 =	simm.s32 $0x3200  }
0x246: {  	s24 =	simm.s32 $0x3600;
	s25 =	simm.s32 $0x3A00;
	[sflag:s1] =	ssyncset.done $0x0  }
0x247: {  	s26 =	simm.s32 $0x3E00;
	s16 =	simm.s32 $0x1600;
	[sflag:s1] =	ssyncadd.s32 $0xFFFFFE00  }
0x248: {  	_ =	sfence.sel $0x180000  }
0x249: {  	[bflag:$0x0] =	sbarrier.arrive $0xFFFF  }
0x24a: {  	_ =	strace $0x90000047  }
0x24b: {  	s0 =	stileid.u32;
	[bflag:$0x2] =	sbarrier.arrive $0xFFFF  }
0x24c: {  	p0 =	sne.s32 s0, $0x0;
	s0 =	rddreg [dreg:$0x5]  }
0x24d: {  	s0 =	sadd.s32 @!p0 $0x100000, s0  }
0x24e: {  	[sflag:s0] =	ssyncadd.tile.s32 @!p0 $0x1;
	_ =	shalt  }
.Lfunc_end2:
_tile_overlayer_lowered:
.L_overlay_start_2:
0x24f: {  	(tag) =	ssettag $0x2  }
0x250: {  	s0 =	rddreg [dreg:$0x0];
	s2 =	stileid.u32  }
0x251: {  	s1 =	rddreg [dreg:$0x1];
	p0 =	sne.s32 s2, $0x0  }
0x252: {  	s3 =	rddreg [dreg:$0x2];
	[bflag:$0x3] =	sbarrier.arrive $0xFFFF;
	s2 =	simm.s32 @!p0 $0x1C14  }
0x253: {  	[timem:s3], [sflag:s2] =	dma.local @!p0 [hbm:s0], s1  }
0x254: {  	s0 =	simm.s32 @!p0 $0x14  }
0x255: {  	_ =	swait.ge @!p0 [sflag:s0], s1  }
0x256: {  	s1 =	ssub.s32 @!p0 $0x0, s1;
	[sflag:s0] =	ssyncset.done @!p0 $0x0  }
0x257: {  	[sflag:s0] =	ssyncadd.s32 @!p0 s1  }
0x258: {  	[bflag:$0x3] =	sbarrier.arrive $0xFFFF  }
0x259: {  	_ =	shalt  }

</sc_bundles>
